<compile_context>
chip_gen: v7x
topology: tpu7x:2x2x1
jax: 0.10.2.dev20260603
libtpu: 0.0.44.dev20260713+nightly
codegen_flags: <defaults>
</compile_context>

<pallas_src>
import functools

import jax
import jax.numpy as jnp
import numpy as np
from jax import lax
from jax.experimental import pallas as pl
from jax.experimental.pallas import tpu as pltpu
from jax.experimental.pallas import tpu_sc as plsc

F32 = jnp.float32
NC, NS, LANES = 2, 16, 16
NW = NC * NS
EC = 80
W = 128

_MESH = plsc.VectorSubcoreMesh(
    core_axis_name="c", subcore_axis_name="s", num_cores=NC, num_subcores=NS
)

_GDN = lax.GatherDimensionNumbers(
    offset_dims=(), collapsed_slice_dims=(0,), start_index_map=(0,)
)


def _vgather(v, idx):
    return lax.gather(v, idx[:, None], _GDN, (1,),
                      mode=lax.GatherScatterMode.PROMISE_IN_BOUNDS)


def _prep1_body(x_ref, w_ref, msa_ref, mtb_ref, mhb_ref, a_ref, b_ref):
    h = jnp.dot(x_ref[...], w_ref[...], preferred_element_type=F32)
    lr = jnp.where(h > 0, h, 0.2 * h)
    a_ref[...] = jnp.dot(lr, msa_ref[...], preferred_element_type=F32)
    b_ref[...] = (jnp.dot(lr, mtb_ref[...], preferred_element_type=F32)
                  + jnp.dot(h, mhb_ref[...], preferred_element_type=F32))


def _prep2_body(p0_ref, p1_ref, md_ref, mn_ref, w2_ref, msa2_ref, mtb2_ref,
                mhb2_ref, a2_ref, b2_ref):
    acc = p0_ref[...] + p1_ref[...]
    den = jnp.dot(acc, md_ref[...], preferred_element_type=F32)
    num = jnp.dot(acc, mn_ref[...], preferred_element_type=F32)
    x2 = jnp.maximum(num / (den + 1e-9), 0.0)
    h2 = jnp.dot(x2, w2_ref[...], preferred_element_type=F32)
    lr2 = jnp.where(h2 > 0, h2, 0.2 * h2)
    a2_ref[...] = jnp.dot(lr2, msa2_ref[...], preferred_element_type=F32)
    b2_ref[...] = (jnp.dot(lr2, mtb2_ref[...], preferred_element_type=F32)
                   + jnp.dot(h2, mhb2_ref[...], preferred_element_type=F32))


def _edge_body(src_hbm, tgt_hbm, a_hbm, b_hbm, out_hbm,
               acc_sh, srcv, tgtv, sbuf, tbuf, contrib, xbuf, sem_a, sem_b,
               *, layer):
    core = lax.axis_index("c")
    sub = lax.axis_index("s")
    wid = sub * NC + core
    n_pad = acc_sh.shape[0]
    wa = acc_sh.shape[1]
    nper = src_hbm.shape[0] // NW
    nblocks = nper // EC
    rps = n_pad // NS
    nchunks = rps // EC
    zeros16 = jnp.zeros((LANES,), F32)
    ii = lax.iota(jnp.int32, LANES)
    rs = sub * rps

    zo = list(range(0, wa - LANES + 1, LANES))
    if zo[-1] != wa - LANES:
        zo.append(wa - LANES)

    def _zrow(i, c):
        for o in range(0, W, LANES):
            xbuf[i, pl.ds(o, LANES)] = zeros16
        for o in zo:
            contrib[i, pl.ds(o, LANES)] = zeros16
        return c
    lax.fori_loop(0, EC, _zrow, 0)
    for k in range(nchunks):
        pltpu.sync_copy(contrib, acc_sh.at[pl.ds(rs + k * EC, EC)])
    plsc.subcore_barrier()

    bidx = [(ii >> 3) + 2 * c for c in range(4)]
    zidx = ii * 0

    def _block(b, c):
        base = wid * nper + b * EC
        pltpu.sync_copy(src_hbm.at[pl.ds(base, EC)], srcv)
        pltpu.sync_copy(tgt_hbm.at[pl.ds(base, EC)], tgtv)
        cpa = pltpu.async_copy(a_hbm.at[srcv], sbuf, sem_a)
        cpb = pltpu.async_copy(b_hbm.at[tgtv], tbuf, sem_b)
        cpa.wait()
        cpb.wait()

        if layer == 1:
            @plsc.parallel_loop(0, EC, unroll=4)
            def _edge(i):
                sv = sbuf[i, pl.ds(0, LANES)]
                tv = tbuf[i, pl.ds(0, LANES)]
                ev = jnp.exp(jnp.clip(sv + tv, -2.0, 2.0))
                contrib[i, pl.ds(0, LANES)] = ev
                for v in range(4):
                    hc = tbuf[i, pl.ds(8 + LANES * v, LANES)]
                    eb = _vgather(ev, bidx[v])
                    contrib[i, pl.ds(8 + LANES * v, LANES)] = eb * hc
        else:
            @plsc.parallel_loop(0, EC, unroll=4)
            def _edge(i):
                sv = sbuf[i, pl.ds(0, LANES)]
                tv = tbuf[i, pl.ds(0, LANES)]
                sm = sv + tv
                ev = jnp.exp(jnp.clip(sm, -2.0, 2.0))
                e2 = _vgather(ev, zidx)
                contrib[i, pl.ds(0, LANES)] = e2 * jnp.where(ii == 0, 1.0, sm)
        pltpu.sync_copy(contrib, acc_sh.at[srcv], add=True)
        return c
    lax.fori_loop(0, nblocks, _block, 0)

    plsc.subcore_barrier()
    for k in range(nchunks):
        pltpu.sync_copy(acc_sh.at[pl.ds(rs + k * EC, EC)], contrib)

        def _xrow(i, c):
            for o in zo:
                xbuf[i, pl.ds(o, LANES)] = contrib[i, pl.ds(o, LANES)]
            return c
        lax.fori_loop(0, EC, _xrow, 0)
        pltpu.sync_copy(xbuf, out_hbm.at[core, pl.ds(rs + k * EC, EC)])


def _fin_body(q0_hbm, q1_hbm, idx_hbm, out_hbm, idxv, r0, r1, sem0, sem1):
    core = lax.axis_index("c")
    sub = lax.axis_index("s")
    wid = sub * NC + core
    per = idx_hbm.shape[0] // NW
    nb = per // EC
    ii = lax.iota(jnp.int32, LANES)
    zidx = ii * 0

    def _block(b, c):
        base = wid * per + b * EC
        pltpu.sync_copy(idx_hbm.at[pl.ds(base, EC)], idxv)
        cp0 = pltpu.async_copy(q0_hbm.at[idxv], r0, sem0)
        cp1 = pltpu.async_copy(q1_hbm.at[idxv], r1, sem1)
        cp0.wait()
        cp1.wait()

        def _row(i, c2):
            srow = r0[i, pl.ds(0, LANES)] + r1[i, pl.ds(0, LANES)]
            den = _vgather(srow, zidx)
            r0[i, pl.ds(0, LANES)] = jnp.maximum(srow / (den + 1e-9), 0.0)
            return c2
        lax.fori_loop(0, EC, _row, 0)
        pltpu.sync_copy(r0, out_hbm.at[pl.ds(base, EC)])
        return c
    lax.fori_loop(0, nb, _block, 0)


def _make_edge_call(n_pad, layer):
    body = functools.partial(_edge_body, layer=layer)
    wa = W
    return pl.kernel(
        body,
        out_type=jax.ShapeDtypeStruct((NC, n_pad, W), F32),
        mesh=_MESH,
        scratch_types=[
            pltpu.VMEM_SHARED((n_pad, wa), F32),
            pltpu.VMEM((EC,), jnp.int32),
            pltpu.VMEM((EC,), jnp.int32),
            pltpu.VMEM((EC, W), F32),
            pltpu.VMEM((EC, W), F32),
            pltpu.VMEM((EC, wa), F32),
            pltpu.VMEM((EC, W), F32),
            pltpu.SemaphoreType.DMA,
            pltpu.SemaphoreType.DMA,
        ],
    )


def kernel(node_states, edges, indices, W1, a1, W2, a2):
    n, d = node_states.shape
    h1, _, u1 = W1.shape
    hu = h1 * u1
    od = W2.shape[2]
    nidx = indices.shape[0]

    w1f = jnp.transpose(W1, (1, 0, 2)).reshape(d, hu)
    rows = np.arange(hu)
    heads = rows // u1
    msa = jnp.zeros((hu, W), F32).at[rows, heads].set(a1[:, :u1, 0].reshape(hu))
    mtb = jnp.zeros((hu, W), F32).at[rows, heads].set(a1[:, u1:, 0].reshape(hu))
    mhb = np.zeros((hu, W), np.float32)
    mhb[rows, rows + 8] = 1.0
    mhb = jnp.asarray(mhb)
    md = np.zeros((W, hu), np.float32)
    md[heads, rows] = 1.0
    md = jnp.asarray(md)
    mn = np.zeros((W, hu), np.float32)
    mn[rows + 8, rows] = 1.0
    mn = jnp.asarray(mn)
    w2p = jnp.concatenate([W2[0], jnp.zeros((hu, 8 - od), F32)], axis=1)
    j7 = np.arange(od)
    msa2 = jnp.zeros((8, W), F32).at[j7, 0].set(a2[0, :od, 0])
    mtb2 = jnp.zeros((8, W), F32).at[j7, 0].set(a2[0, od:, 0])
    mhb2 = np.zeros((8, W), np.float32)
    mhb2[j7, j7 + 1] = 1.0
    mhb2 = jnp.asarray(mhb2)

    src = edges[:, 0]
    tgt = edges[:, 1]

    npd = ((n + NS * EC - 1) // (NS * EC)) * (NS * EC)
    xp = jnp.concatenate([node_states, jnp.zeros((npd - n, d), F32)], axis=0)
    blk = 2048
    grid = (npd // blk,)
    full = lambda i: (0, 0)
    rowb = lambda i: (i, 0)
    prep1 = pl.pallas_call(
        _prep1_body,
        grid=grid,
        in_specs=[
            pl.BlockSpec((blk, d), rowb),
            pl.BlockSpec((d, hu), full),
            pl.BlockSpec((hu, W), full),
            pl.BlockSpec((hu, W), full),
            pl.BlockSpec((hu, W), full),
        ],
        out_specs=[pl.BlockSpec((blk, W), rowb), pl.BlockSpec((blk, W), rowb)],
        out_shape=[jax.ShapeDtypeStruct((npd, W), F32),
                   jax.ShapeDtypeStruct((npd, W), F32)],
    )
    tab_a1, tab_b1 = prep1(xp, w1f, msa, mtb, mhb)

    edge1 = _make_edge_call(npd, 1)
    p1 = edge1(src, tgt, tab_a1, tab_b1)

    prep2 = pl.pallas_call(
        _prep2_body,
        grid=grid,
        in_specs=[
            pl.BlockSpec((blk, W), rowb),
            pl.BlockSpec((blk, W), rowb),
            pl.BlockSpec((W, hu), full),
            pl.BlockSpec((W, hu), full),
            pl.BlockSpec((hu, 8), full),
            pl.BlockSpec((8, W), full),
            pl.BlockSpec((8, W), full),
            pl.BlockSpec((8, W), full),
        ],
        out_specs=[pl.BlockSpec((blk, W), rowb), pl.BlockSpec((blk, W), rowb)],
        out_shape=[jax.ShapeDtypeStruct((npd, W), F32),
                   jax.ShapeDtypeStruct((npd, W), F32)],
    )
    tab_a2, tab_b2 = prep2(p1[0], p1[1], md, mn, w2p, msa2, mtb2, mhb2)

    edge2 = _make_edge_call(npd, 2)
    q = edge2(src, tgt, tab_a2, tab_b2)

    npad = ((nidx + NW * EC - 1) // (NW * EC)) * (NW * EC)
    idxp = jnp.concatenate([indices, jnp.zeros((npad - nidx,), jnp.int32)])
    fin = pl.kernel(
        _fin_body,
        out_type=jax.ShapeDtypeStruct((npad, W), F32),
        mesh=_MESH,
        scratch_types=[
            pltpu.VMEM((EC,), jnp.int32),
            pltpu.VMEM((EC, W), F32),
            pltpu.VMEM((EC, W), F32),
            pltpu.SemaphoreType.DMA,
            pltpu.SemaphoreType.DMA,
        ],
    )
    o = fin(q[0], q[1], idxp)
    return o[:nidx, 1:1 + od]

# --- scband reference (transcript-rebuilt; emitter-appended) ---
"""Pipeline reference for scband-graph-attention-network-transductive-6648609374460 (READ-ONLY COPY).

The authoritative reference and input builder live on the scoring server;
editing this copy changes nothing except your own understanding.
"""

import jax, jax.numpy as jnp
import numpy as np

N_NODES = 10000
D_FEAT = 128
N_EDGES = 320000
H1 = 8
U1 = 8
OUT_DIM = 7
N_IDX = 5000


def setup_inputs(seed: int = 0) -> dict:
    key = jax.random.key(seed)
    ks = jax.random.split(key, 8)
    node_states = jax.random.normal(ks[0], (N_NODES, D_FEAT), dtype=jnp.float32)
    edges = jax.random.randint(ks[1], (N_EDGES, 2), 0, N_NODES, dtype=jnp.int32)
    indices = jax.random.randint(ks[2], (N_IDX,), 0, N_NODES, dtype=jnp.int32)
    # learned params: layer1 = 8 heads x 8 units (concat), layer2 = 1 head x OUT_DIM units (average)
    W1 = jax.random.normal(ks[3], (H1, D_FEAT, U1), dtype=jnp.float32) * 0.1
    a1 = jax.random.normal(ks[4], (H1, 2 * U1, 1), dtype=jnp.float32) * 0.1
    W2 = jax.random.normal(ks[5], (1, H1 * U1, OUT_DIM), dtype=jnp.float32) * 0.1
    a2 = jax.random.normal(ks[6], (1, 2 * OUT_DIM, 1), dtype=jnp.float32) * 0.1
    return {"node_states": node_states, "edges": edges, "indices": indices,
            "W1": W1, "a1": a1, "W2": W2, "a2": a2}


def _gat_head(x, edges, W, a):
    # GATv2-style head: h = xW; e_ij = a^T LeakyReLU([h_i || h_j]); segment-softmax over src; weighted sum of neighbors
    h = x @ W
    src = edges[:, 0]
    tgt = edges[:, 1]
    z = jnp.concatenate([h[src], h[tgt]], axis=-1)
    e = jax.nn.leaky_relu(z, negative_slope=0.2) @ a
    e = jnp.squeeze(e, -1)
    e = jnp.exp(jnp.clip(e, -2.0, 2.0))
    denom = jax.ops.segment_sum(e, src, num_segments=x.shape[0])
    norm = e / (denom[src] + 1e-9)
    return jax.ops.segment_sum(h[tgt] * norm[:, None], src, num_segments=x.shape[0])


def _multi_head_gat(x, edges, W, a, concat):
    outs = [_gat_head(x, edges, W[i], a[i]) for i in range(W.shape[0])]
    if concat:
        o = jnp.concatenate(outs, axis=-1)
    else:
        o = jnp.mean(jnp.stack(outs, axis=0), axis=0)
    return jax.nn.relu(o)


def reference(node_states, edges, indices, W1, a1, W2, a2):
    x = _multi_head_gat(node_states, edges, W1, a1, concat=True)   # [N, 64]
    out = _multi_head_gat(x, edges, W2, a2, concat=False)          # [N, OUT_DIM]
    return jnp.take(out, indices, axis=0)

if __name__ == "__main__":
    import jax
    _d = setup_inputs()
    print(jax.jit(kernel)(*tuple(_d.values())))

</pallas_src>

<mosaic_0001>
#map = affine_map<(d0, d1) -> (0, 0)>
#map1 = affine_map<(d0, d1) -> (0)>
module attributes {stable_mosaic.version = 14 : i64} {
  func.func @_fin_body(%arg0: i32, %arg1: i32, %arg2: memref<10240x128xf32, #tpu.memory_space<hbm>>, %arg3: memref<10240x128xf32, #tpu.memory_space<hbm>>, %arg4: memref<5120xi32, #tpu.memory_space<hbm>>, %arg5: memref<5120x128xf32, #tpu.memory_space<hbm>>, %arg6: memref<80xi32, #tpu.memory_space<vmem>>, %arg7: memref<80x128xf32, #tpu.memory_space<vmem>>, %arg8: memref<80x128xf32, #tpu.memory_space<vmem>>, %arg9: memref<!tpu.dma_semaphore, #tpu.memory_space<semaphore_mem>>, %arg10: memref<!tpu.dma_semaphore, #tpu.memory_space<semaphore_mem>>) attributes {dimension_semantics = [#tpu.dimension_semantics<core_parallel>, #tpu.dimension_semantics<subcore_parallel>], iteration_bounds = array<i64: 2, 16>, scalar_prefetch = 0 : i64, scratch_operands = 5 : i64, tpu.core_type = #tpu.core_type<sc_vector_subcore>, window_params = [{transform_indices = #map}, {transform_indices = #map}, {transform_indices = #map1}, {transform_indices = #map}]} {
    %mul3A = arith.constant 2 : i32
    %mul3A_0 = arith.muli %arg1, %mul3A : i32
    %add3A = arith.addi %mul3A_0, %arg0 : i32
    %iota3A = tpu.iota {dimensions = array<i32: 0>} : vector<16xi32>
    %mul3A_1 = arith.constant 0 : i32
    %mul3A_2 = vector.broadcast %mul3A_1 : i32 to vector<16xi32>
    %mul3A_3 = arith.muli %iota3A, %mul3A_2 : vector<16xi32>
    %scan3A = arith.constant 0 : i32
    %scan3A_4 = arith.constant 0 : i32
    %scan3A_5 = arith.constant 2 : i32
    %scan3A_6 = arith.addi %scan3A_4, %scan3A_5 : i32
    %scan3A_7 = arith.constant 1 : i32
    scf.for %scan3A_9 = %scan3A_4 to %scan3A_6 step %scan3A_7  : i32 {
      %mul3A_10 = arith.constant 160 : i32
      %mul3A_11 = arith.muli %add3A, %mul3A_10 : i32
      %mul3A_12 = arith.constant 80 : i32
      %mul3A_13 = arith.muli %scan3A_9, %mul3A_12 : i32
      %add3A_14 = arith.addi %mul3A_11, %mul3A_13 : i32
      "tpu.region"() ({
        %run_scoped3A = tpu.sem_alloc : memref<!tpu.dma_semaphore, #tpu.memory_space<semaphore_mem>>
        %dma_start3A_31 = tpu.memref_slice %arg4[%add3A_14] : memref<5120xi32, #tpu.memory_space<hbm>> -> memref<80xi32, #tpu.memory_space<hbm>>
        %dma_start3A_32 = tpu.memref_slice %arg4[%add3A_14] : memref<5120xi32, #tpu.memory_space<hbm>> -> memref<80xi32, #tpu.memory_space<hbm>>
        tpu.enqueue_dma source(%dma_start3A_32 : memref<80xi32, #tpu.memory_space<hbm>>) target(%arg6 : memref<80xi32, #tpu.memory_space<vmem>>) target_semaphore(%run_scoped3A : memref<!tpu.dma_semaphore, #tpu.memory_space<semaphore_mem>>)
        %dma_wait3A_33 = tpu.memref_slice %arg4[%add3A_14] : memref<5120xi32, #tpu.memory_space<hbm>> -> memref<80xi32, #tpu.memory_space<hbm>>
        %dma_wait3A_34 = tpu.memref_slice %arg4[%add3A_14] : memref<5120xi32, #tpu.memory_space<hbm>> -> memref<80xi32, #tpu.memory_space<hbm>>
        tpu.wait_dma2 semaphore(%run_scoped3A : memref<!tpu.dma_semaphore, #tpu.memory_space<semaphore_mem>>) src(%dma_wait3A_34 : memref<80xi32, #tpu.memory_space<hbm>>) dst(%arg6 : memref<80xi32, #tpu.memory_space<vmem>>)
        tpu.yield
      }) : () -> ()
      %dma_start3A = arith.constant 0 : i32
      %dma_start3A_15 = arith.constant 0 : i32
      %dma_start3A_16 = tpu.memref_slice %arg2[%dma_start3A, %dma_start3A_15] : memref<10240x128xf32, #tpu.memory_space<hbm>> -> memref<10240x128xf32, #tpu.memory_space<hbm>>
      tpu.enqueue_indirect_dma source(%dma_start3A_16 : memref<10240x128xf32, #tpu.memory_space<hbm>>) target(%arg7 : memref<80x128xf32, #tpu.memory_space<vmem>>) offsets(%arg6 : memref<80xi32, #tpu.memory_space<vmem>>) semaphore(%arg9 : memref<!tpu.dma_semaphore, #tpu.memory_space<semaphore_mem>>)
      %dma_start3A_17 = arith.constant 0 : i32
      %dma_start3A_18 = arith.constant 0 : i32
      %dma_start3A_19 = tpu.memref_slice %arg3[%dma_start3A_17, %dma_start3A_18] : memref<10240x128xf32, #tpu.memory_space<hbm>> -> memref<10240x128xf32, #tpu.memory_space<hbm>>
      tpu.enqueue_indirect_dma source(%dma_start3A_19 : memref<10240x128xf32, #tpu.memory_space<hbm>>) target(%arg8 : memref<80x128xf32, #tpu.memory_space<vmem>>) offsets(%arg6 : memref<80xi32, #tpu.memory_space<vmem>>) semaphore(%arg10 : memref<!tpu.dma_semaphore, #tpu.memory_space<semaphore_mem>>)
      %dma_wait3A = arith.constant 0 : i32
      %dma_wait3A_20 = arith.constant 0 : i32
      %dma_wait3A_21 = tpu.memref_slice %arg2[%dma_wait3A, %dma_wait3A_20] : memref<10240x128xf32, #tpu.memory_space<hbm>> -> memref<10240x128xf32, #tpu.memory_space<hbm>>
      tpu.wait_indirect_dma semaphore(%arg9 : memref<!tpu.dma_semaphore, #tpu.memory_space<semaphore_mem>>) src(%dma_wait3A_21 : memref<10240x128xf32, #tpu.memory_space<hbm>>) dst(%arg7 : memref<80x128xf32, #tpu.memory_space<vmem>>)
      %dma_wait3A_22 = arith.constant 0 : i32
      %dma_wait3A_23 = arith.constant 0 : i32
      %dma_wait3A_24 = tpu.memref_slice %arg3[%dma_wait3A_22, %dma_wait3A_23] : memref<10240x128xf32, #tpu.memory_space<hbm>> -> memref<10240x128xf32, #tpu.memory_space<hbm>>
      tpu.wait_indirect_dma semaphore(%arg10 : memref<!tpu.dma_semaphore, #tpu.memory_space<semaphore_mem>>) src(%dma_wait3A_24 : memref<10240x128xf32, #tpu.memory_space<hbm>>) dst(%arg8 : memref<80x128xf32, #tpu.memory_space<vmem>>)
      %scan3A_25 = arith.constant 0 : i32
      %scan3A_26 = arith.constant 0 : i32
      %scan3A_27 = arith.constant 80 : i32
      %scan3A_28 = arith.addi %scan3A_26, %scan3A_27 : i32
      %scan3A_29 = arith.constant 1 : i32
      scf.for %scan3A_31 = %scan3A_26 to %scan3A_28 step %scan3A_29  : i32 {
        %get3A = arith.index_cast %scan3A_31 : i32 to index
        %get3A_32 = arith.constant 0 : index
        %get3A_33 = tpu.vector_load %arg7[%get3A, %get3A_32] {strides = array<i32>} : memref<80x128xf32, #tpu.memory_space<vmem>>, vector<1x16xf32>,
        %get3A_34 = vector.shape_cast %get3A_33 : vector<1x16xf32> to vector<16xf32>
        %get3A_35 = arith.index_cast %scan3A_31 : i32 to index
        %get3A_36 = arith.constant 0 : index
        %get3A_37 = tpu.vector_load %arg8[%get3A_35, %get3A_36] {strides = array<i32>} : memref<80x128xf32, #tpu.memory_space<vmem>>, vector<1x16xf32>,
        %get3A_38 = vector.shape_cast %get3A_37 : vector<1x16xf32> to vector<16xf32>
        %add3A_39 = arith.addf %get3A_34, %get3A_38 : vector<16xf32>
        %broadcast_in_dim3A = vector.shape_cast %mul3A_3 : vector<16xi32> to vector<16x1xi32>
        %gather3A = vector.shape_cast %broadcast_in_dim3A : vector<16x1xi32> to vector<16xi32>
        %gather3A_40 = tpu.dynamic_gather %add3A_39[%gather3A] in [0] : vector<16xf32>, vector<16xi32> -> vector<16xf32>
        %add3A_41 = arith.constant 9.99999971E-10 : f32
        %add3A_42 = vector.broadcast %add3A_41 : f32 to vector<16xf32>
        %add3A_43 = arith.addf %gather3A_40, %add3A_42 : vector<16xf32>
        %div3A = arith.divf %add3A_39, %add3A_43 : vector<16xf32>
        %max3A = arith.constant 0.000000e+00 : f32
        %max3A_44 = vector.broadcast %max3A : f32 to vector<16xf32>
        %max3A_45 = arith.maximumf %div3A, %max3A_44 : vector<16xf32>
        %swap3A = arith.index_cast %scan3A_31 : i32 to index
        %swap3A_46 = arith.constant 0 : index
        %swap3A_47 = tpu.vector_load %arg7[%swap3A, %swap3A_46] {strides = array<i32>} : memref<80x128xf32, #tpu.memory_space<vmem>>, vector<1x16xf32>,
        %swap3A_48 = vector.shape_cast %swap3A_47 : vector<1x16xf32> to vector<16xf32>
        %swap3A_49 = vector.shape_cast %max3A_45 : vector<16xf32> to vector<1x16xf32>
        tpu.vector_store %arg7[%swap3A, %swap3A_46], %swap3A_49 {strides = array<i32>} : memref<80x128xf32, #tpu.memory_space<vmem>>, vector<1x16xf32>,
      }
      %scan3A_30 = arith.constant 80 : i32
      "tpu.region"() ({
        %run_scoped3A = tpu.sem_alloc : memref<!tpu.dma_semaphore, #tpu.memory_space<semaphore_mem>>
        %dma_start3A_31 = arith.constant 0 : i32
        %dma_start3A_32 = tpu.memref_slice %arg5[%add3A_14, %dma_start3A_31] : memref<5120x128xf32, #tpu.memory_space<hbm>> -> memref<80x128xf32, #tpu.memory_space<hbm>>
        %dma_start3A_33 = arith.constant 0 : i32
        %dma_start3A_34 = tpu.memref_slice %arg5[%add3A_14, %dma_start3A_33] : memref<5120x128xf32, #tpu.memory_space<hbm>> -> memref<80x128xf32, #tpu.memory_space<hbm>>
        tpu.enqueue_dma source(%arg7 : memref<80x128xf32, #tpu.memory_space<vmem>>) target(%dma_start3A_34 : memref<80x128xf32, #tpu.memory_space<hbm>>) target_semaphore(%run_scoped3A : memref<!tpu.dma_semaphore, #tpu.memory_space<semaphore_mem>>)
        %dma_wait3A_35 = arith.constant 0 : i32
        %dma_wait3A_36 = tpu.memref_slice %arg5[%add3A_14, %dma_wait3A_35] : memref<5120x128xf32, #tpu.memory_space<hbm>> -> memref<80x128xf32, #tpu.memory_space<hbm>>
        %dma_wait3A_37 = arith.constant 0 : i32
        %dma_wait3A_38 = tpu.memref_slice %arg5[%add3A_14, %dma_wait3A_37] : memref<5120x128xf32, #tpu.memory_space<hbm>> -> memref<80x128xf32, #tpu.memory_space<hbm>>
        tpu.wait_dma2 semaphore(%run_scoped3A : memref<!tpu.dma_semaphore, #tpu.memory_space<semaphore_mem>>) src(%arg7 : memref<80x128xf32, #tpu.memory_space<vmem>>) dst(%dma_wait3A_38 : memref<80x128xf32, #tpu.memory_space<hbm>>)
        tpu.yield
      }) : () -> ()
    }
    %scan3A_8 = arith.constant 2 : i32
    return
  }
}

#map = affine_map<(d0, d1) -> (0)>
#map1 = affine_map<(d0, d1) -> (0, 0)>
#map2 = affine_map<(d0, d1) -> (0, 0, 0)>
module attributes {stable_mosaic.version = 14 : i64} {
  func.func @_edge_body(%arg0: i32, %arg1: i32, %arg2: memref<320000xi32, #tpu.memory_space<hbm>>, %arg3: memref<320000xi32, #tpu.memory_space<hbm>>, %arg4: memref<10240x128xf32, #tpu.memory_space<hbm>>, %arg5: memref<10240x128xf32, #tpu.memory_space<hbm>>, %arg6: memref<2x10240x128xf32, #tpu.memory_space<hbm>>, %arg7: memref<10240x128xf32, #tpu.memory_space<vmem_shared>>, %arg8: memref<80xi32, #tpu.memory_space<vmem>>, %arg9: memref<80xi32, #tpu.memory_space<vmem>>, %arg10: memref<80x128xf32, #tpu.memory_space<vmem>>, %arg11: memref<80x128xf32, #tpu.memory_space<vmem>>, %arg12: memref<80x128xf32, #tpu.memory_space<vmem>>, %arg13: memref<80x128xf32, #tpu.memory_space<vmem>>, %arg14: memref<!tpu.dma_semaphore, #tpu.memory_space<semaphore_mem>>, %arg15: memref<!tpu.dma_semaphore, #tpu.memory_space<semaphore_mem>>) attributes {dimension_semantics = [#tpu.dimension_semantics<core_parallel>, #tpu.dimension_semantics<subcore_parallel>], iteration_bounds = array<i64: 2, 16>, scalar_prefetch = 0 : i64, scratch_operands = 9 : i64, tpu.core_type = #tpu.core_type<sc_vector_subcore>, window_params = [{transform_indices = #map}, {transform_indices = #map}, {transform_indices = #map1}, {transform_indices = #map1}, {transform_indices = #map2}]} {
    %mul3A = arith.constant 2 : i32
    %mul3A_0 = arith.muli %arg1, %mul3A : i32
    %add3A = arith.addi %mul3A_0, %arg0 : i32
    %broadcast_in_dim3A = arith.constant 0.000000e+00 : f32
    %broadcast_in_dim3A_1 = vector.broadcast %broadcast_in_dim3A : f32 to vector<16xf32>
    %iota3A = tpu.iota {dimensions = array<i32: 0>} : vector<16xi32>
    %mul3A_2 = arith.constant 640 : i32
    %mul3A_3 = arith.muli %arg1, %mul3A_2 : i32
    %scan3A = arith.constant 0 : i32
    %scan3A_4 = arith.constant 0 : i32
    %scan3A_5 = arith.constant 80 : i32
    %scan3A_6 = arith.addi %scan3A_4, %scan3A_5 : i32
    %scan3A_7 = arith.constant 1 : i32
    scf.for %scan3A_138 = %scan3A_4 to %scan3A_6 step %scan3A_7  : i32 {
      %swap3A = arith.index_cast %scan3A_138 : i32 to index
      %swap3A_139 = arith.constant 0 : index
      %swap3A_140 = tpu.vector_load %arg13[%swap3A, %swap3A_139] {strides = array<i32>} : memref<80x128xf32, #tpu.memory_space<vmem>>, vector<1x16xf32>,
      %swap3A_141 = vector.shape_cast %swap3A_140 : vector<1x16xf32> to vector<16xf32>
      %swap3A_142 = vector.shape_cast %broadcast_in_dim3A_1 : vector<16xf32> to vector<1x16xf32>
      tpu.vector_store %arg13[%swap3A, %swap3A_139], %swap3A_142 {strides = array<i32>} : memref<80x128xf32, #tpu.memory_space<vmem>>, vector<1x16xf32>,
      %swap3A_143 = arith.index_cast %scan3A_138 : i32 to index
      %swap3A_144 = arith.constant 16 : index
      %swap3A_145 = tpu.vector_load %arg13[%swap3A_143, %swap3A_144] {strides = array<i32>} : memref<80x128xf32, #tpu.memory_space<vmem>>, vector<1x16xf32>,
      %swap3A_146 = vector.shape_cast %swap3A_145 : vector<1x16xf32> to vector<16xf32>
      %swap3A_147 = vector.shape_cast %broadcast_in_dim3A_1 : vector<16xf32> to vector<1x16xf32>
      tpu.vector_store %arg13[%swap3A_143, %swap3A_144], %swap3A_147 {strides = array<i32>} : memref<80x128xf32, #tpu.memory_space<vmem>>, vector<1x16xf32>,
      %swap3A_148 = arith.index_cast %scan3A_138 : i32 to index
      %swap3A_149 = arith.constant 32 : index
      %swap3A_150 = tpu.vector_load %arg13[%swap3A_148, %swap3A_149] {strides = array<i32>} : memref<80x128xf32, #tpu.memory_space<vmem>>, vector<1x16xf32>,
      %swap3A_151 = vector.shape_cast %swap3A_150 : vector<1x16xf32> to vector<16xf32>
      %swap3A_152 = vector.shape_cast %broadcast_in_dim3A_1 : vector<16xf32> to vector<1x16xf32>
      tpu.vector_store %arg13[%swap3A_148, %swap3A_149], %swap3A_152 {strides = array<i32>} : memref<80x128xf32, #tpu.memory_space<vmem>>, vector<1x16xf32>,
      %swap3A_153 = arith.index_cast %scan3A_138 : i32 to index
      %swap3A_154 = arith.constant 48 : index
      %swap3A_155 = tpu.vector_load %arg13[%swap3A_153, %swap3A_154] {strides = array<i32>} : memref<80x128xf32, #tpu.memory_space<vmem>>, vector<1x16xf32>,
      %swap3A_156 = vector.shape_cast %swap3A_155 : vector<1x16xf32> to vector<16xf32>
      %swap3A_157 = vector.shape_cast %broadcast_in_dim3A_1 : vector<16xf32> to vector<1x16xf32>
      tpu.vector_store %arg13[%swap3A_153, %swap3A_154], %swap3A_157 {strides = array<i32>} : memref<80x128xf32, #tpu.memory_space<vmem>>, vector<1x16xf32>,
      %swap3A_158 = arith.index_cast %scan3A_138 : i32 to index
      %swap3A_159 = arith.constant 64 : index
      %swap3A_160 = tpu.vector_load %arg13[%swap3A_158, %swap3A_159] {strides = array<i32>} : memref<80x128xf32, #tpu.memory_space<vmem>>, vector<1x16xf32>,
      %swap3A_161 = vector.shape_cast %swap3A_160 : vector<1x16xf32> to vector<16xf32>
      %swap3A_162 = vector.shape_cast %broadcast_in_dim3A_1 : vector<16xf32> to vector<1x16xf32>
      tpu.vector_store %arg13[%swap3A_158, %swap3A_159], %swap3A_162 {strides = array<i32>} : memref<80x128xf32, #tpu.memory_space<vmem>>, vector<1x16xf32>,
      %swap3A_163 = arith.index_cast %scan3A_138 : i32 to index
      %swap3A_164 = arith.constant 80 : index
      %swap3A_165 = tpu.vector_load %arg13[%swap3A_163, %swap3A_164] {strides = array<i32>} : memref<80x128xf32, #tpu.memory_space<vmem>>, vector<1x16xf32>,
      %swap3A_166 = vector.shape_cast %swap3A_165 : vector<1x16xf32> to vector<16xf32>
      %swap3A_167 = vector.shape_cast %broadcast_in_dim3A_1 : vector<16xf32> to vector<1x16xf32>
      tpu.vector_store %arg13[%swap3A_163, %swap3A_164], %swap3A_167 {strides = array<i32>} : memref<80x128xf32, #tpu.memory_space<vmem>>, vector<1x16xf32>,
      %swap3A_168 = arith.index_cast %scan3A_138 : i32 to index
      %swap3A_169 = arith.constant 96 : index
      %swap3A_170 = tpu.vector_load %arg13[%swap3A_168, %swap3A_169] {strides = array<i32>} : memref<80x128xf32, #tpu.memory_space<vmem>>, vector<1x16xf32>,
      %swap3A_171 = vector.shape_cast %swap3A_170 : vector<1x16xf32> to vector<16xf32>
      %swap3A_172 = vector.shape_cast %broadcast_in_dim3A_1 : vector<16xf32> to vector<1x16xf32>
      tpu.vector_store %arg13[%swap3A_168, %swap3A_169], %swap3A_172 {strides = array<i32>} : memref<80x128xf32, #tpu.memory_space<vmem>>, vector<1x16xf32>,
      %swap3A_173 = arith.index_cast %scan3A_138 : i32 to index
      %swap3A_174 = arith.constant 112 : index
      %swap3A_175 = tpu.vector_load %arg13[%swap3A_173, %swap3A_174] {strides = array<i32>} : memref<80x128xf32, #tpu.memory_space<vmem>>, vector<1x16xf32>,
      %swap3A_176 = vector.shape_cast %swap3A_175 : vector<1x16xf32> to vector<16xf32>
      %swap3A_177 = vector.shape_cast %broadcast_in_dim3A_1 : vector<16xf32> to vector<1x16xf32>
      tpu.vector_store %arg13[%swap3A_173, %swap3A_174], %swap3A_177 {strides = array<i32>} : memref<80x128xf32, #tpu.memory_space<vmem>>, vector<1x16xf32>,
      %swap3A_178 = arith.index_cast %scan3A_138 : i32 to index
      %swap3A_179 = arith.constant 0 : index
      %swap3A_180 = tpu.vector_load %arg12[%swap3A_178, %swap3A_179] {strides = array<i32>} : memref<80x128xf32, #tpu.memory_space<vmem>>, vector<1x16xf32>,
      %swap3A_181 = vector.shape_cast %swap3A_180 : vector<1x16xf32> to vector<16xf32>
      %swap3A_182 = vector.shape_cast %broadcast_in_dim3A_1 : vector<16xf32> to vector<1x16xf32>
      tpu.vector_store %arg12[%swap3A_178, %swap3A_179], %swap3A_182 {strides = array<i32>} : memref<80x128xf32, #tpu.memory_space<vmem>>, vector<1x16xf32>,
      %swap3A_183 = arith.index_cast %scan3A_138 : i32 to index
      %swap3A_184 = arith.constant 16 : index
      %swap3A_185 = tpu.vector_load %arg12[%swap3A_183, %swap3A_184] {strides = array<i32>} : memref<80x128xf32, #tpu.memory_space<vmem>>, vector<1x16xf32>,
      %swap3A_186 = vector.shape_cast %swap3A_185 : vector<1x16xf32> to vector<16xf32>
      %swap3A_187 = vector.shape_cast %broadcast_in_dim3A_1 : vector<16xf32> to vector<1x16xf32>
      tpu.vector_store %arg12[%swap3A_183, %swap3A_184], %swap3A_187 {strides = array<i32>} : memref<80x128xf32, #tpu.memory_space<vmem>>, vector<1x16xf32>,
      %swap3A_188 = arith.index_cast %scan3A_138 : i32 to index
      %swap3A_189 = arith.constant 32 : index
      %swap3A_190 = tpu.vector_load %arg12[%swap3A_188, %swap3A_189] {strides = array<i32>} : memref<80x128xf32, #tpu.memory_space<vmem>>, vector<1x16xf32>,
      %swap3A_191 = vector.shape_cast %swap3A_190 : vector<1x16xf32> to vector<16xf32>
      %swap3A_192 = vector.shape_cast %broadcast_in_dim3A_1 : vector<16xf32> to vector<1x16xf32>
      tpu.vector_store %arg12[%swap3A_188, %swap3A_189], %swap3A_192 {strides = array<i32>} : memref<80x128xf32, #tpu.memory_space<vmem>>, vector<1x16xf32>,
      %swap3A_193 = arith.index_cast %scan3A_138 : i32 to index
      %swap3A_194 = arith.constant 48 : index
      %swap3A_195 = tpu.vector_load %arg12[%swap3A_193, %swap3A_194] {strides = array<i32>} : memref<80x128xf32, #tpu.memory_space<vmem>>, vector<1x16xf32>,
      %swap3A_196 = vector.shape_cast %swap3A_195 : vector<1x16xf32> to vector<16xf32>
      %swap3A_197 = vector.shape_cast %broadcast_in_dim3A_1 : vector<16xf32> to vector<1x16xf32>
      tpu.vector_store %arg12[%swap3A_193, %swap3A_194], %swap3A_197 {strides = array<i32>} : memref<80x128xf32, #tpu.memory_space<vmem>>, vector<1x16xf32>,
      %swap3A_198 = arith.index_cast %scan3A_138 : i32 to index
      %swap3A_199 = arith.constant 64 : index
      %swap3A_200 = tpu.vector_load %arg12[%swap3A_198, %swap3A_199] {strides = array<i32>} : memref<80x128xf32, #tpu.memory_space<vmem>>, vector<1x16xf32>,
      %swap3A_201 = vector.shape_cast %swap3A_200 : vector<1x16xf32> to vector<16xf32>
      %swap3A_202 = vector.shape_cast %broadcast_in_dim3A_1 : vector<16xf32> to vector<1x16xf32>
      tpu.vector_store %arg12[%swap3A_198, %swap3A_199], %swap3A_202 {strides = array<i32>} : memref<80x128xf32, #tpu.memory_space<vmem>>, vector<1x16xf32>,
      %swap3A_203 = arith.index_cast %scan3A_138 : i32 to index
      %swap3A_204 = arith.constant 80 : index
      %swap3A_205 = tpu.vector_load %arg12[%swap3A_203, %swap3A_204] {strides = array<i32>} : memref<80x128xf32, #tpu.memory_space<vmem>>, vector<1x16xf32>,
      %swap3A_206 = vector.shape_cast %swap3A_205 : vector<1x16xf32> to vector<16xf32>
      %swap3A_207 = vector.shape_cast %broadcast_in_dim3A_1 : vector<16xf32> to vector<1x16xf32>
      tpu.vector_store %arg12[%swap3A_203, %swap3A_204], %swap3A_207 {strides = array<i32>} : memref<80x128xf32, #tpu.memory_space<vmem>>, vector<1x16xf32>,
      %swap3A_208 = arith.index_cast %scan3A_138 : i32 to index
      %swap3A_209 = arith.constant 96 : index
      %swap3A_210 = tpu.vector_load %arg12[%swap3A_208, %swap3A_209] {strides = array<i32>} : memref<80x128xf32, #tpu.memory_space<vmem>>, vector<1x16xf32>,
      %swap3A_211 = vector.shape_cast %swap3A_210 : vector<1x16xf32> to vector<16xf32>
      %swap3A_212 = vector.shape_cast %broadcast_in_dim3A_1 : vector<16xf32> to vector<1x16xf32>
      tpu.vector_store %arg12[%swap3A_208, %swap3A_209], %swap3A_212 {strides = array<i32>} : memref<80x128xf32, #tpu.memory_space<vmem>>, vector<1x16xf32>,
      %swap3A_213 = arith.index_cast %scan3A_138 : i32 to index
      %swap3A_214 = arith.constant 112 : index
      %swap3A_215 = tpu.vector_load %arg12[%swap3A_213, %swap3A_214] {strides = array<i32>} : memref<80x128xf32, #tpu.memory_space<vmem>>, vector<1x16xf32>,
      %swap3A_216 = vector.shape_cast %swap3A_215 : vector<1x16xf32> to vector<16xf32>
      %swap3A_217 = vector.shape_cast %broadcast_in_dim3A_1 : vector<16xf32> to vector<1x16xf32>
      tpu.vector_store %arg12[%swap3A_213, %swap3A_214], %swap3A_217 {strides = array<i32>} : memref<80x128xf32, #tpu.memory_space<vmem>>, vector<1x16xf32>,
    }
    %scan3A_8 = arith.constant 80 : i32
    %add3A_9 = arith.constant 0 : i32
    %add3A_10 = arith.addi %mul3A_3, %add3A_9 : i32
    "tpu.region"() ({
      %run_scoped3A = tpu.sem_alloc : memref<!tpu.dma_semaphore, #tpu.memory_space<semaphore_mem>>
      %dma_start3A = arith.constant 0 : i32
      %dma_start3A_138 = tpu.memref_slice %arg7[%add3A_10, %dma_start3A] : memref<10240x128xf32, #tpu.memory_space<vmem_shared>> -> memref<80x128xf32, #tpu.memory_space<vmem_shared>>
      %dma_start3A_139 = arith.constant 0 : i32
      %dma_start3A_140 = tpu.memref_slice %arg7[%add3A_10, %dma_start3A_139] : memref<10240x128xf32, #tpu.memory_space<vmem_shared>> -> memref<80x128xf32, #tpu.memory_space<vmem_shared>>
      tpu.enqueue_dma source(%arg12 : memref<80x128xf32, #tpu.memory_space<vmem>>) target(%dma_start3A_140 : memref<80x128xf32, #tpu.memory_space<vmem_shared>>) target_semaphore(%run_scoped3A : memref<!tpu.dma_semaphore, #tpu.memory_space<semaphore_mem>>)
      %dma_wait3A = arith.constant 0 : i32
      %dma_wait3A_141 = tpu.memref_slice %arg7[%add3A_10, %dma_wait3A] : memref<10240x128xf32, #tpu.memory_space<vmem_shared>> -> memref<80x128xf32, #tpu.memory_space<vmem_shared>>
      %dma_wait3A_142 = arith.constant 0 : i32
      %dma_wait3A_143 = tpu.memref_slice %arg7[%add3A_10, %dma_wait3A_142] : memref<10240x128xf32, #tpu.memory_space<vmem_shared>> -> memref<80x128xf32, #tpu.memory_space<vmem_shared>>
      tpu.wait_dma2 semaphore(%run_scoped3A : memref<!tpu.dma_semaphore, #tpu.memory_space<semaphore_mem>>) src(%arg12 : memref<80x128xf32, #tpu.memory_space<vmem>>) dst(%dma_wait3A_143 : memref<80x128xf32, #tpu.memory_space<vmem_shared>>)
      tpu.yield
    }) : () -> ()
    %add3A_11 = arith.constant 80 : i32
    %add3A_12 = arith.addi %mul3A_3, %add3A_11 : i32
    "tpu.region"() ({
      %run_scoped3A = tpu.sem_alloc : memref<!tpu.dma_semaphore, #tpu.memory_space<semaphore_mem>>
      %dma_start3A = arith.constant 0 : i32
      %dma_start3A_138 = tpu.memref_slice %arg7[%add3A_12, %dma_start3A] : memref<10240x128xf32, #tpu.memory_space<vmem_shared>> -> memref<80x128xf32, #tpu.memory_space<vmem_shared>>
      %dma_start3A_139 = arith.constant 0 : i32
      %dma_start3A_140 = tpu.memref_slice %arg7[%add3A_12, %dma_start3A_139] : memref<10240x128xf32, #tpu.memory_space<vmem_shared>> -> memref<80x128xf32, #tpu.memory_space<vmem_shared>>
      tpu.enqueue_dma source(%arg12 : memref<80x128xf32, #tpu.memory_space<vmem>>) target(%dma_start3A_140 : memref<80x128xf32, #tpu.memory_space<vmem_shared>>) target_semaphore(%run_scoped3A : memref<!tpu.dma_semaphore, #tpu.memory_space<semaphore_mem>>)
      %dma_wait3A = arith.constant 0 : i32
      %dma_wait3A_141 = tpu.memref_slice %arg7[%add3A_12, %dma_wait3A] : memref<10240x128xf32, #tpu.memory_space<vmem_shared>> -> memref<80x128xf32, #tpu.memory_space<vmem_shared>>
      %dma_wait3A_142 = arith.constant 0 : i32
      %dma_wait3A_143 = tpu.memref_slice %arg7[%add3A_12, %dma_wait3A_142] : memref<10240x128xf32, #tpu.memory_space<vmem_shared>> -> memref<80x128xf32, #tpu.memory_space<vmem_shared>>
      tpu.wait_dma2 semaphore(%run_scoped3A : memref<!tpu.dma_semaphore, #tpu.memory_space<semaphore_mem>>) src(%arg12 : memref<80x128xf32, #tpu.memory_space<vmem>>) dst(%dma_wait3A_143 : memref<80x128xf32, #tpu.memory_space<vmem_shared>>)
      tpu.yield
    }) : () -> ()
    %add3A_13 = arith.constant 160 : i32
    %add3A_14 = arith.addi %mul3A_3, %add3A_13 : i32
    "tpu.region"() ({
      %run_scoped3A = tpu.sem_alloc : memref<!tpu.dma_semaphore, #tpu.memory_space<semaphore_mem>>
      %dma_start3A = arith.constant 0 : i32
      %dma_start3A_138 = tpu.memref_slice %arg7[%add3A_14, %dma_start3A] : memref<10240x128xf32, #tpu.memory_space<vmem_shared>> -> memref<80x128xf32, #tpu.memory_space<vmem_shared>>
      %dma_start3A_139 = arith.constant 0 : i32
      %dma_start3A_140 = tpu.memref_slice %arg7[%add3A_14, %dma_start3A_139] : memref<10240x128xf32, #tpu.memory_space<vmem_shared>> -> memref<80x128xf32, #tpu.memory_space<vmem_shared>>
      tpu.enqueue_dma source(%arg12 : memref<80x128xf32, #tpu.memory_space<vmem>>) target(%dma_start3A_140 : memref<80x128xf32, #tpu.memory_space<vmem_shared>>) target_semaphore(%run_scoped3A : memref<!tpu.dma_semaphore, #tpu.memory_space<semaphore_mem>>)
      %dma_wait3A = arith.constant 0 : i32
      %dma_wait3A_141 = tpu.memref_slice %arg7[%add3A_14, %dma_wait3A] : memref<10240x128xf32, #tpu.memory_space<vmem_shared>> -> memref<80x128xf32, #tpu.memory_space<vmem_shared>>
      %dma_wait3A_142 = arith.constant 0 : i32
      %dma_wait3A_143 = tpu.memref_slice %arg7[%add3A_14, %dma_wait3A_142] : memref<10240x128xf32, #tpu.memory_space<vmem_shared>> -> memref<80x128xf32, #tpu.memory_space<vmem_shared>>
      tpu.wait_dma2 semaphore(%run_scoped3A : memref<!tpu.dma_semaphore, #tpu.memory_space<semaphore_mem>>) src(%arg12 : memref<80x128xf32, #tpu.memory_space<vmem>>) dst(%dma_wait3A_143 : memref<80x128xf32, #tpu.memory_space<vmem_shared>>)
      tpu.yield
    }) : () -> ()
    %add3A_15 = arith.constant 240 : i32
    %add3A_16 = arith.addi %mul3A_3, %add3A_15 : i32
    "tpu.region"() ({
      %run_scoped3A = tpu.sem_alloc : memref<!tpu.dma_semaphore, #tpu.memory_space<semaphore_mem>>
      %dma_start3A = arith.constant 0 : i32
      %dma_start3A_138 = tpu.memref_slice %arg7[%add3A_16, %dma_start3A] : memref<10240x128xf32, #tpu.memory_space<vmem_shared>> -> memref<80x128xf32, #tpu.memory_space<vmem_shared>>
      %dma_start3A_139 = arith.constant 0 : i32
      %dma_start3A_140 = tpu.memref_slice %arg7[%add3A_16, %dma_start3A_139] : memref<10240x128xf32, #tpu.memory_space<vmem_shared>> -> memref<80x128xf32, #tpu.memory_space<vmem_shared>>
      tpu.enqueue_dma source(%arg12 : memref<80x128xf32, #tpu.memory_space<vmem>>) target(%dma_start3A_140 : memref<80x128xf32, #tpu.memory_space<vmem_shared>>) target_semaphore(%run_scoped3A : memref<!tpu.dma_semaphore, #tpu.memory_space<semaphore_mem>>)
      %dma_wait3A = arith.constant 0 : i32
      %dma_wait3A_141 = tpu.memref_slice %arg7[%add3A_16, %dma_wait3A] : memref<10240x128xf32, #tpu.memory_space<vmem_shared>> -> memref<80x128xf32, #tpu.memory_space<vmem_shared>>
      %dma_wait3A_142 = arith.constant 0 : i32
      %dma_wait3A_143 = tpu.memref_slice %arg7[%add3A_16, %dma_wait3A_142] : memref<10240x128xf32, #tpu.memory_space<vmem_shared>> -> memref<80x128xf32, #tpu.memory_space<vmem_shared>>
      tpu.wait_dma2 semaphore(%run_scoped3A : memref<!tpu.dma_semaphore, #tpu.memory_space<semaphore_mem>>) src(%arg12 : memref<80x128xf32, #tpu.memory_space<vmem>>) dst(%dma_wait3A_143 : memref<80x128xf32, #tpu.memory_space<vmem_shared>>)
      tpu.yield
    }) : () -> ()
    %add3A_17 = arith.constant 320 : i32
    %add3A_18 = arith.addi %mul3A_3, %add3A_17 : i32
    "tpu.region"() ({
      %run_scoped3A = tpu.sem_alloc : memref<!tpu.dma_semaphore, #tpu.memory_space<semaphore_mem>>
      %dma_start3A = arith.constant 0 : i32
      %dma_start3A_138 = tpu.memref_slice %arg7[%add3A_18, %dma_start3A] : memref<10240x128xf32, #tpu.memory_space<vmem_shared>> -> memref<80x128xf32, #tpu.memory_space<vmem_shared>>
      %dma_start3A_139 = arith.constant 0 : i32
      %dma_start3A_140 = tpu.memref_slice %arg7[%add3A_18, %dma_start3A_139] : memref<10240x128xf32, #tpu.memory_space<vmem_shared>> -> memref<80x128xf32, #tpu.memory_space<vmem_shared>>
      tpu.enqueue_dma source(%arg12 : memref<80x128xf32, #tpu.memory_space<vmem>>) target(%dma_start3A_140 : memref<80x128xf32, #tpu.memory_space<vmem_shared>>) target_semaphore(%run_scoped3A : memref<!tpu.dma_semaphore, #tpu.memory_space<semaphore_mem>>)
      %dma_wait3A = arith.constant 0 : i32
      %dma_wait3A_141 = tpu.memref_slice %arg7[%add3A_18, %dma_wait3A] : memref<10240x128xf32, #tpu.memory_space<vmem_shared>> -> memref<80x128xf32, #tpu.memory_space<vmem_shared>>
      %dma_wait3A_142 = arith.constant 0 : i32
      %dma_wait3A_143 = tpu.memref_slice %arg7[%add3A_18, %dma_wait3A_142] : memref<10240x128xf32, #tpu.memory_space<vmem_shared>> -> memref<80x128xf32, #tpu.memory_space<vmem_shared>>
      tpu.wait_dma2 semaphore(%run_scoped3A : memref<!tpu.dma_semaphore, #tpu.memory_space<semaphore_mem>>) src(%arg12 : memref<80x128xf32, #tpu.memory_space<vmem>>) dst(%dma_wait3A_143 : memref<80x128xf32, #tpu.memory_space<vmem_shared>>)
      tpu.yield
    }) : () -> ()
    %add3A_19 = arith.constant 400 : i32
    %add3A_20 = arith.addi %mul3A_3, %add3A_19 : i32
    "tpu.region"() ({
      %run_scoped3A = tpu.sem_alloc : memref<!tpu.dma_semaphore, #tpu.memory_space<semaphore_mem>>
      %dma_start3A = arith.constant 0 : i32
      %dma_start3A_138 = tpu.memref_slice %arg7[%add3A_20, %dma_start3A] : memref<10240x128xf32, #tpu.memory_space<vmem_shared>> -> memref<80x128xf32, #tpu.memory_space<vmem_shared>>
      %dma_start3A_139 = arith.constant 0 : i32
      %dma_start3A_140 = tpu.memref_slice %arg7[%add3A_20, %dma_start3A_139] : memref<10240x128xf32, #tpu.memory_space<vmem_shared>> -> memref<80x128xf32, #tpu.memory_space<vmem_shared>>
      tpu.enqueue_dma source(%arg12 : memref<80x128xf32, #tpu.memory_space<vmem>>) target(%dma_start3A_140 : memref<80x128xf32, #tpu.memory_space<vmem_shared>>) target_semaphore(%run_scoped3A : memref<!tpu.dma_semaphore, #tpu.memory_space<semaphore_mem>>)
      %dma_wait3A = arith.constant 0 : i32
      %dma_wait3A_141 = tpu.memref_slice %arg7[%add3A_20, %dma_wait3A] : memref<10240x128xf32, #tpu.memory_space<vmem_shared>> -> memref<80x128xf32, #tpu.memory_space<vmem_shared>>
      %dma_wait3A_142 = arith.constant 0 : i32
      %dma_wait3A_143 = tpu.memref_slice %arg7[%add3A_20, %dma_wait3A_142] : memref<10240x128xf32, #tpu.memory_space<vmem_shared>> -> memref<80x128xf32, #tpu.memory_space<vmem_shared>>
      tpu.wait_dma2 semaphore(%run_scoped3A : memref<!tpu.dma_semaphore, #tpu.memory_space<semaphore_mem>>) src(%arg12 : memref<80x128xf32, #tpu.memory_space<vmem>>) dst(%dma_wait3A_143 : memref<80x128xf32, #tpu.memory_space<vmem_shared>>)
      tpu.yield
    }) : () -> ()
    %add3A_21 = arith.constant 480 : i32
    %add3A_22 = arith.addi %mul3A_3, %add3A_21 : i32
    "tpu.region"() ({
      %run_scoped3A = tpu.sem_alloc : memref<!tpu.dma_semaphore, #tpu.memory_space<semaphore_mem>>
      %dma_start3A = arith.constant 0 : i32
      %dma_start3A_138 = tpu.memref_slice %arg7[%add3A_22, %dma_start3A] : memref<10240x128xf32, #tpu.memory_space<vmem_shared>> -> memref<80x128xf32, #tpu.memory_space<vmem_shared>>
      %dma_start3A_139 = arith.constant 0 : i32
      %dma_start3A_140 = tpu.memref_slice %arg7[%add3A_22, %dma_start3A_139] : memref<10240x128xf32, #tpu.memory_space<vmem_shared>> -> memref<80x128xf32, #tpu.memory_space<vmem_shared>>
      tpu.enqueue_dma source(%arg12 : memref<80x128xf32, #tpu.memory_space<vmem>>) target(%dma_start3A_140 : memref<80x128xf32, #tpu.memory_space<vmem_shared>>) target_semaphore(%run_scoped3A : memref<!tpu.dma_semaphore, #tpu.memory_space<semaphore_mem>>)
      %dma_wait3A = arith.constant 0 : i32
      %dma_wait3A_141 = tpu.memref_slice %arg7[%add3A_22, %dma_wait3A] : memref<10240x128xf32, #tpu.memory_space<vmem_shared>> -> memref<80x128xf32, #tpu.memory_space<vmem_shared>>
      %dma_wait3A_142 = arith.constant 0 : i32
      %dma_wait3A_143 = tpu.memref_slice %arg7[%add3A_22, %dma_wait3A_142] : memref<10240x128xf32, #tpu.memory_space<vmem_shared>> -> memref<80x128xf32, #tpu.memory_space<vmem_shared>>
      tpu.wait_dma2 semaphore(%run_scoped3A : memref<!tpu.dma_semaphore, #tpu.memory_space<semaphore_mem>>) src(%arg12 : memref<80x128xf32, #tpu.memory_space<vmem>>) dst(%dma_wait3A_143 : memref<80x128xf32, #tpu.memory_space<vmem_shared>>)
      tpu.yield
    }) : () -> ()
    %add3A_23 = arith.constant 560 : i32
    %add3A_24 = arith.addi %mul3A_3, %add3A_23 : i32
    "tpu.region"() ({
      %run_scoped3A = tpu.sem_alloc : memref<!tpu.dma_semaphore, #tpu.memory_space<semaphore_mem>>
      %dma_start3A = arith.constant 0 : i32
      %dma_start3A_138 = tpu.memref_slice %arg7[%add3A_24, %dma_start3A] : memref<10240x128xf32, #tpu.memory_space<vmem_shared>> -> memref<80x128xf32, #tpu.memory_space<vmem_shared>>
      %dma_start3A_139 = arith.constant 0 : i32
      %dma_start3A_140 = tpu.memref_slice %arg7[%add3A_24, %dma_start3A_139] : memref<10240x128xf32, #tpu.memory_space<vmem_shared>> -> memref<80x128xf32, #tpu.memory_space<vmem_shared>>
      tpu.enqueue_dma source(%arg12 : memref<80x128xf32, #tpu.memory_space<vmem>>) target(%dma_start3A_140 : memref<80x128xf32, #tpu.memory_space<vmem_shared>>) target_semaphore(%run_scoped3A : memref<!tpu.dma_semaphore, #tpu.memory_space<semaphore_mem>>)
      %dma_wait3A = arith.constant 0 : i32
      %dma_wait3A_141 = tpu.memref_slice %arg7[%add3A_24, %dma_wait3A] : memref<10240x128xf32, #tpu.memory_space<vmem_shared>> -> memref<80x128xf32, #tpu.memory_space<vmem_shared>>
      %dma_wait3A_142 = arith.constant 0 : i32
      %dma_wait3A_143 = tpu.memref_slice %arg7[%add3A_24, %dma_wait3A_142] : memref<10240x128xf32, #tpu.memory_space<vmem_shared>> -> memref<80x128xf32, #tpu.memory_space<vmem_shared>>
      tpu.wait_dma2 semaphore(%run_scoped3A : memref<!tpu.dma_semaphore, #tpu.memory_space<semaphore_mem>>) src(%arg12 : memref<80x128xf32, #tpu.memory_space<vmem>>) dst(%dma_wait3A_143 : memref<80x128xf32, #tpu.memory_space<vmem_shared>>)
      tpu.yield
    }) : () -> ()
    %barrier3A = arith.constant 0 : index
    tpu.barrier barrier_id(%barrier3A)
    %shift_right_arithmetic3A = arith.constant 3 : i32
    %shift_right_arithmetic3A_25 = vector.broadcast %shift_right_arithmetic3A : i32 to vector<16xi32>
    %shift_right_arithmetic3A_26 = arith.shrsi %iota3A, %shift_right_arithmetic3A_25 : vector<16xi32>
    %add3A_27 = arith.constant 0 : i32
    %add3A_28 = vector.broadcast %add3A_27 : i32 to vector<16xi32>
    %add3A_29 = arith.addi %shift_right_arithmetic3A_26, %add3A_28 : vector<16xi32>
    %shift_right_arithmetic3A_30 = arith.constant 3 : i32
    %shift_right_arithmetic3A_31 = vector.broadcast %shift_right_arithmetic3A_30 : i32 to vector<16xi32>
    %shift_right_arithmetic3A_32 = arith.shrsi %iota3A, %shift_right_arithmetic3A_31 : vector<16xi32>
    %add3A_33 = arith.constant 2 : i32
    %add3A_34 = vector.broadcast %add3A_33 : i32 to vector<16xi32>
    %add3A_35 = arith.addi %shift_right_arithmetic3A_32, %add3A_34 : vector<16xi32>
    %shift_right_arithmetic3A_36 = arith.constant 3 : i32
    %shift_right_arithmetic3A_37 = vector.broadcast %shift_right_arithmetic3A_36 : i32 to vector<16xi32>
    %shift_right_arithmetic3A_38 = arith.shrsi %iota3A, %shift_right_arithmetic3A_37 : vector<16xi32>
    %add3A_39 = arith.constant 4 : i32
    %add3A_40 = vector.broadcast %add3A_39 : i32 to vector<16xi32>
    %add3A_41 = arith.addi %shift_right_arithmetic3A_38, %add3A_40 : vector<16xi32>
    %shift_right_arithmetic3A_42 = arith.constant 3 : i32
    %shift_right_arithmetic3A_43 = vector.broadcast %shift_right_arithmetic3A_42 : i32 to vector<16xi32>
    %shift_right_arithmetic3A_44 = arith.shrsi %iota3A, %shift_right_arithmetic3A_43 : vector<16xi32>
    %add3A_45 = arith.constant 6 : i32
    %add3A_46 = vector.broadcast %add3A_45 : i32 to vector<16xi32>
    %add3A_47 = arith.addi %shift_right_arithmetic3A_44, %add3A_46 : vector<16xi32>
    %mul3A_48 = arith.constant 0 : i32
    %mul3A_49 = vector.broadcast %mul3A_48 : i32 to vector<16xi32>
    %mul3A_50 = arith.muli %iota3A, %mul3A_49 : vector<16xi32>
    %scan3A_51 = arith.constant 0 : i32
    %scan3A_52 = arith.constant 0 : i32
    %scan3A_53 = arith.constant 125 : i32
    %scan3A_54 = arith.addi %scan3A_52, %scan3A_53 : i32
    %scan3A_55 = arith.constant 1 : i32
    scf.for %scan3A_138 = %scan3A_52 to %scan3A_54 step %scan3A_55  : i32 {
      %mul3A_139 = arith.constant 10000 : i32
      %mul3A_140 = arith.muli %add3A, %mul3A_139 : i32
      %mul3A_141 = arith.constant 80 : i32
      %mul3A_142 = arith.muli %scan3A_138, %mul3A_141 : i32
      %add3A_143 = arith.addi %mul3A_140, %mul3A_142 : i32
      "tpu.region"() ({
        %run_scoped3A = tpu.sem_alloc : memref<!tpu.dma_semaphore, #tpu.memory_space<semaphore_mem>>
        %dma_start3A_156 = tpu.memref_slice %arg2[%add3A_143] : memref<320000xi32, #tpu.memory_space<hbm>> -> memref<80xi32, #tpu.memory_space<hbm>>
        %dma_start3A_157 = tpu.memref_slice %arg2[%add3A_143] : memref<320000xi32, #tpu.memory_space<hbm>> -> memref<80xi32, #tpu.memory_space<hbm>>
        tpu.enqueue_dma source(%dma_start3A_157 : memref<80xi32, #tpu.memory_space<hbm>>) target(%arg8 : memref<80xi32, #tpu.memory_space<vmem>>) target_semaphore(%run_scoped3A : memref<!tpu.dma_semaphore, #tpu.memory_space<semaphore_mem>>)
        %dma_wait3A_158 = tpu.memref_slice %arg2[%add3A_143] : memref<320000xi32, #tpu.memory_space<hbm>> -> memref<80xi32, #tpu.memory_space<hbm>>
        %dma_wait3A_159 = tpu.memref_slice %arg2[%add3A_143] : memref<320000xi32, #tpu.memory_space<hbm>> -> memref<80xi32, #tpu.memory_space<hbm>>
        tpu.wait_dma2 semaphore(%run_scoped3A : memref<!tpu.dma_semaphore, #tpu.memory_space<semaphore_mem>>) src(%dma_wait3A_159 : memref<80xi32, #tpu.memory_space<hbm>>) dst(%arg8 : memref<80xi32, #tpu.memory_space<vmem>>)
        tpu.yield
      }) : () -> ()
      "tpu.region"() ({
        %run_scoped3A = tpu.sem_alloc : memref<!tpu.dma_semaphore, #tpu.memory_space<semaphore_mem>>
        %dma_start3A_156 = tpu.memref_slice %arg3[%add3A_143] : memref<320000xi32, #tpu.memory_space<hbm>> -> memref<80xi32, #tpu.memory_space<hbm>>
        %dma_start3A_157 = tpu.memref_slice %arg3[%add3A_143] : memref<320000xi32, #tpu.memory_space<hbm>> -> memref<80xi32, #tpu.memory_space<hbm>>
        tpu.enqueue_dma source(%dma_start3A_157 : memref<80xi32, #tpu.memory_space<hbm>>) target(%arg9 : memref<80xi32, #tpu.memory_space<vmem>>) target_semaphore(%run_scoped3A : memref<!tpu.dma_semaphore, #tpu.memory_space<semaphore_mem>>)
        %dma_wait3A_158 = tpu.memref_slice %arg3[%add3A_143] : memref<320000xi32, #tpu.memory_space<hbm>> -> memref<80xi32, #tpu.memory_space<hbm>>
        %dma_wait3A_159 = tpu.memref_slice %arg3[%add3A_143] : memref<320000xi32, #tpu.memory_space<hbm>> -> memref<80xi32, #tpu.memory_space<hbm>>
        tpu.wait_dma2 semaphore(%run_scoped3A : memref<!tpu.dma_semaphore, #tpu.memory_space<semaphore_mem>>) src(%dma_wait3A_159 : memref<80xi32, #tpu.memory_space<hbm>>) dst(%arg9 : memref<80xi32, #tpu.memory_space<vmem>>)
        tpu.yield
      }) : () -> ()
      %dma_start3A = arith.constant 0 : i32
      %dma_start3A_144 = arith.constant 0 : i32
      %dma_start3A_145 = tpu.memref_slice %arg4[%dma_start3A, %dma_start3A_144] : memref<10240x128xf32, #tpu.memory_space<hbm>> -> memref<10240x128xf32, #tpu.memory_space<hbm>>
      tpu.enqueue_indirect_dma source(%dma_start3A_145 : memref<10240x128xf32, #tpu.memory_space<hbm>>) target(%arg10 : memref<80x128xf32, #tpu.memory_space<vmem>>) offsets(%arg8 : memref<80xi32, #tpu.memory_space<vmem>>) semaphore(%arg14 : memref<!tpu.dma_semaphore, #tpu.memory_space<semaphore_mem>>)
      %dma_start3A_146 = arith.constant 0 : i32
      %dma_start3A_147 = arith.constant 0 : i32
      %dma_start3A_148 = tpu.memref_slice %arg5[%dma_start3A_146, %dma_start3A_147] : memref<10240x128xf32, #tpu.memory_space<hbm>> -> memref<10240x128xf32, #tpu.memory_space<hbm>>
      tpu.enqueue_indirect_dma source(%dma_start3A_148 : memref<10240x128xf32, #tpu.memory_space<hbm>>) target(%arg11 : memref<80x128xf32, #tpu.memory_space<vmem>>) offsets(%arg9 : memref<80xi32, #tpu.memory_space<vmem>>) semaphore(%arg15 : memref<!tpu.dma_semaphore, #tpu.memory_space<semaphore_mem>>)
      %dma_wait3A = arith.constant 0 : i32
      %dma_wait3A_149 = arith.constant 0 : i32
      %dma_wait3A_150 = tpu.memref_slice %arg4[%dma_wait3A, %dma_wait3A_149] : memref<10240x128xf32, #tpu.memory_space<hbm>> -> memref<10240x128xf32, #tpu.memory_space<hbm>>
      tpu.wait_indirect_dma semaphore(%arg14 : memref<!tpu.dma_semaphore, #tpu.memory_space<semaphore_mem>>) src(%dma_wait3A_150 : memref<10240x128xf32, #tpu.memory_space<hbm>>) dst(%arg10 : memref<80x128xf32, #tpu.memory_space<vmem>>)
      %dma_wait3A_151 = arith.constant 0 : i32
      %dma_wait3A_152 = arith.constant 0 : i32
      %dma_wait3A_153 = tpu.memref_slice %arg5[%dma_wait3A_151, %dma_wait3A_152] : memref<10240x128xf32, #tpu.memory_space<hbm>> -> memref<10240x128xf32, #tpu.memory_space<hbm>>
      tpu.wait_indirect_dma semaphore(%arg15 : memref<!tpu.dma_semaphore, #tpu.memory_space<semaphore_mem>>) src(%dma_wait3A_153 : memref<10240x128xf32, #tpu.memory_space<hbm>>) dst(%arg11 : memref<80x128xf32, #tpu.memory_space<vmem>>)
      %parallel_loop3A = arith.constant 0 : i32
      %parallel_loop3A_154 = arith.constant 80 : i32
      %parallel_loop3A_155 = arith.constant 1 : i32
      scf.for %parallel_loop3A_156 = %parallel_loop3A to %parallel_loop3A_154 step %parallel_loop3A_155  : i32 {
        %parallel_loop3A_157 = arith.index_cast %parallel_loop3A_156 : i32 to index
        %parallel_loop3A_158 = arith.constant 0 : index
        %parallel_loop3A_159 = tpu.vector_load %arg10[%parallel_loop3A_157, %parallel_loop3A_158] {strides = array<i32>} : memref<80x128xf32, #tpu.memory_space<vmem>>, vector<1x16xf32>,
        %parallel_loop3A_160 = vector.shape_cast %parallel_loop3A_159 : vector<1x16xf32> to vector<16xf32>
        %parallel_loop3A_161 = arith.index_cast %parallel_loop3A_156 : i32 to index
        %parallel_loop3A_162 = arith.constant 0 : index
        %parallel_loop3A_163 = tpu.vector_load %arg11[%parallel_loop3A_161, %parallel_loop3A_162] {strides = array<i32>} : memref<80x128xf32, #tpu.memory_space<vmem>>, vector<1x16xf32>,
        %parallel_loop3A_164 = vector.shape_cast %parallel_loop3A_163 : vector<1x16xf32> to vector<16xf32>
        %parallel_loop3A_165 = arith.addf %parallel_loop3A_160, %parallel_loop3A_164 : vector<16xf32>
        %parallel_loop3A_166 = arith.constant -2.000000e+00 : f32
        %parallel_loop3A_167 = arith.constant 2.000000e+00 : f32
        %parallel_loop3A_168 = vector.broadcast %parallel_loop3A_166 : f32 to vector<16xf32>
        %parallel_loop3A_169 = arith.maximumf %parallel_loop3A_168, %parallel_loop3A_165 : vector<16xf32>
        %parallel_loop3A_170 = vector.broadcast %parallel_loop3A_167 : f32 to vector<16xf32>
        %parallel_loop3A_171 = arith.minimumf %parallel_loop3A_170, %parallel_loop3A_169 : vector<16xf32>
        %parallel_loop3A_172 = math.exp %parallel_loop3A_171 : vector<16xf32>
        %parallel_loop3A_173 = arith.index_cast %parallel_loop3A_156 : i32 to index
        %parallel_loop3A_174 = arith.constant 0 : index
        %parallel_loop3A_175 = tpu.vector_load %arg12[%parallel_loop3A_173, %parallel_loop3A_174] {strides = array<i32>} : memref<80x128xf32, #tpu.memory_space<vmem>>, vector<1x16xf32>,
        %parallel_loop3A_176 = vector.shape_cast %parallel_loop3A_175 : vector<1x16xf32> to vector<16xf32>
        %parallel_loop3A_177 = vector.shape_cast %parallel_loop3A_172 : vector<16xf32> to vector<1x16xf32>
        tpu.vector_store %arg12[%parallel_loop3A_173, %parallel_loop3A_174], %parallel_loop3A_177 {strides = array<i32>} : memref<80x128xf32, #tpu.memory_space<vmem>>, vector<1x16xf32>,
        %parallel_loop3A_178 = arith.index_cast %parallel_loop3A_156 : i32 to index
        %parallel_loop3A_179 = arith.constant 8 : index
        %parallel_loop3A_180 = tpu.vector_load %arg11[%parallel_loop3A_178, %parallel_loop3A_179] {strides = array<i32>} : memref<80x128xf32, #tpu.memory_space<vmem>>, vector<1x16xf32>,
        %parallel_loop3A_181 = vector.shape_cast %parallel_loop3A_180 : vector<1x16xf32> to vector<16xf32>
        %parallel_loop3A_182 = vector.shape_cast %add3A_29 : vector<16xi32> to vector<16x1xi32>
        %parallel_loop3A_183 = vector.shape_cast %parallel_loop3A_182 : vector<16x1xi32> to vector<16xi32>
        %parallel_loop3A_184 = tpu.dynamic_gather %parallel_loop3A_172[%parallel_loop3A_183] in [0] : vector<16xf32>, vector<16xi32> -> vector<16xf32>
        %parallel_loop3A_185 = arith.mulf %parallel_loop3A_184, %parallel_loop3A_181 : vector<16xf32>
        %parallel_loop3A_186 = arith.index_cast %parallel_loop3A_156 : i32 to index
        %parallel_loop3A_187 = arith.constant 8 : index
        %parallel_loop3A_188 = tpu.vector_load %arg12[%parallel_loop3A_186, %parallel_loop3A_187] {strides = array<i32>} : memref<80x128xf32, #tpu.memory_space<vmem>>, vector<1x16xf32>,
        %parallel_loop3A_189 = vector.shape_cast %parallel_loop3A_188 : vector<1x16xf32> to vector<16xf32>
        %parallel_loop3A_190 = vector.shape_cast %parallel_loop3A_185 : vector<16xf32> to vector<1x16xf32>
        tpu.vector_store %arg12[%parallel_loop3A_186, %parallel_loop3A_187], %parallel_loop3A_190 {strides = array<i32>} : memref<80x128xf32, #tpu.memory_space<vmem>>, vector<1x16xf32>,
        %parallel_loop3A_191 = arith.index_cast %parallel_loop3A_156 : i32 to index
        %parallel_loop3A_192 = arith.constant 24 : index
        %parallel_loop3A_193 = tpu.vector_load %arg11[%parallel_loop3A_191, %parallel_loop3A_192] {strides = array<i32>} : memref<80x128xf32, #tpu.memory_space<vmem>>, vector<1x16xf32>,
        %parallel_loop3A_194 = vector.shape_cast %parallel_loop3A_193 : vector<1x16xf32> to vector<16xf32>
        %parallel_loop3A_195 = vector.shape_cast %add3A_35 : vector<16xi32> to vector<16x1xi32>
        %parallel_loop3A_196 = vector.shape_cast %parallel_loop3A_195 : vector<16x1xi32> to vector<16xi32>
        %parallel_loop3A_197 = tpu.dynamic_gather %parallel_loop3A_172[%parallel_loop3A_196] in [0] : vector<16xf32>, vector<16xi32> -> vector<16xf32>
        %parallel_loop3A_198 = arith.mulf %parallel_loop3A_197, %parallel_loop3A_194 : vector<16xf32>
        %parallel_loop3A_199 = arith.index_cast %parallel_loop3A_156 : i32 to index
        %parallel_loop3A_200 = arith.constant 24 : index
        %parallel_loop3A_201 = tpu.vector_load %arg12[%parallel_loop3A_199, %parallel_loop3A_200] {strides = array<i32>} : memref<80x128xf32, #tpu.memory_space<vmem>>, vector<1x16xf32>,
        %parallel_loop3A_202 = vector.shape_cast %parallel_loop3A_201 : vector<1x16xf32> to vector<16xf32>
        %parallel_loop3A_203 = vector.shape_cast %parallel_loop3A_198 : vector<16xf32> to vector<1x16xf32>
        tpu.vector_store %arg12[%parallel_loop3A_199, %parallel_loop3A_200], %parallel_loop3A_203 {strides = array<i32>} : memref<80x128xf32, #tpu.memory_space<vmem>>, vector<1x16xf32>,
        %parallel_loop3A_204 = arith.index_cast %parallel_loop3A_156 : i32 to index
        %parallel_loop3A_205 = arith.constant 40 : index
        %parallel_loop3A_206 = tpu.vector_load %arg11[%parallel_loop3A_204, %parallel_loop3A_205] {strides = array<i32>} : memref<80x128xf32, #tpu.memory_space<vmem>>, vector<1x16xf32>,
        %parallel_loop3A_207 = vector.shape_cast %parallel_loop3A_206 : vector<1x16xf32> to vector<16xf32>
        %parallel_loop3A_208 = vector.shape_cast %add3A_41 : vector<16xi32> to vector<16x1xi32>
        %parallel_loop3A_209 = vector.shape_cast %parallel_loop3A_208 : vector<16x1xi32> to vector<16xi32>
        %parallel_loop3A_210 = tpu.dynamic_gather %parallel_loop3A_172[%parallel_loop3A_209] in [0] : vector<16xf32>, vector<16xi32> -> vector<16xf32>
        %parallel_loop3A_211 = arith.mulf %parallel_loop3A_210, %parallel_loop3A_207 : vector<16xf32>
        %parallel_loop3A_212 = arith.index_cast %parallel_loop3A_156 : i32 to index
        %parallel_loop3A_213 = arith.constant 40 : index
        %parallel_loop3A_214 = tpu.vector_load %arg12[%parallel_loop3A_212, %parallel_loop3A_213] {strides = array<i32>} : memref<80x128xf32, #tpu.memory_space<vmem>>, vector<1x16xf32>,
        %parallel_loop3A_215 = vector.shape_cast %parallel_loop3A_214 : vector<1x16xf32> to vector<16xf32>
        %parallel_loop3A_216 = vector.shape_cast %parallel_loop3A_211 : vector<16xf32> to vector<1x16xf32>
        tpu.vector_store %arg12[%parallel_loop3A_212, %parallel_loop3A_213], %parallel_loop3A_216 {strides = array<i32>} : memref<80x128xf32, #tpu.memory_space<vmem>>, vector<1x16xf32>,
        %parallel_loop3A_217 = arith.index_cast %parallel_loop3A_156 : i32 to index
        %parallel_loop3A_218 = arith.constant 56 : index
        %parallel_loop3A_219 = tpu.vector_load %arg11[%parallel_loop3A_217, %parallel_loop3A_218] {strides = array<i32>} : memref<80x128xf32, #tpu.memory_space<vmem>>, vector<1x16xf32>,
        %parallel_loop3A_220 = vector.shape_cast %parallel_loop3A_219 : vector<1x16xf32> to vector<16xf32>
        %parallel_loop3A_221 = vector.shape_cast %add3A_47 : vector<16xi32> to vector<16x1xi32>
        %parallel_loop3A_222 = vector.shape_cast %parallel_loop3A_221 : vector<16x1xi32> to vector<16xi32>
        %parallel_loop3A_223 = tpu.dynamic_gather %parallel_loop3A_172[%parallel_loop3A_222] in [0] : vector<16xf32>, vector<16xi32> -> vector<16xf32>
        %parallel_loop3A_224 = arith.mulf %parallel_loop3A_223, %parallel_loop3A_220 : vector<16xf32>
        %parallel_loop3A_225 = arith.index_cast %parallel_loop3A_156 : i32 to index
        %parallel_loop3A_226 = arith.constant 56 : index
        %parallel_loop3A_227 = tpu.vector_load %arg12[%parallel_loop3A_225, %parallel_loop3A_226] {strides = array<i32>} : memref<80x128xf32, #tpu.memory_space<vmem>>, vector<1x16xf32>,
        %parallel_loop3A_228 = vector.shape_cast %parallel_loop3A_227 : vector<1x16xf32> to vector<16xf32>
        %parallel_loop3A_229 = vector.shape_cast %parallel_loop3A_224 : vector<16xf32> to vector<1x16xf32>
        tpu.vector_store %arg12[%parallel_loop3A_225, %parallel_loop3A_226], %parallel_loop3A_229 {strides = array<i32>} : memref<80x128xf32, #tpu.memory_space<vmem>>, vector<1x16xf32>,
      } {sc.loop_unroll_factor = 4 : i64, sc.parallel_access}
      "tpu.region"() ({
        %run_scoped3A = tpu.sem_alloc : memref<!tpu.dma_semaphore, #tpu.memory_space<semaphore_mem>>
        %dma_start3A_156 = arith.constant 0 : i32
        %dma_start3A_157 = arith.constant 0 : i32
        %dma_start3A_158 = tpu.memref_slice %arg7[%dma_start3A_156, %dma_start3A_157] : memref<10240x128xf32, #tpu.memory_space<vmem_shared>> -> memref<10240x128xf32, #tpu.memory_space<vmem_shared>>
        tpu.enqueue_indirect_dma source(%arg12 : memref<80x128xf32, #tpu.memory_space<vmem>>) target(%dma_start3A_158 : memref<10240x128xf32, #tpu.memory_space<vmem_shared>>) offsets(%arg8 : memref<80xi32, #tpu.memory_space<vmem>>) semaphore(%run_scoped3A : memref<!tpu.dma_semaphore, #tpu.memory_space<semaphore_mem>>) {add = true}
        %dma_wait3A_159 = arith.constant 0 : i32
        %dma_wait3A_160 = arith.constant 0 : i32
        %dma_wait3A_161 = tpu.memref_slice %arg7[%dma_wait3A_159, %dma_wait3A_160] : memref<10240x128xf32, #tpu.memory_space<vmem_shared>> -> memref<10240x128xf32, #tpu.memory_space<vmem_shared>>
        tpu.wait_indirect_dma semaphore(%run_scoped3A : memref<!tpu.dma_semaphore, #tpu.memory_space<semaphore_mem>>) src(%arg12 : memref<80x128xf32, #tpu.memory_space<vmem>>) dst(%dma_wait3A_161 : memref<10240x128xf32, #tpu.memory_space<vmem_shared>>)
        tpu.yield
      }) : () -> ()
    }
    %scan3A_56 = arith.constant 125 : i32
    %barrier3A_57 = arith.constant 0 : index
    tpu.barrier barrier_id(%barrier3A_57)
    %add3A_58 = arith.constant 0 : i32
    %add3A_59 = arith.addi %mul3A_3, %add3A_58 : i32
    "tpu.region"() ({
      %run_scoped3A = tpu.sem_alloc : memref<!tpu.dma_semaphore, #tpu.memory_space<semaphore_mem>>
      %dma_start3A = arith.constant 0 : i32
      %dma_start3A_138 = tpu.memref_slice %arg7[%add3A_59, %dma_start3A] : memref<10240x128xf32, #tpu.memory_space<vmem_shared>> -> memref<80x128xf32, #tpu.memory_space<vmem_shared>>
      %dma_start3A_139 = arith.constant 0 : i32
      %dma_start3A_140 = tpu.memref_slice %arg7[%add3A_59, %dma_start3A_139] : memref<10240x128xf32, #tpu.memory_space<vmem_shared>> -> memref<80x128xf32, #tpu.memory_space<vmem_shared>>
      tpu.enqueue_dma source(%dma_start3A_140 : memref<80x128xf32, #tpu.memory_space<vmem_shared>>) target(%arg12 : memref<80x128xf32, #tpu.memory_space<vmem>>) target_semaphore(%run_scoped3A : memref<!tpu.dma_semaphore, #tpu.memory_space<semaphore_mem>>)
      %dma_wait3A = arith.constant 0 : i32
      %dma_wait3A_141 = tpu.memref_slice %arg7[%add3A_59, %dma_wait3A] : memref<10240x128xf32, #tpu.memory_space<vmem_shared>> -> memref<80x128xf32, #tpu.memory_space<vmem_shared>>
      %dma_wait3A_142 = arith.constant 0 : i32
      %dma_wait3A_143 = tpu.memref_slice %arg7[%add3A_59, %dma_wait3A_142] : memref<10240x128xf32, #tpu.memory_space<vmem_shared>> -> memref<80x128xf32, #tpu.memory_space<vmem_shared>>
      tpu.wait_dma2 semaphore(%run_scoped3A : memref<!tpu.dma_semaphore, #tpu.memory_space<semaphore_mem>>) src(%dma_wait3A_143 : memref<80x128xf32, #tpu.memory_space<vmem_shared>>) dst(%arg12 : memref<80x128xf32, #tpu.memory_space<vmem>>)
      tpu.yield
    }) : () -> ()
    %scan3A_60 = arith.constant 0 : i32
    %scan3A_61 = arith.constant 0 : i32
    %scan3A_62 = arith.constant 80 : i32
    %scan3A_63 = arith.addi %scan3A_61, %scan3A_62 : i32
    %scan3A_64 = arith.constant 1 : i32
    scf.for %scan3A_138 = %scan3A_61 to %scan3A_63 step %scan3A_64  : i32 {
      %get3A = arith.index_cast %scan3A_138 : i32 to index
      %get3A_139 = arith.constant 0 : index
      %get3A_140 = tpu.vector_load %arg12[%get3A, %get3A_139] {strides = array<i32>} : memref<80x128xf32, #tpu.memory_space<vmem>>, vector<1x16xf32>,
      %get3A_141 = vector.shape_cast %get3A_140 : vector<1x16xf32> to vector<16xf32>
      %swap3A = arith.index_cast %scan3A_138 : i32 to index
      %swap3A_142 = arith.constant 0 : index
      %swap3A_143 = tpu.vector_load %arg13[%swap3A, %swap3A_142] {strides = array<i32>} : memref<80x128xf32, #tpu.memory_space<vmem>>, vector<1x16xf32>,
      %swap3A_144 = vector.shape_cast %swap3A_143 : vector<1x16xf32> to vector<16xf32>
      %swap3A_145 = vector.shape_cast %get3A_141 : vector<16xf32> to vector<1x16xf32>
      tpu.vector_store %arg13[%swap3A, %swap3A_142], %swap3A_145 {strides = array<i32>} : memref<80x128xf32, #tpu.memory_space<vmem>>, vector<1x16xf32>,
      %get3A_146 = arith.index_cast %scan3A_138 : i32 to index
      %get3A_147 = arith.constant 16 : index
      %get3A_148 = tpu.vector_load %arg12[%get3A_146, %get3A_147] {strides = array<i32>} : memref<80x128xf32, #tpu.memory_space<vmem>>, vector<1x16xf32>,
      %get3A_149 = vector.shape_cast %get3A_148 : vector<1x16xf32> to vector<16xf32>
      %swap3A_150 = arith.index_cast %scan3A_138 : i32 to index
      %swap3A_151 = arith.constant 16 : index
      %swap3A_152 = tpu.vector_load %arg13[%swap3A_150, %swap3A_151] {strides = array<i32>} : memref<80x128xf32, #tpu.memory_space<vmem>>, vector<1x16xf32>,
      %swap3A_153 = vector.shape_cast %swap3A_152 : vector<1x16xf32> to vector<16xf32>
      %swap3A_154 = vector.shape_cast %get3A_149 : vector<16xf32> to vector<1x16xf32>
      tpu.vector_store %arg13[%swap3A_150, %swap3A_151], %swap3A_154 {strides = array<i32>} : memref<80x128xf32, #tpu.memory_space<vmem>>, vector<1x16xf32>,
      %get3A_155 = arith.index_cast %scan3A_138 : i32 to index
      %get3A_156 = arith.constant 32 : index
      %get3A_157 = tpu.vector_load %arg12[%get3A_155, %get3A_156] {strides = array<i32>} : memref<80x128xf32, #tpu.memory_space<vmem>>, vector<1x16xf32>,
      %get3A_158 = vector.shape_cast %get3A_157 : vector<1x16xf32> to vector<16xf32>
      %swap3A_159 = arith.index_cast %scan3A_138 : i32 to index
      %swap3A_160 = arith.constant 32 : index
      %swap3A_161 = tpu.vector_load %arg13[%swap3A_159, %swap3A_160] {strides = array<i32>} : memref<80x128xf32, #tpu.memory_space<vmem>>, vector<1x16xf32>,
      %swap3A_162 = vector.shape_cast %swap3A_161 : vector<1x16xf32> to vector<16xf32>
      %swap3A_163 = vector.shape_cast %get3A_158 : vector<16xf32> to vector<1x16xf32>
      tpu.vector_store %arg13[%swap3A_159, %swap3A_160], %swap3A_163 {strides = array<i32>} : memref<80x128xf32, #tpu.memory_space<vmem>>, vector<1x16xf32>,
      %get3A_164 = arith.index_cast %scan3A_138 : i32 to index
      %get3A_165 = arith.constant 48 : index
      %get3A_166 = tpu.vector_load %arg12[%get3A_164, %get3A_165] {strides = array<i32>} : memref<80x128xf32, #tpu.memory_space<vmem>>, vector<1x16xf32>,
      %get3A_167 = vector.shape_cast %get3A_166 : vector<1x16xf32> to vector<16xf32>
      %swap3A_168 = arith.index_cast %scan3A_138 : i32 to index
      %swap3A_169 = arith.constant 48 : index
      %swap3A_170 = tpu.vector_load %arg13[%swap3A_168, %swap3A_169] {strides = array<i32>} : memref<80x128xf32, #tpu.memory_space<vmem>>, vector<1x16xf32>,
      %swap3A_171 = vector.shape_cast %swap3A_170 : vector<1x16xf32> to vector<16xf32>
      %swap3A_172 = vector.shape_cast %get3A_167 : vector<16xf32> to vector<1x16xf32>
      tpu.vector_store %arg13[%swap3A_168, %swap3A_169], %swap3A_172 {strides = array<i32>} : memref<80x128xf32, #tpu.memory_space<vmem>>, vector<1x16xf32>,
      %get3A_173 = arith.index_cast %scan3A_138 : i32 to index
      %get3A_174 = arith.constant 64 : index
      %get3A_175 = tpu.vector_load %arg12[%get3A_173, %get3A_174] {strides = array<i32>} : memref<80x128xf32, #tpu.memory_space<vmem>>, vector<1x16xf32>,
      %get3A_176 = vector.shape_cast %get3A_175 : vector<1x16xf32> to vector<16xf32>
      %swap3A_177 = arith.index_cast %scan3A_138 : i32 to index
      %swap3A_178 = arith.constant 64 : index
      %swap3A_179 = tpu.vector_load %arg13[%swap3A_177, %swap3A_178] {strides = array<i32>} : memref<80x128xf32, #tpu.memory_space<vmem>>, vector<1x16xf32>,
      %swap3A_180 = vector.shape_cast %swap3A_179 : vector<1x16xf32> to vector<16xf32>
      %swap3A_181 = vector.shape_cast %get3A_176 : vector<16xf32> to vector<1x16xf32>
      tpu.vector_store %arg13[%swap3A_177, %swap3A_178], %swap3A_181 {strides = array<i32>} : memref<80x128xf32, #tpu.memory_space<vmem>>, vector<1x16xf32>,
      %get3A_182 = arith.index_cast %scan3A_138 : i32 to index
      %get3A_183 = arith.constant 80 : index
      %get3A_184 = tpu.vector_load %arg12[%get3A_182, %get3A_183] {strides = array<i32>} : memref<80x128xf32, #tpu.memory_space<vmem>>, vector<1x16xf32>,
      %get3A_185 = vector.shape_cast %get3A_184 : vector<1x16xf32> to vector<16xf32>
      %swap3A_186 = arith.index_cast %scan3A_138 : i32 to index
      %swap3A_187 = arith.constant 80 : index
      %swap3A_188 = tpu.vector_load %arg13[%swap3A_186, %swap3A_187] {strides = array<i32>} : memref<80x128xf32, #tpu.memory_space<vmem>>, vector<1x16xf32>,
      %swap3A_189 = vector.shape_cast %swap3A_188 : vector<1x16xf32> to vector<16xf32>
      %swap3A_190 = vector.shape_cast %get3A_185 : vector<16xf32> to vector<1x16xf32>
      tpu.vector_store %arg13[%swap3A_186, %swap3A_187], %swap3A_190 {strides = array<i32>} : memref<80x128xf32, #tpu.memory_space<vmem>>, vector<1x16xf32>,
      %get3A_191 = arith.index_cast %scan3A_138 : i32 to index
      %get3A_192 = arith.constant 96 : index
      %get3A_193 = tpu.vector_load %arg12[%get3A_191, %get3A_192] {strides = array<i32>} : memref<80x128xf32, #tpu.memory_space<vmem>>, vector<1x16xf32>,
      %get3A_194 = vector.shape_cast %get3A_193 : vector<1x16xf32> to vector<16xf32>
      %swap3A_195 = arith.index_cast %scan3A_138 : i32 to index
      %swap3A_196 = arith.constant 96 : index
      %swap3A_197 = tpu.vector_load %arg13[%swap3A_195, %swap3A_196] {strides = array<i32>} : memref<80x128xf32, #tpu.memory_space<vmem>>, vector<1x16xf32>,
      %swap3A_198 = vector.shape_cast %swap3A_197 : vector<1x16xf32> to vector<16xf32>
      %swap3A_199 = vector.shape_cast %get3A_194 : vector<16xf32> to vector<1x16xf32>
      tpu.vector_store %arg13[%swap3A_195, %swap3A_196], %swap3A_199 {strides = array<i32>} : memref<80x128xf32, #tpu.memory_space<vmem>>, vector<1x16xf32>,
      %get3A_200 = arith.index_cast %scan3A_138 : i32 to index
      %get3A_201 = arith.constant 112 : index
      %get3A_202 = tpu.vector_load %arg12[%get3A_200, %get3A_201] {strides = array<i32>} : memref<80x128xf32, #tpu.memory_space<vmem>>, vector<1x16xf32>,
      %get3A_203 = vector.shape_cast %get3A_202 : vector<1x16xf32> to vector<16xf32>
      %swap3A_204 = arith.index_cast %scan3A_138 : i32 to index
      %swap3A_205 = arith.constant 112 : index
      %swap3A_206 = tpu.vector_load %arg13[%swap3A_204, %swap3A_205] {strides = array<i32>} : memref<80x128xf32, #tpu.memory_space<vmem>>, vector<1x16xf32>,
      %swap3A_207 = vector.shape_cast %swap3A_206 : vector<1x16xf32> to vector<16xf32>
      %swap3A_208 = vector.shape_cast %get3A_203 : vector<16xf32> to vector<1x16xf32>
      tpu.vector_store %arg13[%swap3A_204, %swap3A_205], %swap3A_208 {strides = array<i32>} : memref<80x128xf32, #tpu.memory_space<vmem>>, vector<1x16xf32>,
    }
    %scan3A_65 = arith.constant 80 : i32
    %add3A_66 = arith.constant 0 : i32
    %add3A_67 = arith.addi %mul3A_3, %add3A_66 : i32
    "tpu.region"() ({
      %run_scoped3A = tpu.sem_alloc : memref<!tpu.dma_semaphore, #tpu.memory_space<semaphore_mem>>
      %dma_start3A = arith.constant 0 : i32
      %dma_start3A_138 = tpu.memref_slice %arg6[%arg0, %add3A_67, %dma_start3A] : memref<2x10240x128xf32, #tpu.memory_space<hbm>> -> memref<1x80x128xf32, #tpu.memory_space<hbm>>
      %dma_start3A_139 = tpu.memref_squeeze %dma_start3A_138 : memref<1x80x128xf32, #tpu.memory_space<hbm>> -> memref<80x128xf32, #tpu.memory_space<hbm>>
      %dma_start3A_140 = arith.constant 0 : i32
      %dma_start3A_141 = tpu.memref_slice %arg6[%arg0, %add3A_67, %dma_start3A_140] : memref<2x10240x128xf32, #tpu.memory_space<hbm>> -> memref<1x80x128xf32, #tpu.memory_space<hbm>>
      %dma_start3A_142 = tpu.memref_squeeze %dma_start3A_141 : memref<1x80x128xf32, #tpu.memory_space<hbm>> -> memref<80x128xf32, #tpu.memory_space<hbm>>
      tpu.enqueue_dma source(%arg13 : memref<80x128xf32, #tpu.memory_space<vmem>>) target(%dma_start3A_142 : memref<80x128xf32, #tpu.memory_space<hbm>>) target_semaphore(%run_scoped3A : memref<!tpu.dma_semaphore, #tpu.memory_space<semaphore_mem>>)
      %dma_wait3A = arith.constant 0 : i32
      %dma_wait3A_143 = tpu.memref_slice %arg6[%arg0, %add3A_67, %dma_wait3A] : memref<2x10240x128xf32, #tpu.memory_space<hbm>> -> memref<1x80x128xf32, #tpu.memory_space<hbm>>
      %dma_wait3A_144 = tpu.memref_squeeze %dma_wait3A_143 : memref<1x80x128xf32, #tpu.memory_space<hbm>> -> memref<80x128xf32, #tpu.memory_space<hbm>>
      %dma_wait3A_145 = arith.constant 0 : i32
      %dma_wait3A_146 = tpu.memref_slice %arg6[%arg0, %add3A_67, %dma_wait3A_145] : memref<2x10240x128xf32, #tpu.memory_space<hbm>> -> memref<1x80x128xf32, #tpu.memory_space<hbm>>
      %dma_wait3A_147 = tpu.memref_squeeze %dma_wait3A_146 : memref<1x80x128xf32, #tpu.memory_space<hbm>> -> memref<80x128xf32, #tpu.memory_space<hbm>>
      tpu.wait_dma2 semaphore(%run_scoped3A : memref<!tpu.dma_semaphore, #tpu.memory_space<semaphore_mem>>) src(%arg13 : memref<80x128xf32, #tpu.memory_space<vmem>>) dst(%dma_wait3A_147 : memref<80x128xf32, #tpu.memory_space<hbm>>)
      tpu.yield
    }) : () -> ()
    %add3A_68 = arith.constant 80 : i32
    %add3A_69 = arith.addi %mul3A_3, %add3A_68 : i32
    "tpu.region"() ({
      %run_scoped3A = tpu.sem_alloc : memref<!tpu.dma_semaphore, #tpu.memory_space<semaphore_mem>>
      %dma_start3A = arith.constant 0 : i32
      %dma_start3A_138 = tpu.memref_slice %arg7[%add3A_69, %dma_start3A] : memref<10240x128xf32, #tpu.memory_space<vmem_shared>> -> memref<80x128xf32, #tpu.memory_space<vmem_shared>>
      %dma_start3A_139 = arith.constant 0 : i32
      %dma_start3A_140 = tpu.memref_slice %arg7[%add3A_69, %dma_start3A_139] : memref<10240x128xf32, #tpu.memory_space<vmem_shared>> -> memref<80x128xf32, #tpu.memory_space<vmem_shared>>
      tpu.enqueue_dma source(%dma_start3A_140 : memref<80x128xf32, #tpu.memory_space<vmem_shared>>) target(%arg12 : memref<80x128xf32, #tpu.memory_space<vmem>>) target_semaphore(%run_scoped3A : memref<!tpu.dma_semaphore, #tpu.memory_space<semaphore_mem>>)
      %dma_wait3A = arith.constant 0 : i32
      %dma_wait3A_141 = tpu.memref_slice %arg7[%add3A_69, %dma_wait3A] : memref<10240x128xf32, #tpu.memory_space<vmem_shared>> -> memref<80x128xf32, #tpu.memory_space<vmem_shared>>
      %dma_wait3A_142 = arith.constant 0 : i32
      %dma_wait3A_143 = tpu.memref_slice %arg7[%add3A_69, %dma_wait3A_142] : memref<10240x128xf32, #tpu.memory_space<vmem_shared>> -> memref<80x128xf32, #tpu.memory_space<vmem_shared>>
      tpu.wait_dma2 semaphore(%run_scoped3A : memref<!tpu.dma_semaphore, #tpu.memory_space<semaphore_mem>>) src(%dma_wait3A_143 : memref<80x128xf32, #tpu.memory_space<vmem_shared>>) dst(%arg12 : memref<80x128xf32, #tpu.memory_space<vmem>>)
      tpu.yield
    }) : () -> ()
    %scan3A_70 = arith.constant 0 : i32
    %scan3A_71 = arith.constant 0 : i32
    %scan3A_72 = arith.constant 80 : i32
    %scan3A_73 = arith.addi %scan3A_71, %scan3A_72 : i32
    %scan3A_74 = arith.constant 1 : i32
    scf.for %scan3A_138 = %scan3A_71 to %scan3A_73 step %scan3A_74  : i32 {
      %get3A = arith.index_cast %scan3A_138 : i32 to index
      %get3A_139 = arith.constant 0 : index
      %get3A_140 = tpu.vector_load %arg12[%get3A, %get3A_139] {strides = array<i32>} : memref<80x128xf32, #tpu.memory_space<vmem>>, vector<1x16xf32>,
      %get3A_141 = vector.shape_cast %get3A_140 : vector<1x16xf32> to vector<16xf32>
      %swap3A = arith.index_cast %scan3A_138 : i32 to index
      %swap3A_142 = arith.constant 0 : index
      %swap3A_143 = tpu.vector_load %arg13[%swap3A, %swap3A_142] {strides = array<i32>} : memref<80x128xf32, #tpu.memory_space<vmem>>, vector<1x16xf32>,
      %swap3A_144 = vector.shape_cast %swap3A_143 : vector<1x16xf32> to vector<16xf32>
      %swap3A_145 = vector.shape_cast %get3A_141 : vector<16xf32> to vector<1x16xf32>
      tpu.vector_store %arg13[%swap3A, %swap3A_142], %swap3A_145 {strides = array<i32>} : memref<80x128xf32, #tpu.memory_space<vmem>>, vector<1x16xf32>,
      %get3A_146 = arith.index_cast %scan3A_138 : i32 to index
      %get3A_147 = arith.constant 16 : index
      %get3A_148 = tpu.vector_load %arg12[%get3A_146, %get3A_147] {strides = array<i32>} : memref<80x128xf32, #tpu.memory_space<vmem>>, vector<1x16xf32>,
      %get3A_149 = vector.shape_cast %get3A_148 : vector<1x16xf32> to vector<16xf32>
      %swap3A_150 = arith.index_cast %scan3A_138 : i32 to index
      %swap3A_151 = arith.constant 16 : index
      %swap3A_152 = tpu.vector_load %arg13[%swap3A_150, %swap3A_151] {strides = array<i32>} : memref<80x128xf32, #tpu.memory_space<vmem>>, vector<1x16xf32>,
      %swap3A_153 = vector.shape_cast %swap3A_152 : vector<1x16xf32> to vector<16xf32>
      %swap3A_154 = vector.shape_cast %get3A_149 : vector<16xf32> to vector<1x16xf32>
      tpu.vector_store %arg13[%swap3A_150, %swap3A_151], %swap3A_154 {strides = array<i32>} : memref<80x128xf32, #tpu.memory_space<vmem>>, vector<1x16xf32>,
      %get3A_155 = arith.index_cast %scan3A_138 : i32 to index
      %get3A_156 = arith.constant 32 : index
      %get3A_157 = tpu.vector_load %arg12[%get3A_155, %get3A_156] {strides = array<i32>} : memref<80x128xf32, #tpu.memory_space<vmem>>, vector<1x16xf32>,
      %get3A_158 = vector.shape_cast %get3A_157 : vector<1x16xf32> to vector<16xf32>
      %swap3A_159 = arith.index_cast %scan3A_138 : i32 to index
      %swap3A_160 = arith.constant 32 : index
      %swap3A_161 = tpu.vector_load %arg13[%swap3A_159, %swap3A_160] {strides = array<i32>} : memref<80x128xf32, #tpu.memory_space<vmem>>, vector<1x16xf32>,
      %swap3A_162 = vector.shape_cast %swap3A_161 : vector<1x16xf32> to vector<16xf32>
      %swap3A_163 = vector.shape_cast %get3A_158 : vector<16xf32> to vector<1x16xf32>
      tpu.vector_store %arg13[%swap3A_159, %swap3A_160], %swap3A_163 {strides = array<i32>} : memref<80x128xf32, #tpu.memory_space<vmem>>, vector<1x16xf32>,
      %get3A_164 = arith.index_cast %scan3A_138 : i32 to index
      %get3A_165 = arith.constant 48 : index
      %get3A_166 = tpu.vector_load %arg12[%get3A_164, %get3A_165] {strides = array<i32>} : memref<80x128xf32, #tpu.memory_space<vmem>>, vector<1x16xf32>,
      %get3A_167 = vector.shape_cast %get3A_166 : vector<1x16xf32> to vector<16xf32>
      %swap3A_168 = arith.index_cast %scan3A_138 : i32 to index
      %swap3A_169 = arith.constant 48 : index
      %swap3A_170 = tpu.vector_load %arg13[%swap3A_168, %swap3A_169] {strides = array<i32>} : memref<80x128xf32, #tpu.memory_space<vmem>>, vector<1x16xf32>,
      %swap3A_171 = vector.shape_cast %swap3A_170 : vector<1x16xf32> to vector<16xf32>
      %swap3A_172 = vector.shape_cast %get3A_167 : vector<16xf32> to vector<1x16xf32>
      tpu.vector_store %arg13[%swap3A_168, %swap3A_169], %swap3A_172 {strides = array<i32>} : memref<80x128xf32, #tpu.memory_space<vmem>>, vector<1x16xf32>,
      %get3A_173 = arith.index_cast %scan3A_138 : i32 to index
      %get3A_174 = arith.constant 64 : index
      %get3A_175 = tpu.vector_load %arg12[%get3A_173, %get3A_174] {strides = array<i32>} : memref<80x128xf32, #tpu.memory_space<vmem>>, vector<1x16xf32>,
      %get3A_176 = vector.shape_cast %get3A_175 : vector<1x16xf32> to vector<16xf32>
      %swap3A_177 = arith.index_cast %scan3A_138 : i32 to index
      %swap3A_178 = arith.constant 64 : index
      %swap3A_179 = tpu.vector_load %arg13[%swap3A_177, %swap3A_178] {strides = array<i32>} : memref<80x128xf32, #tpu.memory_space<vmem>>, vector<1x16xf32>,
      %swap3A_180 = vector.shape_cast %swap3A_179 : vector<1x16xf32> to vector<16xf32>
      %swap3A_181 = vector.shape_cast %get3A_176 : vector<16xf32> to vector<1x16xf32>
      tpu.vector_store %arg13[%swap3A_177, %swap3A_178], %swap3A_181 {strides = array<i32>} : memref<80x128xf32, #tpu.memory_space<vmem>>, vector<1x16xf32>,
      %get3A_182 = arith.index_cast %scan3A_138 : i32 to index
      %get3A_183 = arith.constant 80 : index
      %get3A_184 = tpu.vector_load %arg12[%get3A_182, %get3A_183] {strides = array<i32>} : memref<80x128xf32, #tpu.memory_space<vmem>>, vector<1x16xf32>,
      %get3A_185 = vector.shape_cast %get3A_184 : vector<1x16xf32> to vector<16xf32>
      %swap3A_186 = arith.index_cast %scan3A_138 : i32 to index
      %swap3A_187 = arith.constant 80 : index
      %swap3A_188 = tpu.vector_load %arg13[%swap3A_186, %swap3A_187] {strides = array<i32>} : memref<80x128xf32, #tpu.memory_space<vmem>>, vector<1x16xf32>,
      %swap3A_189 = vector.shape_cast %swap3A_188 : vector<1x16xf32> to vector<16xf32>
      %swap3A_190 = vector.shape_cast %get3A_185 : vector<16xf32> to vector<1x16xf32>
      tpu.vector_store %arg13[%swap3A_186, %swap3A_187], %swap3A_190 {strides = array<i32>} : memref<80x128xf32, #tpu.memory_space<vmem>>, vector<1x16xf32>,
      %get3A_191 = arith.index_cast %scan3A_138 : i32 to index
      %get3A_192 = arith.constant 96 : index
      %get3A_193 = tpu.vector_load %arg12[%get3A_191, %get3A_192] {strides = array<i32>} : memref<80x128xf32, #tpu.memory_space<vmem>>, vector<1x16xf32>,
      %get3A_194 = vector.shape_cast %get3A_193 : vector<1x16xf32> to vector<16xf32>
      %swap3A_195 = arith.index_cast %scan3A_138 : i32 to index
      %swap3A_196 = arith.constant 96 : index
      %swap3A_197 = tpu.vector_load %arg13[%swap3A_195, %swap3A_196] {strides = array<i32>} : memref<80x128xf32, #tpu.memory_space<vmem>>, vector<1x16xf32>,
      %swap3A_198 = vector.shape_cast %swap3A_197 : vector<1x16xf32> to vector<16xf32>
      %swap3A_199 = vector.shape_cast %get3A_194 : vector<16xf32> to vector<1x16xf32>
      tpu.vector_store %arg13[%swap3A_195, %swap3A_196], %swap3A_199 {strides = array<i32>} : memref<80x128xf32, #tpu.memory_space<vmem>>, vector<1x16xf32>,
      %get3A_200 = arith.index_cast %scan3A_138 : i32 to index
      %get3A_201 = arith.constant 112 : index
      %get3A_202 = tpu.vector_load %arg12[%get3A_200, %get3A_201] {strides = array<i32>} : memref<80x128xf32, #tpu.memory_space<vmem>>, vector<1x16xf32>,
      %get3A_203 = vector.shape_cast %get3A_202 : vector<1x16xf32> to vector<16xf32>
      %swap3A_204 = arith.index_cast %scan3A_138 : i32 to index
      %swap3A_205 = arith.constant 112 : index
      %swap3A_206 = tpu.vector_load %arg13[%swap3A_204, %swap3A_205] {strides = array<i32>} : memref<80x128xf32, #tpu.memory_space<vmem>>, vector<1x16xf32>,
      %swap3A_207 = vector.shape_cast %swap3A_206 : vector<1x16xf32> to vector<16xf32>
      %swap3A_208 = vector.shape_cast %get3A_203 : vector<16xf32> to vector<1x16xf32>
      tpu.vector_store %arg13[%swap3A_204, %swap3A_205], %swap3A_208 {strides = array<i32>} : memref<80x128xf32, #tpu.memory_space<vmem>>, vector<1x16xf32>,
    }
    %scan3A_75 = arith.constant 80 : i32
    %add3A_76 = arith.constant 80 : i32
    %add3A_77 = arith.addi %mul3A_3, %add3A_76 : i32
    "tpu.region"() ({
      %run_scoped3A = tpu.sem_alloc : memref<!tpu.dma_semaphore, #tpu.memory_space<semaphore_mem>>
      %dma_start3A = arith.constant 0 : i32
      %dma_start3A_138 = tpu.memref_slice %arg6[%arg0, %add3A_77, %dma_start3A] : memref<2x10240x128xf32, #tpu.memory_space<hbm>> -> memref<1x80x128xf32, #tpu.memory_space<hbm>>
      %dma_start3A_139 = tpu.memref_squeeze %dma_start3A_138 : memref<1x80x128xf32, #tpu.memory_space<hbm>> -> memref<80x128xf32, #tpu.memory_space<hbm>>
      %dma_start3A_140 = arith.constant 0 : i32
      %dma_start3A_141 = tpu.memref_slice %arg6[%arg0, %add3A_77, %dma_start3A_140] : memref<2x10240x128xf32, #tpu.memory_space<hbm>> -> memref<1x80x128xf32, #tpu.memory_space<hbm>>
      %dma_start3A_142 = tpu.memref_squeeze %dma_start3A_141 : memref<1x80x128xf32, #tpu.memory_space<hbm>> -> memref<80x128xf32, #tpu.memory_space<hbm>>
      tpu.enqueue_dma source(%arg13 : memref<80x128xf32, #tpu.memory_space<vmem>>) target(%dma_start3A_142 : memref<80x128xf32, #tpu.memory_space<hbm>>) target_semaphore(%run_scoped3A : memref<!tpu.dma_semaphore, #tpu.memory_space<semaphore_mem>>)
      %dma_wait3A = arith.constant 0 : i32
      %dma_wait3A_143 = tpu.memref_slice %arg6[%arg0, %add3A_77, %dma_wait3A] : memref<2x10240x128xf32, #tpu.memory_space<hbm>> -> memref<1x80x128xf32, #tpu.memory_space<hbm>>
      %dma_wait3A_144 = tpu.memref_squeeze %dma_wait3A_143 : memref<1x80x128xf32, #tpu.memory_space<hbm>> -> memref<80x128xf32, #tpu.memory_space<hbm>>
      %dma_wait3A_145 = arith.constant 0 : i32
      %dma_wait3A_146 = tpu.memref_slice %arg6[%arg0, %add3A_77, %dma_wait3A_145] : memref<2x10240x128xf32, #tpu.memory_space<hbm>> -> memref<1x80x128xf32, #tpu.memory_space<hbm>>
      %dma_wait3A_147 = tpu.memref_squeeze %dma_wait3A_146 : memref<1x80x128xf32, #tpu.memory_space<hbm>> -> memref<80x128xf32, #tpu.memory_space<hbm>>
      tpu.wait_dma2 semaphore(%run_scoped3A : memref<!tpu.dma_semaphore, #tpu.memory_space<semaphore_mem>>) src(%arg13 : memref<80x128xf32, #tpu.memory_space<vmem>>) dst(%dma_wait3A_147 : memref<80x128xf32, #tpu.memory_space<hbm>>)
      tpu.yield
    }) : () -> ()
    %add3A_78 = arith.constant 160 : i32
    %add3A_79 = arith.addi %mul3A_3, %add3A_78 : i32
    "tpu.region"() ({
      %run_scoped3A = tpu.sem_alloc : memref<!tpu.dma_semaphore, #tpu.memory_space<semaphore_mem>>
      %dma_start3A = arith.constant 0 : i32
      %dma_start3A_138 = tpu.memref_slice %arg7[%add3A_79, %dma_start3A] : memref<10240x128xf32, #tpu.memory_space<vmem_shared>> -> memref<80x128xf32, #tpu.memory_space<vmem_shared>>
      %dma_start3A_139 = arith.constant 0 : i32
      %dma_start3A_140 = tpu.memref_slice %arg7[%add3A_79, %dma_start3A_139] : memref<10240x128xf32, #tpu.memory_space<vmem_shared>> -> memref<80x128xf32, #tpu.memory_space<vmem_shared>>
      tpu.enqueue_dma source(%dma_start3A_140 : memref<80x128xf32, #tpu.memory_space<vmem_shared>>) target(%arg12 : memref<80x128xf32, #tpu.memory_space<vmem>>) target_semaphore(%run_scoped3A : memref<!tpu.dma_semaphore, #tpu.memory_space<semaphore_mem>>)
      %dma_wait3A = arith.constant 0 : i32
      %dma_wait3A_141 = tpu.memref_slice %arg7[%add3A_79, %dma_wait3A] : memref<10240x128xf32, #tpu.memory_space<vmem_shared>> -> memref<80x128xf32, #tpu.memory_space<vmem_shared>>
      %dma_wait3A_142 = arith.constant 0 : i32
      %dma_wait3A_143 = tpu.memref_slice %arg7[%add3A_79, %dma_wait3A_142] : memref<10240x128xf32, #tpu.memory_space<vmem_shared>> -> memref<80x128xf32, #tpu.memory_space<vmem_shared>>
      tpu.wait_dma2 semaphore(%run_scoped3A : memref<!tpu.dma_semaphore, #tpu.memory_space<semaphore_mem>>) src(%dma_wait3A_143 : memref<80x128xf32, #tpu.memory_space<vmem_shared>>) dst(%arg12 : memref<80x128xf32, #tpu.memory_space<vmem>>)
      tpu.yield
    }) : () -> ()
    %scan3A_80 = arith.constant 0 : i32
    %scan3A_81 = arith.constant 0 : i32
    %scan3A_82 = arith.constant 80 : i32
    %scan3A_83 = arith.addi %scan3A_81, %scan3A_82 : i32
    %scan3A_84 = arith.constant 1 : i32
    scf.for %scan3A_138 = %scan3A_81 to %scan3A_83 step %scan3A_84  : i32 {
      %get3A = arith.index_cast %scan3A_138 : i32 to index
      %get3A_139 = arith.constant 0 : index
      %get3A_140 = tpu.vector_load %arg12[%get3A, %get3A_139] {strides = array<i32>} : memref<80x128xf32, #tpu.memory_space<vmem>>, vector<1x16xf32>,
      %get3A_141 = vector.shape_cast %get3A_140 : vector<1x16xf32> to vector<16xf32>
      %swap3A = arith.index_cast %scan3A_138 : i32 to index
      %swap3A_142 = arith.constant 0 : index
      %swap3A_143 = tpu.vector_load %arg13[%swap3A, %swap3A_142] {strides = array<i32>} : memref<80x128xf32, #tpu.memory_space<vmem>>, vector<1x16xf32>,
      %swap3A_144 = vector.shape_cast %swap3A_143 : vector<1x16xf32> to vector<16xf32>
      %swap3A_145 = vector.shape_cast %get3A_141 : vector<16xf32> to vector<1x16xf32>
      tpu.vector_store %arg13[%swap3A, %swap3A_142], %swap3A_145 {strides = array<i32>} : memref<80x128xf32, #tpu.memory_space<vmem>>, vector<1x16xf32>,
      %get3A_146 = arith.index_cast %scan3A_138 : i32 to index
      %get3A_147 = arith.constant 16 : index
      %get3A_148 = tpu.vector_load %arg12[%get3A_146, %get3A_147] {strides = array<i32>} : memref<80x128xf32, #tpu.memory_space<vmem>>, vector<1x16xf32>,
      %get3A_149 = vector.shape_cast %get3A_148 : vector<1x16xf32> to vector<16xf32>
      %swap3A_150 = arith.index_cast %scan3A_138 : i32 to index
      %swap3A_151 = arith.constant 16 : index
      %swap3A_152 = tpu.vector_load %arg13[%swap3A_150, %swap3A_151] {strides = array<i32>} : memref<80x128xf32, #tpu.memory_space<vmem>>, vector<1x16xf32>,
      %swap3A_153 = vector.shape_cast %swap3A_152 : vector<1x16xf32> to vector<16xf32>
      %swap3A_154 = vector.shape_cast %get3A_149 : vector<16xf32> to vector<1x16xf32>
      tpu.vector_store %arg13[%swap3A_150, %swap3A_151], %swap3A_154 {strides = array<i32>} : memref<80x128xf32, #tpu.memory_space<vmem>>, vector<1x16xf32>,
      %get3A_155 = arith.index_cast %scan3A_138 : i32 to index
      %get3A_156 = arith.constant 32 : index
      %get3A_157 = tpu.vector_load %arg12[%get3A_155, %get3A_156] {strides = array<i32>} : memref<80x128xf32, #tpu.memory_space<vmem>>, vector<1x16xf32>,
      %get3A_158 = vector.shape_cast %get3A_157 : vector<1x16xf32> to vector<16xf32>
      %swap3A_159 = arith.index_cast %scan3A_138 : i32 to index
      %swap3A_160 = arith.constant 32 : index
      %swap3A_161 = tpu.vector_load %arg13[%swap3A_159, %swap3A_160] {strides = array<i32>} : memref<80x128xf32, #tpu.memory_space<vmem>>, vector<1x16xf32>,
      %swap3A_162 = vector.shape_cast %swap3A_161 : vector<1x16xf32> to vector<16xf32>
      %swap3A_163 = vector.shape_cast %get3A_158 : vector<16xf32> to vector<1x16xf32>
      tpu.vector_store %arg13[%swap3A_159, %swap3A_160], %swap3A_163 {strides = array<i32>} : memref<80x128xf32, #tpu.memory_space<vmem>>, vector<1x16xf32>,
      %get3A_164 = arith.index_cast %scan3A_138 : i32 to index
      %get3A_165 = arith.constant 48 : index
      %get3A_166 = tpu.vector_load %arg12[%get3A_164, %get3A_165] {strides = array<i32>} : memref<80x128xf32, #tpu.memory_space<vmem>>, vector<1x16xf32>,
      %get3A_167 = vector.shape_cast %get3A_166 : vector<1x16xf32> to vector<16xf32>
      %swap3A_168 = arith.index_cast %scan3A_138 : i32 to index
      %swap3A_169 = arith.constant 48 : index
      %swap3A_170 = tpu.vector_load %arg13[%swap3A_168, %swap3A_169] {strides = array<i32>} : memref<80x128xf32, #tpu.memory_space<vmem>>, vector<1x16xf32>,
      %swap3A_171 = vector.shape_cast %swap3A_170 : vector<1x16xf32> to vector<16xf32>
      %swap3A_172 = vector.shape_cast %get3A_167 : vector<16xf32> to vector<1x16xf32>
      tpu.vector_store %arg13[%swap3A_168, %swap3A_169], %swap3A_172 {strides = array<i32>} : memref<80x128xf32, #tpu.memory_space<vmem>>, vector<1x16xf32>,
      %get3A_173 = arith.index_cast %scan3A_138 : i32 to index
      %get3A_174 = arith.constant 64 : index
      %get3A_175 = tpu.vector_load %arg12[%get3A_173, %get3A_174] {strides = array<i32>} : memref<80x128xf32, #tpu.memory_space<vmem>>, vector<1x16xf32>,
      %get3A_176 = vector.shape_cast %get3A_175 : vector<1x16xf32> to vector<16xf32>
      %swap3A_177 = arith.index_cast %scan3A_138 : i32 to index
      %swap3A_178 = arith.constant 64 : index
      %swap3A_179 = tpu.vector_load %arg13[%swap3A_177, %swap3A_178] {strides = array<i32>} : memref<80x128xf32, #tpu.memory_space<vmem>>, vector<1x16xf32>,
      %swap3A_180 = vector.shape_cast %swap3A_179 : vector<1x16xf32> to vector<16xf32>
      %swap3A_181 = vector.shape_cast %get3A_176 : vector<16xf32> to vector<1x16xf32>
      tpu.vector_store %arg13[%swap3A_177, %swap3A_178], %swap3A_181 {strides = array<i32>} : memref<80x128xf32, #tpu.memory_space<vmem>>, vector<1x16xf32>,
      %get3A_182 = arith.index_cast %scan3A_138 : i32 to index
      %get3A_183 = arith.constant 80 : index
      %get3A_184 = tpu.vector_load %arg12[%get3A_182, %get3A_183] {strides = array<i32>} : memref<80x128xf32, #tpu.memory_space<vmem>>, vector<1x16xf32>,
      %get3A_185 = vector.shape_cast %get3A_184 : vector<1x16xf32> to vector<16xf32>
      %swap3A_186 = arith.index_cast %scan3A_138 : i32 to index
      %swap3A_187 = arith.constant 80 : index
      %swap3A_188 = tpu.vector_load %arg13[%swap3A_186, %swap3A_187] {strides = array<i32>} : memref<80x128xf32, #tpu.memory_space<vmem>>, vector<1x16xf32>,
      %swap3A_189 = vector.shape_cast %swap3A_188 : vector<1x16xf32> to vector<16xf32>
      %swap3A_190 = vector.shape_cast %get3A_185 : vector<16xf32> to vector<1x16xf32>
      tpu.vector_store %arg13[%swap3A_186, %swap3A_187], %swap3A_190 {strides = array<i32>} : memref<80x128xf32, #tpu.memory_space<vmem>>, vector<1x16xf32>,
      %get3A_191 = arith.index_cast %scan3A_138 : i32 to index
      %get3A_192 = arith.constant 96 : index
      %get3A_193 = tpu.vector_load %arg12[%get3A_191, %get3A_192] {strides = array<i32>} : memref<80x128xf32, #tpu.memory_space<vmem>>, vector<1x16xf32>,
      %get3A_194 = vector.shape_cast %get3A_193 : vector<1x16xf32> to vector<16xf32>
      %swap3A_195 = arith.index_cast %scan3A_138 : i32 to index
      %swap3A_196 = arith.constant 96 : index
      %swap3A_197 = tpu.vector_load %arg13[%swap3A_195, %swap3A_196] {strides = array<i32>} : memref<80x128xf32, #tpu.memory_space<vmem>>, vector<1x16xf32>,
      %swap3A_198 = vector.shape_cast %swap3A_197 : vector<1x16xf32> to vector<16xf32>
      %swap3A_199 = vector.shape_cast %get3A_194 : vector<16xf32> to vector<1x16xf32>
      tpu.vector_store %arg13[%swap3A_195, %swap3A_196], %swap3A_199 {strides = array<i32>} : memref<80x128xf32, #tpu.memory_space<vmem>>, vector<1x16xf32>,
      %get3A_200 = arith.index_cast %scan3A_138 : i32 to index
      %get3A_201 = arith.constant 112 : index
      %get3A_202 = tpu.vector_load %arg12[%get3A_200, %get3A_201] {strides = array<i32>} : memref<80x128xf32, #tpu.memory_space<vmem>>, vector<1x16xf32>,
      %get3A_203 = vector.shape_cast %get3A_202 : vector<1x16xf32> to vector<16xf32>
      %swap3A_204 = arith.index_cast %scan3A_138 : i32 to index
      %swap3A_205 = arith.constant 112 : index
      %swap3A_206 = tpu.vector_load %arg13[%swap3A_204, %swap3A_205] {strides = array<i32>} : memref<80x128xf32, #tpu.memory_space<vmem>>, vector<1x16xf32>,
      %swap3A_207 = vector.shape_cast %swap3A_206 : vector<1x16xf32> to vector<16xf32>
      %swap3A_208 = vector.shape_cast %get3A_203 : vector<16xf32> to vector<1x16xf32>
      tpu.vector_store %arg13[%swap3A_204, %swap3A_205], %swap3A_208 {strides = array<i32>} : memref<80x128xf32, #tpu.memory_space<vmem>>, vector<1x16xf32>,
    }
    %scan3A_85 = arith.constant 80 : i32
    %add3A_86 = arith.constant 160 : i32
    %add3A_87 = arith.addi %mul3A_3, %add3A_86 : i32
    "tpu.region"() ({
      %run_scoped3A = tpu.sem_alloc : memref<!tpu.dma_semaphore, #tpu.memory_space<semaphore_mem>>
      %dma_start3A = arith.constant 0 : i32
      %dma_start3A_138 = tpu.memref_slice %arg6[%arg0, %add3A_87, %dma_start3A] : memref<2x10240x128xf32, #tpu.memory_space<hbm>> -> memref<1x80x128xf32, #tpu.memory_space<hbm>>
      %dma_start3A_139 = tpu.memref_squeeze %dma_start3A_138 : memref<1x80x128xf32, #tpu.memory_space<hbm>> -> memref<80x128xf32, #tpu.memory_space<hbm>>
      %dma_start3A_140 = arith.constant 0 : i32
      %dma_start3A_141 = tpu.memref_slice %arg6[%arg0, %add3A_87, %dma_start3A_140] : memref<2x10240x128xf32, #tpu.memory_space<hbm>> -> memref<1x80x128xf32, #tpu.memory_space<hbm>>
      %dma_start3A_142 = tpu.memref_squeeze %dma_start3A_141 : memref<1x80x128xf32, #tpu.memory_space<hbm>> -> memref<80x128xf32, #tpu.memory_space<hbm>>
      tpu.enqueue_dma source(%arg13 : memref<80x128xf32, #tpu.memory_space<vmem>>) target(%dma_start3A_142 : memref<80x128xf32, #tpu.memory_space<hbm>>) target_semaphore(%run_scoped3A : memref<!tpu.dma_semaphore, #tpu.memory_space<semaphore_mem>>)
      %dma_wait3A = arith.constant 0 : i32
      %dma_wait3A_143 = tpu.memref_slice %arg6[%arg0, %add3A_87, %dma_wait3A] : memref<2x10240x128xf32, #tpu.memory_space<hbm>> -> memref<1x80x128xf32, #tpu.memory_space<hbm>>
      %dma_wait3A_144 = tpu.memref_squeeze %dma_wait3A_143 : memref<1x80x128xf32, #tpu.memory_space<hbm>> -> memref<80x128xf32, #tpu.memory_space<hbm>>
      %dma_wait3A_145 = arith.constant 0 : i32
      %dma_wait3A_146 = tpu.memref_slice %arg6[%arg0, %add3A_87, %dma_wait3A_145] : memref<2x10240x128xf32, #tpu.memory_space<hbm>> -> memref<1x80x128xf32, #tpu.memory_space<hbm>>
      %dma_wait3A_147 = tpu.memref_squeeze %dma_wait3A_146 : memref<1x80x128xf32, #tpu.memory_space<hbm>> -> memref<80x128xf32, #tpu.memory_space<hbm>>
      tpu.wait_dma2 semaphore(%run_scoped3A : memref<!tpu.dma_semaphore, #tpu.memory_space<semaphore_mem>>) src(%arg13 : memref<80x128xf32, #tpu.memory_space<vmem>>) dst(%dma_wait3A_147 : memref<80x128xf32, #tpu.memory_space<hbm>>)
      tpu.yield
    }) : () -> ()
    %add3A_88 = arith.constant 240 : i32
    %add3A_89 = arith.addi %mul3A_3, %add3A_88 : i32
    "tpu.region"() ({
      %run_scoped3A = tpu.sem_alloc : memref<!tpu.dma_semaphore, #tpu.memory_space<semaphore_mem>>
      %dma_start3A = arith.constant 0 : i32
      %dma_start3A_138 = tpu.memref_slice %arg7[%add3A_89, %dma_start3A] : memref<10240x128xf32, #tpu.memory_space<vmem_shared>> -> memref<80x128xf32, #tpu.memory_space<vmem_shared>>
      %dma_start3A_139 = arith.constant 0 : i32
      %dma_start3A_140 = tpu.memref_slice %arg7[%add3A_89, %dma_start3A_139] : memref<10240x128xf32, #tpu.memory_space<vmem_shared>> -> memref<80x128xf32, #tpu.memory_space<vmem_shared>>
      tpu.enqueue_dma source(%dma_start3A_140 : memref<80x128xf32, #tpu.memory_space<vmem_shared>>) target(%arg12 : memref<80x128xf32, #tpu.memory_space<vmem>>) target_semaphore(%run_scoped3A : memref<!tpu.dma_semaphore, #tpu.memory_space<semaphore_mem>>)
      %dma_wait3A = arith.constant 0 : i32
      %dma_wait3A_141 = tpu.memref_slice %arg7[%add3A_89, %dma_wait3A] : memref<10240x128xf32, #tpu.memory_space<vmem_shared>> -> memref<80x128xf32, #tpu.memory_space<vmem_shared>>
      %dma_wait3A_142 = arith.constant 0 : i32
      %dma_wait3A_143 = tpu.memref_slice %arg7[%add3A_89, %dma_wait3A_142] : memref<10240x128xf32, #tpu.memory_space<vmem_shared>> -> memref<80x128xf32, #tpu.memory_space<vmem_shared>>
      tpu.wait_dma2 semaphore(%run_scoped3A : memref<!tpu.dma_semaphore, #tpu.memory_space<semaphore_mem>>) src(%dma_wait3A_143 : memref<80x128xf32, #tpu.memory_space<vmem_shared>>) dst(%arg12 : memref<80x128xf32, #tpu.memory_space<vmem>>)
      tpu.yield
    }) : () -> ()
    %scan3A_90 = arith.constant 0 : i32
    %scan3A_91 = arith.constant 0 : i32
    %scan3A_92 = arith.constant 80 : i32
    %scan3A_93 = arith.addi %scan3A_91, %scan3A_92 : i32
    %scan3A_94 = arith.constant 1 : i32
    scf.for %scan3A_138 = %scan3A_91 to %scan3A_93 step %scan3A_94  : i32 {
      %get3A = arith.index_cast %scan3A_138 : i32 to index
      %get3A_139 = arith.constant 0 : index
      %get3A_140 = tpu.vector_load %arg12[%get3A, %get3A_139] {strides = array<i32>} : memref<80x128xf32, #tpu.memory_space<vmem>>, vector<1x16xf32>,
      %get3A_141 = vector.shape_cast %get3A_140 : vector<1x16xf32> to vector<16xf32>
      %swap3A = arith.index_cast %scan3A_138 : i32 to index
      %swap3A_142 = arith.constant 0 : index
      %swap3A_143 = tpu.vector_load %arg13[%swap3A, %swap3A_142] {strides = array<i32>} : memref<80x128xf32, #tpu.memory_space<vmem>>, vector<1x16xf32>,
      %swap3A_144 = vector.shape_cast %swap3A_143 : vector<1x16xf32> to vector<16xf32>
      %swap3A_145 = vector.shape_cast %get3A_141 : vector<16xf32> to vector<1x16xf32>
      tpu.vector_store %arg13[%swap3A, %swap3A_142], %swap3A_145 {strides = array<i32>} : memref<80x128xf32, #tpu.memory_space<vmem>>, vector<1x16xf32>,
      %get3A_146 = arith.index_cast %scan3A_138 : i32 to index
      %get3A_147 = arith.constant 16 : index
      %get3A_148 = tpu.vector_load %arg12[%get3A_146, %get3A_147] {strides = array<i32>} : memref<80x128xf32, #tpu.memory_space<vmem>>, vector<1x16xf32>,
      %get3A_149 = vector.shape_cast %get3A_148 : vector<1x16xf32> to vector<16xf32>
      %swap3A_150 = arith.index_cast %scan3A_138 : i32 to index
      %swap3A_151 = arith.constant 16 : index
      %swap3A_152 = tpu.vector_load %arg13[%swap3A_150, %swap3A_151] {strides = array<i32>} : memref<80x128xf32, #tpu.memory_space<vmem>>, vector<1x16xf32>,
      %swap3A_153 = vector.shape_cast %swap3A_152 : vector<1x16xf32> to vector<16xf32>
      %swap3A_154 = vector.shape_cast %get3A_149 : vector<16xf32> to vector<1x16xf32>
      tpu.vector_store %arg13[%swap3A_150, %swap3A_151], %swap3A_154 {strides = array<i32>} : memref<80x128xf32, #tpu.memory_space<vmem>>, vector<1x16xf32>,
      %get3A_155 = arith.index_cast %scan3A_138 : i32 to index
      %get3A_156 = arith.constant 32 : index
      %get3A_157 = tpu.vector_load %arg12[%get3A_155, %get3A_156] {strides = array<i32>} : memref<80x128xf32, #tpu.memory_space<vmem>>, vector<1x16xf32>,
      %get3A_158 = vector.shape_cast %get3A_157 : vector<1x16xf32> to vector<16xf32>
      %swap3A_159 = arith.index_cast %scan3A_138 : i32 to index
      %swap3A_160 = arith.constant 32 : index
      %swap3A_161 = tpu.vector_load %arg13[%swap3A_159, %swap3A_160] {strides = array<i32>} : memref<80x128xf32, #tpu.memory_space<vmem>>, vector<1x16xf32>,
      %swap3A_162 = vector.shape_cast %swap3A_161 : vector<1x16xf32> to vector<16xf32>
      %swap3A_163 = vector.shape_cast %get3A_158 : vector<16xf32> to vector<1x16xf32>
      tpu.vector_store %arg13[%swap3A_159, %swap3A_160], %swap3A_163 {strides = array<i32>} : memref<80x128xf32, #tpu.memory_space<vmem>>, vector<1x16xf32>,
      %get3A_164 = arith.index_cast %scan3A_138 : i32 to index
      %get3A_165 = arith.constant 48 : index
      %get3A_166 = tpu.vector_load %arg12[%get3A_164, %get3A_165] {strides = array<i32>} : memref<80x128xf32, #tpu.memory_space<vmem>>, vector<1x16xf32>,
      %get3A_167 = vector.shape_cast %get3A_166 : vector<1x16xf32> to vector<16xf32>
      %swap3A_168 = arith.index_cast %scan3A_138 : i32 to index
      %swap3A_169 = arith.constant 48 : index
      %swap3A_170 = tpu.vector_load %arg13[%swap3A_168, %swap3A_169] {strides = array<i32>} : memref<80x128xf32, #tpu.memory_space<vmem>>, vector<1x16xf32>,
      %swap3A_171 = vector.shape_cast %swap3A_170 : vector<1x16xf32> to vector<16xf32>
      %swap3A_172 = vector.shape_cast %get3A_167 : vector<16xf32> to vector<1x16xf32>
      tpu.vector_store %arg13[%swap3A_168, %swap3A_169], %swap3A_172 {strides = array<i32>} : memref<80x128xf32, #tpu.memory_space<vmem>>, vector<1x16xf32>,
      %get3A_173 = arith.index_cast %scan3A_138 : i32 to index
      %get3A_174 = arith.constant 64 : index
      %get3A_175 = tpu.vector_load %arg12[%get3A_173, %get3A_174] {strides = array<i32>} : memref<80x128xf32, #tpu.memory_space<vmem>>, vector<1x16xf32>,
      %get3A_176 = vector.shape_cast %get3A_175 : vector<1x16xf32> to vector<16xf32>
      %swap3A_177 = arith.index_cast %scan3A_138 : i32 to index
      %swap3A_178 = arith.constant 64 : index
      %swap3A_179 = tpu.vector_load %arg13[%swap3A_177, %swap3A_178] {strides = array<i32>} : memref<80x128xf32, #tpu.memory_space<vmem>>, vector<1x16xf32>,
      %swap3A_180 = vector.shape_cast %swap3A_179 : vector<1x16xf32> to vector<16xf32>
      %swap3A_181 = vector.shape_cast %get3A_176 : vector<16xf32> to vector<1x16xf32>
      tpu.vector_store %arg13[%swap3A_177, %swap3A_178], %swap3A_181 {strides = array<i32>} : memref<80x128xf32, #tpu.memory_space<vmem>>, vector<1x16xf32>,
      %get3A_182 = arith.index_cast %scan3A_138 : i32 to index
      %get3A_183 = arith.constant 80 : index
      %get3A_184 = tpu.vector_load %arg12[%get3A_182, %get3A_183] {strides = array<i32>} : memref<80x128xf32, #tpu.memory_space<vmem>>, vector<1x16xf32>,
      %get3A_185 = vector.shape_cast %get3A_184 : vector<1x16xf32> to vector<16xf32>
      %swap3A_186 = arith.index_cast %scan3A_138 : i32 to index
      %swap3A_187 = arith.constant 80 : index
      %swap3A_188 = tpu.vector_load %arg13[%swap3A_186, %swap3A_187] {strides = array<i32>} : memref<80x128xf32, #tpu.memory_space<vmem>>, vector<1x16xf32>,
      %swap3A_189 = vector.shape_cast %swap3A_188 : vector<1x16xf32> to vector<16xf32>
      %swap3A_190 = vector.shape_cast %get3A_185 : vector<16xf32> to vector<1x16xf32>
      tpu.vector_store %arg13[%swap3A_186, %swap3A_187], %swap3A_190 {strides = array<i32>} : memref<80x128xf32, #tpu.memory_space<vmem>>, vector<1x16xf32>,
      %get3A_191 = arith.index_cast %scan3A_138 : i32 to index
      %get3A_192 = arith.constant 96 : index
      %get3A_193 = tpu.vector_load %arg12[%get3A_191, %get3A_192] {strides = array<i32>} : memref<80x128xf32, #tpu.memory_space<vmem>>, vector<1x16xf32>,
      %get3A_194 = vector.shape_cast %get3A_193 : vector<1x16xf32> to vector<16xf32>
      %swap3A_195 = arith.index_cast %scan3A_138 : i32 to index
      %swap3A_196 = arith.constant 96 : index
      %swap3A_197 = tpu.vector_load %arg13[%swap3A_195, %swap3A_196] {strides = array<i32>} : memref<80x128xf32, #tpu.memory_space<vmem>>, vector<1x16xf32>,
      %swap3A_198 = vector.shape_cast %swap3A_197 : vector<1x16xf32> to vector<16xf32>
      %swap3A_199 = vector.shape_cast %get3A_194 : vector<16xf32> to vector<1x16xf32>
      tpu.vector_store %arg13[%swap3A_195, %swap3A_196], %swap3A_199 {strides = array<i32>} : memref<80x128xf32, #tpu.memory_space<vmem>>, vector<1x16xf32>,
      %get3A_200 = arith.index_cast %scan3A_138 : i32 to index
      %get3A_201 = arith.constant 112 : index
      %get3A_202 = tpu.vector_load %arg12[%get3A_200, %get3A_201] {strides = array<i32>} : memref<80x128xf32, #tpu.memory_space<vmem>>, vector<1x16xf32>,
      %get3A_203 = vector.shape_cast %get3A_202 : vector<1x16xf32> to vector<16xf32>
      %swap3A_204 = arith.index_cast %scan3A_138 : i32 to index
      %swap3A_205 = arith.constant 112 : index
      %swap3A_206 = tpu.vector_load %arg13[%swap3A_204, %swap3A_205] {strides = array<i32>} : memref<80x128xf32, #tpu.memory_space<vmem>>, vector<1x16xf32>,
      %swap3A_207 = vector.shape_cast %swap3A_206 : vector<1x16xf32> to vector<16xf32>
      %swap3A_208 = vector.shape_cast %get3A_203 : vector<16xf32> to vector<1x16xf32>
      tpu.vector_store %arg13[%swap3A_204, %swap3A_205], %swap3A_208 {strides = array<i32>} : memref<80x128xf32, #tpu.memory_space<vmem>>, vector<1x16xf32>,
    }
    %scan3A_95 = arith.constant 80 : i32
    %add3A_96 = arith.constant 240 : i32
    %add3A_97 = arith.addi %mul3A_3, %add3A_96 : i32
    "tpu.region"() ({
      %run_scoped3A = tpu.sem_alloc : memref<!tpu.dma_semaphore, #tpu.memory_space<semaphore_mem>>
      %dma_start3A = arith.constant 0 : i32
      %dma_start3A_138 = tpu.memref_slice %arg6[%arg0, %add3A_97, %dma_start3A] : memref<2x10240x128xf32, #tpu.memory_space<hbm>> -> memref<1x80x128xf32, #tpu.memory_space<hbm>>
      %dma_start3A_139 = tpu.memref_squeeze %dma_start3A_138 : memref<1x80x128xf32, #tpu.memory_space<hbm>> -> memref<80x128xf32, #tpu.memory_space<hbm>>
      %dma_start3A_140 = arith.constant 0 : i32
      %dma_start3A_141 = tpu.memref_slice %arg6[%arg0, %add3A_97, %dma_start3A_140] : memref<2x10240x128xf32, #tpu.memory_space<hbm>> -> memref<1x80x128xf32, #tpu.memory_space<hbm>>
      %dma_start3A_142 = tpu.memref_squeeze %dma_start3A_141 : memref<1x80x128xf32, #tpu.memory_space<hbm>> -> memref<80x128xf32, #tpu.memory_space<hbm>>
      tpu.enqueue_dma source(%arg13 : memref<80x128xf32, #tpu.memory_space<vmem>>) target(%dma_start3A_142 : memref<80x128xf32, #tpu.memory_space<hbm>>) target_semaphore(%run_scoped3A : memref<!tpu.dma_semaphore, #tpu.memory_space<semaphore_mem>>)
      %dma_wait3A = arith.constant 0 : i32
      %dma_wait3A_143 = tpu.memref_slice %arg6[%arg0, %add3A_97, %dma_wait3A] : memref<2x10240x128xf32, #tpu.memory_space<hbm>> -> memref<1x80x128xf32, #tpu.memory_space<hbm>>
      %dma_wait3A_144 = tpu.memref_squeeze %dma_wait3A_143 : memref<1x80x128xf32, #tpu.memory_space<hbm>> -> memref<80x128xf32, #tpu.memory_space<hbm>>
      %dma_wait3A_145 = arith.constant 0 : i32
      %dma_wait3A_146 = tpu.memref_slice %arg6[%arg0, %add3A_97, %dma_wait3A_145] : memref<2x10240x128xf32, #tpu.memory_space<hbm>> -> memref<1x80x128xf32, #tpu.memory_space<hbm>>
      %dma_wait3A_147 = tpu.memref_squeeze %dma_wait3A_146 : memref<1x80x128xf32, #tpu.memory_space<hbm>> -> memref<80x128xf32, #tpu.memory_space<hbm>>
      tpu.wait_dma2 semaphore(%run_scoped3A : memref<!tpu.dma_semaphore, #tpu.memory_space<semaphore_mem>>) src(%arg13 : memref<80x128xf32, #tpu.memory_space<vmem>>) dst(%dma_wait3A_147 : memref<80x128xf32, #tpu.memory_space<hbm>>)
      tpu.yield
    }) : () -> ()
    %add3A_98 = arith.constant 320 : i32
    %add3A_99 = arith.addi %mul3A_3, %add3A_98 : i32
    "tpu.region"() ({
      %run_scoped3A = tpu.sem_alloc : memref<!tpu.dma_semaphore, #tpu.memory_space<semaphore_mem>>
      %dma_start3A = arith.constant 0 : i32
      %dma_start3A_138 = tpu.memref_slice %arg7[%add3A_99, %dma_start3A] : memref<10240x128xf32, #tpu.memory_space<vmem_shared>> -> memref<80x128xf32, #tpu.memory_space<vmem_shared>>
      %dma_start3A_139 = arith.constant 0 : i32
      %dma_start3A_140 = tpu.memref_slice %arg7[%add3A_99, %dma_start3A_139] : memref<10240x128xf32, #tpu.memory_space<vmem_shared>> -> memref<80x128xf32, #tpu.memory_space<vmem_shared>>
      tpu.enqueue_dma source(%dma_start3A_140 : memref<80x128xf32, #tpu.memory_space<vmem_shared>>) target(%arg12 : memref<80x128xf32, #tpu.memory_space<vmem>>) target_semaphore(%run_scoped3A : memref<!tpu.dma_semaphore, #tpu.memory_space<semaphore_mem>>)
      %dma_wait3A = arith.constant 0 : i32
      %dma_wait3A_141 = tpu.memref_slice %arg7[%add3A_99, %dma_wait3A] : memref<10240x128xf32, #tpu.memory_space<vmem_shared>> -> memref<80x128xf32, #tpu.memory_space<vmem_shared>>
      %dma_wait3A_142 = arith.constant 0 : i32
      %dma_wait3A_143 = tpu.memref_slice %arg7[%add3A_99, %dma_wait3A_142] : memref<10240x128xf32, #tpu.memory_space<vmem_shared>> -> memref<80x128xf32, #tpu.memory_space<vmem_shared>>
      tpu.wait_dma2 semaphore(%run_scoped3A : memref<!tpu.dma_semaphore, #tpu.memory_space<semaphore_mem>>) src(%dma_wait3A_143 : memref<80x128xf32, #tpu.memory_space<vmem_shared>>) dst(%arg12 : memref<80x128xf32, #tpu.memory_space<vmem>>)
      tpu.yield
    }) : () -> ()
    %scan3A_100 = arith.constant 0 : i32
    %scan3A_101 = arith.constant 0 : i32
    %scan3A_102 = arith.constant 80 : i32
    %scan3A_103 = arith.addi %scan3A_101, %scan3A_102 : i32
    %scan3A_104 = arith.constant 1 : i32
    scf.for %scan3A_138 = %scan3A_101 to %scan3A_103 step %scan3A_104  : i32 {
      %get3A = arith.index_cast %scan3A_138 : i32 to index
      %get3A_139 = arith.constant 0 : index
      %get3A_140 = tpu.vector_load %arg12[%get3A, %get3A_139] {strides = array<i32>} : memref<80x128xf32, #tpu.memory_space<vmem>>, vector<1x16xf32>,
      %get3A_141 = vector.shape_cast %get3A_140 : vector<1x16xf32> to vector<16xf32>
      %swap3A = arith.index_cast %scan3A_138 : i32 to index
      %swap3A_142 = arith.constant 0 : index
      %swap3A_143 = tpu.vector_load %arg13[%swap3A, %swap3A_142] {strides = array<i32>} : memref<80x128xf32, #tpu.memory_space<vmem>>, vector<1x16xf32>,
      %swap3A_144 = vector.shape_cast %swap3A_143 : vector<1x16xf32> to vector<16xf32>
      %swap3A_145 = vector.shape_cast %get3A_141 : vector<16xf32> to vector<1x16xf32>
      tpu.vector_store %arg13[%swap3A, %swap3A_142], %swap3A_145 {strides = array<i32>} : memref<80x128xf32, #tpu.memory_space<vmem>>, vector<1x16xf32>,
      %get3A_146 = arith.index_cast %scan3A_138 : i32 to index
      %get3A_147 = arith.constant 16 : index
      %get3A_148 = tpu.vector_load %arg12[%get3A_146, %get3A_147] {strides = array<i32>} : memref<80x128xf32, #tpu.memory_space<vmem>>, vector<1x16xf32>,
      %get3A_149 = vector.shape_cast %get3A_148 : vector<1x16xf32> to vector<16xf32>
      %swap3A_150 = arith.index_cast %scan3A_138 : i32 to index
      %swap3A_151 = arith.constant 16 : index
      %swap3A_152 = tpu.vector_load %arg13[%swap3A_150, %swap3A_151] {strides = array<i32>} : memref<80x128xf32, #tpu.memory_space<vmem>>, vector<1x16xf32>,
      %swap3A_153 = vector.shape_cast %swap3A_152 : vector<1x16xf32> to vector<16xf32>
      %swap3A_154 = vector.shape_cast %get3A_149 : vector<16xf32> to vector<1x16xf32>
      tpu.vector_store %arg13[%swap3A_150, %swap3A_151], %swap3A_154 {strides = array<i32>} : memref<80x128xf32, #tpu.memory_space<vmem>>, vector<1x16xf32>,
      %get3A_155 = arith.index_cast %scan3A_138 : i32 to index
      %get3A_156 = arith.constant 32 : index
      %get3A_157 = tpu.vector_load %arg12[%get3A_155, %get3A_156] {strides = array<i32>} : memref<80x128xf32, #tpu.memory_space<vmem>>, vector<1x16xf32>,
      %get3A_158 = vector.shape_cast %get3A_157 : vector<1x16xf32> to vector<16xf32>
      %swap3A_159 = arith.index_cast %scan3A_138 : i32 to index
      %swap3A_160 = arith.constant 32 : index
      %swap3A_161 = tpu.vector_load %arg13[%swap3A_159, %swap3A_160] {strides = array<i32>} : memref<80x128xf32, #tpu.memory_space<vmem>>, vector<1x16xf32>,
      %swap3A_162 = vector.shape_cast %swap3A_161 : vector<1x16xf32> to vector<16xf32>
      %swap3A_163 = vector.shape_cast %get3A_158 : vector<16xf32> to vector<1x16xf32>
      tpu.vector_store %arg13[%swap3A_159, %swap3A_160], %swap3A_163 {strides = array<i32>} : memref<80x128xf32, #tpu.memory_space<vmem>>, vector<1x16xf32>,
      %get3A_164 = arith.index_cast %scan3A_138 : i32 to index
      %get3A_165 = arith.constant 48 : index
      %get3A_166 = tpu.vector_load %arg12[%get3A_164, %get3A_165] {strides = array<i32>} : memref<80x128xf32, #tpu.memory_space<vmem>>, vector<1x16xf32>,
      %get3A_167 = vector.shape_cast %get3A_166 : vector<1x16xf32> to vector<16xf32>
      %swap3A_168 = arith.index_cast %scan3A_138 : i32 to index
      %swap3A_169 = arith.constant 48 : index
      %swap3A_170 = tpu.vector_load %arg13[%swap3A_168, %swap3A_169] {strides = array<i32>} : memref<80x128xf32, #tpu.memory_space<vmem>>, vector<1x16xf32>,
      %swap3A_171 = vector.shape_cast %swap3A_170 : vector<1x16xf32> to vector<16xf32>
      %swap3A_172 = vector.shape_cast %get3A_167 : vector<16xf32> to vector<1x16xf32>
      tpu.vector_store %arg13[%swap3A_168, %swap3A_169], %swap3A_172 {strides = array<i32>} : memref<80x128xf32, #tpu.memory_space<vmem>>, vector<1x16xf32>,
      %get3A_173 = arith.index_cast %scan3A_138 : i32 to index
      %get3A_174 = arith.constant 64 : index
      %get3A_175 = tpu.vector_load %arg12[%get3A_173, %get3A_174] {strides = array<i32>} : memref<80x128xf32, #tpu.memory_space<vmem>>, vector<1x16xf32>,
      %get3A_176 = vector.shape_cast %get3A_175 : vector<1x16xf32> to vector<16xf32>
      %swap3A_177 = arith.index_cast %scan3A_138 : i32 to index
      %swap3A_178 = arith.constant 64 : index
      %swap3A_179 = tpu.vector_load %arg13[%swap3A_177, %swap3A_178] {strides = array<i32>} : memref<80x128xf32, #tpu.memory_space<vmem>>, vector<1x16xf32>,
      %swap3A_180 = vector.shape_cast %swap3A_179 : vector<1x16xf32> to vector<16xf32>
      %swap3A_181 = vector.shape_cast %get3A_176 : vector<16xf32> to vector<1x16xf32>
      tpu.vector_store %arg13[%swap3A_177, %swap3A_178], %swap3A_181 {strides = array<i32>} : memref<80x128xf32, #tpu.memory_space<vmem>>, vector<1x16xf32>,
      %get3A_182 = arith.index_cast %scan3A_138 : i32 to index
      %get3A_183 = arith.constant 80 : index
      %get3A_184 = tpu.vector_load %arg12[%get3A_182, %get3A_183] {strides = array<i32>} : memref<80x128xf32, #tpu.memory_space<vmem>>, vector<1x16xf32>,
      %get3A_185 = vector.shape_cast %get3A_184 : vector<1x16xf32> to vector<16xf32>
      %swap3A_186 = arith.index_cast %scan3A_138 : i32 to index
      %swap3A_187 = arith.constant 80 : index
      %swap3A_188 = tpu.vector_load %arg13[%swap3A_186, %swap3A_187] {strides = array<i32>} : memref<80x128xf32, #tpu.memory_space<vmem>>, vector<1x16xf32>,
      %swap3A_189 = vector.shape_cast %swap3A_188 : vector<1x16xf32> to vector<16xf32>
      %swap3A_190 = vector.shape_cast %get3A_185 : vector<16xf32> to vector<1x16xf32>
      tpu.vector_store %arg13[%swap3A_186, %swap3A_187], %swap3A_190 {strides = array<i32>} : memref<80x128xf32, #tpu.memory_space<vmem>>, vector<1x16xf32>,
      %get3A_191 = arith.index_cast %scan3A_138 : i32 to index
      %get3A_192 = arith.constant 96 : index
      %get3A_193 = tpu.vector_load %arg12[%get3A_191, %get3A_192] {strides = array<i32>} : memref<80x128xf32, #tpu.memory_space<vmem>>, vector<1x16xf32>,
      %get3A_194 = vector.shape_cast %get3A_193 : vector<1x16xf32> to vector<16xf32>
      %swap3A_195 = arith.index_cast %scan3A_138 : i32 to index
      %swap3A_196 = arith.constant 96 : index
      %swap3A_197 = tpu.vector_load %arg13[%swap3A_195, %swap3A_196] {strides = array<i32>} : memref<80x128xf32, #tpu.memory_space<vmem>>, vector<1x16xf32>,
      %swap3A_198 = vector.shape_cast %swap3A_197 : vector<1x16xf32> to vector<16xf32>
      %swap3A_199 = vector.shape_cast %get3A_194 : vector<16xf32> to vector<1x16xf32>
      tpu.vector_store %arg13[%swap3A_195, %swap3A_196], %swap3A_199 {strides = array<i32>} : memref<80x128xf32, #tpu.memory_space<vmem>>, vector<1x16xf32>,
      %get3A_200 = arith.index_cast %scan3A_138 : i32 to index
      %get3A_201 = arith.constant 112 : index
      %get3A_202 = tpu.vector_load %arg12[%get3A_200, %get3A_201] {strides = array<i32>} : memref<80x128xf32, #tpu.memory_space<vmem>>, vector<1x16xf32>,
      %get3A_203 = vector.shape_cast %get3A_202 : vector<1x16xf32> to vector<16xf32>
      %swap3A_204 = arith.index_cast %scan3A_138 : i32 to index
      %swap3A_205 = arith.constant 112 : index
      %swap3A_206 = tpu.vector_load %arg13[%swap3A_204, %swap3A_205] {strides = array<i32>} : memref<80x128xf32, #tpu.memory_space<vmem>>, vector<1x16xf32>,
      %swap3A_207 = vector.shape_cast %swap3A_206 : vector<1x16xf32> to vector<16xf32>
      %swap3A_208 = vector.shape_cast %get3A_203 : vector<16xf32> to vector<1x16xf32>
      tpu.vector_store %arg13[%swap3A_204, %swap3A_205], %swap3A_208 {strides = array<i32>} : memref<80x128xf32, #tpu.memory_space<vmem>>, vector<1x16xf32>,
    }
    %scan3A_105 = arith.constant 80 : i32
    %add3A_106 = arith.constant 320 : i32
    %add3A_107 = arith.addi %mul3A_3, %add3A_106 : i32
    "tpu.region"() ({
      %run_scoped3A = tpu.sem_alloc : memref<!tpu.dma_semaphore, #tpu.memory_space<semaphore_mem>>
      %dma_start3A = arith.constant 0 : i32
      %dma_start3A_138 = tpu.memref_slice %arg6[%arg0, %add3A_107, %dma_start3A] : memref<2x10240x128xf32, #tpu.memory_space<hbm>> -> memref<1x80x128xf32, #tpu.memory_space<hbm>>
      %dma_start3A_139 = tpu.memref_squeeze %dma_start3A_138 : memref<1x80x128xf32, #tpu.memory_space<hbm>> -> memref<80x128xf32, #tpu.memory_space<hbm>>
      %dma_start3A_140 = arith.constant 0 : i32
      %dma_start3A_141 = tpu.memref_slice %arg6[%arg0, %add3A_107, %dma_start3A_140] : memref<2x10240x128xf32, #tpu.memory_space<hbm>> -> memref<1x80x128xf32, #tpu.memory_space<hbm>>
      %dma_start3A_142 = tpu.memref_squeeze %dma_start3A_141 : memref<1x80x128xf32, #tpu.memory_space<hbm>> -> memref<80x128xf32, #tpu.memory_space<hbm>>
      tpu.enqueue_dma source(%arg13 : memref<80x128xf32, #tpu.memory_space<vmem>>) target(%dma_start3A_142 : memref<80x128xf32, #tpu.memory_space<hbm>>) target_semaphore(%run_scoped3A : memref<!tpu.dma_semaphore, #tpu.memory_space<semaphore_mem>>)
      %dma_wait3A = arith.constant 0 : i32
      %dma_wait3A_143 = tpu.memref_slice %arg6[%arg0, %add3A_107, %dma_wait3A] : memref<2x10240x128xf32, #tpu.memory_space<hbm>> -> memref<1x80x128xf32, #tpu.memory_space<hbm>>
      %dma_wait3A_144 = tpu.memref_squeeze %dma_wait3A_143 : memref<1x80x128xf32, #tpu.memory_space<hbm>> -> memref<80x128xf32, #tpu.memory_space<hbm>>
      %dma_wait3A_145 = arith.constant 0 : i32
      %dma_wait3A_146 = tpu.memref_slice %arg6[%arg0, %add3A_107, %dma_wait3A_145] : memref<2x10240x128xf32, #tpu.memory_space<hbm>> -> memref<1x80x128xf32, #tpu.memory_space<hbm>>
      %dma_wait3A_147 = tpu.memref_squeeze %dma_wait3A_146 : memref<1x80x128xf32, #tpu.memory_space<hbm>> -> memref<80x128xf32, #tpu.memory_space<hbm>>
      tpu.wait_dma2 semaphore(%run_scoped3A : memref<!tpu.dma_semaphore, #tpu.memory_space<semaphore_mem>>) src(%arg13 : memref<80x128xf32, #tpu.memory_space<vmem>>) dst(%dma_wait3A_147 : memref<80x128xf32, #tpu.memory_space<hbm>>)
      tpu.yield
    }) : () -> ()
    %add3A_108 = arith.constant 400 : i32
    %add3A_109 = arith.addi %mul3A_3, %add3A_108 : i32
    "tpu.region"() ({
      %run_scoped3A = tpu.sem_alloc : memref<!tpu.dma_semaphore, #tpu.memory_space<semaphore_mem>>
      %dma_start3A = arith.constant 0 : i32
      %dma_start3A_138 = tpu.memref_slice %arg7[%add3A_109, %dma_start3A] : memref<10240x128xf32, #tpu.memory_space<vmem_shared>> -> memref<80x128xf32, #tpu.memory_space<vmem_shared>>
      %dma_start3A_139 = arith.constant 0 : i32
      %dma_start3A_140 = tpu.memref_slice %arg7[%add3A_109, %dma_start3A_139] : memref<10240x128xf32, #tpu.memory_space<vmem_shared>> -> memref<80x128xf32, #tpu.memory_space<vmem_shared>>
      tpu.enqueue_dma source(%dma_start3A_140 : memref<80x128xf32, #tpu.memory_space<vmem_shared>>) target(%arg12 : memref<80x128xf32, #tpu.memory_space<vmem>>) target_semaphore(%run_scoped3A : memref<!tpu.dma_semaphore, #tpu.memory_space<semaphore_mem>>)
      %dma_wait3A = arith.constant 0 : i32
      %dma_wait3A_141 = tpu.memref_slice %arg7[%add3A_109, %dma_wait3A] : memref<10240x128xf32, #tpu.memory_space<vmem_shared>> -> memref<80x128xf32, #tpu.memory_space<vmem_shared>>
      %dma_wait3A_142 = arith.constant 0 : i32
      %dma_wait3A_143 = tpu.memref_slice %arg7[%add3A_109, %dma_wait3A_142] : memref<10240x128xf32, #tpu.memory_space<vmem_shared>> -> memref<80x128xf32, #tpu.memory_space<vmem_shared>>
      tpu.wait_dma2 semaphore(%run_scoped3A : memref<!tpu.dma_semaphore, #tpu.memory_space<semaphore_mem>>) src(%dma_wait3A_143 : memref<80x128xf32, #tpu.memory_space<vmem_shared>>) dst(%arg12 : memref<80x128xf32, #tpu.memory_space<vmem>>)
      tpu.yield
    }) : () -> ()
    %scan3A_110 = arith.constant 0 : i32
    %scan3A_111 = arith.constant 0 : i32
    %scan3A_112 = arith.constant 80 : i32
    %scan3A_113 = arith.addi %scan3A_111, %scan3A_112 : i32
    %scan3A_114 = arith.constant 1 : i32
    scf.for %scan3A_138 = %scan3A_111 to %scan3A_113 step %scan3A_114  : i32 {
      %get3A = arith.index_cast %scan3A_138 : i32 to index
      %get3A_139 = arith.constant 0 : index
      %get3A_140 = tpu.vector_load %arg12[%get3A, %get3A_139] {strides = array<i32>} : memref<80x128xf32, #tpu.memory_space<vmem>>, vector<1x16xf32>,
      %get3A_141 = vector.shape_cast %get3A_140 : vector<1x16xf32> to vector<16xf32>
      %swap3A = arith.index_cast %scan3A_138 : i32 to index
      %swap3A_142 = arith.constant 0 : index
      %swap3A_143 = tpu.vector_load %arg13[%swap3A, %swap3A_142] {strides = array<i32>} : memref<80x128xf32, #tpu.memory_space<vmem>>, vector<1x16xf32>,
      %swap3A_144 = vector.shape_cast %swap3A_143 : vector<1x16xf32> to vector<16xf32>
      %swap3A_145 = vector.shape_cast %get3A_141 : vector<16xf32> to vector<1x16xf32>
      tpu.vector_store %arg13[%swap3A, %swap3A_142], %swap3A_145 {strides = array<i32>} : memref<80x128xf32, #tpu.memory_space<vmem>>, vector<1x16xf32>,
      %get3A_146 = arith.index_cast %scan3A_138 : i32 to index
      %get3A_147 = arith.constant 16 : index
      %get3A_148 = tpu.vector_load %arg12[%get3A_146, %get3A_147] {strides = array<i32>} : memref<80x128xf32, #tpu.memory_space<vmem>>, vector<1x16xf32>,
      %get3A_149 = vector.shape_cast %get3A_148 : vector<1x16xf32> to vector<16xf32>
      %swap3A_150 = arith.index_cast %scan3A_138 : i32 to index
      %swap3A_151 = arith.constant 16 : index
      %swap3A_152 = tpu.vector_load %arg13[%swap3A_150, %swap3A_151] {strides = array<i32>} : memref<80x128xf32, #tpu.memory_space<vmem>>, vector<1x16xf32>,
      %swap3A_153 = vector.shape_cast %swap3A_152 : vector<1x16xf32> to vector<16xf32>
      %swap3A_154 = vector.shape_cast %get3A_149 : vector<16xf32> to vector<1x16xf32>
      tpu.vector_store %arg13[%swap3A_150, %swap3A_151], %swap3A_154 {strides = array<i32>} : memref<80x128xf32, #tpu.memory_space<vmem>>, vector<1x16xf32>,
      %get3A_155 = arith.index_cast %scan3A_138 : i32 to index
      %get3A_156 = arith.constant 32 : index
      %get3A_157 = tpu.vector_load %arg12[%get3A_155, %get3A_156] {strides = array<i32>} : memref<80x128xf32, #tpu.memory_space<vmem>>, vector<1x16xf32>,
      %get3A_158 = vector.shape_cast %get3A_157 : vector<1x16xf32> to vector<16xf32>
      %swap3A_159 = arith.index_cast %scan3A_138 : i32 to index
      %swap3A_160 = arith.constant 32 : index
      %swap3A_161 = tpu.vector_load %arg13[%swap3A_159, %swap3A_160] {strides = array<i32>} : memref<80x128xf32, #tpu.memory_space<vmem>>, vector<1x16xf32>,
      %swap3A_162 = vector.shape_cast %swap3A_161 : vector<1x16xf32> to vector<16xf32>
      %swap3A_163 = vector.shape_cast %get3A_158 : vector<16xf32> to vector<1x16xf32>
      tpu.vector_store %arg13[%swap3A_159, %swap3A_160], %swap3A_163 {strides = array<i32>} : memref<80x128xf32, #tpu.memory_space<vmem>>, vector<1x16xf32>,
      %get3A_164 = arith.index_cast %scan3A_138 : i32 to index
      %get3A_165 = arith.constant 48 : index
      %get3A_166 = tpu.vector_load %arg12[%get3A_164, %get3A_165] {strides = array<i32>} : memref<80x128xf32, #tpu.memory_space<vmem>>, vector<1x16xf32>,
      %get3A_167 = vector.shape_cast %get3A_166 : vector<1x16xf32> to vector<16xf32>
      %swap3A_168 = arith.index_cast %scan3A_138 : i32 to index
      %swap3A_169 = arith.constant 48 : index
      %swap3A_170 = tpu.vector_load %arg13[%swap3A_168, %swap3A_169] {strides = array<i32>} : memref<80x128xf32, #tpu.memory_space<vmem>>, vector<1x16xf32>,
      %swap3A_171 = vector.shape_cast %swap3A_170 : vector<1x16xf32> to vector<16xf32>
      %swap3A_172 = vector.shape_cast %get3A_167 : vector<16xf32> to vector<1x16xf32>
      tpu.vector_store %arg13[%swap3A_168, %swap3A_169], %swap3A_172 {strides = array<i32>} : memref<80x128xf32, #tpu.memory_space<vmem>>, vector<1x16xf32>,
      %get3A_173 = arith.index_cast %scan3A_138 : i32 to index
      %get3A_174 = arith.constant 64 : index
      %get3A_175 = tpu.vector_load %arg12[%get3A_173, %get3A_174] {strides = array<i32>} : memref<80x128xf32, #tpu.memory_space<vmem>>, vector<1x16xf32>,
      %get3A_176 = vector.shape_cast %get3A_175 : vector<1x16xf32> to vector<16xf32>
      %swap3A_177 = arith.index_cast %scan3A_138 : i32 to index
      %swap3A_178 = arith.constant 64 : index
      %swap3A_179 = tpu.vector_load %arg13[%swap3A_177, %swap3A_178] {strides = array<i32>} : memref<80x128xf32, #tpu.memory_space<vmem>>, vector<1x16xf32>,
      %swap3A_180 = vector.shape_cast %swap3A_179 : vector<1x16xf32> to vector<16xf32>
      %swap3A_181 = vector.shape_cast %get3A_176 : vector<16xf32> to vector<1x16xf32>
      tpu.vector_store %arg13[%swap3A_177, %swap3A_178], %swap3A_181 {strides = array<i32>} : memref<80x128xf32, #tpu.memory_space<vmem>>, vector<1x16xf32>,
      %get3A_182 = arith.index_cast %scan3A_138 : i32 to index
      %get3A_183 = arith.constant 80 : index
      %get3A_184 = tpu.vector_load %arg12[%get3A_182, %get3A_183] {strides = array<i32>} : memref<80x128xf32, #tpu.memory_space<vmem>>, vector<1x16xf32>,
      %get3A_185 = vector.shape_cast %get3A_184 : vector<1x16xf32> to vector<16xf32>
      %swap3A_186 = arith.index_cast %scan3A_138 : i32 to index
      %swap3A_187 = arith.constant 80 : index
      %swap3A_188 = tpu.vector_load %arg13[%swap3A_186, %swap3A_187] {strides = array<i32>} : memref<80x128xf32, #tpu.memory_space<vmem>>, vector<1x16xf32>,
      %swap3A_189 = vector.shape_cast %swap3A_188 : vector<1x16xf32> to vector<16xf32>
      %swap3A_190 = vector.shape_cast %get3A_185 : vector<16xf32> to vector<1x16xf32>
      tpu.vector_store %arg13[%swap3A_186, %swap3A_187], %swap3A_190 {strides = array<i32>} : memref<80x128xf32, #tpu.memory_space<vmem>>, vector<1x16xf32>,
      %get3A_191 = arith.index_cast %scan3A_138 : i32 to index
      %get3A_192 = arith.constant 96 : index
      %get3A_193 = tpu.vector_load %arg12[%get3A_191, %get3A_192] {strides = array<i32>} : memref<80x128xf32, #tpu.memory_space<vmem>>, vector<1x16xf32>,
      %get3A_194 = vector.shape_cast %get3A_193 : vector<1x16xf32> to vector<16xf32>
      %swap3A_195 = arith.index_cast %scan3A_138 : i32 to index
      %swap3A_196 = arith.constant 96 : index
      %swap3A_197 = tpu.vector_load %arg13[%swap3A_195, %swap3A_196] {strides = array<i32>} : memref<80x128xf32, #tpu.memory_space<vmem>>, vector<1x16xf32>,
      %swap3A_198 = vector.shape_cast %swap3A_197 : vector<1x16xf32> to vector<16xf32>
      %swap3A_199 = vector.shape_cast %get3A_194 : vector<16xf32> to vector<1x16xf32>
      tpu.vector_store %arg13[%swap3A_195, %swap3A_196], %swap3A_199 {strides = array<i32>} : memref<80x128xf32, #tpu.memory_space<vmem>>, vector<1x16xf32>,
      %get3A_200 = arith.index_cast %scan3A_138 : i32 to index
      %get3A_201 = arith.constant 112 : index
      %get3A_202 = tpu.vector_load %arg12[%get3A_200, %get3A_201] {strides = array<i32>} : memref<80x128xf32, #tpu.memory_space<vmem>>, vector<1x16xf32>,
      %get3A_203 = vector.shape_cast %get3A_202 : vector<1x16xf32> to vector<16xf32>
      %swap3A_204 = arith.index_cast %scan3A_138 : i32 to index
      %swap3A_205 = arith.constant 112 : index
      %swap3A_206 = tpu.vector_load %arg13[%swap3A_204, %swap3A_205] {strides = array<i32>} : memref<80x128xf32, #tpu.memory_space<vmem>>, vector<1x16xf32>,
      %swap3A_207 = vector.shape_cast %swap3A_206 : vector<1x16xf32> to vector<16xf32>
      %swap3A_208 = vector.shape_cast %get3A_203 : vector<16xf32> to vector<1x16xf32>
      tpu.vector_store %arg13[%swap3A_204, %swap3A_205], %swap3A_208 {strides = array<i32>} : memref<80x128xf32, #tpu.memory_space<vmem>>, vector<1x16xf32>,
    }
    %scan3A_115 = arith.constant 80 : i32
    %add3A_116 = arith.constant 400 : i32
    %add3A_117 = arith.addi %mul3A_3, %add3A_116 : i32
    "tpu.region"() ({
      %run_scoped3A = tpu.sem_alloc : memref<!tpu.dma_semaphore, #tpu.memory_space<semaphore_mem>>
      %dma_start3A = arith.constant 0 : i32
      %dma_start3A_138 = tpu.memref_slice %arg6[%arg0, %add3A_117, %dma_start3A] : memref<2x10240x128xf32, #tpu.memory_space<hbm>> -> memref<1x80x128xf32, #tpu.memory_space<hbm>>
      %dma_start3A_139 = tpu.memref_squeeze %dma_start3A_138 : memref<1x80x128xf32, #tpu.memory_space<hbm>> -> memref<80x128xf32, #tpu.memory_space<hbm>>
      %dma_start3A_140 = arith.constant 0 : i32
      %dma_start3A_141 = tpu.memref_slice %arg6[%arg0, %add3A_117, %dma_start3A_140] : memref<2x10240x128xf32, #tpu.memory_space<hbm>> -> memref<1x80x128xf32, #tpu.memory_space<hbm>>
      %dma_start3A_142 = tpu.memref_squeeze %dma_start3A_141 : memref<1x80x128xf32, #tpu.memory_space<hbm>> -> memref<80x128xf32, #tpu.memory_space<hbm>>
      tpu.enqueue_dma source(%arg13 : memref<80x128xf32, #tpu.memory_space<vmem>>) target(%dma_start3A_142 : memref<80x128xf32, #tpu.memory_space<hbm>>) target_semaphore(%run_scoped3A : memref<!tpu.dma_semaphore, #tpu.memory_space<semaphore_mem>>)
      %dma_wait3A = arith.constant 0 : i32
      %dma_wait3A_143 = tpu.memref_slice %arg6[%arg0, %add3A_117, %dma_wait3A] : memref<2x10240x128xf32, #tpu.memory_space<hbm>> -> memref<1x80x128xf32, #tpu.memory_space<hbm>>
      %dma_wait3A_144 = tpu.memref_squeeze %dma_wait3A_143 : memref<1x80x128xf32, #tpu.memory_space<hbm>> -> memref<80x128xf32, #tpu.memory_space<hbm>>
      %dma_wait3A_145 = arith.constant 0 : i32
      %dma_wait3A_146 = tpu.memref_slice %arg6[%arg0, %add3A_117, %dma_wait3A_145] : memref<2x10240x128xf32, #tpu.memory_space<hbm>> -> memref<1x80x128xf32, #tpu.memory_space<hbm>>
      %dma_wait3A_147 = tpu.memref_squeeze %dma_wait3A_146 : memref<1x80x128xf32, #tpu.memory_space<hbm>> -> memref<80x128xf32, #tpu.memory_space<hbm>>
      tpu.wait_dma2 semaphore(%run_scoped3A : memref<!tpu.dma_semaphore, #tpu.memory_space<semaphore_mem>>) src(%arg13 : memref<80x128xf32, #tpu.memory_space<vmem>>) dst(%dma_wait3A_147 : memref<80x128xf32, #tpu.memory_space<hbm>>)
      tpu.yield
    }) : () -> ()
    %add3A_118 = arith.constant 480 : i32
    %add3A_119 = arith.addi %mul3A_3, %add3A_118 : i32
    "tpu.region"() ({
      %run_scoped3A = tpu.sem_alloc : memref<!tpu.dma_semaphore, #tpu.memory_space<semaphore_mem>>
      %dma_start3A = arith.constant 0 : i32
      %dma_start3A_138 = tpu.memref_slice %arg7[%add3A_119, %dma_start3A] : memref<10240x128xf32, #tpu.memory_space<vmem_shared>> -> memref<80x128xf32, #tpu.memory_space<vmem_shared>>
      %dma_start3A_139 = arith.constant 0 : i32
      %dma_start3A_140 = tpu.memref_slice %arg7[%add3A_119, %dma_start3A_139] : memref<10240x128xf32, #tpu.memory_space<vmem_shared>> -> memref<80x128xf32, #tpu.memory_space<vmem_shared>>
      tpu.enqueue_dma source(%dma_start3A_140 : memref<80x128xf32, #tpu.memory_space<vmem_shared>>) target(%arg12 : memref<80x128xf32, #tpu.memory_space<vmem>>) target_semaphore(%run_scoped3A : memref<!tpu.dma_semaphore, #tpu.memory_space<semaphore_mem>>)
      %dma_wait3A = arith.constant 0 : i32
      %dma_wait3A_141 = tpu.memref_slice %arg7[%add3A_119, %dma_wait3A] : memref<10240x128xf32, #tpu.memory_space<vmem_shared>> -> memref<80x128xf32, #tpu.memory_space<vmem_shared>>
      %dma_wait3A_142 = arith.constant 0 : i32
      %dma_wait3A_143 = tpu.memref_slice %arg7[%add3A_119, %dma_wait3A_142] : memref<10240x128xf32, #tpu.memory_space<vmem_shared>> -> memref<80x128xf32, #tpu.memory_space<vmem_shared>>
      tpu.wait_dma2 semaphore(%run_scoped3A : memref<!tpu.dma_semaphore, #tpu.memory_space<semaphore_mem>>) src(%dma_wait3A_143 : memref<80x128xf32, #tpu.memory_space<vmem_shared>>) dst(%arg12 : memref<80x128xf32, #tpu.memory_space<vmem>>)
      tpu.yield
    }) : () -> ()
    %scan3A_120 = arith.constant 0 : i32
    %scan3A_121 = arith.constant 0 : i32
    %scan3A_122 = arith.constant 80 : i32
    %scan3A_123 = arith.addi %scan3A_121, %scan3A_122 : i32
    %scan3A_124 = arith.constant 1 : i32
    scf.for %scan3A_138 = %scan3A_121 to %scan3A_123 step %scan3A_124  : i32 {
      %get3A = arith.index_cast %scan3A_138 : i32 to index
      %get3A_139 = arith.constant 0 : index
      %get3A_140 = tpu.vector_load %arg12[%get3A, %get3A_139] {strides = array<i32>} : memref<80x128xf32, #tpu.memory_space<vmem>>, vector<1x16xf32>,
      %get3A_141 = vector.shape_cast %get3A_140 : vector<1x16xf32> to vector<16xf32>
      %swap3A = arith.index_cast %scan3A_138 : i32 to index
      %swap3A_142 = arith.constant 0 : index
      %swap3A_143 = tpu.vector_load %arg13[%swap3A, %swap3A_142] {strides = array<i32>} : memref<80x128xf32, #tpu.memory_space<vmem>>, vector<1x16xf32>,
      %swap3A_144 = vector.shape_cast %swap3A_143 : vector<1x16xf32> to vector<16xf32>
      %swap3A_145 = vector.shape_cast %get3A_141 : vector<16xf32> to vector<1x16xf32>
      tpu.vector_store %arg13[%swap3A, %swap3A_142], %swap3A_145 {strides = array<i32>} : memref<80x128xf32, #tpu.memory_space<vmem>>, vector<1x16xf32>,
      %get3A_146 = arith.index_cast %scan3A_138 : i32 to index
      %get3A_147 = arith.constant 16 : index
      %get3A_148 = tpu.vector_load %arg12[%get3A_146, %get3A_147] {strides = array<i32>} : memref<80x128xf32, #tpu.memory_space<vmem>>, vector<1x16xf32>,
      %get3A_149 = vector.shape_cast %get3A_148 : vector<1x16xf32> to vector<16xf32>
      %swap3A_150 = arith.index_cast %scan3A_138 : i32 to index
      %swap3A_151 = arith.constant 16 : index
      %swap3A_152 = tpu.vector_load %arg13[%swap3A_150, %swap3A_151] {strides = array<i32>} : memref<80x128xf32, #tpu.memory_space<vmem>>, vector<1x16xf32>,
      %swap3A_153 = vector.shape_cast %swap3A_152 : vector<1x16xf32> to vector<16xf32>
      %swap3A_154 = vector.shape_cast %get3A_149 : vector<16xf32> to vector<1x16xf32>
      tpu.vector_store %arg13[%swap3A_150, %swap3A_151], %swap3A_154 {strides = array<i32>} : memref<80x128xf32, #tpu.memory_space<vmem>>, vector<1x16xf32>,
      %get3A_155 = arith.index_cast %scan3A_138 : i32 to index
      %get3A_156 = arith.constant 32 : index
      %get3A_157 = tpu.vector_load %arg12[%get3A_155, %get3A_156] {strides = array<i32>} : memref<80x128xf32, #tpu.memory_space<vmem>>, vector<1x16xf32>,
      %get3A_158 = vector.shape_cast %get3A_157 : vector<1x16xf32> to vector<16xf32>
      %swap3A_159 = arith.index_cast %scan3A_138 : i32 to index
      %swap3A_160 = arith.constant 32 : index
      %swap3A_161 = tpu.vector_load %arg13[%swap3A_159, %swap3A_160] {strides = array<i32>} : memref<80x128xf32, #tpu.memory_space<vmem>>, vector<1x16xf32>,
      %swap3A_162 = vector.shape_cast %swap3A_161 : vector<1x16xf32> to vector<16xf32>
      %swap3A_163 = vector.shape_cast %get3A_158 : vector<16xf32> to vector<1x16xf32>
      tpu.vector_store %arg13[%swap3A_159, %swap3A_160], %swap3A_163 {strides = array<i32>} : memref<80x128xf32, #tpu.memory_space<vmem>>, vector<1x16xf32>,
      %get3A_164 = arith.index_cast %scan3A_138 : i32 to index
      %get3A_165 = arith.constant 48 : index
      %get3A_166 = tpu.vector_load %arg12[%get3A_164, %get3A_165] {strides = array<i32>} : memref<80x128xf32, #tpu.memory_space<vmem>>, vector<1x16xf32>,
      %get3A_167 = vector.shape_cast %get3A_166 : vector<1x16xf32> to vector<16xf32>
      %swap3A_168 = arith.index_cast %scan3A_138 : i32 to index
      %swap3A_169 = arith.constant 48 : index
      %swap3A_170 = tpu.vector_load %arg13[%swap3A_168, %swap3A_169] {strides = array<i32>} : memref<80x128xf32, #tpu.memory_space<vmem>>, vector<1x16xf32>,
      %swap3A_171 = vector.shape_cast %swap3A_170 : vector<1x16xf32> to vector<16xf32>
      %swap3A_172 = vector.shape_cast %get3A_167 : vector<16xf32> to vector<1x16xf32>
      tpu.vector_store %arg13[%swap3A_168, %swap3A_169], %swap3A_172 {strides = array<i32>} : memref<80x128xf32, #tpu.memory_space<vmem>>, vector<1x16xf32>,
      %get3A_173 = arith.index_cast %scan3A_138 : i32 to index
      %get3A_174 = arith.constant 64 : index
      %get3A_175 = tpu.vector_load %arg12[%get3A_173, %get3A_174] {strides = array<i32>} : memref<80x128xf32, #tpu.memory_space<vmem>>, vector<1x16xf32>,
      %get3A_176 = vector.shape_cast %get3A_175 : vector<1x16xf32> to vector<16xf32>
      %swap3A_177 = arith.index_cast %scan3A_138 : i32 to index
      %swap3A_178 = arith.constant 64 : index
      %swap3A_179 = tpu.vector_load %arg13[%swap3A_177, %swap3A_178] {strides = array<i32>} : memref<80x128xf32, #tpu.memory_space<vmem>>, vector<1x16xf32>,
      %swap3A_180 = vector.shape_cast %swap3A_179 : vector<1x16xf32> to vector<16xf32>
      %swap3A_181 = vector.shape_cast %get3A_176 : vector<16xf32> to vector<1x16xf32>
      tpu.vector_store %arg13[%swap3A_177, %swap3A_178], %swap3A_181 {strides = array<i32>} : memref<80x128xf32, #tpu.memory_space<vmem>>, vector<1x16xf32>,
      %get3A_182 = arith.index_cast %scan3A_138 : i32 to index
      %get3A_183 = arith.constant 80 : index
      %get3A_184 = tpu.vector_load %arg12[%get3A_182, %get3A_183] {strides = array<i32>} : memref<80x128xf32, #tpu.memory_space<vmem>>, vector<1x16xf32>,
      %get3A_185 = vector.shape_cast %get3A_184 : vector<1x16xf32> to vector<16xf32>
      %swap3A_186 = arith.index_cast %scan3A_138 : i32 to index
      %swap3A_187 = arith.constant 80 : index
      %swap3A_188 = tpu.vector_load %arg13[%swap3A_186, %swap3A_187] {strides = array<i32>} : memref<80x128xf32, #tpu.memory_space<vmem>>, vector<1x16xf32>,
      %swap3A_189 = vector.shape_cast %swap3A_188 : vector<1x16xf32> to vector<16xf32>
      %swap3A_190 = vector.shape_cast %get3A_185 : vector<16xf32> to vector<1x16xf32>
      tpu.vector_store %arg13[%swap3A_186, %swap3A_187], %swap3A_190 {strides = array<i32>} : memref<80x128xf32, #tpu.memory_space<vmem>>, vector<1x16xf32>,
      %get3A_191 = arith.index_cast %scan3A_138 : i32 to index
      %get3A_192 = arith.constant 96 : index
      %get3A_193 = tpu.vector_load %arg12[%get3A_191, %get3A_192] {strides = array<i32>} : memref<80x128xf32, #tpu.memory_space<vmem>>, vector<1x16xf32>,
      %get3A_194 = vector.shape_cast %get3A_193 : vector<1x16xf32> to vector<16xf32>
      %swap3A_195 = arith.index_cast %scan3A_138 : i32 to index
      %swap3A_196 = arith.constant 96 : index
      %swap3A_197 = tpu.vector_load %arg13[%swap3A_195, %swap3A_196] {strides = array<i32>} : memref<80x128xf32, #tpu.memory_space<vmem>>, vector<1x16xf32>,
      %swap3A_198 = vector.shape_cast %swap3A_197 : vector<1x16xf32> to vector<16xf32>
      %swap3A_199 = vector.shape_cast %get3A_194 : vector<16xf32> to vector<1x16xf32>
      tpu.vector_store %arg13[%swap3A_195, %swap3A_196], %swap3A_199 {strides = array<i32>} : memref<80x128xf32, #tpu.memory_space<vmem>>, vector<1x16xf32>,
      %get3A_200 = arith.index_cast %scan3A_138 : i32 to index
      %get3A_201 = arith.constant 112 : index
      %get3A_202 = tpu.vector_load %arg12[%get3A_200, %get3A_201] {strides = array<i32>} : memref<80x128xf32, #tpu.memory_space<vmem>>, vector<1x16xf32>,
      %get3A_203 = vector.shape_cast %get3A_202 : vector<1x16xf32> to vector<16xf32>
      %swap3A_204 = arith.index_cast %scan3A_138 : i32 to index
      %swap3A_205 = arith.constant 112 : index
      %swap3A_206 = tpu.vector_load %arg13[%swap3A_204, %swap3A_205] {strides = array<i32>} : memref<80x128xf32, #tpu.memory_space<vmem>>, vector<1x16xf32>,
      %swap3A_207 = vector.shape_cast %swap3A_206 : vector<1x16xf32> to vector<16xf32>
      %swap3A_208 = vector.shape_cast %get3A_203 : vector<16xf32> to vector<1x16xf32>
      tpu.vector_store %arg13[%swap3A_204, %swap3A_205], %swap3A_208 {strides = array<i32>} : memref<80x128xf32, #tpu.memory_space<vmem>>, vector<1x16xf32>,
    }
    %scan3A_125 = arith.constant 80 : i32
    %add3A_126 = arith.constant 480 : i32
    %add3A_127 = arith.addi %mul3A_3, %add3A_126 : i32
    "tpu.region"() ({
      %run_scoped3A = tpu.sem_alloc : memref<!tpu.dma_semaphore, #tpu.memory_space<semaphore_mem>>
      %dma_start3A = arith.constant 0 : i32
      %dma_start3A_138 = tpu.memref_slice %arg6[%arg0, %add3A_127, %dma_start3A] : memref<2x10240x128xf32, #tpu.memory_space<hbm>> -> memref<1x80x128xf32, #tpu.memory_space<hbm>>
      %dma_start3A_139 = tpu.memref_squeeze %dma_start3A_138 : memref<1x80x128xf32, #tpu.memory_space<hbm>> -> memref<80x128xf32, #tpu.memory_space<hbm>>
      %dma_start3A_140 = arith.constant 0 : i32
      %dma_start3A_141 = tpu.memref_slice %arg6[%arg0, %add3A_127, %dma_start3A_140] : memref<2x10240x128xf32, #tpu.memory_space<hbm>> -> memref<1x80x128xf32, #tpu.memory_space<hbm>>
      %dma_start3A_142 = tpu.memref_squeeze %dma_start3A_141 : memref<1x80x128xf32, #tpu.memory_space<hbm>> -> memref<80x128xf32, #tpu.memory_space<hbm>>
      tpu.enqueue_dma source(%arg13 : memref<80x128xf32, #tpu.memory_space<vmem>>) target(%dma_start3A_142 : memref<80x128xf32, #tpu.memory_space<hbm>>) target_semaphore(%run_scoped3A : memref<!tpu.dma_semaphore, #tpu.memory_space<semaphore_mem>>)
      %dma_wait3A = arith.constant 0 : i32
      %dma_wait3A_143 = tpu.memref_slice %arg6[%arg0, %add3A_127, %dma_wait3A] : memref<2x10240x128xf32, #tpu.memory_space<hbm>> -> memref<1x80x128xf32, #tpu.memory_space<hbm>>
      %dma_wait3A_144 = tpu.memref_squeeze %dma_wait3A_143 : memref<1x80x128xf32, #tpu.memory_space<hbm>> -> memref<80x128xf32, #tpu.memory_space<hbm>>
      %dma_wait3A_145 = arith.constant 0 : i32
      %dma_wait3A_146 = tpu.memref_slice %arg6[%arg0, %add3A_127, %dma_wait3A_145] : memref<2x10240x128xf32, #tpu.memory_space<hbm>> -> memref<1x80x128xf32, #tpu.memory_space<hbm>>
      %dma_wait3A_147 = tpu.memref_squeeze %dma_wait3A_146 : memref<1x80x128xf32, #tpu.memory_space<hbm>> -> memref<80x128xf32, #tpu.memory_space<hbm>>
      tpu.wait_dma2 semaphore(%run_scoped3A : memref<!tpu.dma_semaphore, #tpu.memory_space<semaphore_mem>>) src(%arg13 : memref<80x128xf32, #tpu.memory_space<vmem>>) dst(%dma_wait3A_147 : memref<80x128xf32, #tpu.memory_space<hbm>>)
      tpu.yield
    }) : () -> ()
    %add3A_128 = arith.constant 560 : i32
    %add3A_129 = arith.addi %mul3A_3, %add3A_128 : i32
    "tpu.region"() ({
      %run_scoped3A = tpu.sem_alloc : memref<!tpu.dma_semaphore, #tpu.memory_space<semaphore_mem>>
      %dma_start3A = arith.constant 0 : i32
      %dma_start3A_138 = tpu.memref_slice %arg7[%add3A_129, %dma_start3A] : memref<10240x128xf32, #tpu.memory_space<vmem_shared>> -> memref<80x128xf32, #tpu.memory_space<vmem_shared>>
      %dma_start3A_139 = arith.constant 0 : i32
      %dma_start3A_140 = tpu.memref_slice %arg7[%add3A_129, %dma_start3A_139] : memref<10240x128xf32, #tpu.memory_space<vmem_shared>> -> memref<80x128xf32, #tpu.memory_space<vmem_shared>>
      tpu.enqueue_dma source(%dma_start3A_140 : memref<80x128xf32, #tpu.memory_space<vmem_shared>>) target(%arg12 : memref<80x128xf32, #tpu.memory_space<vmem>>) target_semaphore(%run_scoped3A : memref<!tpu.dma_semaphore, #tpu.memory_space<semaphore_mem>>)
      %dma_wait3A = arith.constant 0 : i32
      %dma_wait3A_141 = tpu.memref_slice %arg7[%add3A_129, %dma_wait3A] : memref<10240x128xf32, #tpu.memory_space<vmem_shared>> -> memref<80x128xf32, #tpu.memory_space<vmem_shared>>
      %dma_wait3A_142 = arith.constant 0 : i32
      %dma_wait3A_143 = tpu.memref_slice %arg7[%add3A_129, %dma_wait3A_142] : memref<10240x128xf32, #tpu.memory_space<vmem_shared>> -> memref<80x128xf32, #tpu.memory_space<vmem_shared>>
      tpu.wait_dma2 semaphore(%run_scoped3A : memref<!tpu.dma_semaphore, #tpu.memory_space<semaphore_mem>>) src(%dma_wait3A_143 : memref<80x128xf32, #tpu.memory_space<vmem_shared>>) dst(%arg12 : memref<80x128xf32, #tpu.memory_space<vmem>>)
      tpu.yield
    }) : () -> ()
    %scan3A_130 = arith.constant 0 : i32
    %scan3A_131 = arith.constant 0 : i32
    %scan3A_132 = arith.constant 80 : i32
    %scan3A_133 = arith.addi %scan3A_131, %scan3A_132 : i32
    %scan3A_134 = arith.constant 1 : i32
    scf.for %scan3A_138 = %scan3A_131 to %scan3A_133 step %scan3A_134  : i32 {
      %get3A = arith.index_cast %scan3A_138 : i32 to index
      %get3A_139 = arith.constant 0 : index
      %get3A_140 = tpu.vector_load %arg12[%get3A, %get3A_139] {strides = array<i32>} : memref<80x128xf32, #tpu.memory_space<vmem>>, vector<1x16xf32>,
      %get3A_141 = vector.shape_cast %get3A_140 : vector<1x16xf32> to vector<16xf32>
      %swap3A = arith.index_cast %scan3A_138 : i32 to index
      %swap3A_142 = arith.constant 0 : index
      %swap3A_143 = tpu.vector_load %arg13[%swap3A, %swap3A_142] {strides = array<i32>} : memref<80x128xf32, #tpu.memory_space<vmem>>, vector<1x16xf32>,
      %swap3A_144 = vector.shape_cast %swap3A_143 : vector<1x16xf32> to vector<16xf32>
      %swap3A_145 = vector.shape_cast %get3A_141 : vector<16xf32> to vector<1x16xf32>
      tpu.vector_store %arg13[%swap3A, %swap3A_142], %swap3A_145 {strides = array<i32>} : memref<80x128xf32, #tpu.memory_space<vmem>>, vector<1x16xf32>,
      %get3A_146 = arith.index_cast %scan3A_138 : i32 to index
      %get3A_147 = arith.constant 16 : index
      %get3A_148 = tpu.vector_load %arg12[%get3A_146, %get3A_147] {strides = array<i32>} : memref<80x128xf32, #tpu.memory_space<vmem>>, vector<1x16xf32>,
      %get3A_149 = vector.shape_cast %get3A_148 : vector<1x16xf32> to vector<16xf32>
      %swap3A_150 = arith.index_cast %scan3A_138 : i32 to index
      %swap3A_151 = arith.constant 16 : index
      %swap3A_152 = tpu.vector_load %arg13[%swap3A_150, %swap3A_151] {strides = array<i32>} : memref<80x128xf32, #tpu.memory_space<vmem>>, vector<1x16xf32>,
      %swap3A_153 = vector.shape_cast %swap3A_152 : vector<1x16xf32> to vector<16xf32>
      %swap3A_154 = vector.shape_cast %get3A_149 : vector<16xf32> to vector<1x16xf32>
      tpu.vector_store %arg13[%swap3A_150, %swap3A_151], %swap3A_154 {strides = array<i32>} : memref<80x128xf32, #tpu.memory_space<vmem>>, vector<1x16xf32>,
      %get3A_155 = arith.index_cast %scan3A_138 : i32 to index
      %get3A_156 = arith.constant 32 : index
      %get3A_157 = tpu.vector_load %arg12[%get3A_155, %get3A_156] {strides = array<i32>} : memref<80x128xf32, #tpu.memory_space<vmem>>, vector<1x16xf32>,
      %get3A_158 = vector.shape_cast %get3A_157 : vector<1x16xf32> to vector<16xf32>
      %swap3A_159 = arith.index_cast %scan3A_138 : i32 to index
      %swap3A_160 = arith.constant 32 : index
      %swap3A_161 = tpu.vector_load %arg13[%swap3A_159, %swap3A_160] {strides = array<i32>} : memref<80x128xf32, #tpu.memory_space<vmem>>, vector<1x16xf32>,
      %swap3A_162 = vector.shape_cast %swap3A_161 : vector<1x16xf32> to vector<16xf32>
      %swap3A_163 = vector.shape_cast %get3A_158 : vector<16xf32> to vector<1x16xf32>
      tpu.vector_store %arg13[%swap3A_159, %swap3A_160], %swap3A_163 {strides = array<i32>} : memref<80x128xf32, #tpu.memory_space<vmem>>, vector<1x16xf32>,
      %get3A_164 = arith.index_cast %scan3A_138 : i32 to index
      %get3A_165 = arith.constant 48 : index
      %get3A_166 = tpu.vector_load %arg12[%get3A_164, %get3A_165] {strides = array<i32>} : memref<80x128xf32, #tpu.memory_space<vmem>>, vector<1x16xf32>,
      %get3A_167 = vector.shape_cast %get3A_166 : vector<1x16xf32> to vector<16xf32>
      %swap3A_168 = arith.index_cast %scan3A_138 : i32 to index
      %swap3A_169 = arith.constant 48 : index
      %swap3A_170 = tpu.vector_load %arg13[%swap3A_168, %swap3A_169] {strides = array<i32>} : memref<80x128xf32, #tpu.memory_space<vmem>>, vector<1x16xf32>,
      %swap3A_171 = vector.shape_cast %swap3A_170 : vector<1x16xf32> to vector<16xf32>
      %swap3A_172 = vector.shape_cast %get3A_167 : vector<16xf32> to vector<1x16xf32>
      tpu.vector_store %arg13[%swap3A_168, %swap3A_169], %swap3A_172 {strides = array<i32>} : memref<80x128xf32, #tpu.memory_space<vmem>>, vector<1x16xf32>,
      %get3A_173 = arith.index_cast %scan3A_138 : i32 to index
      %get3A_174 = arith.constant 64 : index
      %get3A_175 = tpu.vector_load %arg12[%get3A_173, %get3A_174] {strides = array<i32>} : memref<80x128xf32, #tpu.memory_space<vmem>>, vector<1x16xf32>,
      %get3A_176 = vector.shape_cast %get3A_175 : vector<1x16xf32> to vector<16xf32>
      %swap3A_177 = arith.index_cast %scan3A_138 : i32 to index
      %swap3A_178 = arith.constant 64 : index
      %swap3A_179 = tpu.vector_load %arg13[%swap3A_177, %swap3A_178] {strides = array<i32>} : memref<80x128xf32, #tpu.memory_space<vmem>>, vector<1x16xf32>,
      %swap3A_180 = vector.shape_cast %swap3A_179 : vector<1x16xf32> to vector<16xf32>
      %swap3A_181 = vector.shape_cast %get3A_176 : vector<16xf32> to vector<1x16xf32>
      tpu.vector_store %arg13[%swap3A_177, %swap3A_178], %swap3A_181 {strides = array<i32>} : memref<80x128xf32, #tpu.memory_space<vmem>>, vector<1x16xf32>,
      %get3A_182 = arith.index_cast %scan3A_138 : i32 to index
      %get3A_183 = arith.constant 80 : index
      %get3A_184 = tpu.vector_load %arg12[%get3A_182, %get3A_183] {strides = array<i32>} : memref<80x128xf32, #tpu.memory_space<vmem>>, vector<1x16xf32>,
      %get3A_185 = vector.shape_cast %get3A_184 : vector<1x16xf32> to vector<16xf32>
      %swap3A_186 = arith.index_cast %scan3A_138 : i32 to index
      %swap3A_187 = arith.constant 80 : index
      %swap3A_188 = tpu.vector_load %arg13[%swap3A_186, %swap3A_187] {strides = array<i32>} : memref<80x128xf32, #tpu.memory_space<vmem>>, vector<1x16xf32>,
      %swap3A_189 = vector.shape_cast %swap3A_188 : vector<1x16xf32> to vector<16xf32>
      %swap3A_190 = vector.shape_cast %get3A_185 : vector<16xf32> to vector<1x16xf32>
      tpu.vector_store %arg13[%swap3A_186, %swap3A_187], %swap3A_190 {strides = array<i32>} : memref<80x128xf32, #tpu.memory_space<vmem>>, vector<1x16xf32>,
      %get3A_191 = arith.index_cast %scan3A_138 : i32 to index
      %get3A_192 = arith.constant 96 : index
      %get3A_193 = tpu.vector_load %arg12[%get3A_191, %get3A_192] {strides = array<i32>} : memref<80x128xf32, #tpu.memory_space<vmem>>, vector<1x16xf32>,
      %get3A_194 = vector.shape_cast %get3A_193 : vector<1x16xf32> to vector<16xf32>
      %swap3A_195 = arith.index_cast %scan3A_138 : i32 to index
      %swap3A_196 = arith.constant 96 : index
      %swap3A_197 = tpu.vector_load %arg13[%swap3A_195, %swap3A_196] {strides = array<i32>} : memref<80x128xf32, #tpu.memory_space<vmem>>, vector<1x16xf32>,
      %swap3A_198 = vector.shape_cast %swap3A_197 : vector<1x16xf32> to vector<16xf32>
      %swap3A_199 = vector.shape_cast %get3A_194 : vector<16xf32> to vector<1x16xf32>
      tpu.vector_store %arg13[%swap3A_195, %swap3A_196], %swap3A_199 {strides = array<i32>} : memref<80x128xf32, #tpu.memory_space<vmem>>, vector<1x16xf32>,
      %get3A_200 = arith.index_cast %scan3A_138 : i32 to index
      %get3A_201 = arith.constant 112 : index
      %get3A_202 = tpu.vector_load %arg12[%get3A_200, %get3A_201] {strides = array<i32>} : memref<80x128xf32, #tpu.memory_space<vmem>>, vector<1x16xf32>,
      %get3A_203 = vector.shape_cast %get3A_202 : vector<1x16xf32> to vector<16xf32>
      %swap3A_204 = arith.index_cast %scan3A_138 : i32 to index
      %swap3A_205 = arith.constant 112 : index
      %swap3A_206 = tpu.vector_load %arg13[%swap3A_204, %swap3A_205] {strides = array<i32>} : memref<80x128xf32, #tpu.memory_space<vmem>>, vector<1x16xf32>,
      %swap3A_207 = vector.shape_cast %swap3A_206 : vector<1x16xf32> to vector<16xf32>
      %swap3A_208 = vector.shape_cast %get3A_203 : vector<16xf32> to vector<1x16xf32>
      tpu.vector_store %arg13[%swap3A_204, %swap3A_205], %swap3A_208 {strides = array<i32>} : memref<80x128xf32, #tpu.memory_space<vmem>>, vector<1x16xf32>,
    }
    %scan3A_135 = arith.constant 80 : i32
    %add3A_136 = arith.constant 560 : i32
    %add3A_137 = arith.addi %mul3A_3, %add3A_136 : i32
    "tpu.region"() ({
      %run_scoped3A = tpu.sem_alloc : memref<!tpu.dma_semaphore, #tpu.memory_space<semaphore_mem>>
      %dma_start3A = arith.constant 0 : i32
      %dma_start3A_138 = tpu.memref_slice %arg6[%arg0, %add3A_137, %dma_start3A] : memref<2x10240x128xf32, #tpu.memory_space<hbm>> -> memref<1x80x128xf32, #tpu.memory_space<hbm>>
      %dma_start3A_139 = tpu.memref_squeeze %dma_start3A_138 : memref<1x80x128xf32, #tpu.memory_space<hbm>> -> memref<80x128xf32, #tpu.memory_space<hbm>>
      %dma_start3A_140 = arith.constant 0 : i32
      %dma_start3A_141 = tpu.memref_slice %arg6[%arg0, %add3A_137, %dma_start3A_140] : memref<2x10240x128xf32, #tpu.memory_space<hbm>> -> memref<1x80x128xf32, #tpu.memory_space<hbm>>
      %dma_start3A_142 = tpu.memref_squeeze %dma_start3A_141 : memref<1x80x128xf32, #tpu.memory_space<hbm>> -> memref<80x128xf32, #tpu.memory_space<hbm>>
      tpu.enqueue_dma source(%arg13 : memref<80x128xf32, #tpu.memory_space<vmem>>) target(%dma_start3A_142 : memref<80x128xf32, #tpu.memory_space<hbm>>) target_semaphore(%run_scoped3A : memref<!tpu.dma_semaphore, #tpu.memory_space<semaphore_mem>>)
      %dma_wait3A = arith.constant 0 : i32
      %dma_wait3A_143 = tpu.memref_slice %arg6[%arg0, %add3A_137, %dma_wait3A] : memref<2x10240x128xf32, #tpu.memory_space<hbm>> -> memref<1x80x128xf32, #tpu.memory_space<hbm>>
      %dma_wait3A_144 = tpu.memref_squeeze %dma_wait3A_143 : memref<1x80x128xf32, #tpu.memory_space<hbm>> -> memref<80x128xf32, #tpu.memory_space<hbm>>
      %dma_wait3A_145 = arith.constant 0 : i32
      %dma_wait3A_146 = tpu.memref_slice %arg6[%arg0, %add3A_137, %dma_wait3A_145] : memref<2x10240x128xf32, #tpu.memory_space<hbm>> -> memref<1x80x128xf32, #tpu.memory_space<hbm>>
      %dma_wait3A_147 = tpu.memref_squeeze %dma_wait3A_146 : memref<1x80x128xf32, #tpu.memory_space<hbm>> -> memref<80x128xf32, #tpu.memory_space<hbm>>
      tpu.wait_dma2 semaphore(%run_scoped3A : memref<!tpu.dma_semaphore, #tpu.memory_space<semaphore_mem>>) src(%arg13 : memref<80x128xf32, #tpu.memory_space<vmem>>) dst(%dma_wait3A_147 : memref<80x128xf32, #tpu.memory_space<hbm>>)
      tpu.yield
    }) : () -> ()
    return
  }
}

#map = affine_map<(d0, d1) -> (0)>
#map1 = affine_map<(d0, d1) -> (0, 0)>
#map2 = affine_map<(d0, d1) -> (0, 0, 0)>
module attributes {stable_mosaic.version = 14 : i64} {
  func.func @_edge_body(%arg0: i32, %arg1: i32, %arg2: memref<320000xi32, #tpu.memory_space<hbm>>, %arg3: memref<320000xi32, #tpu.memory_space<hbm>>, %arg4: memref<10240x128xf32, #tpu.memory_space<hbm>>, %arg5: memref<10240x128xf32, #tpu.memory_space<hbm>>, %arg6: memref<2x10240x128xf32, #tpu.memory_space<hbm>>, %arg7: memref<10240x128xf32, #tpu.memory_space<vmem_shared>>, %arg8: memref<80xi32, #tpu.memory_space<vmem>>, %arg9: memref<80xi32, #tpu.memory_space<vmem>>, %arg10: memref<80x128xf32, #tpu.memory_space<vmem>>, %arg11: memref<80x128xf32, #tpu.memory_space<vmem>>, %arg12: memref<80x128xf32, #tpu.memory_space<vmem>>, %arg13: memref<80x128xf32, #tpu.memory_space<vmem>>, %arg14: memref<!tpu.dma_semaphore, #tpu.memory_space<semaphore_mem>>, %arg15: memref<!tpu.dma_semaphore, #tpu.memory_space<semaphore_mem>>) attributes {dimension_semantics = [#tpu.dimension_semantics<core_parallel>, #tpu.dimension_semantics<subcore_parallel>], iteration_bounds = array<i64: 2, 16>, scalar_prefetch = 0 : i64, scratch_operands = 9 : i64, tpu.core_type = #tpu.core_type<sc_vector_subcore>, window_params = [{transform_indices = #map}, {transform_indices = #map}, {transform_indices = #map1}, {transform_indices = #map1}, {transform_indices = #map2}]} {
    %mul3A = arith.constant 2 : i32
    %mul3A_0 = arith.muli %arg1, %mul3A : i32
    %add3A = arith.addi %mul3A_0, %arg0 : i32
    %broadcast_in_dim3A = arith.constant 0.000000e+00 : f32
    %broadcast_in_dim3A_1 = vector.broadcast %broadcast_in_dim3A : f32 to vector<16xf32>
    %iota3A = tpu.iota {dimensions = array<i32: 0>} : vector<16xi32>
    %mul3A_2 = arith.constant 640 : i32
    %mul3A_3 = arith.muli %arg1, %mul3A_2 : i32
    %scan3A = arith.constant 0 : i32
    %scan3A_4 = arith.constant 0 : i32
    %scan3A_5 = arith.constant 80 : i32
    %scan3A_6 = arith.addi %scan3A_4, %scan3A_5 : i32
    %scan3A_7 = arith.constant 1 : i32
    scf.for %scan3A_138 = %scan3A_4 to %scan3A_6 step %scan3A_7  : i32 {
      %swap3A = arith.index_cast %scan3A_138 : i32 to index
      %swap3A_139 = arith.constant 0 : index
      %swap3A_140 = tpu.vector_load %arg13[%swap3A, %swap3A_139] {strides = array<i32>} : memref<80x128xf32, #tpu.memory_space<vmem>>, vector<1x16xf32>,
      %swap3A_141 = vector.shape_cast %swap3A_140 : vector<1x16xf32> to vector<16xf32>
      %swap3A_142 = vector.shape_cast %broadcast_in_dim3A_1 : vector<16xf32> to vector<1x16xf32>
      tpu.vector_store %arg13[%swap3A, %swap3A_139], %swap3A_142 {strides = array<i32>} : memref<80x128xf32, #tpu.memory_space<vmem>>, vector<1x16xf32>,
      %swap3A_143 = arith.index_cast %scan3A_138 : i32 to index
      %swap3A_144 = arith.constant 16 : index
      %swap3A_145 = tpu.vector_load %arg13[%swap3A_143, %swap3A_144] {strides = array<i32>} : memref<80x128xf32, #tpu.memory_space<vmem>>, vector<1x16xf32>,
      %swap3A_146 = vector.shape_cast %swap3A_145 : vector<1x16xf32> to vector<16xf32>
      %swap3A_147 = vector.shape_cast %broadcast_in_dim3A_1 : vector<16xf32> to vector<1x16xf32>
      tpu.vector_store %arg13[%swap3A_143, %swap3A_144], %swap3A_147 {strides = array<i32>} : memref<80x128xf32, #tpu.memory_space<vmem>>, vector<1x16xf32>,
      %swap3A_148 = arith.index_cast %scan3A_138 : i32 to index
      %swap3A_149 = arith.constant 32 : index
      %swap3A_150 = tpu.vector_load %arg13[%swap3A_148, %swap3A_149] {strides = array<i32>} : memref<80x128xf32, #tpu.memory_space<vmem>>, vector<1x16xf32>,
      %swap3A_151 = vector.shape_cast %swap3A_150 : vector<1x16xf32> to vector<16xf32>
      %swap3A_152 = vector.shape_cast %broadcast_in_dim3A_1 : vector<16xf32> to vector<1x16xf32>
      tpu.vector_store %arg13[%swap3A_148, %swap3A_149], %swap3A_152 {strides = array<i32>} : memref<80x128xf32, #tpu.memory_space<vmem>>, vector<1x16xf32>,
      %swap3A_153 = arith.index_cast %scan3A_138 : i32 to index
      %swap3A_154 = arith.constant 48 : index
      %swap3A_155 = tpu.vector_load %arg13[%swap3A_153, %swap3A_154] {strides = array<i32>} : memref<80x128xf32, #tpu.memory_space<vmem>>, vector<1x16xf32>,
      %swap3A_156 = vector.shape_cast %swap3A_155 : vector<1x16xf32> to vector<16xf32>
      %swap3A_157 = vector.shape_cast %broadcast_in_dim3A_1 : vector<16xf32> to vector<1x16xf32>
      tpu.vector_store %arg13[%swap3A_153, %swap3A_154], %swap3A_157 {strides = array<i32>} : memref<80x128xf32, #tpu.memory_space<vmem>>, vector<1x16xf32>,
      %swap3A_158 = arith.index_cast %scan3A_138 : i32 to index
      %swap3A_159 = arith.constant 64 : index
      %swap3A_160 = tpu.vector_load %arg13[%swap3A_158, %swap3A_159] {strides = array<i32>} : memref<80x128xf32, #tpu.memory_space<vmem>>, vector<1x16xf32>,
      %swap3A_161 = vector.shape_cast %swap3A_160 : vector<1x16xf32> to vector<16xf32>
      %swap3A_162 = vector.shape_cast %broadcast_in_dim3A_1 : vector<16xf32> to vector<1x16xf32>
      tpu.vector_store %arg13[%swap3A_158, %swap3A_159], %swap3A_162 {strides = array<i32>} : memref<80x128xf32, #tpu.memory_space<vmem>>, vector<1x16xf32>,
      %swap3A_163 = arith.index_cast %scan3A_138 : i32 to index
      %swap3A_164 = arith.constant 80 : index
      %swap3A_165 = tpu.vector_load %arg13[%swap3A_163, %swap3A_164] {strides = array<i32>} : memref<80x128xf32, #tpu.memory_space<vmem>>, vector<1x16xf32>,
      %swap3A_166 = vector.shape_cast %swap3A_165 : vector<1x16xf32> to vector<16xf32>
      %swap3A_167 = vector.shape_cast %broadcast_in_dim3A_1 : vector<16xf32> to vector<1x16xf32>
      tpu.vector_store %arg13[%swap3A_163, %swap3A_164], %swap3A_167 {strides = array<i32>} : memref<80x128xf32, #tpu.memory_space<vmem>>, vector<1x16xf32>,
      %swap3A_168 = arith.index_cast %scan3A_138 : i32 to index
      %swap3A_169 = arith.constant 96 : index
      %swap3A_170 = tpu.vector_load %arg13[%swap3A_168, %swap3A_169] {strides = array<i32>} : memref<80x128xf32, #tpu.memory_space<vmem>>, vector<1x16xf32>,
      %swap3A_171 = vector.shape_cast %swap3A_170 : vector<1x16xf32> to vector<16xf32>
      %swap3A_172 = vector.shape_cast %broadcast_in_dim3A_1 : vector<16xf32> to vector<1x16xf32>
      tpu.vector_store %arg13[%swap3A_168, %swap3A_169], %swap3A_172 {strides = array<i32>} : memref<80x128xf32, #tpu.memory_space<vmem>>, vector<1x16xf32>,
      %swap3A_173 = arith.index_cast %scan3A_138 : i32 to index
      %swap3A_174 = arith.constant 112 : index
      %swap3A_175 = tpu.vector_load %arg13[%swap3A_173, %swap3A_174] {strides = array<i32>} : memref<80x128xf32, #tpu.memory_space<vmem>>, vector<1x16xf32>,
      %swap3A_176 = vector.shape_cast %swap3A_175 : vector<1x16xf32> to vector<16xf32>
      %swap3A_177 = vector.shape_cast %broadcast_in_dim3A_1 : vector<16xf32> to vector<1x16xf32>
      tpu.vector_store %arg13[%swap3A_173, %swap3A_174], %swap3A_177 {strides = array<i32>} : memref<80x128xf32, #tpu.memory_space<vmem>>, vector<1x16xf32>,
      %swap3A_178 = arith.index_cast %scan3A_138 : i32 to index
      %swap3A_179 = arith.constant 0 : index
      %swap3A_180 = tpu.vector_load %arg12[%swap3A_178, %swap3A_179] {strides = array<i32>} : memref<80x128xf32, #tpu.memory_space<vmem>>, vector<1x16xf32>,
      %swap3A_181 = vector.shape_cast %swap3A_180 : vector<1x16xf32> to vector<16xf32>
      %swap3A_182 = vector.shape_cast %broadcast_in_dim3A_1 : vector<16xf32> to vector<1x16xf32>
      tpu.vector_store %arg12[%swap3A_178, %swap3A_179], %swap3A_182 {strides = array<i32>} : memref<80x128xf32, #tpu.memory_space<vmem>>, vector<1x16xf32>,
      %swap3A_183 = arith.index_cast %scan3A_138 : i32 to index
      %swap3A_184 = arith.constant 16 : index
      %swap3A_185 = tpu.vector_load %arg12[%swap3A_183, %swap3A_184] {strides = array<i32>} : memref<80x128xf32, #tpu.memory_space<vmem>>, vector<1x16xf32>,
      %swap3A_186 = vector.shape_cast %swap3A_185 : vector<1x16xf32> to vector<16xf32>
      %swap3A_187 = vector.shape_cast %broadcast_in_dim3A_1 : vector<16xf32> to vector<1x16xf32>
      tpu.vector_store %arg12[%swap3A_183, %swap3A_184], %swap3A_187 {strides = array<i32>} : memref<80x128xf32, #tpu.memory_space<vmem>>, vector<1x16xf32>,
      %swap3A_188 = arith.index_cast %scan3A_138 : i32 to index
      %swap3A_189 = arith.constant 32 : index
      %swap3A_190 = tpu.vector_load %arg12[%swap3A_188, %swap3A_189] {strides = array<i32>} : memref<80x128xf32, #tpu.memory_space<vmem>>, vector<1x16xf32>,
      %swap3A_191 = vector.shape_cast %swap3A_190 : vector<1x16xf32> to vector<16xf32>
      %swap3A_192 = vector.shape_cast %broadcast_in_dim3A_1 : vector<16xf32> to vector<1x16xf32>
      tpu.vector_store %arg12[%swap3A_188, %swap3A_189], %swap3A_192 {strides = array<i32>} : memref<80x128xf32, #tpu.memory_space<vmem>>, vector<1x16xf32>,
      %swap3A_193 = arith.index_cast %scan3A_138 : i32 to index
      %swap3A_194 = arith.constant 48 : index
      %swap3A_195 = tpu.vector_load %arg12[%swap3A_193, %swap3A_194] {strides = array<i32>} : memref<80x128xf32, #tpu.memory_space<vmem>>, vector<1x16xf32>,
      %swap3A_196 = vector.shape_cast %swap3A_195 : vector<1x16xf32> to vector<16xf32>
      %swap3A_197 = vector.shape_cast %broadcast_in_dim3A_1 : vector<16xf32> to vector<1x16xf32>
      tpu.vector_store %arg12[%swap3A_193, %swap3A_194], %swap3A_197 {strides = array<i32>} : memref<80x128xf32, #tpu.memory_space<vmem>>, vector<1x16xf32>,
      %swap3A_198 = arith.index_cast %scan3A_138 : i32 to index
      %swap3A_199 = arith.constant 64 : index
      %swap3A_200 = tpu.vector_load %arg12[%swap3A_198, %swap3A_199] {strides = array<i32>} : memref<80x128xf32, #tpu.memory_space<vmem>>, vector<1x16xf32>,
      %swap3A_201 = vector.shape_cast %swap3A_200 : vector<1x16xf32> to vector<16xf32>
      %swap3A_202 = vector.shape_cast %broadcast_in_dim3A_1 : vector<16xf32> to vector<1x16xf32>
      tpu.vector_store %arg12[%swap3A_198, %swap3A_199], %swap3A_202 {strides = array<i32>} : memref<80x128xf32, #tpu.memory_space<vmem>>, vector<1x16xf32>,
      %swap3A_203 = arith.index_cast %scan3A_138 : i32 to index
      %swap3A_204 = arith.constant 80 : index
      %swap3A_205 = tpu.vector_load %arg12[%swap3A_203, %swap3A_204] {strides = array<i32>} : memref<80x128xf32, #tpu.memory_space<vmem>>, vector<1x16xf32>,
      %swap3A_206 = vector.shape_cast %swap3A_205 : vector<1x16xf32> to vector<16xf32>
      %swap3A_207 = vector.shape_cast %broadcast_in_dim3A_1 : vector<16xf32> to vector<1x16xf32>
      tpu.vector_store %arg12[%swap3A_203, %swap3A_204], %swap3A_207 {strides = array<i32>} : memref<80x128xf32, #tpu.memory_space<vmem>>, vector<1x16xf32>,
      %swap3A_208 = arith.index_cast %scan3A_138 : i32 to index
      %swap3A_209 = arith.constant 96 : index
      %swap3A_210 = tpu.vector_load %arg12[%swap3A_208, %swap3A_209] {strides = array<i32>} : memref<80x128xf32, #tpu.memory_space<vmem>>, vector<1x16xf32>,
      %swap3A_211 = vector.shape_cast %swap3A_210 : vector<1x16xf32> to vector<16xf32>
      %swap3A_212 = vector.shape_cast %broadcast_in_dim3A_1 : vector<16xf32> to vector<1x16xf32>
      tpu.vector_store %arg12[%swap3A_208, %swap3A_209], %swap3A_212 {strides = array<i32>} : memref<80x128xf32, #tpu.memory_space<vmem>>, vector<1x16xf32>,
      %swap3A_213 = arith.index_cast %scan3A_138 : i32 to index
      %swap3A_214 = arith.constant 112 : index
      %swap3A_215 = tpu.vector_load %arg12[%swap3A_213, %swap3A_214] {strides = array<i32>} : memref<80x128xf32, #tpu.memory_space<vmem>>, vector<1x16xf32>,
      %swap3A_216 = vector.shape_cast %swap3A_215 : vector<1x16xf32> to vector<16xf32>
      %swap3A_217 = vector.shape_cast %broadcast_in_dim3A_1 : vector<16xf32> to vector<1x16xf32>
      tpu.vector_store %arg12[%swap3A_213, %swap3A_214], %swap3A_217 {strides = array<i32>} : memref<80x128xf32, #tpu.memory_space<vmem>>, vector<1x16xf32>,
    }
    %scan3A_8 = arith.constant 80 : i32
    %add3A_9 = arith.constant 0 : i32
    %add3A_10 = arith.addi %mul3A_3, %add3A_9 : i32
    "tpu.region"() ({
      %run_scoped3A = tpu.sem_alloc : memref<!tpu.dma_semaphore, #tpu.memory_space<semaphore_mem>>
      %dma_start3A = arith.constant 0 : i32
      %dma_start3A_138 = tpu.memref_slice %arg7[%add3A_10, %dma_start3A] : memref<10240x128xf32, #tpu.memory_space<vmem_shared>> -> memref<80x128xf32, #tpu.memory_space<vmem_shared>>
      %dma_start3A_139 = arith.constant 0 : i32
      %dma_start3A_140 = tpu.memref_slice %arg7[%add3A_10, %dma_start3A_139] : memref<10240x128xf32, #tpu.memory_space<vmem_shared>> -> memref<80x128xf32, #tpu.memory_space<vmem_shared>>
      tpu.enqueue_dma source(%arg12 : memref<80x128xf32, #tpu.memory_space<vmem>>) target(%dma_start3A_140 : memref<80x128xf32, #tpu.memory_space<vmem_shared>>) target_semaphore(%run_scoped3A : memref<!tpu.dma_semaphore, #tpu.memory_space<semaphore_mem>>)
      %dma_wait3A = arith.constant 0 : i32
      %dma_wait3A_141 = tpu.memref_slice %arg7[%add3A_10, %dma_wait3A] : memref<10240x128xf32, #tpu.memory_space<vmem_shared>> -> memref<80x128xf32, #tpu.memory_space<vmem_shared>>
      %dma_wait3A_142 = arith.constant 0 : i32
      %dma_wait3A_143 = tpu.memref_slice %arg7[%add3A_10, %dma_wait3A_142] : memref<10240x128xf32, #tpu.memory_space<vmem_shared>> -> memref<80x128xf32, #tpu.memory_space<vmem_shared>>
      tpu.wait_dma2 semaphore(%run_scoped3A : memref<!tpu.dma_semaphore, #tpu.memory_space<semaphore_mem>>) src(%arg12 : memref<80x128xf32, #tpu.memory_space<vmem>>) dst(%dma_wait3A_143 : memref<80x128xf32, #tpu.memory_space<vmem_shared>>)
      tpu.yield
    }) : () -> ()
    %add3A_11 = arith.constant 80 : i32
    %add3A_12 = arith.addi %mul3A_3, %add3A_11 : i32
    "tpu.region"() ({
      %run_scoped3A = tpu.sem_alloc : memref<!tpu.dma_semaphore, #tpu.memory_space<semaphore_mem>>
      %dma_start3A = arith.constant 0 : i32
      %dma_start3A_138 = tpu.memref_slice %arg7[%add3A_12, %dma_start3A] : memref<10240x128xf32, #tpu.memory_space<vmem_shared>> -> memref<80x128xf32, #tpu.memory_space<vmem_shared>>
      %dma_start3A_139 = arith.constant 0 : i32
      %dma_start3A_140 = tpu.memref_slice %arg7[%add3A_12, %dma_start3A_139] : memref<10240x128xf32, #tpu.memory_space<vmem_shared>> -> memref<80x128xf32, #tpu.memory_space<vmem_shared>>
      tpu.enqueue_dma source(%arg12 : memref<80x128xf32, #tpu.memory_space<vmem>>) target(%dma_start3A_140 : memref<80x128xf32, #tpu.memory_space<vmem_shared>>) target_semaphore(%run_scoped3A : memref<!tpu.dma_semaphore, #tpu.memory_space<semaphore_mem>>)
      %dma_wait3A = arith.constant 0 : i32
      %dma_wait3A_141 = tpu.memref_slice %arg7[%add3A_12, %dma_wait3A] : memref<10240x128xf32, #tpu.memory_space<vmem_shared>> -> memref<80x128xf32, #tpu.memory_space<vmem_shared>>
      %dma_wait3A_142 = arith.constant 0 : i32
      %dma_wait3A_143 = tpu.memref_slice %arg7[%add3A_12, %dma_wait3A_142] : memref<10240x128xf32, #tpu.memory_space<vmem_shared>> -> memref<80x128xf32, #tpu.memory_space<vmem_shared>>
      tpu.wait_dma2 semaphore(%run_scoped3A : memref<!tpu.dma_semaphore, #tpu.memory_space<semaphore_mem>>) src(%arg12 : memref<80x128xf32, #tpu.memory_space<vmem>>) dst(%dma_wait3A_143 : memref<80x128xf32, #tpu.memory_space<vmem_shared>>)
      tpu.yield
    }) : () -> ()
    %add3A_13 = arith.constant 160 : i32
    %add3A_14 = arith.addi %mul3A_3, %add3A_13 : i32
    "tpu.region"() ({
      %run_scoped3A = tpu.sem_alloc : memref<!tpu.dma_semaphore, #tpu.memory_space<semaphore_mem>>
      %dma_start3A = arith.constant 0 : i32
      %dma_start3A_138 = tpu.memref_slice %arg7[%add3A_14, %dma_start3A] : memref<10240x128xf32, #tpu.memory_space<vmem_shared>> -> memref<80x128xf32, #tpu.memory_space<vmem_shared>>
      %dma_start3A_139 = arith.constant 0 : i32
      %dma_start3A_140 = tpu.memref_slice %arg7[%add3A_14, %dma_start3A_139] : memref<10240x128xf32, #tpu.memory_space<vmem_shared>> -> memref<80x128xf32, #tpu.memory_space<vmem_shared>>
      tpu.enqueue_dma source(%arg12 : memref<80x128xf32, #tpu.memory_space<vmem>>) target(%dma_start3A_140 : memref<80x128xf32, #tpu.memory_space<vmem_shared>>) target_semaphore(%run_scoped3A : memref<!tpu.dma_semaphore, #tpu.memory_space<semaphore_mem>>)
      %dma_wait3A = arith.constant 0 : i32
      %dma_wait3A_141 = tpu.memref_slice %arg7[%add3A_14, %dma_wait3A] : memref<10240x128xf32, #tpu.memory_space<vmem_shared>> -> memref<80x128xf32, #tpu.memory_space<vmem_shared>>
      %dma_wait3A_142 = arith.constant 0 : i32
      %dma_wait3A_143 = tpu.memref_slice %arg7[%add3A_14, %dma_wait3A_142] : memref<10240x128xf32, #tpu.memory_space<vmem_shared>> -> memref<80x128xf32, #tpu.memory_space<vmem_shared>>
      tpu.wait_dma2 semaphore(%run_scoped3A : memref<!tpu.dma_semaphore, #tpu.memory_space<semaphore_mem>>) src(%arg12 : memref<80x128xf32, #tpu.memory_space<vmem>>) dst(%dma_wait3A_143 : memref<80x128xf32, #tpu.memory_space<vmem_shared>>)
      tpu.yield
    }) : () -> ()
    %add3A_15 = arith.constant 240 : i32
    %add3A_16 = arith.addi %mul3A_3, %add3A_15 : i32
    "tpu.region"() ({
      %run_scoped3A = tpu.sem_alloc : memref<!tpu.dma_semaphore, #tpu.memory_space<semaphore_mem>>
      %dma_start3A = arith.constant 0 : i32
      %dma_start3A_138 = tpu.memref_slice %arg7[%add3A_16, %dma_start3A] : memref<10240x128xf32, #tpu.memory_space<vmem_shared>> -> memref<80x128xf32, #tpu.memory_space<vmem_shared>>
      %dma_start3A_139 = arith.constant 0 : i32
      %dma_start3A_140 = tpu.memref_slice %arg7[%add3A_16, %dma_start3A_139] : memref<10240x128xf32, #tpu.memory_space<vmem_shared>> -> memref<80x128xf32, #tpu.memory_space<vmem_shared>>
      tpu.enqueue_dma source(%arg12 : memref<80x128xf32, #tpu.memory_space<vmem>>) target(%dma_start3A_140 : memref<80x128xf32, #tpu.memory_space<vmem_shared>>) target_semaphore(%run_scoped3A : memref<!tpu.dma_semaphore, #tpu.memory_space<semaphore_mem>>)
      %dma_wait3A = arith.constant 0 : i32
      %dma_wait3A_141 = tpu.memref_slice %arg7[%add3A_16, %dma_wait3A] : memref<10240x128xf32, #tpu.memory_space<vmem_shared>> -> memref<80x128xf32, #tpu.memory_space<vmem_shared>>
      %dma_wait3A_142 = arith.constant 0 : i32
      %dma_wait3A_143 = tpu.memref_slice %arg7[%add3A_16, %dma_wait3A_142] : memref<10240x128xf32, #tpu.memory_space<vmem_shared>> -> memref<80x128xf32, #tpu.memory_space<vmem_shared>>
      tpu.wait_dma2 semaphore(%run_scoped3A : memref<!tpu.dma_semaphore, #tpu.memory_space<semaphore_mem>>) src(%arg12 : memref<80x128xf32, #tpu.memory_space<vmem>>) dst(%dma_wait3A_143 : memref<80x128xf32, #tpu.memory_space<vmem_shared>>)
      tpu.yield
    }) : () -> ()
    %add3A_17 = arith.constant 320 : i32
    %add3A_18 = arith.addi %mul3A_3, %add3A_17 : i32
    "tpu.region"() ({
      %run_scoped3A = tpu.sem_alloc : memref<!tpu.dma_semaphore, #tpu.memory_space<semaphore_mem>>
      %dma_start3A = arith.constant 0 : i32
      %dma_start3A_138 = tpu.memref_slice %arg7[%add3A_18, %dma_start3A] : memref<10240x128xf32, #tpu.memory_space<vmem_shared>> -> memref<80x128xf32, #tpu.memory_space<vmem_shared>>
      %dma_start3A_139 = arith.constant 0 : i32
      %dma_start3A_140 = tpu.memref_slice %arg7[%add3A_18, %dma_start3A_139] : memref<10240x128xf32, #tpu.memory_space<vmem_shared>> -> memref<80x128xf32, #tpu.memory_space<vmem_shared>>
      tpu.enqueue_dma source(%arg12 : memref<80x128xf32, #tpu.memory_space<vmem>>) target(%dma_start3A_140 : memref<80x128xf32, #tpu.memory_space<vmem_shared>>) target_semaphore(%run_scoped3A : memref<!tpu.dma_semaphore, #tpu.memory_space<semaphore_mem>>)
      %dma_wait3A = arith.constant 0 : i32
      %dma_wait3A_141 = tpu.memref_slice %arg7[%add3A_18, %dma_wait3A] : memref<10240x128xf32, #tpu.memory_space<vmem_shared>> -> memref<80x128xf32, #tpu.memory_space<vmem_shared>>
      %dma_wait3A_142 = arith.constant 0 : i32
      %dma_wait3A_143 = tpu.memref_slice %arg7[%add3A_18, %dma_wait3A_142] : memref<10240x128xf32, #tpu.memory_space<vmem_shared>> -> memref<80x128xf32, #tpu.memory_space<vmem_shared>>
      tpu.wait_dma2 semaphore(%run_scoped3A : memref<!tpu.dma_semaphore, #tpu.memory_space<semaphore_mem>>) src(%arg12 : memref<80x128xf32, #tpu.memory_space<vmem>>) dst(%dma_wait3A_143 : memref<80x128xf32, #tpu.memory_space<vmem_shared>>)
      tpu.yield
    }) : () -> ()
    %add3A_19 = arith.constant 400 : i32
    %add3A_20 = arith.addi %mul3A_3, %add3A_19 : i32
    "tpu.region"() ({
      %run_scoped3A = tpu.sem_alloc : memref<!tpu.dma_semaphore, #tpu.memory_space<semaphore_mem>>
      %dma_start3A = arith.constant 0 : i32
      %dma_start3A_138 = tpu.memref_slice %arg7[%add3A_20, %dma_start3A] : memref<10240x128xf32, #tpu.memory_space<vmem_shared>> -> memref<80x128xf32, #tpu.memory_space<vmem_shared>>
      %dma_start3A_139 = arith.constant 0 : i32
      %dma_start3A_140 = tpu.memref_slice %arg7[%add3A_20, %dma_start3A_139] : memref<10240x128xf32, #tpu.memory_space<vmem_shared>> -> memref<80x128xf32, #tpu.memory_space<vmem_shared>>
      tpu.enqueue_dma source(%arg12 : memref<80x128xf32, #tpu.memory_space<vmem>>) target(%dma_start3A_140 : memref<80x128xf32, #tpu.memory_space<vmem_shared>>) target_semaphore(%run_scoped3A : memref<!tpu.dma_semaphore, #tpu.memory_space<semaphore_mem>>)
      %dma_wait3A = arith.constant 0 : i32
      %dma_wait3A_141 = tpu.memref_slice %arg7[%add3A_20, %dma_wait3A] : memref<10240x128xf32, #tpu.memory_space<vmem_shared>> -> memref<80x128xf32, #tpu.memory_space<vmem_shared>>
      %dma_wait3A_142 = arith.constant 0 : i32
      %dma_wait3A_143 = tpu.memref_slice %arg7[%add3A_20, %dma_wait3A_142] : memref<10240x128xf32, #tpu.memory_space<vmem_shared>> -> memref<80x128xf32, #tpu.memory_space<vmem_shared>>
      tpu.wait_dma2 semaphore(%run_scoped3A : memref<!tpu.dma_semaphore, #tpu.memory_space<semaphore_mem>>) src(%arg12 : memref<80x128xf32, #tpu.memory_space<vmem>>) dst(%dma_wait3A_143 : memref<80x128xf32, #tpu.memory_space<vmem_shared>>)
      tpu.yield
    }) : () -> ()
    %add3A_21 = arith.constant 480 : i32
    %add3A_22 = arith.addi %mul3A_3, %add3A_21 : i32
    "tpu.region"() ({
      %run_scoped3A = tpu.sem_alloc : memref<!tpu.dma_semaphore, #tpu.memory_space<semaphore_mem>>
      %dma_start3A = arith.constant 0 : i32
      %dma_start3A_138 = tpu.memref_slice %arg7[%add3A_22, %dma_start3A] : memref<10240x128xf32, #tpu.memory_space<vmem_shared>> -> memref<80x128xf32, #tpu.memory_space<vmem_shared>>
      %dma_start3A_139 = arith.constant 0 : i32
      %dma_start3A_140 = tpu.memref_slice %arg7[%add3A_22, %dma_start3A_139] : memref<10240x128xf32, #tpu.memory_space<vmem_shared>> -> memref<80x128xf32, #tpu.memory_space<vmem_shared>>
      tpu.enqueue_dma source(%arg12 : memref<80x128xf32, #tpu.memory_space<vmem>>) target(%dma_start3A_140 : memref<80x128xf32, #tpu.memory_space<vmem_shared>>) target_semaphore(%run_scoped3A : memref<!tpu.dma_semaphore, #tpu.memory_space<semaphore_mem>>)
      %dma_wait3A = arith.constant 0 : i32
      %dma_wait3A_141 = tpu.memref_slice %arg7[%add3A_22, %dma_wait3A] : memref<10240x128xf32, #tpu.memory_space<vmem_shared>> -> memref<80x128xf32, #tpu.memory_space<vmem_shared>>
      %dma_wait3A_142 = arith.constant 0 : i32
      %dma_wait3A_143 = tpu.memref_slice %arg7[%add3A_22, %dma_wait3A_142] : memref<10240x128xf32, #tpu.memory_space<vmem_shared>> -> memref<80x128xf32, #tpu.memory_space<vmem_shared>>
      tpu.wait_dma2 semaphore(%run_scoped3A : memref<!tpu.dma_semaphore, #tpu.memory_space<semaphore_mem>>) src(%arg12 : memref<80x128xf32, #tpu.memory_space<vmem>>) dst(%dma_wait3A_143 : memref<80x128xf32, #tpu.memory_space<vmem_shared>>)
      tpu.yield
    }) : () -> ()
    %add3A_23 = arith.constant 560 : i32
    %add3A_24 = arith.addi %mul3A_3, %add3A_23 : i32
    "tpu.region"() ({
      %run_scoped3A = tpu.sem_alloc : memref<!tpu.dma_semaphore, #tpu.memory_space<semaphore_mem>>
      %dma_start3A = arith.constant 0 : i32
      %dma_start3A_138 = tpu.memref_slice %arg7[%add3A_24, %dma_start3A] : memref<10240x128xf32, #tpu.memory_space<vmem_shared>> -> memref<80x128xf32, #tpu.memory_space<vmem_shared>>
      %dma_start3A_139 = arith.constant 0 : i32
      %dma_start3A_140 = tpu.memref_slice %arg7[%add3A_24, %dma_start3A_139] : memref<10240x128xf32, #tpu.memory_space<vmem_shared>> -> memref<80x128xf32, #tpu.memory_space<vmem_shared>>
      tpu.enqueue_dma source(%arg12 : memref<80x128xf32, #tpu.memory_space<vmem>>) target(%dma_start3A_140 : memref<80x128xf32, #tpu.memory_space<vmem_shared>>) target_semaphore(%run_scoped3A : memref<!tpu.dma_semaphore, #tpu.memory_space<semaphore_mem>>)
      %dma_wait3A = arith.constant 0 : i32
      %dma_wait3A_141 = tpu.memref_slice %arg7[%add3A_24, %dma_wait3A] : memref<10240x128xf32, #tpu.memory_space<vmem_shared>> -> memref<80x128xf32, #tpu.memory_space<vmem_shared>>
      %dma_wait3A_142 = arith.constant 0 : i32
      %dma_wait3A_143 = tpu.memref_slice %arg7[%add3A_24, %dma_wait3A_142] : memref<10240x128xf32, #tpu.memory_space<vmem_shared>> -> memref<80x128xf32, #tpu.memory_space<vmem_shared>>
      tpu.wait_dma2 semaphore(%run_scoped3A : memref<!tpu.dma_semaphore, #tpu.memory_space<semaphore_mem>>) src(%arg12 : memref<80x128xf32, #tpu.memory_space<vmem>>) dst(%dma_wait3A_143 : memref<80x128xf32, #tpu.memory_space<vmem_shared>>)
      tpu.yield
    }) : () -> ()
    %barrier3A = arith.constant 0 : index
    tpu.barrier barrier_id(%barrier3A)
    %shift_right_arithmetic3A = arith.constant 3 : i32
    %shift_right_arithmetic3A_25 = vector.broadcast %shift_right_arithmetic3A : i32 to vector<16xi32>
    %shift_right_arithmetic3A_26 = arith.shrsi %iota3A, %shift_right_arithmetic3A_25 : vector<16xi32>
    %add3A_27 = arith.constant 0 : i32
    %add3A_28 = vector.broadcast %add3A_27 : i32 to vector<16xi32>
    %add3A_29 = arith.addi %shift_right_arithmetic3A_26, %add3A_28 : vector<16xi32>
    %shift_right_arithmetic3A_30 = arith.constant 3 : i32
    %shift_right_arithmetic3A_31 = vector.broadcast %shift_right_arithmetic3A_30 : i32 to vector<16xi32>
    %shift_right_arithmetic3A_32 = arith.shrsi %iota3A, %shift_right_arithmetic3A_31 : vector<16xi32>
    %add3A_33 = arith.constant 2 : i32
    %add3A_34 = vector.broadcast %add3A_33 : i32 to vector<16xi32>
    %add3A_35 = arith.addi %shift_right_arithmetic3A_32, %add3A_34 : vector<16xi32>
    %shift_right_arithmetic3A_36 = arith.constant 3 : i32
    %shift_right_arithmetic3A_37 = vector.broadcast %shift_right_arithmetic3A_36 : i32 to vector<16xi32>
    %shift_right_arithmetic3A_38 = arith.shrsi %iota3A, %shift_right_arithmetic3A_37 : vector<16xi32>
    %add3A_39 = arith.constant 4 : i32
    %add3A_40 = vector.broadcast %add3A_39 : i32 to vector<16xi32>
    %add3A_41 = arith.addi %shift_right_arithmetic3A_38, %add3A_40 : vector<16xi32>
    %shift_right_arithmetic3A_42 = arith.constant 3 : i32
    %shift_right_arithmetic3A_43 = vector.broadcast %shift_right_arithmetic3A_42 : i32 to vector<16xi32>
    %shift_right_arithmetic3A_44 = arith.shrsi %iota3A, %shift_right_arithmetic3A_43 : vector<16xi32>
    %add3A_45 = arith.constant 6 : i32
    %add3A_46 = vector.broadcast %add3A_45 : i32 to vector<16xi32>
    %add3A_47 = arith.addi %shift_right_arithmetic3A_44, %add3A_46 : vector<16xi32>
    %mul3A_48 = arith.constant 0 : i32
    %mul3A_49 = vector.broadcast %mul3A_48 : i32 to vector<16xi32>
    %mul3A_50 = arith.muli %iota3A, %mul3A_49 : vector<16xi32>
    %scan3A_51 = arith.constant 0 : i32
    %scan3A_52 = arith.constant 0 : i32
    %scan3A_53 = arith.constant 125 : i32
    %scan3A_54 = arith.addi %scan3A_52, %scan3A_53 : i32
    %scan3A_55 = arith.constant 1 : i32
    scf.for %scan3A_138 = %scan3A_52 to %scan3A_54 step %scan3A_55  : i32 {
      %mul3A_139 = arith.constant 10000 : i32
      %mul3A_140 = arith.muli %add3A, %mul3A_139 : i32
      %mul3A_141 = arith.constant 80 : i32
      %mul3A_142 = arith.muli %scan3A_138, %mul3A_141 : i32
      %add3A_143 = arith.addi %mul3A_140, %mul3A_142 : i32
      "tpu.region"() ({
        %run_scoped3A = tpu.sem_alloc : memref<!tpu.dma_semaphore, #tpu.memory_space<semaphore_mem>>
        %dma_start3A_156 = tpu.memref_slice %arg2[%add3A_143] : memref<320000xi32, #tpu.memory_space<hbm>> -> memref<80xi32, #tpu.memory_space<hbm>>
        %dma_start3A_157 = tpu.memref_slice %arg2[%add3A_143] : memref<320000xi32, #tpu.memory_space<hbm>> -> memref<80xi32, #tpu.memory_space<hbm>>
        tpu.enqueue_dma source(%dma_start3A_157 : memref<80xi32, #tpu.memory_space<hbm>>) target(%arg8 : memref<80xi32, #tpu.memory_space<vmem>>) target_semaphore(%run_scoped3A : memref<!tpu.dma_semaphore, #tpu.memory_space<semaphore_mem>>)
        %dma_wait3A_158 = tpu.memref_slice %arg2[%add3A_143] : memref<320000xi32, #tpu.memory_space<hbm>> -> memref<80xi32, #tpu.memory_space<hbm>>
        %dma_wait3A_159 = tpu.memref_slice %arg2[%add3A_143] : memref<320000xi32, #tpu.memory_space<hbm>> -> memref<80xi32, #tpu.memory_space<hbm>>
        tpu.wait_dma2 semaphore(%run_scoped3A : memref<!tpu.dma_semaphore, #tpu.memory_space<semaphore_mem>>) src(%dma_wait3A_159 : memref<80xi32, #tpu.memory_space<hbm>>) dst(%arg8 : memref<80xi32, #tpu.memory_space<vmem>>)
        tpu.yield
      }) : () -> ()
      "tpu.region"() ({
        %run_scoped3A = tpu.sem_alloc : memref<!tpu.dma_semaphore, #tpu.memory_space<semaphore_mem>>
        %dma_start3A_156 = tpu.memref_slice %arg3[%add3A_143] : memref<320000xi32, #tpu.memory_space<hbm>> -> memref<80xi32, #tpu.memory_space<hbm>>
        %dma_start3A_157 = tpu.memref_slice %arg3[%add3A_143] : memref<320000xi32, #tpu.memory_space<hbm>> -> memref<80xi32, #tpu.memory_space<hbm>>
        tpu.enqueue_dma source(%dma_start3A_157 : memref<80xi32, #tpu.memory_space<hbm>>) target(%arg9 : memref<80xi32, #tpu.memory_space<vmem>>) target_semaphore(%run_scoped3A : memref<!tpu.dma_semaphore, #tpu.memory_space<semaphore_mem>>)
        %dma_wait3A_158 = tpu.memref_slice %arg3[%add3A_143] : memref<320000xi32, #tpu.memory_space<hbm>> -> memref<80xi32, #tpu.memory_space<hbm>>
        %dma_wait3A_159 = tpu.memref_slice %arg3[%add3A_143] : memref<320000xi32, #tpu.memory_space<hbm>> -> memref<80xi32, #tpu.memory_space<hbm>>
        tpu.wait_dma2 semaphore(%run_scoped3A : memref<!tpu.dma_semaphore, #tpu.memory_space<semaphore_mem>>) src(%dma_wait3A_159 : memref<80xi32, #tpu.memory_space<hbm>>) dst(%arg9 : memref<80xi32, #tpu.memory_space<vmem>>)
        tpu.yield
      }) : () -> ()
      %dma_start3A = arith.constant 0 : i32
      %dma_start3A_144 = arith.constant 0 : i32
      %dma_start3A_145 = tpu.memref_slice %arg4[%dma_start3A, %dma_start3A_144] : memref<10240x128xf32, #tpu.memory_space<hbm>> -> memref<10240x128xf32, #tpu.memory_space<hbm>>
      tpu.enqueue_indirect_dma source(%dma_start3A_145 : memref<10240x128xf32, #tpu.memory_space<hbm>>) target(%arg10 : memref<80x128xf32, #tpu.memory_space<vmem>>) offsets(%arg8 : memref<80xi32, #tpu.memory_space<vmem>>) semaphore(%arg14 : memref<!tpu.dma_semaphore, #tpu.memory_space<semaphore_mem>>)
      %dma_start3A_146 = arith.constant 0 : i32
      %dma_start3A_147 = arith.constant 0 : i32
      %dma_start3A_148 = tpu.memref_slice %arg5[%dma_start3A_146, %dma_start3A_147] : memref<10240x128xf32, #tpu.memory_space<hbm>> -> memref<10240x128xf32, #tpu.memory_space<hbm>>
      tpu.enqueue_indirect_dma source(%dma_start3A_148 : memref<10240x128xf32, #tpu.memory_space<hbm>>) target(%arg11 : memref<80x128xf32, #tpu.memory_space<vmem>>) offsets(%arg9 : memref<80xi32, #tpu.memory_space<vmem>>) semaphore(%arg15 : memref<!tpu.dma_semaphore, #tpu.memory_space<semaphore_mem>>)
      %dma_wait3A = arith.constant 0 : i32
      %dma_wait3A_149 = arith.constant 0 : i32
      %dma_wait3A_150 = tpu.memref_slice %arg4[%dma_wait3A, %dma_wait3A_149] : memref<10240x128xf32, #tpu.memory_space<hbm>> -> memref<10240x128xf32, #tpu.memory_space<hbm>>
      tpu.wait_indirect_dma semaphore(%arg14 : memref<!tpu.dma_semaphore, #tpu.memory_space<semaphore_mem>>) src(%dma_wait3A_150 : memref<10240x128xf32, #tpu.memory_space<hbm>>) dst(%arg10 : memref<80x128xf32, #tpu.memory_space<vmem>>)
      %dma_wait3A_151 = arith.constant 0 : i32
      %dma_wait3A_152 = arith.constant 0 : i32
      %dma_wait3A_153 = tpu.memref_slice %arg5[%dma_wait3A_151, %dma_wait3A_152] : memref<10240x128xf32, #tpu.memory_space<hbm>> -> memref<10240x128xf32, #tpu.memory_space<hbm>>
      tpu.wait_indirect_dma semaphore(%arg15 : memref<!tpu.dma_semaphore, #tpu.memory_space<semaphore_mem>>) src(%dma_wait3A_153 : memref<10240x128xf32, #tpu.memory_space<hbm>>) dst(%arg11 : memref<80x128xf32, #tpu.memory_space<vmem>>)
      %parallel_loop3A = arith.constant 0 : i32
      %parallel_loop3A_154 = arith.constant 80 : i32
      %parallel_loop3A_155 = arith.constant 1 : i32
      scf.for %parallel_loop3A_156 = %parallel_loop3A to %parallel_loop3A_154 step %parallel_loop3A_155  : i32 {
        %parallel_loop3A_157 = arith.index_cast %parallel_loop3A_156 : i32 to index
        %parallel_loop3A_158 = arith.constant 0 : index
        %parallel_loop3A_159 = tpu.vector_load %arg10[%parallel_loop3A_157, %parallel_loop3A_158] {strides = array<i32>} : memref<80x128xf32, #tpu.memory_space<vmem>>, vector<1x16xf32>,
        %parallel_loop3A_160 = vector.shape_cast %parallel_loop3A_159 : vector<1x16xf32> to vector<16xf32>
        %parallel_loop3A_161 = arith.index_cast %parallel_loop3A_156 : i32 to index
        %parallel_loop3A_162 = arith.constant 0 : index
        %parallel_loop3A_163 = tpu.vector_load %arg11[%parallel_loop3A_161, %parallel_loop3A_162] {strides = array<i32>} : memref<80x128xf32, #tpu.memory_space<vmem>>, vector<1x16xf32>,
        %parallel_loop3A_164 = vector.shape_cast %parallel_loop3A_163 : vector<1x16xf32> to vector<16xf32>
        %parallel_loop3A_165 = arith.addf %parallel_loop3A_160, %parallel_loop3A_164 : vector<16xf32>
        %parallel_loop3A_166 = arith.constant -2.000000e+00 : f32
        %parallel_loop3A_167 = arith.constant 2.000000e+00 : f32
        %parallel_loop3A_168 = vector.broadcast %parallel_loop3A_166 : f32 to vector<16xf32>
        %parallel_loop3A_169 = arith.maximumf %parallel_loop3A_168, %parallel_loop3A_165 : vector<16xf32>
        %parallel_loop3A_170 = vector.broadcast %parallel_loop3A_167 : f32 to vector<16xf32>
        %parallel_loop3A_171 = arith.minimumf %parallel_loop3A_170, %parallel_loop3A_169 : vector<16xf32>
        %parallel_loop3A_172 = math.exp %parallel_loop3A_171 : vector<16xf32>
        %parallel_loop3A_173 = vector.shape_cast %mul3A_50 : vector<16xi32> to vector<16x1xi32>
        %parallel_loop3A_174 = vector.shape_cast %parallel_loop3A_173 : vector<16x1xi32> to vector<16xi32>
        %parallel_loop3A_175 = tpu.dynamic_gather %parallel_loop3A_172[%parallel_loop3A_174] in [0] : vector<16xf32>, vector<16xi32> -> vector<16xf32>
        %parallel_loop3A_176 = arith.constant 0 : i32
        %parallel_loop3A_177 = vector.broadcast %parallel_loop3A_176 : i32 to vector<16xi32>
        %parallel_loop3A_178 = arith.cmpi eq, %iota3A, %parallel_loop3A_177 : vector<16xi32>
        %parallel_loop3A_179 = arith.constant 1.000000e+00 : f32
        %parallel_loop3A_180 = vector.broadcast %parallel_loop3A_179 : f32 to vector<16xf32>
        %parallel_loop3A_181 = arith.select %parallel_loop3A_178, %parallel_loop3A_180, %parallel_loop3A_165 : vector<16xi1>, vector<16xf32>
        %parallel_loop3A_182 = arith.mulf %parallel_loop3A_175, %parallel_loop3A_181 : vector<16xf32>
        %parallel_loop3A_183 = arith.index_cast %parallel_loop3A_156 : i32 to index
        %parallel_loop3A_184 = arith.constant 0 : index
        %parallel_loop3A_185 = tpu.vector_load %arg12[%parallel_loop3A_183, %parallel_loop3A_184] {strides = array<i32>} : memref<80x128xf32, #tpu.memory_space<vmem>>, vector<1x16xf32>,
        %parallel_loop3A_186 = vector.shape_cast %parallel_loop3A_185 : vector<1x16xf32> to vector<16xf32>
        %parallel_loop3A_187 = vector.shape_cast %parallel_loop3A_182 : vector<16xf32> to vector<1x16xf32>
        tpu.vector_store %arg12[%parallel_loop3A_183, %parallel_loop3A_184], %parallel_loop3A_187 {strides = array<i32>} : memref<80x128xf32, #tpu.memory_space<vmem>>, vector<1x16xf32>,
      } {sc.loop_unroll_factor = 4 : i64, sc.parallel_access}
      "tpu.region"() ({
        %run_scoped3A = tpu.sem_alloc : memref<!tpu.dma_semaphore, #tpu.memory_space<semaphore_mem>>
        %dma_start3A_156 = arith.constant 0 : i32
        %dma_start3A_157 = arith.constant 0 : i32
        %dma_start3A_158 = tpu.memref_slice %arg7[%dma_start3A_156, %dma_start3A_157] : memref<10240x128xf32, #tpu.memory_space<vmem_shared>> -> memref<10240x128xf32, #tpu.memory_space<vmem_shared>>
        tpu.enqueue_indirect_dma source(%arg12 : memref<80x128xf32, #tpu.memory_space<vmem>>) target(%dma_start3A_158 : memref<10240x128xf32, #tpu.memory_space<vmem_shared>>) offsets(%arg8 : memref<80xi32, #tpu.memory_space<vmem>>) semaphore(%run_scoped3A : memref<!tpu.dma_semaphore, #tpu.memory_space<semaphore_mem>>) {add = true}
        %dma_wait3A_159 = arith.constant 0 : i32
        %dma_wait3A_160 = arith.constant 0 : i32
        %dma_wait3A_161 = tpu.memref_slice %arg7[%dma_wait3A_159, %dma_wait3A_160] : memref<10240x128xf32, #tpu.memory_space<vmem_shared>> -> memref<10240x128xf32, #tpu.memory_space<vmem_shared>>
        tpu.wait_indirect_dma semaphore(%run_scoped3A : memref<!tpu.dma_semaphore, #tpu.memory_space<semaphore_mem>>) src(%arg12 : memref<80x128xf32, #tpu.memory_space<vmem>>) dst(%dma_wait3A_161 : memref<10240x128xf32, #tpu.memory_space<vmem_shared>>)
        tpu.yield
      }) : () -> ()
    }
    %scan3A_56 = arith.constant 125 : i32
    %barrier3A_57 = arith.constant 0 : index
    tpu.barrier barrier_id(%barrier3A_57)
    %add3A_58 = arith.constant 0 : i32
    %add3A_59 = arith.addi %mul3A_3, %add3A_58 : i32
    "tpu.region"() ({
      %run_scoped3A = tpu.sem_alloc : memref<!tpu.dma_semaphore, #tpu.memory_space<semaphore_mem>>
      %dma_start3A = arith.constant 0 : i32
      %dma_start3A_138 = tpu.memref_slice %arg7[%add3A_59, %dma_start3A] : memref<10240x128xf32, #tpu.memory_space<vmem_shared>> -> memref<80x128xf32, #tpu.memory_space<vmem_shared>>
      %dma_start3A_139 = arith.constant 0 : i32
      %dma_start3A_140 = tpu.memref_slice %arg7[%add3A_59, %dma_start3A_139] : memref<10240x128xf32, #tpu.memory_space<vmem_shared>> -> memref<80x128xf32, #tpu.memory_space<vmem_shared>>
      tpu.enqueue_dma source(%dma_start3A_140 : memref<80x128xf32, #tpu.memory_space<vmem_shared>>) target(%arg12 : memref<80x128xf32, #tpu.memory_space<vmem>>) target_semaphore(%run_scoped3A : memref<!tpu.dma_semaphore, #tpu.memory_space<semaphore_mem>>)
      %dma_wait3A = arith.constant 0 : i32
      %dma_wait3A_141 = tpu.memref_slice %arg7[%add3A_59, %dma_wait3A] : memref<10240x128xf32, #tpu.memory_space<vmem_shared>> -> memref<80x128xf32, #tpu.memory_space<vmem_shared>>
      %dma_wait3A_142 = arith.constant 0 : i32
      %dma_wait3A_143 = tpu.memref_slice %arg7[%add3A_59, %dma_wait3A_142] : memref<10240x128xf32, #tpu.memory_space<vmem_shared>> -> memref<80x128xf32, #tpu.memory_space<vmem_shared>>
      tpu.wait_dma2 semaphore(%run_scoped3A : memref<!tpu.dma_semaphore, #tpu.memory_space<semaphore_mem>>) src(%dma_wait3A_143 : memref<80x128xf32, #tpu.memory_space<vmem_shared>>) dst(%arg12 : memref<80x128xf32, #tpu.memory_space<vmem>>)
      tpu.yield
    }) : () -> ()
    %scan3A_60 = arith.constant 0 : i32
    %scan3A_61 = arith.constant 0 : i32
    %scan3A_62 = arith.constant 80 : i32
    %scan3A_63 = arith.addi %scan3A_61, %scan3A_62 : i32
    %scan3A_64 = arith.constant 1 : i32
    scf.for %scan3A_138 = %scan3A_61 to %scan3A_63 step %scan3A_64  : i32 {
      %get3A = arith.index_cast %scan3A_138 : i32 to index
      %get3A_139 = arith.constant 0 : index
      %get3A_140 = tpu.vector_load %arg12[%get3A, %get3A_139] {strides = array<i32>} : memref<80x128xf32, #tpu.memory_space<vmem>>, vector<1x16xf32>,
      %get3A_141 = vector.shape_cast %get3A_140 : vector<1x16xf32> to vector<16xf32>
      %swap3A = arith.index_cast %scan3A_138 : i32 to index
      %swap3A_142 = arith.constant 0 : index
      %swap3A_143 = tpu.vector_load %arg13[%swap3A, %swap3A_142] {strides = array<i32>} : memref<80x128xf32, #tpu.memory_space<vmem>>, vector<1x16xf32>,
      %swap3A_144 = vector.shape_cast %swap3A_143 : vector<1x16xf32> to vector<16xf32>
      %swap3A_145 = vector.shape_cast %get3A_141 : vector<16xf32> to vector<1x16xf32>
      tpu.vector_store %arg13[%swap3A, %swap3A_142], %swap3A_145 {strides = array<i32>} : memref<80x128xf32, #tpu.memory_space<vmem>>, vector<1x16xf32>,
      %get3A_146 = arith.index_cast %scan3A_138 : i32 to index
      %get3A_147 = arith.constant 16 : index
      %get3A_148 = tpu.vector_load %arg12[%get3A_146, %get3A_147] {strides = array<i32>} : memref<80x128xf32, #tpu.memory_space<vmem>>, vector<1x16xf32>,
      %get3A_149 = vector.shape_cast %get3A_148 : vector<1x16xf32> to vector<16xf32>
      %swap3A_150 = arith.index_cast %scan3A_138 : i32 to index
      %swap3A_151 = arith.constant 16 : index
      %swap3A_152 = tpu.vector_load %arg13[%swap3A_150, %swap3A_151] {strides = array<i32>} : memref<80x128xf32, #tpu.memory_space<vmem>>, vector<1x16xf32>,
      %swap3A_153 = vector.shape_cast %swap3A_152 : vector<1x16xf32> to vector<16xf32>
      %swap3A_154 = vector.shape_cast %get3A_149 : vector<16xf32> to vector<1x16xf32>
      tpu.vector_store %arg13[%swap3A_150, %swap3A_151], %swap3A_154 {strides = array<i32>} : memref<80x128xf32, #tpu.memory_space<vmem>>, vector<1x16xf32>,
      %get3A_155 = arith.index_cast %scan3A_138 : i32 to index
      %get3A_156 = arith.constant 32 : index
      %get3A_157 = tpu.vector_load %arg12[%get3A_155, %get3A_156] {strides = array<i32>} : memref<80x128xf32, #tpu.memory_space<vmem>>, vector<1x16xf32>,
      %get3A_158 = vector.shape_cast %get3A_157 : vector<1x16xf32> to vector<16xf32>
      %swap3A_159 = arith.index_cast %scan3A_138 : i32 to index
      %swap3A_160 = arith.constant 32 : index
      %swap3A_161 = tpu.vector_load %arg13[%swap3A_159, %swap3A_160] {strides = array<i32>} : memref<80x128xf32, #tpu.memory_space<vmem>>, vector<1x16xf32>,
      %swap3A_162 = vector.shape_cast %swap3A_161 : vector<1x16xf32> to vector<16xf32>
      %swap3A_163 = vector.shape_cast %get3A_158 : vector<16xf32> to vector<1x16xf32>
      tpu.vector_store %arg13[%swap3A_159, %swap3A_160], %swap3A_163 {strides = array<i32>} : memref<80x128xf32, #tpu.memory_space<vmem>>, vector<1x16xf32>,
      %get3A_164 = arith.index_cast %scan3A_138 : i32 to index
      %get3A_165 = arith.constant 48 : index
      %get3A_166 = tpu.vector_load %arg12[%get3A_164, %get3A_165] {strides = array<i32>} : memref<80x128xf32, #tpu.memory_space<vmem>>, vector<1x16xf32>,
      %get3A_167 = vector.shape_cast %get3A_166 : vector<1x16xf32> to vector<16xf32>
      %swap3A_168 = arith.index_cast %scan3A_138 : i32 to index
      %swap3A_169 = arith.constant 48 : index
      %swap3A_170 = tpu.vector_load %arg13[%swap3A_168, %swap3A_169] {strides = array<i32>} : memref<80x128xf32, #tpu.memory_space<vmem>>, vector<1x16xf32>,
      %swap3A_171 = vector.shape_cast %swap3A_170 : vector<1x16xf32> to vector<16xf32>
      %swap3A_172 = vector.shape_cast %get3A_167 : vector<16xf32> to vector<1x16xf32>
      tpu.vector_store %arg13[%swap3A_168, %swap3A_169], %swap3A_172 {strides = array<i32>} : memref<80x128xf32, #tpu.memory_space<vmem>>, vector<1x16xf32>,
      %get3A_173 = arith.index_cast %scan3A_138 : i32 to index
      %get3A_174 = arith.constant 64 : index
      %get3A_175 = tpu.vector_load %arg12[%get3A_173, %get3A_174] {strides = array<i32>} : memref<80x128xf32, #tpu.memory_space<vmem>>, vector<1x16xf32>,
      %get3A_176 = vector.shape_cast %get3A_175 : vector<1x16xf32> to vector<16xf32>
      %swap3A_177 = arith.index_cast %scan3A_138 : i32 to index
      %swap3A_178 = arith.constant 64 : index
      %swap3A_179 = tpu.vector_load %arg13[%swap3A_177, %swap3A_178] {strides = array<i32>} : memref<80x128xf32, #tpu.memory_space<vmem>>, vector<1x16xf32>,
      %swap3A_180 = vector.shape_cast %swap3A_179 : vector<1x16xf32> to vector<16xf32>
      %swap3A_181 = vector.shape_cast %get3A_176 : vector<16xf32> to vector<1x16xf32>
      tpu.vector_store %arg13[%swap3A_177, %swap3A_178], %swap3A_181 {strides = array<i32>} : memref<80x128xf32, #tpu.memory_space<vmem>>, vector<1x16xf32>,
      %get3A_182 = arith.index_cast %scan3A_138 : i32 to index
      %get3A_183 = arith.constant 80 : index
      %get3A_184 = tpu.vector_load %arg12[%get3A_182, %get3A_183] {strides = array<i32>} : memref<80x128xf32, #tpu.memory_space<vmem>>, vector<1x16xf32>,
      %get3A_185 = vector.shape_cast %get3A_184 : vector<1x16xf32> to vector<16xf32>
      %swap3A_186 = arith.index_cast %scan3A_138 : i32 to index
      %swap3A_187 = arith.constant 80 : index
      %swap3A_188 = tpu.vector_load %arg13[%swap3A_186, %swap3A_187] {strides = array<i32>} : memref<80x128xf32, #tpu.memory_space<vmem>>, vector<1x16xf32>,
      %swap3A_189 = vector.shape_cast %swap3A_188 : vector<1x16xf32> to vector<16xf32>
      %swap3A_190 = vector.shape_cast %get3A_185 : vector<16xf32> to vector<1x16xf32>
      tpu.vector_store %arg13[%swap3A_186, %swap3A_187], %swap3A_190 {strides = array<i32>} : memref<80x128xf32, #tpu.memory_space<vmem>>, vector<1x16xf32>,
      %get3A_191 = arith.index_cast %scan3A_138 : i32 to index
      %get3A_192 = arith.constant 96 : index
      %get3A_193 = tpu.vector_load %arg12[%get3A_191, %get3A_192] {strides = array<i32>} : memref<80x128xf32, #tpu.memory_space<vmem>>, vector<1x16xf32>,
      %get3A_194 = vector.shape_cast %get3A_193 : vector<1x16xf32> to vector<16xf32>
      %swap3A_195 = arith.index_cast %scan3A_138 : i32 to index
      %swap3A_196 = arith.constant 96 : index
      %swap3A_197 = tpu.vector_load %arg13[%swap3A_195, %swap3A_196] {strides = array<i32>} : memref<80x128xf32, #tpu.memory_space<vmem>>, vector<1x16xf32>,
      %swap3A_198 = vector.shape_cast %swap3A_197 : vector<1x16xf32> to vector<16xf32>
      %swap3A_199 = vector.shape_cast %get3A_194 : vector<16xf32> to vector<1x16xf32>
      tpu.vector_store %arg13[%swap3A_195, %swap3A_196], %swap3A_199 {strides = array<i32>} : memref<80x128xf32, #tpu.memory_space<vmem>>, vector<1x16xf32>,
      %get3A_200 = arith.index_cast %scan3A_138 : i32 to index
      %get3A_201 = arith.constant 112 : index
      %get3A_202 = tpu.vector_load %arg12[%get3A_200, %get3A_201] {strides = array<i32>} : memref<80x128xf32, #tpu.memory_space<vmem>>, vector<1x16xf32>,
      %get3A_203 = vector.shape_cast %get3A_202 : vector<1x16xf32> to vector<16xf32>
      %swap3A_204 = arith.index_cast %scan3A_138 : i32 to index
      %swap3A_205 = arith.constant 112 : index
      %swap3A_206 = tpu.vector_load %arg13[%swap3A_204, %swap3A_205] {strides = array<i32>} : memref<80x128xf32, #tpu.memory_space<vmem>>, vector<1x16xf32>,
      %swap3A_207 = vector.shape_cast %swap3A_206 : vector<1x16xf32> to vector<16xf32>
      %swap3A_208 = vector.shape_cast %get3A_203 : vector<16xf32> to vector<1x16xf32>
      tpu.vector_store %arg13[%swap3A_204, %swap3A_205], %swap3A_208 {strides = array<i32>} : memref<80x128xf32, #tpu.memory_space<vmem>>, vector<1x16xf32>,
    }
    %scan3A_65 = arith.constant 80 : i32
    %add3A_66 = arith.constant 0 : i32
    %add3A_67 = arith.addi %mul3A_3, %add3A_66 : i32
    "tpu.region"() ({
      %run_scoped3A = tpu.sem_alloc : memref<!tpu.dma_semaphore, #tpu.memory_space<semaphore_mem>>
      %dma_start3A = arith.constant 0 : i32
      %dma_start3A_138 = tpu.memref_slice %arg6[%arg0, %add3A_67, %dma_start3A] : memref<2x10240x128xf32, #tpu.memory_space<hbm>> -> memref<1x80x128xf32, #tpu.memory_space<hbm>>
      %dma_start3A_139 = tpu.memref_squeeze %dma_start3A_138 : memref<1x80x128xf32, #tpu.memory_space<hbm>> -> memref<80x128xf32, #tpu.memory_space<hbm>>
      %dma_start3A_140 = arith.constant 0 : i32
      %dma_start3A_141 = tpu.memref_slice %arg6[%arg0, %add3A_67, %dma_start3A_140] : memref<2x10240x128xf32, #tpu.memory_space<hbm>> -> memref<1x80x128xf32, #tpu.memory_space<hbm>>
      %dma_start3A_142 = tpu.memref_squeeze %dma_start3A_141 : memref<1x80x128xf32, #tpu.memory_space<hbm>> -> memref<80x128xf32, #tpu.memory_space<hbm>>
      tpu.enqueue_dma source(%arg13 : memref<80x128xf32, #tpu.memory_space<vmem>>) target(%dma_start3A_142 : memref<80x128xf32, #tpu.memory_space<hbm>>) target_semaphore(%run_scoped3A : memref<!tpu.dma_semaphore, #tpu.memory_space<semaphore_mem>>)
      %dma_wait3A = arith.constant 0 : i32
      %dma_wait3A_143 = tpu.memref_slice %arg6[%arg0, %add3A_67, %dma_wait3A] : memref<2x10240x128xf32, #tpu.memory_space<hbm>> -> memref<1x80x128xf32, #tpu.memory_space<hbm>>
      %dma_wait3A_144 = tpu.memref_squeeze %dma_wait3A_143 : memref<1x80x128xf32, #tpu.memory_space<hbm>> -> memref<80x128xf32, #tpu.memory_space<hbm>>
      %dma_wait3A_145 = arith.constant 0 : i32
      %dma_wait3A_146 = tpu.memref_slice %arg6[%arg0, %add3A_67, %dma_wait3A_145] : memref<2x10240x128xf32, #tpu.memory_space<hbm>> -> memref<1x80x128xf32, #tpu.memory_space<hbm>>
      %dma_wait3A_147 = tpu.memref_squeeze %dma_wait3A_146 : memref<1x80x128xf32, #tpu.memory_space<hbm>> -> memref<80x128xf32, #tpu.memory_space<hbm>>
      tpu.wait_dma2 semaphore(%run_scoped3A : memref<!tpu.dma_semaphore, #tpu.memory_space<semaphore_mem>>) src(%arg13 : memref<80x128xf32, #tpu.memory_space<vmem>>) dst(%dma_wait3A_147 : memref<80x128xf32, #tpu.memory_space<hbm>>)
      tpu.yield
    }) : () -> ()
    %add3A_68 = arith.constant 80 : i32
    %add3A_69 = arith.addi %mul3A_3, %add3A_68 : i32
    "tpu.region"() ({
      %run_scoped3A = tpu.sem_alloc : memref<!tpu.dma_semaphore, #tpu.memory_space<semaphore_mem>>
      %dma_start3A = arith.constant 0 : i32
      %dma_start3A_138 = tpu.memref_slice %arg7[%add3A_69, %dma_start3A] : memref<10240x128xf32, #tpu.memory_space<vmem_shared>> -> memref<80x128xf32, #tpu.memory_space<vmem_shared>>
      %dma_start3A_139 = arith.constant 0 : i32
      %dma_start3A_140 = tpu.memref_slice %arg7[%add3A_69, %dma_start3A_139] : memref<10240x128xf32, #tpu.memory_space<vmem_shared>> -> memref<80x128xf32, #tpu.memory_space<vmem_shared>>
      tpu.enqueue_dma source(%dma_start3A_140 : memref<80x128xf32, #tpu.memory_space<vmem_shared>>) target(%arg12 : memref<80x128xf32, #tpu.memory_space<vmem>>) target_semaphore(%run_scoped3A : memref<!tpu.dma_semaphore, #tpu.memory_space<semaphore_mem>>)
      %dma_wait3A = arith.constant 0 : i32
      %dma_wait3A_141 = tpu.memref_slice %arg7[%add3A_69, %dma_wait3A] : memref<10240x128xf32, #tpu.memory_space<vmem_shared>> -> memref<80x128xf32, #tpu.memory_space<vmem_shared>>
      %dma_wait3A_142 = arith.constant 0 : i32
      %dma_wait3A_143 = tpu.memref_slice %arg7[%add3A_69, %dma_wait3A_142] : memref<10240x128xf32, #tpu.memory_space<vmem_shared>> -> memref<80x128xf32, #tpu.memory_space<vmem_shared>>
      tpu.wait_dma2 semaphore(%run_scoped3A : memref<!tpu.dma_semaphore, #tpu.memory_space<semaphore_mem>>) src(%dma_wait3A_143 : memref<80x128xf32, #tpu.memory_space<vmem_shared>>) dst(%arg12 : memref<80x128xf32, #tpu.memory_space<vmem>>)
      tpu.yield
    }) : () -> ()
    %scan3A_70 = arith.constant 0 : i32
    %scan3A_71 = arith.constant 0 : i32
    %scan3A_72 = arith.constant 80 : i32
    %scan3A_73 = arith.addi %scan3A_71, %scan3A_72 : i32
    %scan3A_74 = arith.constant 1 : i32
    scf.for %scan3A_138 = %scan3A_71 to %scan3A_73 step %scan3A_74  : i32 {
      %get3A = arith.index_cast %scan3A_138 : i32 to index
      %get3A_139 = arith.constant 0 : index
      %get3A_140 = tpu.vector_load %arg12[%get3A, %get3A_139] {strides = array<i32>} : memref<80x128xf32, #tpu.memory_space<vmem>>, vector<1x16xf32>,
      %get3A_141 = vector.shape_cast %get3A_140 : vector<1x16xf32> to vector<16xf32>
      %swap3A = arith.index_cast %scan3A_138 : i32 to index
      %swap3A_142 = arith.constant 0 : index
      %swap3A_143 = tpu.vector_load %arg13[%swap3A, %swap3A_142] {strides = array<i32>} : memref<80x128xf32, #tpu.memory_space<vmem>>, vector<1x16xf32>,
      %swap3A_144 = vector.shape_cast %swap3A_143 : vector<1x16xf32> to vector<16xf32>
      %swap3A_145 = vector.shape_cast %get3A_141 : vector<16xf32> to vector<1x16xf32>
      tpu.vector_store %arg13[%swap3A, %swap3A_142], %swap3A_145 {strides = array<i32>} : memref<80x128xf32, #tpu.memory_space<vmem>>, vector<1x16xf32>,
      %get3A_146 = arith.index_cast %scan3A_138 : i32 to index
      %get3A_147 = arith.constant 16 : index
      %get3A_148 = tpu.vector_load %arg12[%get3A_146, %get3A_147] {strides = array<i32>} : memref<80x128xf32, #tpu.memory_space<vmem>>, vector<1x16xf32>,
      %get3A_149 = vector.shape_cast %get3A_148 : vector<1x16xf32> to vector<16xf32>
      %swap3A_150 = arith.index_cast %scan3A_138 : i32 to index
      %swap3A_151 = arith.constant 16 : index
      %swap3A_152 = tpu.vector_load %arg13[%swap3A_150, %swap3A_151] {strides = array<i32>} : memref<80x128xf32, #tpu.memory_space<vmem>>, vector<1x16xf32>,
      %swap3A_153 = vector.shape_cast %swap3A_152 : vector<1x16xf32> to vector<16xf32>
      %swap3A_154 = vector.shape_cast %get3A_149 : vector<16xf32> to vector<1x16xf32>
      tpu.vector_store %arg13[%swap3A_150, %swap3A_151], %swap3A_154 {strides = array<i32>} : memref<80x128xf32, #tpu.memory_space<vmem>>, vector<1x16xf32>,
      %get3A_155 = arith.index_cast %scan3A_138 : i32 to index
      %get3A_156 = arith.constant 32 : index
      %get3A_157 = tpu.vector_load %arg12[%get3A_155, %get3A_156] {strides = array<i32>} : memref<80x128xf32, #tpu.memory_space<vmem>>, vector<1x16xf32>,
      %get3A_158 = vector.shape_cast %get3A_157 : vector<1x16xf32> to vector<16xf32>
      %swap3A_159 = arith.index_cast %scan3A_138 : i32 to index
      %swap3A_160 = arith.constant 32 : index
      %swap3A_161 = tpu.vector_load %arg13[%swap3A_159, %swap3A_160] {strides = array<i32>} : memref<80x128xf32, #tpu.memory_space<vmem>>, vector<1x16xf32>,
      %swap3A_162 = vector.shape_cast %swap3A_161 : vector<1x16xf32> to vector<16xf32>
      %swap3A_163 = vector.shape_cast %get3A_158 : vector<16xf32> to vector<1x16xf32>
      tpu.vector_store %arg13[%swap3A_159, %swap3A_160], %swap3A_163 {strides = array<i32>} : memref<80x128xf32, #tpu.memory_space<vmem>>, vector<1x16xf32>,
      %get3A_164 = arith.index_cast %scan3A_138 : i32 to index
      %get3A_165 = arith.constant 48 : index
      %get3A_166 = tpu.vector_load %arg12[%get3A_164, %get3A_165] {strides = array<i32>} : memref<80x128xf32, #tpu.memory_space<vmem>>, vector<1x16xf32>,
      %get3A_167 = vector.shape_cast %get3A_166 : vector<1x16xf32> to vector<16xf32>
      %swap3A_168 = arith.index_cast %scan3A_138 : i32 to index
      %swap3A_169 = arith.constant 48 : index
      %swap3A_170 = tpu.vector_load %arg13[%swap3A_168, %swap3A_169] {strides = array<i32>} : memref<80x128xf32, #tpu.memory_space<vmem>>, vector<1x16xf32>,
      %swap3A_171 = vector.shape_cast %swap3A_170 : vector<1x16xf32> to vector<16xf32>
      %swap3A_172 = vector.shape_cast %get3A_167 : vector<16xf32> to vector<1x16xf32>
      tpu.vector_store %arg13[%swap3A_168, %swap3A_169], %swap3A_172 {strides = array<i32>} : memref<80x128xf32, #tpu.memory_space<vmem>>, vector<1x16xf32>,
      %get3A_173 = arith.index_cast %scan3A_138 : i32 to index
      %get3A_174 = arith.constant 64 : index
      %get3A_175 = tpu.vector_load %arg12[%get3A_173, %get3A_174] {strides = array<i32>} : memref<80x128xf32, #tpu.memory_space<vmem>>, vector<1x16xf32>,
      %get3A_176 = vector.shape_cast %get3A_175 : vector<1x16xf32> to vector<16xf32>
      %swap3A_177 = arith.index_cast %scan3A_138 : i32 to index
      %swap3A_178 = arith.constant 64 : index
      %swap3A_179 = tpu.vector_load %arg13[%swap3A_177, %swap3A_178] {strides = array<i32>} : memref<80x128xf32, #tpu.memory_space<vmem>>, vector<1x16xf32>,
      %swap3A_180 = vector.shape_cast %swap3A_179 : vector<1x16xf32> to vector<16xf32>
      %swap3A_181 = vector.shape_cast %get3A_176 : vector<16xf32> to vector<1x16xf32>
      tpu.vector_store %arg13[%swap3A_177, %swap3A_178], %swap3A_181 {strides = array<i32>} : memref<80x128xf32, #tpu.memory_space<vmem>>, vector<1x16xf32>,
      %get3A_182 = arith.index_cast %scan3A_138 : i32 to index
      %get3A_183 = arith.constant 80 : index
      %get3A_184 = tpu.vector_load %arg12[%get3A_182, %get3A_183] {strides = array<i32>} : memref<80x128xf32, #tpu.memory_space<vmem>>, vector<1x16xf32>,
      %get3A_185 = vector.shape_cast %get3A_184 : vector<1x16xf32> to vector<16xf32>
      %swap3A_186 = arith.index_cast %scan3A_138 : i32 to index
      %swap3A_187 = arith.constant 80 : index
      %swap3A_188 = tpu.vector_load %arg13[%swap3A_186, %swap3A_187] {strides = array<i32>} : memref<80x128xf32, #tpu.memory_space<vmem>>, vector<1x16xf32>,
      %swap3A_189 = vector.shape_cast %swap3A_188 : vector<1x16xf32> to vector<16xf32>
      %swap3A_190 = vector.shape_cast %get3A_185 : vector<16xf32> to vector<1x16xf32>
      tpu.vector_store %arg13[%swap3A_186, %swap3A_187], %swap3A_190 {strides = array<i32>} : memref<80x128xf32, #tpu.memory_space<vmem>>, vector<1x16xf32>,
      %get3A_191 = arith.index_cast %scan3A_138 : i32 to index
      %get3A_192 = arith.constant 96 : index
      %get3A_193 = tpu.vector_load %arg12[%get3A_191, %get3A_192] {strides = array<i32>} : memref<80x128xf32, #tpu.memory_space<vmem>>, vector<1x16xf32>,
      %get3A_194 = vector.shape_cast %get3A_193 : vector<1x16xf32> to vector<16xf32>
      %swap3A_195 = arith.index_cast %scan3A_138 : i32 to index
      %swap3A_196 = arith.constant 96 : index
      %swap3A_197 = tpu.vector_load %arg13[%swap3A_195, %swap3A_196] {strides = array<i32>} : memref<80x128xf32, #tpu.memory_space<vmem>>, vector<1x16xf32>,
      %swap3A_198 = vector.shape_cast %swap3A_197 : vector<1x16xf32> to vector<16xf32>
      %swap3A_199 = vector.shape_cast %get3A_194 : vector<16xf32> to vector<1x16xf32>
      tpu.vector_store %arg13[%swap3A_195, %swap3A_196], %swap3A_199 {strides = array<i32>} : memref<80x128xf32, #tpu.memory_space<vmem>>, vector<1x16xf32>,
      %get3A_200 = arith.index_cast %scan3A_138 : i32 to index
      %get3A_201 = arith.constant 112 : index
      %get3A_202 = tpu.vector_load %arg12[%get3A_200, %get3A_201] {strides = array<i32>} : memref<80x128xf32, #tpu.memory_space<vmem>>, vector<1x16xf32>,
      %get3A_203 = vector.shape_cast %get3A_202 : vector<1x16xf32> to vector<16xf32>
      %swap3A_204 = arith.index_cast %scan3A_138 : i32 to index
      %swap3A_205 = arith.constant 112 : index
      %swap3A_206 = tpu.vector_load %arg13[%swap3A_204, %swap3A_205] {strides = array<i32>} : memref<80x128xf32, #tpu.memory_space<vmem>>, vector<1x16xf32>,
      %swap3A_207 = vector.shape_cast %swap3A_206 : vector<1x16xf32> to vector<16xf32>
      %swap3A_208 = vector.shape_cast %get3A_203 : vector<16xf32> to vector<1x16xf32>
      tpu.vector_store %arg13[%swap3A_204, %swap3A_205], %swap3A_208 {strides = array<i32>} : memref<80x128xf32, #tpu.memory_space<vmem>>, vector<1x16xf32>,
    }
    %scan3A_75 = arith.constant 80 : i32
    %add3A_76 = arith.constant 80 : i32
    %add3A_77 = arith.addi %mul3A_3, %add3A_76 : i32
    "tpu.region"() ({
      %run_scoped3A = tpu.sem_alloc : memref<!tpu.dma_semaphore, #tpu.memory_space<semaphore_mem>>
      %dma_start3A = arith.constant 0 : i32
      %dma_start3A_138 = tpu.memref_slice %arg6[%arg0, %add3A_77, %dma_start3A] : memref<2x10240x128xf32, #tpu.memory_space<hbm>> -> memref<1x80x128xf32, #tpu.memory_space<hbm>>
      %dma_start3A_139 = tpu.memref_squeeze %dma_start3A_138 : memref<1x80x128xf32, #tpu.memory_space<hbm>> -> memref<80x128xf32, #tpu.memory_space<hbm>>
      %dma_start3A_140 = arith.constant 0 : i32
      %dma_start3A_141 = tpu.memref_slice %arg6[%arg0, %add3A_77, %dma_start3A_140] : memref<2x10240x128xf32, #tpu.memory_space<hbm>> -> memref<1x80x128xf32, #tpu.memory_space<hbm>>
      %dma_start3A_142 = tpu.memref_squeeze %dma_start3A_141 : memref<1x80x128xf32, #tpu.memory_space<hbm>> -> memref<80x128xf32, #tpu.memory_space<hbm>>
      tpu.enqueue_dma source(%arg13 : memref<80x128xf32, #tpu.memory_space<vmem>>) target(%dma_start3A_142 : memref<80x128xf32, #tpu.memory_space<hbm>>) target_semaphore(%run_scoped3A : memref<!tpu.dma_semaphore, #tpu.memory_space<semaphore_mem>>)
      %dma_wait3A = arith.constant 0 : i32
      %dma_wait3A_143 = tpu.memref_slice %arg6[%arg0, %add3A_77, %dma_wait3A] : memref<2x10240x128xf32, #tpu.memory_space<hbm>> -> memref<1x80x128xf32, #tpu.memory_space<hbm>>
      %dma_wait3A_144 = tpu.memref_squeeze %dma_wait3A_143 : memref<1x80x128xf32, #tpu.memory_space<hbm>> -> memref<80x128xf32, #tpu.memory_space<hbm>>
      %dma_wait3A_145 = arith.constant 0 : i32
      %dma_wait3A_146 = tpu.memref_slice %arg6[%arg0, %add3A_77, %dma_wait3A_145] : memref<2x10240x128xf32, #tpu.memory_space<hbm>> -> memref<1x80x128xf32, #tpu.memory_space<hbm>>
      %dma_wait3A_147 = tpu.memref_squeeze %dma_wait3A_146 : memref<1x80x128xf32, #tpu.memory_space<hbm>> -> memref<80x128xf32, #tpu.memory_space<hbm>>
      tpu.wait_dma2 semaphore(%run_scoped3A : memref<!tpu.dma_semaphore, #tpu.memory_space<semaphore_mem>>) src(%arg13 : memref<80x128xf32, #tpu.memory_space<vmem>>) dst(%dma_wait3A_147 : memref<80x128xf32, #tpu.memory_space<hbm>>)
      tpu.yield
    }) : () -> ()
    %add3A_78 = arith.constant 160 : i32
    %add3A_79 = arith.addi %mul3A_3, %add3A_78 : i32
    "tpu.region"() ({
      %run_scoped3A = tpu.sem_alloc : memref<!tpu.dma_semaphore, #tpu.memory_space<semaphore_mem>>
      %dma_start3A = arith.constant 0 : i32
      %dma_start3A_138 = tpu.memref_slice %arg7[%add3A_79, %dma_start3A] : memref<10240x128xf32, #tpu.memory_space<vmem_shared>> -> memref<80x128xf32, #tpu.memory_space<vmem_shared>>
      %dma_start3A_139 = arith.constant 0 : i32
      %dma_start3A_140 = tpu.memref_slice %arg7[%add3A_79, %dma_start3A_139] : memref<10240x128xf32, #tpu.memory_space<vmem_shared>> -> memref<80x128xf32, #tpu.memory_space<vmem_shared>>
      tpu.enqueue_dma source(%dma_start3A_140 : memref<80x128xf32, #tpu.memory_space<vmem_shared>>) target(%arg12 : memref<80x128xf32, #tpu.memory_space<vmem>>) target_semaphore(%run_scoped3A : memref<!tpu.dma_semaphore, #tpu.memory_space<semaphore_mem>>)
      %dma_wait3A = arith.constant 0 : i32
      %dma_wait3A_141 = tpu.memref_slice %arg7[%add3A_79, %dma_wait3A] : memref<10240x128xf32, #tpu.memory_space<vmem_shared>> -> memref<80x128xf32, #tpu.memory_space<vmem_shared>>
      %dma_wait3A_142 = arith.constant 0 : i32
      %dma_wait3A_143 = tpu.memref_slice %arg7[%add3A_79, %dma_wait3A_142] : memref<10240x128xf32, #tpu.memory_space<vmem_shared>> -> memref<80x128xf32, #tpu.memory_space<vmem_shared>>
      tpu.wait_dma2 semaphore(%run_scoped3A : memref<!tpu.dma_semaphore, #tpu.memory_space<semaphore_mem>>) src(%dma_wait3A_143 : memref<80x128xf32, #tpu.memory_space<vmem_shared>>) dst(%arg12 : memref<80x128xf32, #tpu.memory_space<vmem>>)
      tpu.yield
    }) : () -> ()
    %scan3A_80 = arith.constant 0 : i32
    %scan3A_81 = arith.constant 0 : i32
    %scan3A_82 = arith.constant 80 : i32
    %scan3A_83 = arith.addi %scan3A_81, %scan3A_82 : i32
    %scan3A_84 = arith.constant 1 : i32
    scf.for %scan3A_138 = %scan3A_81 to %scan3A_83 step %scan3A_84  : i32 {
      %get3A = arith.index_cast %scan3A_138 : i32 to index
      %get3A_139 = arith.constant 0 : index
      %get3A_140 = tpu.vector_load %arg12[%get3A, %get3A_139] {strides = array<i32>} : memref<80x128xf32, #tpu.memory_space<vmem>>, vector<1x16xf32>,
      %get3A_141 = vector.shape_cast %get3A_140 : vector<1x16xf32> to vector<16xf32>
      %swap3A = arith.index_cast %scan3A_138 : i32 to index
      %swap3A_142 = arith.constant 0 : index
      %swap3A_143 = tpu.vector_load %arg13[%swap3A, %swap3A_142] {strides = array<i32>} : memref<80x128xf32, #tpu.memory_space<vmem>>, vector<1x16xf32>,
      %swap3A_144 = vector.shape_cast %swap3A_143 : vector<1x16xf32> to vector<16xf32>
      %swap3A_145 = vector.shape_cast %get3A_141 : vector<16xf32> to vector<1x16xf32>
      tpu.vector_store %arg13[%swap3A, %swap3A_142], %swap3A_145 {strides = array<i32>} : memref<80x128xf32, #tpu.memory_space<vmem>>, vector<1x16xf32>,
      %get3A_146 = arith.index_cast %scan3A_138 : i32 to index
      %get3A_147 = arith.constant 16 : index
      %get3A_148 = tpu.vector_load %arg12[%get3A_146, %get3A_147] {strides = array<i32>} : memref<80x128xf32, #tpu.memory_space<vmem>>, vector<1x16xf32>,
      %get3A_149 = vector.shape_cast %get3A_148 : vector<1x16xf32> to vector<16xf32>
      %swap3A_150 = arith.index_cast %scan3A_138 : i32 to index
      %swap3A_151 = arith.constant 16 : index
      %swap3A_152 = tpu.vector_load %arg13[%swap3A_150, %swap3A_151] {strides = array<i32>} : memref<80x128xf32, #tpu.memory_space<vmem>>, vector<1x16xf32>,
      %swap3A_153 = vector.shape_cast %swap3A_152 : vector<1x16xf32> to vector<16xf32>
      %swap3A_154 = vector.shape_cast %get3A_149 : vector<16xf32> to vector<1x16xf32>
      tpu.vector_store %arg13[%swap3A_150, %swap3A_151], %swap3A_154 {strides = array<i32>} : memref<80x128xf32, #tpu.memory_space<vmem>>, vector<1x16xf32>,
      %get3A_155 = arith.index_cast %scan3A_138 : i32 to index
      %get3A_156 = arith.constant 32 : index
      %get3A_157 = tpu.vector_load %arg12[%get3A_155, %get3A_156] {strides = array<i32>} : memref<80x128xf32, #tpu.memory_space<vmem>>, vector<1x16xf32>,
      %get3A_158 = vector.shape_cast %get3A_157 : vector<1x16xf32> to vector<16xf32>
      %swap3A_159 = arith.index_cast %scan3A_138 : i32 to index
      %swap3A_160 = arith.constant 32 : index
      %swap3A_161 = tpu.vector_load %arg13[%swap3A_159, %swap3A_160] {strides = array<i32>} : memref<80x128xf32, #tpu.memory_space<vmem>>, vector<1x16xf32>,
      %swap3A_162 = vector.shape_cast %swap3A_161 : vector<1x16xf32> to vector<16xf32>
      %swap3A_163 = vector.shape_cast %get3A_158 : vector<16xf32> to vector<1x16xf32>
      tpu.vector_store %arg13[%swap3A_159, %swap3A_160], %swap3A_163 {strides = array<i32>} : memref<80x128xf32, #tpu.memory_space<vmem>>, vector<1x16xf32>,
      %get3A_164 = arith.index_cast %scan3A_138 : i32 to index
      %get3A_165 = arith.constant 48 : index
      %get3A_166 = tpu.vector_load %arg12[%get3A_164, %get3A_165] {strides = array<i32>} : memref<80x128xf32, #tpu.memory_space<vmem>>, vector<1x16xf32>,
      %get3A_167 = vector.shape_cast %get3A_166 : vector<1x16xf32> to vector<16xf32>
      %swap3A_168 = arith.index_cast %scan3A_138 : i32 to index
      %swap3A_169 = arith.constant 48 : index
      %swap3A_170 = tpu.vector_load %arg13[%swap3A_168, %swap3A_169] {strides = array<i32>} : memref<80x128xf32, #tpu.memory_space<vmem>>, vector<1x16xf32>,
      %swap3A_171 = vector.shape_cast %swap3A_170 : vector<1x16xf32> to vector<16xf32>
      %swap3A_172 = vector.shape_cast %get3A_167 : vector<16xf32> to vector<1x16xf32>
      tpu.vector_store %arg13[%swap3A_168, %swap3A_169], %swap3A_172 {strides = array<i32>} : memref<80x128xf32, #tpu.memory_space<vmem>>, vector<1x16xf32>,
      %get3A_173 = arith.index_cast %scan3A_138 : i32 to index
      %get3A_174 = arith.constant 64 : index
      %get3A_175 = tpu.vector_load %arg12[%get3A_173, %get3A_174] {strides = array<i32>} : memref<80x128xf32, #tpu.memory_space<vmem>>, vector<1x16xf32>,
      %get3A_176 = vector.shape_cast %get3A_175 : vector<1x16xf32> to vector<16xf32>
      %swap3A_177 = arith.index_cast %scan3A_138 : i32 to index
      %swap3A_178 = arith.constant 64 : index
      %swap3A_179 = tpu.vector_load %arg13[%swap3A_177, %swap3A_178] {strides = array<i32>} : memref<80x128xf32, #tpu.memory_space<vmem>>, vector<1x16xf32>,
      %swap3A_180 = vector.shape_cast %swap3A_179 : vector<1x16xf32> to vector<16xf32>
      %swap3A_181 = vector.shape_cast %get3A_176 : vector<16xf32> to vector<1x16xf32>
      tpu.vector_store %arg13[%swap3A_177, %swap3A_178], %swap3A_181 {strides = array<i32>} : memref<80x128xf32, #tpu.memory_space<vmem>>, vector<1x16xf32>,
      %get3A_182 = arith.index_cast %scan3A_138 : i32 to index
      %get3A_183 = arith.constant 80 : index
      %get3A_184 = tpu.vector_load %arg12[%get3A_182, %get3A_183] {strides = array<i32>} : memref<80x128xf32, #tpu.memory_space<vmem>>, vector<1x16xf32>,
      %get3A_185 = vector.shape_cast %get3A_184 : vector<1x16xf32> to vector<16xf32>
      %swap3A_186 = arith.index_cast %scan3A_138 : i32 to index
      %swap3A_187 = arith.constant 80 : index
      %swap3A_188 = tpu.vector_load %arg13[%swap3A_186, %swap3A_187] {strides = array<i32>} : memref<80x128xf32, #tpu.memory_space<vmem>>, vector<1x16xf32>,
      %swap3A_189 = vector.shape_cast %swap3A_188 : vector<1x16xf32> to vector<16xf32>
      %swap3A_190 = vector.shape_cast %get3A_185 : vector<16xf32> to vector<1x16xf32>
      tpu.vector_store %arg13[%swap3A_186, %swap3A_187], %swap3A_190 {strides = array<i32>} : memref<80x128xf32, #tpu.memory_space<vmem>>, vector<1x16xf32>,
      %get3A_191 = arith.index_cast %scan3A_138 : i32 to index
      %get3A_192 = arith.constant 96 : index
      %get3A_193 = tpu.vector_load %arg12[%get3A_191, %get3A_192] {strides = array<i32>} : memref<80x128xf32, #tpu.memory_space<vmem>>, vector<1x16xf32>,
      %get3A_194 = vector.shape_cast %get3A_193 : vector<1x16xf32> to vector<16xf32>
      %swap3A_195 = arith.index_cast %scan3A_138 : i32 to index
      %swap3A_196 = arith.constant 96 : index
      %swap3A_197 = tpu.vector_load %arg13[%swap3A_195, %swap3A_196] {strides = array<i32>} : memref<80x128xf32, #tpu.memory_space<vmem>>, vector<1x16xf32>,
      %swap3A_198 = vector.shape_cast %swap3A_197 : vector<1x16xf32> to vector<16xf32>
      %swap3A_199 = vector.shape_cast %get3A_194 : vector<16xf32> to vector<1x16xf32>
      tpu.vector_store %arg13[%swap3A_195, %swap3A_196], %swap3A_199 {strides = array<i32>} : memref<80x128xf32, #tpu.memory_space<vmem>>, vector<1x16xf32>,
      %get3A_200 = arith.index_cast %scan3A_138 : i32 to index
      %get3A_201 = arith.constant 112 : index
      %get3A_202 = tpu.vector_load %arg12[%get3A_200, %get3A_201] {strides = array<i32>} : memref<80x128xf32, #tpu.memory_space<vmem>>, vector<1x16xf32>,
      %get3A_203 = vector.shape_cast %get3A_202 : vector<1x16xf32> to vector<16xf32>
      %swap3A_204 = arith.index_cast %scan3A_138 : i32 to index
      %swap3A_205 = arith.constant 112 : index
      %swap3A_206 = tpu.vector_load %arg13[%swap3A_204, %swap3A_205] {strides = array<i32>} : memref<80x128xf32, #tpu.memory_space<vmem>>, vector<1x16xf32>,
      %swap3A_207 = vector.shape_cast %swap3A_206 : vector<1x16xf32> to vector<16xf32>
      %swap3A_208 = vector.shape_cast %get3A_203 : vector<16xf32> to vector<1x16xf32>
      tpu.vector_store %arg13[%swap3A_204, %swap3A_205], %swap3A_208 {strides = array<i32>} : memref<80x128xf32, #tpu.memory_space<vmem>>, vector<1x16xf32>,
    }
    %scan3A_85 = arith.constant 80 : i32
    %add3A_86 = arith.constant 160 : i32
    %add3A_87 = arith.addi %mul3A_3, %add3A_86 : i32
    "tpu.region"() ({
      %run_scoped3A = tpu.sem_alloc : memref<!tpu.dma_semaphore, #tpu.memory_space<semaphore_mem>>
      %dma_start3A = arith.constant 0 : i32
      %dma_start3A_138 = tpu.memref_slice %arg6[%arg0, %add3A_87, %dma_start3A] : memref<2x10240x128xf32, #tpu.memory_space<hbm>> -> memref<1x80x128xf32, #tpu.memory_space<hbm>>
      %dma_start3A_139 = tpu.memref_squeeze %dma_start3A_138 : memref<1x80x128xf32, #tpu.memory_space<hbm>> -> memref<80x128xf32, #tpu.memory_space<hbm>>
      %dma_start3A_140 = arith.constant 0 : i32
      %dma_start3A_141 = tpu.memref_slice %arg6[%arg0, %add3A_87, %dma_start3A_140] : memref<2x10240x128xf32, #tpu.memory_space<hbm>> -> memref<1x80x128xf32, #tpu.memory_space<hbm>>
      %dma_start3A_142 = tpu.memref_squeeze %dma_start3A_141 : memref<1x80x128xf32, #tpu.memory_space<hbm>> -> memref<80x128xf32, #tpu.memory_space<hbm>>
      tpu.enqueue_dma source(%arg13 : memref<80x128xf32, #tpu.memory_space<vmem>>) target(%dma_start3A_142 : memref<80x128xf32, #tpu.memory_space<hbm>>) target_semaphore(%run_scoped3A : memref<!tpu.dma_semaphore, #tpu.memory_space<semaphore_mem>>)
      %dma_wait3A = arith.constant 0 : i32
      %dma_wait3A_143 = tpu.memref_slice %arg6[%arg0, %add3A_87, %dma_wait3A] : memref<2x10240x128xf32, #tpu.memory_space<hbm>> -> memref<1x80x128xf32, #tpu.memory_space<hbm>>
      %dma_wait3A_144 = tpu.memref_squeeze %dma_wait3A_143 : memref<1x80x128xf32, #tpu.memory_space<hbm>> -> memref<80x128xf32, #tpu.memory_space<hbm>>
      %dma_wait3A_145 = arith.constant 0 : i32
      %dma_wait3A_146 = tpu.memref_slice %arg6[%arg0, %add3A_87, %dma_wait3A_145] : memref<2x10240x128xf32, #tpu.memory_space<hbm>> -> memref<1x80x128xf32, #tpu.memory_space<hbm>>
      %dma_wait3A_147 = tpu.memref_squeeze %dma_wait3A_146 : memref<1x80x128xf32, #tpu.memory_space<hbm>> -> memref<80x128xf32, #tpu.memory_space<hbm>>
      tpu.wait_dma2 semaphore(%run_scoped3A : memref<!tpu.dma_semaphore, #tpu.memory_space<semaphore_mem>>) src(%arg13 : memref<80x128xf32, #tpu.memory_space<vmem>>) dst(%dma_wait3A_147 : memref<80x128xf32, #tpu.memory_space<hbm>>)
      tpu.yield
    }) : () -> ()
    %add3A_88 = arith.constant 240 : i32
    %add3A_89 = arith.addi %mul3A_3, %add3A_88 : i32
    "tpu.region"() ({
      %run_scoped3A = tpu.sem_alloc : memref<!tpu.dma_semaphore, #tpu.memory_space<semaphore_mem>>
      %dma_start3A = arith.constant 0 : i32
      %dma_start3A_138 = tpu.memref_slice %arg7[%add3A_89, %dma_start3A] : memref<10240x128xf32, #tpu.memory_space<vmem_shared>> -> memref<80x128xf32, #tpu.memory_space<vmem_shared>>
      %dma_start3A_139 = arith.constant 0 : i32
      %dma_start3A_140 = tpu.memref_slice %arg7[%add3A_89, %dma_start3A_139] : memref<10240x128xf32, #tpu.memory_space<vmem_shared>> -> memref<80x128xf32, #tpu.memory_space<vmem_shared>>
      tpu.enqueue_dma source(%dma_start3A_140 : memref<80x128xf32, #tpu.memory_space<vmem_shared>>) target(%arg12 : memref<80x128xf32, #tpu.memory_space<vmem>>) target_semaphore(%run_scoped3A : memref<!tpu.dma_semaphore, #tpu.memory_space<semaphore_mem>>)
      %dma_wait3A = arith.constant 0 : i32
      %dma_wait3A_141 = tpu.memref_slice %arg7[%add3A_89, %dma_wait3A] : memref<10240x128xf32, #tpu.memory_space<vmem_shared>> -> memref<80x128xf32, #tpu.memory_space<vmem_shared>>
      %dma_wait3A_142 = arith.constant 0 : i32
      %dma_wait3A_143 = tpu.memref_slice %arg7[%add3A_89, %dma_wait3A_142] : memref<10240x128xf32, #tpu.memory_space<vmem_shared>> -> memref<80x128xf32, #tpu.memory_space<vmem_shared>>
      tpu.wait_dma2 semaphore(%run_scoped3A : memref<!tpu.dma_semaphore, #tpu.memory_space<semaphore_mem>>) src(%dma_wait3A_143 : memref<80x128xf32, #tpu.memory_space<vmem_shared>>) dst(%arg12 : memref<80x128xf32, #tpu.memory_space<vmem>>)
      tpu.yield
    }) : () -> ()
    %scan3A_90 = arith.constant 0 : i32
    %scan3A_91 = arith.constant 0 : i32
    %scan3A_92 = arith.constant 80 : i32
    %scan3A_93 = arith.addi %scan3A_91, %scan3A_92 : i32
    %scan3A_94 = arith.constant 1 : i32
    scf.for %scan3A_138 = %scan3A_91 to %scan3A_93 step %scan3A_94  : i32 {
      %get3A = arith.index_cast %scan3A_138 : i32 to index
      %get3A_139 = arith.constant 0 : index
      %get3A_140 = tpu.vector_load %arg12[%get3A, %get3A_139] {strides = array<i32>} : memref<80x128xf32, #tpu.memory_space<vmem>>, vector<1x16xf32>,
      %get3A_141 = vector.shape_cast %get3A_140 : vector<1x16xf32> to vector<16xf32>
      %swap3A = arith.index_cast %scan3A_138 : i32 to index
      %swap3A_142 = arith.constant 0 : index
      %swap3A_143 = tpu.vector_load %arg13[%swap3A, %swap3A_142] {strides = array<i32>} : memref<80x128xf32, #tpu.memory_space<vmem>>, vector<1x16xf32>,
      %swap3A_144 = vector.shape_cast %swap3A_143 : vector<1x16xf32> to vector<16xf32>
      %swap3A_145 = vector.shape_cast %get3A_141 : vector<16xf32> to vector<1x16xf32>
      tpu.vector_store %arg13[%swap3A, %swap3A_142], %swap3A_145 {strides = array<i32>} : memref<80x128xf32, #tpu.memory_space<vmem>>, vector<1x16xf32>,
      %get3A_146 = arith.index_cast %scan3A_138 : i32 to index
      %get3A_147 = arith.constant 16 : index
      %get3A_148 = tpu.vector_load %arg12[%get3A_146, %get3A_147] {strides = array<i32>} : memref<80x128xf32, #tpu.memory_space<vmem>>, vector<1x16xf32>,
      %get3A_149 = vector.shape_cast %get3A_148 : vector<1x16xf32> to vector<16xf32>
      %swap3A_150 = arith.index_cast %scan3A_138 : i32 to index
      %swap3A_151 = arith.constant 16 : index
      %swap3A_152 = tpu.vector_load %arg13[%swap3A_150, %swap3A_151] {strides = array<i32>} : memref<80x128xf32, #tpu.memory_space<vmem>>, vector<1x16xf32>,
      %swap3A_153 = vector.shape_cast %swap3A_152 : vector<1x16xf32> to vector<16xf32>
      %swap3A_154 = vector.shape_cast %get3A_149 : vector<16xf32> to vector<1x16xf32>
      tpu.vector_store %arg13[%swap3A_150, %swap3A_151], %swap3A_154 {strides = array<i32>} : memref<80x128xf32, #tpu.memory_space<vmem>>, vector<1x16xf32>,
      %get3A_155 = arith.index_cast %scan3A_138 : i32 to index
      %get3A_156 = arith.constant 32 : index
      %get3A_157 = tpu.vector_load %arg12[%get3A_155, %get3A_156] {strides = array<i32>} : memref<80x128xf32, #tpu.memory_space<vmem>>, vector<1x16xf32>,
      %get3A_158 = vector.shape_cast %get3A_157 : vector<1x16xf32> to vector<16xf32>
      %swap3A_159 = arith.index_cast %scan3A_138 : i32 to index
      %swap3A_160 = arith.constant 32 : index
      %swap3A_161 = tpu.vector_load %arg13[%swap3A_159, %swap3A_160] {strides = array<i32>} : memref<80x128xf32, #tpu.memory_space<vmem>>, vector<1x16xf32>,
      %swap3A_162 = vector.shape_cast %swap3A_161 : vector<1x16xf32> to vector<16xf32>
      %swap3A_163 = vector.shape_cast %get3A_158 : vector<16xf32> to vector<1x16xf32>
      tpu.vector_store %arg13[%swap3A_159, %swap3A_160], %swap3A_163 {strides = array<i32>} : memref<80x128xf32, #tpu.memory_space<vmem>>, vector<1x16xf32>,
      %get3A_164 = arith.index_cast %scan3A_138 : i32 to index
      %get3A_165 = arith.constant 48 : index
      %get3A_166 = tpu.vector_load %arg12[%get3A_164, %get3A_165] {strides = array<i32>} : memref<80x128xf32, #tpu.memory_space<vmem>>, vector<1x16xf32>,
      %get3A_167 = vector.shape_cast %get3A_166 : vector<1x16xf32> to vector<16xf32>
      %swap3A_168 = arith.index_cast %scan3A_138 : i32 to index
      %swap3A_169 = arith.constant 48 : index
      %swap3A_170 = tpu.vector_load %arg13[%swap3A_168, %swap3A_169] {strides = array<i32>} : memref<80x128xf32, #tpu.memory_space<vmem>>, vector<1x16xf32>,
      %swap3A_171 = vector.shape_cast %swap3A_170 : vector<1x16xf32> to vector<16xf32>
      %swap3A_172 = vector.shape_cast %get3A_167 : vector<16xf32> to vector<1x16xf32>
      tpu.vector_store %arg13[%swap3A_168, %swap3A_169], %swap3A_172 {strides = array<i32>} : memref<80x128xf32, #tpu.memory_space<vmem>>, vector<1x16xf32>,
      %get3A_173 = arith.index_cast %scan3A_138 : i32 to index
      %get3A_174 = arith.constant 64 : index
      %get3A_175 = tpu.vector_load %arg12[%get3A_173, %get3A_174] {strides = array<i32>} : memref<80x128xf32, #tpu.memory_space<vmem>>, vector<1x16xf32>,
      %get3A_176 = vector.shape_cast %get3A_175 : vector<1x16xf32> to vector<16xf32>
      %swap3A_177 = arith.index_cast %scan3A_138 : i32 to index
      %swap3A_178 = arith.constant 64 : index
      %swap3A_179 = tpu.vector_load %arg13[%swap3A_177, %swap3A_178] {strides = array<i32>} : memref<80x128xf32, #tpu.memory_space<vmem>>, vector<1x16xf32>,
      %swap3A_180 = vector.shape_cast %swap3A_179 : vector<1x16xf32> to vector<16xf32>
      %swap3A_181 = vector.shape_cast %get3A_176 : vector<16xf32> to vector<1x16xf32>
      tpu.vector_store %arg13[%swap3A_177, %swap3A_178], %swap3A_181 {strides = array<i32>} : memref<80x128xf32, #tpu.memory_space<vmem>>, vector<1x16xf32>,
      %get3A_182 = arith.index_cast %scan3A_138 : i32 to index
      %get3A_183 = arith.constant 80 : index
      %get3A_184 = tpu.vector_load %arg12[%get3A_182, %get3A_183] {strides = array<i32>} : memref<80x128xf32, #tpu.memory_space<vmem>>, vector<1x16xf32>,
      %get3A_185 = vector.shape_cast %get3A_184 : vector<1x16xf32> to vector<16xf32>
      %swap3A_186 = arith.index_cast %scan3A_138 : i32 to index
      %swap3A_187 = arith.constant 80 : index
      %swap3A_188 = tpu.vector_load %arg13[%swap3A_186, %swap3A_187] {strides = array<i32>} : memref<80x128xf32, #tpu.memory_space<vmem>>, vector<1x16xf32>,
      %swap3A_189 = vector.shape_cast %swap3A_188 : vector<1x16xf32> to vector<16xf32>
      %swap3A_190 = vector.shape_cast %get3A_185 : vector<16xf32> to vector<1x16xf32>
      tpu.vector_store %arg13[%swap3A_186, %swap3A_187], %swap3A_190 {strides = array<i32>} : memref<80x128xf32, #tpu.memory_space<vmem>>, vector<1x16xf32>,
      %get3A_191 = arith.index_cast %scan3A_138 : i32 to index
      %get3A_192 = arith.constant 96 : index
      %get3A_193 = tpu.vector_load %arg12[%get3A_191, %get3A_192] {strides = array<i32>} : memref<80x128xf32, #tpu.memory_space<vmem>>, vector<1x16xf32>,
      %get3A_194 = vector.shape_cast %get3A_193 : vector<1x16xf32> to vector<16xf32>
      %swap3A_195 = arith.index_cast %scan3A_138 : i32 to index
      %swap3A_196 = arith.constant 96 : index
      %swap3A_197 = tpu.vector_load %arg13[%swap3A_195, %swap3A_196] {strides = array<i32>} : memref<80x128xf32, #tpu.memory_space<vmem>>, vector<1x16xf32>,
      %swap3A_198 = vector.shape_cast %swap3A_197 : vector<1x16xf32> to vector<16xf32>
      %swap3A_199 = vector.shape_cast %get3A_194 : vector<16xf32> to vector<1x16xf32>
      tpu.vector_store %arg13[%swap3A_195, %swap3A_196], %swap3A_199 {strides = array<i32>} : memref<80x128xf32, #tpu.memory_space<vmem>>, vector<1x16xf32>,
      %get3A_200 = arith.index_cast %scan3A_138 : i32 to index
      %get3A_201 = arith.constant 112 : index
      %get3A_202 = tpu.vector_load %arg12[%get3A_200, %get3A_201] {strides = array<i32>} : memref<80x128xf32, #tpu.memory_space<vmem>>, vector<1x16xf32>,
      %get3A_203 = vector.shape_cast %get3A_202 : vector<1x16xf32> to vector<16xf32>
      %swap3A_204 = arith.index_cast %scan3A_138 : i32 to index
      %swap3A_205 = arith.constant 112 : index
      %swap3A_206 = tpu.vector_load %arg13[%swap3A_204, %swap3A_205] {strides = array<i32>} : memref<80x128xf32, #tpu.memory_space<vmem>>, vector<1x16xf32>,
      %swap3A_207 = vector.shape_cast %swap3A_206 : vector<1x16xf32> to vector<16xf32>
      %swap3A_208 = vector.shape_cast %get3A_203 : vector<16xf32> to vector<1x16xf32>
      tpu.vector_store %arg13[%swap3A_204, %swap3A_205], %swap3A_208 {strides = array<i32>} : memref<80x128xf32, #tpu.memory_space<vmem>>, vector<1x16xf32>,
    }
    %scan3A_95 = arith.constant 80 : i32
    %add3A_96 = arith.constant 240 : i32
    %add3A_97 = arith.addi %mul3A_3, %add3A_96 : i32
    "tpu.region"() ({
      %run_scoped3A = tpu.sem_alloc : memref<!tpu.dma_semaphore, #tpu.memory_space<semaphore_mem>>
      %dma_start3A = arith.constant 0 : i32
      %dma_start3A_138 = tpu.memref_slice %arg6[%arg0, %add3A_97, %dma_start3A] : memref<2x10240x128xf32, #tpu.memory_space<hbm>> -> memref<1x80x128xf32, #tpu.memory_space<hbm>>
      %dma_start3A_139 = tpu.memref_squeeze %dma_start3A_138 : memref<1x80x128xf32, #tpu.memory_space<hbm>> -> memref<80x128xf32, #tpu.memory_space<hbm>>
      %dma_start3A_140 = arith.constant 0 : i32
      %dma_start3A_141 = tpu.memref_slice %arg6[%arg0, %add3A_97, %dma_start3A_140] : memref<2x10240x128xf32, #tpu.memory_space<hbm>> -> memref<1x80x128xf32, #tpu.memory_space<hbm>>
      %dma_start3A_142 = tpu.memref_squeeze %dma_start3A_141 : memref<1x80x128xf32, #tpu.memory_space<hbm>> -> memref<80x128xf32, #tpu.memory_space<hbm>>
      tpu.enqueue_dma source(%arg13 : memref<80x128xf32, #tpu.memory_space<vmem>>) target(%dma_start3A_142 : memref<80x128xf32, #tpu.memory_space<hbm>>) target_semaphore(%run_scoped3A : memref<!tpu.dma_semaphore, #tpu.memory_space<semaphore_mem>>)
      %dma_wait3A = arith.constant 0 : i32
      %dma_wait3A_143 = tpu.memref_slice %arg6[%arg0, %add3A_97, %dma_wait3A] : memref<2x10240x128xf32, #tpu.memory_space<hbm>> -> memref<1x80x128xf32, #tpu.memory_space<hbm>>
      %dma_wait3A_144 = tpu.memref_squeeze %dma_wait3A_143 : memref<1x80x128xf32, #tpu.memory_space<hbm>> -> memref<80x128xf32, #tpu.memory_space<hbm>>
      %dma_wait3A_145 = arith.constant 0 : i32
      %dma_wait3A_146 = tpu.memref_slice %arg6[%arg0, %add3A_97, %dma_wait3A_145] : memref<2x10240x128xf32, #tpu.memory_space<hbm>> -> memref<1x80x128xf32, #tpu.memory_space<hbm>>
      %dma_wait3A_147 = tpu.memref_squeeze %dma_wait3A_146 : memref<1x80x128xf32, #tpu.memory_space<hbm>> -> memref<80x128xf32, #tpu.memory_space<hbm>>
      tpu.wait_dma2 semaphore(%run_scoped3A : memref<!tpu.dma_semaphore, #tpu.memory_space<semaphore_mem>>) src(%arg13 : memref<80x128xf32, #tpu.memory_space<vmem>>) dst(%dma_wait3A_147 : memref<80x128xf32, #tpu.memory_space<hbm>>)
      tpu.yield
    }) : () -> ()
    %add3A_98 = arith.constant 320 : i32
    %add3A_99 = arith.addi %mul3A_3, %add3A_98 : i32
    "tpu.region"() ({
      %run_scoped3A = tpu.sem_alloc : memref<!tpu.dma_semaphore, #tpu.memory_space<semaphore_mem>>
      %dma_start3A = arith.constant 0 : i32
      %dma_start3A_138 = tpu.memref_slice %arg7[%add3A_99, %dma_start3A] : memref<10240x128xf32, #tpu.memory_space<vmem_shared>> -> memref<80x128xf32, #tpu.memory_space<vmem_shared>>
      %dma_start3A_139 = arith.constant 0 : i32
      %dma_start3A_140 = tpu.memref_slice %arg7[%add3A_99, %dma_start3A_139] : memref<10240x128xf32, #tpu.memory_space<vmem_shared>> -> memref<80x128xf32, #tpu.memory_space<vmem_shared>>
      tpu.enqueue_dma source(%dma_start3A_140 : memref<80x128xf32, #tpu.memory_space<vmem_shared>>) target(%arg12 : memref<80x128xf32, #tpu.memory_space<vmem>>) target_semaphore(%run_scoped3A : memref<!tpu.dma_semaphore, #tpu.memory_space<semaphore_mem>>)
      %dma_wait3A = arith.constant 0 : i32
      %dma_wait3A_141 = tpu.memref_slice %arg7[%add3A_99, %dma_wait3A] : memref<10240x128xf32, #tpu.memory_space<vmem_shared>> -> memref<80x128xf32, #tpu.memory_space<vmem_shared>>
      %dma_wait3A_142 = arith.constant 0 : i32
      %dma_wait3A_143 = tpu.memref_slice %arg7[%add3A_99, %dma_wait3A_142] : memref<10240x128xf32, #tpu.memory_space<vmem_shared>> -> memref<80x128xf32, #tpu.memory_space<vmem_shared>>
      tpu.wait_dma2 semaphore(%run_scoped3A : memref<!tpu.dma_semaphore, #tpu.memory_space<semaphore_mem>>) src(%dma_wait3A_143 : memref<80x128xf32, #tpu.memory_space<vmem_shared>>) dst(%arg12 : memref<80x128xf32, #tpu.memory_space<vmem>>)
      tpu.yield
    }) : () -> ()
    %scan3A_100 = arith.constant 0 : i32
    %scan3A_101 = arith.constant 0 : i32
    %scan3A_102 = arith.constant 80 : i32
    %scan3A_103 = arith.addi %scan3A_101, %scan3A_102 : i32
    %scan3A_104 = arith.constant 1 : i32
    scf.for %scan3A_138 = %scan3A_101 to %scan3A_103 step %scan3A_104  : i32 {
      %get3A = arith.index_cast %scan3A_138 : i32 to index
      %get3A_139 = arith.constant 0 : index
      %get3A_140 = tpu.vector_load %arg12[%get3A, %get3A_139] {strides = array<i32>} : memref<80x128xf32, #tpu.memory_space<vmem>>, vector<1x16xf32>,
      %get3A_141 = vector.shape_cast %get3A_140 : vector<1x16xf32> to vector<16xf32>
      %swap3A = arith.index_cast %scan3A_138 : i32 to index
      %swap3A_142 = arith.constant 0 : index
      %swap3A_143 = tpu.vector_load %arg13[%swap3A, %swap3A_142] {strides = array<i32>} : memref<80x128xf32, #tpu.memory_space<vmem>>, vector<1x16xf32>,
      %swap3A_144 = vector.shape_cast %swap3A_143 : vector<1x16xf32> to vector<16xf32>
      %swap3A_145 = vector.shape_cast %get3A_141 : vector<16xf32> to vector<1x16xf32>
      tpu.vector_store %arg13[%swap3A, %swap3A_142], %swap3A_145 {strides = array<i32>} : memref<80x128xf32, #tpu.memory_space<vmem>>, vector<1x16xf32>,
      %get3A_146 = arith.index_cast %scan3A_138 : i32 to index
      %get3A_147 = arith.constant 16 : index
      %get3A_148 = tpu.vector_load %arg12[%get3A_146, %get3A_147] {strides = array<i32>} : memref<80x128xf32, #tpu.memory_space<vmem>>, vector<1x16xf32>,
      %get3A_149 = vector.shape_cast %get3A_148 : vector<1x16xf32> to vector<16xf32>
      %swap3A_150 = arith.index_cast %scan3A_138 : i32 to index
      %swap3A_151 = arith.constant 16 : index
      %swap3A_152 = tpu.vector_load %arg13[%swap3A_150, %swap3A_151] {strides = array<i32>} : memref<80x128xf32, #tpu.memory_space<vmem>>, vector<1x16xf32>,
      %swap3A_153 = vector.shape_cast %swap3A_152 : vector<1x16xf32> to vector<16xf32>
      %swap3A_154 = vector.shape_cast %get3A_149 : vector<16xf32> to vector<1x16xf32>
      tpu.vector_store %arg13[%swap3A_150, %swap3A_151], %swap3A_154 {strides = array<i32>} : memref<80x128xf32, #tpu.memory_space<vmem>>, vector<1x16xf32>,
      %get3A_155 = arith.index_cast %scan3A_138 : i32 to index
      %get3A_156 = arith.constant 32 : index
      %get3A_157 = tpu.vector_load %arg12[%get3A_155, %get3A_156] {strides = array<i32>} : memref<80x128xf32, #tpu.memory_space<vmem>>, vector<1x16xf32>,
      %get3A_158 = vector.shape_cast %get3A_157 : vector<1x16xf32> to vector<16xf32>
      %swap3A_159 = arith.index_cast %scan3A_138 : i32 to index
      %swap3A_160 = arith.constant 32 : index
      %swap3A_161 = tpu.vector_load %arg13[%swap3A_159, %swap3A_160] {strides = array<i32>} : memref<80x128xf32, #tpu.memory_space<vmem>>, vector<1x16xf32>,
      %swap3A_162 = vector.shape_cast %swap3A_161 : vector<1x16xf32> to vector<16xf32>
      %swap3A_163 = vector.shape_cast %get3A_158 : vector<16xf32> to vector<1x16xf32>
      tpu.vector_store %arg13[%swap3A_159, %swap3A_160], %swap3A_163 {strides = array<i32>} : memref<80x128xf32, #tpu.memory_space<vmem>>, vector<1x16xf32>,
      %get3A_164 = arith.index_cast %scan3A_138 : i32 to index
      %get3A_165 = arith.constant 48 : index
      %get3A_166 = tpu.vector_load %arg12[%get3A_164, %get3A_165] {strides = array<i32>} : memref<80x128xf32, #tpu.memory_space<vmem>>, vector<1x16xf32>,
      %get3A_167 = vector.shape_cast %get3A_166 : vector<1x16xf32> to vector<16xf32>
      %swap3A_168 = arith.index_cast %scan3A_138 : i32 to index
      %swap3A_169 = arith.constant 48 : index
      %swap3A_170 = tpu.vector_load %arg13[%swap3A_168, %swap3A_169] {strides = array<i32>} : memref<80x128xf32, #tpu.memory_space<vmem>>, vector<1x16xf32>,
      %swap3A_171 = vector.shape_cast %swap3A_170 : vector<1x16xf32> to vector<16xf32>
      %swap3A_172 = vector.shape_cast %get3A_167 : vector<16xf32> to vector<1x16xf32>
      tpu.vector_store %arg13[%swap3A_168, %swap3A_169], %swap3A_172 {strides = array<i32>} : memref<80x128xf32, #tpu.memory_space<vmem>>, vector<1x16xf32>,
      %get3A_173 = arith.index_cast %scan3A_138 : i32 to index
      %get3A_174 = arith.constant 64 : index
      %get3A_175 = tpu.vector_load %arg12[%get3A_173, %get3A_174] {strides = array<i32>} : memref<80x128xf32, #tpu.memory_space<vmem>>, vector<1x16xf32>,
      %get3A_176 = vector.shape_cast %get3A_175 : vector<1x16xf32> to vector<16xf32>
      %swap3A_177 = arith.index_cast %scan3A_138 : i32 to index
      %swap3A_178 = arith.constant 64 : index
      %swap3A_179 = tpu.vector_load %arg13[%swap3A_177, %swap3A_178] {strides = array<i32>} : memref<80x128xf32, #tpu.memory_space<vmem>>, vector<1x16xf32>,
      %swap3A_180 = vector.shape_cast %swap3A_179 : vector<1x16xf32> to vector<16xf32>
      %swap3A_181 = vector.shape_cast %get3A_176 : vector<16xf32> to vector<1x16xf32>
      tpu.vector_store %arg13[%swap3A_177, %swap3A_178], %swap3A_181 {strides = array<i32>} : memref<80x128xf32, #tpu.memory_space<vmem>>, vector<1x16xf32>,
      %get3A_182 = arith.index_cast %scan3A_138 : i32 to index
      %get3A_183 = arith.constant 80 : index
      %get3A_184 = tpu.vector_load %arg12[%get3A_182, %get3A_183] {strides = array<i32>} : memref<80x128xf32, #tpu.memory_space<vmem>>, vector<1x16xf32>,
      %get3A_185 = vector.shape_cast %get3A_184 : vector<1x16xf32> to vector<16xf32>
      %swap3A_186 = arith.index_cast %scan3A_138 : i32 to index
      %swap3A_187 = arith.constant 80 : index
      %swap3A_188 = tpu.vector_load %arg13[%swap3A_186, %swap3A_187] {strides = array<i32>} : memref<80x128xf32, #tpu.memory_space<vmem>>, vector<1x16xf32>,
      %swap3A_189 = vector.shape_cast %swap3A_188 : vector<1x16xf32> to vector<16xf32>
      %swap3A_190 = vector.shape_cast %get3A_185 : vector<16xf32> to vector<1x16xf32>
      tpu.vector_store %arg13[%swap3A_186, %swap3A_187], %swap3A_190 {strides = array<i32>} : memref<80x128xf32, #tpu.memory_space<vmem>>, vector<1x16xf32>,
      %get3A_191 = arith.index_cast %scan3A_138 : i32 to index
      %get3A_192 = arith.constant 96 : index
      %get3A_193 = tpu.vector_load %arg12[%get3A_191, %get3A_192] {strides = array<i32>} : memref<80x128xf32, #tpu.memory_space<vmem>>, vector<1x16xf32>,
      %get3A_194 = vector.shape_cast %get3A_193 : vector<1x16xf32> to vector<16xf32>
      %swap3A_195 = arith.index_cast %scan3A_138 : i32 to index
      %swap3A_196 = arith.constant 96 : index
      %swap3A_197 = tpu.vector_load %arg13[%swap3A_195, %swap3A_196] {strides = array<i32>} : memref<80x128xf32, #tpu.memory_space<vmem>>, vector<1x16xf32>,
      %swap3A_198 = vector.shape_cast %swap3A_197 : vector<1x16xf32> to vector<16xf32>
      %swap3A_199 = vector.shape_cast %get3A_194 : vector<16xf32> to vector<1x16xf32>
      tpu.vector_store %arg13[%swap3A_195, %swap3A_196], %swap3A_199 {strides = array<i32>} : memref<80x128xf32, #tpu.memory_space<vmem>>, vector<1x16xf32>,
      %get3A_200 = arith.index_cast %scan3A_138 : i32 to index
      %get3A_201 = arith.constant 112 : index
      %get3A_202 = tpu.vector_load %arg12[%get3A_200, %get3A_201] {strides = array<i32>} : memref<80x128xf32, #tpu.memory_space<vmem>>, vector<1x16xf32>,
      %get3A_203 = vector.shape_cast %get3A_202 : vector<1x16xf32> to vector<16xf32>
      %swap3A_204 = arith.index_cast %scan3A_138 : i32 to index
      %swap3A_205 = arith.constant 112 : index
      %swap3A_206 = tpu.vector_load %arg13[%swap3A_204, %swap3A_205] {strides = array<i32>} : memref<80x128xf32, #tpu.memory_space<vmem>>, vector<1x16xf32>,
      %swap3A_207 = vector.shape_cast %swap3A_206 : vector<1x16xf32> to vector<16xf32>
      %swap3A_208 = vector.shape_cast %get3A_203 : vector<16xf32> to vector<1x16xf32>
      tpu.vector_store %arg13[%swap3A_204, %swap3A_205], %swap3A_208 {strides = array<i32>} : memref<80x128xf32, #tpu.memory_space<vmem>>, vector<1x16xf32>,
    }
    %scan3A_105 = arith.constant 80 : i32
    %add3A_106 = arith.constant 320 : i32
    %add3A_107 = arith.addi %mul3A_3, %add3A_106 : i32
    "tpu.region"() ({
      %run_scoped3A = tpu.sem_alloc : memref<!tpu.dma_semaphore, #tpu.memory_space<semaphore_mem>>
      %dma_start3A = arith.constant 0 : i32
      %dma_start3A_138 = tpu.memref_slice %arg6[%arg0, %add3A_107, %dma_start3A] : memref<2x10240x128xf32, #tpu.memory_space<hbm>> -> memref<1x80x128xf32, #tpu.memory_space<hbm>>
      %dma_start3A_139 = tpu.memref_squeeze %dma_start3A_138 : memref<1x80x128xf32, #tpu.memory_space<hbm>> -> memref<80x128xf32, #tpu.memory_space<hbm>>
      %dma_start3A_140 = arith.constant 0 : i32
      %dma_start3A_141 = tpu.memref_slice %arg6[%arg0, %add3A_107, %dma_start3A_140] : memref<2x10240x128xf32, #tpu.memory_space<hbm>> -> memref<1x80x128xf32, #tpu.memory_space<hbm>>
      %dma_start3A_142 = tpu.memref_squeeze %dma_start3A_141 : memref<1x80x128xf32, #tpu.memory_space<hbm>> -> memref<80x128xf32, #tpu.memory_space<hbm>>
      tpu.enqueue_dma source(%arg13 : memref<80x128xf32, #tpu.memory_space<vmem>>) target(%dma_start3A_142 : memref<80x128xf32, #tpu.memory_space<hbm>>) target_semaphore(%run_scoped3A : memref<!tpu.dma_semaphore, #tpu.memory_space<semaphore_mem>>)
      %dma_wait3A = arith.constant 0 : i32
      %dma_wait3A_143 = tpu.memref_slice %arg6[%arg0, %add3A_107, %dma_wait3A] : memref<2x10240x128xf32, #tpu.memory_space<hbm>> -> memref<1x80x128xf32, #tpu.memory_space<hbm>>
      %dma_wait3A_144 = tpu.memref_squeeze %dma_wait3A_143 : memref<1x80x128xf32, #tpu.memory_space<hbm>> -> memref<80x128xf32, #tpu.memory_space<hbm>>
      %dma_wait3A_145 = arith.constant 0 : i32
      %dma_wait3A_146 = tpu.memref_slice %arg6[%arg0, %add3A_107, %dma_wait3A_145] : memref<2x10240x128xf32, #tpu.memory_space<hbm>> -> memref<1x80x128xf32, #tpu.memory_space<hbm>>
      %dma_wait3A_147 = tpu.memref_squeeze %dma_wait3A_146 : memref<1x80x128xf32, #tpu.memory_space<hbm>> -> memref<80x128xf32, #tpu.memory_space<hbm>>
      tpu.wait_dma2 semaphore(%run_scoped3A : memref<!tpu.dma_semaphore, #tpu.memory_space<semaphore_mem>>) src(%arg13 : memref<80x128xf32, #tpu.memory_space<vmem>>) dst(%dma_wait3A_147 : memref<80x128xf32, #tpu.memory_space<hbm>>)
      tpu.yield
    }) : () -> ()
    %add3A_108 = arith.constant 400 : i32
    %add3A_109 = arith.addi %mul3A_3, %add3A_108 : i32
    "tpu.region"() ({
      %run_scoped3A = tpu.sem_alloc : memref<!tpu.dma_semaphore, #tpu.memory_space<semaphore_mem>>
      %dma_start3A = arith.constant 0 : i32
      %dma_start3A_138 = tpu.memref_slice %arg7[%add3A_109, %dma_start3A] : memref<10240x128xf32, #tpu.memory_space<vmem_shared>> -> memref<80x128xf32, #tpu.memory_space<vmem_shared>>
      %dma_start3A_139 = arith.constant 0 : i32
      %dma_start3A_140 = tpu.memref_slice %arg7[%add3A_109, %dma_start3A_139] : memref<10240x128xf32, #tpu.memory_space<vmem_shared>> -> memref<80x128xf32, #tpu.memory_space<vmem_shared>>
      tpu.enqueue_dma source(%dma_start3A_140 : memref<80x128xf32, #tpu.memory_space<vmem_shared>>) target(%arg12 : memref<80x128xf32, #tpu.memory_space<vmem>>) target_semaphore(%run_scoped3A : memref<!tpu.dma_semaphore, #tpu.memory_space<semaphore_mem>>)
      %dma_wait3A = arith.constant 0 : i32
      %dma_wait3A_141 = tpu.memref_slice %arg7[%add3A_109, %dma_wait3A] : memref<10240x128xf32, #tpu.memory_space<vmem_shared>> -> memref<80x128xf32, #tpu.memory_space<vmem_shared>>
      %dma_wait3A_142 = arith.constant 0 : i32
      %dma_wait3A_143 = tpu.memref_slice %arg7[%add3A_109, %dma_wait3A_142] : memref<10240x128xf32, #tpu.memory_space<vmem_shared>> -> memref<80x128xf32, #tpu.memory_space<vmem_shared>>
      tpu.wait_dma2 semaphore(%run_scoped3A : memref<!tpu.dma_semaphore, #tpu.memory_space<semaphore_mem>>) src(%dma_wait3A_143 : memref<80x128xf32, #tpu.memory_space<vmem_shared>>) dst(%arg12 : memref<80x128xf32, #tpu.memory_space<vmem>>)
      tpu.yield
    }) : () -> ()
    %scan3A_110 = arith.constant 0 : i32
    %scan3A_111 = arith.constant 0 : i32
    %scan3A_112 = arith.constant 80 : i32
    %scan3A_113 = arith.addi %scan3A_111, %scan3A_112 : i32
    %scan3A_114 = arith.constant 1 : i32
    scf.for %scan3A_138 = %scan3A_111 to %scan3A_113 step %scan3A_114  : i32 {
      %get3A = arith.index_cast %scan3A_138 : i32 to index
      %get3A_139 = arith.constant 0 : index
      %get3A_140 = tpu.vector_load %arg12[%get3A, %get3A_139] {strides = array<i32>} : memref<80x128xf32, #tpu.memory_space<vmem>>, vector<1x16xf32>,
      %get3A_141 = vector.shape_cast %get3A_140 : vector<1x16xf32> to vector<16xf32>
      %swap3A = arith.index_cast %scan3A_138 : i32 to index
      %swap3A_142 = arith.constant 0 : index
      %swap3A_143 = tpu.vector_load %arg13[%swap3A, %swap3A_142] {strides = array<i32>} : memref<80x128xf32, #tpu.memory_space<vmem>>, vector<1x16xf32>,
      %swap3A_144 = vector.shape_cast %swap3A_143 : vector<1x16xf32> to vector<16xf32>
      %swap3A_145 = vector.shape_cast %get3A_141 : vector<16xf32> to vector<1x16xf32>
      tpu.vector_store %arg13[%swap3A, %swap3A_142], %swap3A_145 {strides = array<i32>} : memref<80x128xf32, #tpu.memory_space<vmem>>, vector<1x16xf32>,
      %get3A_146 = arith.index_cast %scan3A_138 : i32 to index
      %get3A_147 = arith.constant 16 : index
      %get3A_148 = tpu.vector_load %arg12[%get3A_146, %get3A_147] {strides = array<i32>} : memref<80x128xf32, #tpu.memory_space<vmem>>, vector<1x16xf32>,
      %get3A_149 = vector.shape_cast %get3A_148 : vector<1x16xf32> to vector<16xf32>
      %swap3A_150 = arith.index_cast %scan3A_138 : i32 to index
      %swap3A_151 = arith.constant 16 : index
      %swap3A_152 = tpu.vector_load %arg13[%swap3A_150, %swap3A_151] {strides = array<i32>} : memref<80x128xf32, #tpu.memory_space<vmem>>, vector<1x16xf32>,
      %swap3A_153 = vector.shape_cast %swap3A_152 : vector<1x16xf32> to vector<16xf32>
      %swap3A_154 = vector.shape_cast %get3A_149 : vector<16xf32> to vector<1x16xf32>
      tpu.vector_store %arg13[%swap3A_150, %swap3A_151], %swap3A_154 {strides = array<i32>} : memref<80x128xf32, #tpu.memory_space<vmem>>, vector<1x16xf32>,
      %get3A_155 = arith.index_cast %scan3A_138 : i32 to index
      %get3A_156 = arith.constant 32 : index
      %get3A_157 = tpu.vector_load %arg12[%get3A_155, %get3A_156] {strides = array<i32>} : memref<80x128xf32, #tpu.memory_space<vmem>>, vector<1x16xf32>,
      %get3A_158 = vector.shape_cast %get3A_157 : vector<1x16xf32> to vector<16xf32>
      %swap3A_159 = arith.index_cast %scan3A_138 : i32 to index
      %swap3A_160 = arith.constant 32 : index
      %swap3A_161 = tpu.vector_load %arg13[%swap3A_159, %swap3A_160] {strides = array<i32>} : memref<80x128xf32, #tpu.memory_space<vmem>>, vector<1x16xf32>,
      %swap3A_162 = vector.shape_cast %swap3A_161 : vector<1x16xf32> to vector<16xf32>
      %swap3A_163 = vector.shape_cast %get3A_158 : vector<16xf32> to vector<1x16xf32>
      tpu.vector_store %arg13[%swap3A_159, %swap3A_160], %swap3A_163 {strides = array<i32>} : memref<80x128xf32, #tpu.memory_space<vmem>>, vector<1x16xf32>,
      %get3A_164 = arith.index_cast %scan3A_138 : i32 to index
      %get3A_165 = arith.constant 48 : index
      %get3A_166 = tpu.vector_load %arg12[%get3A_164, %get3A_165] {strides = array<i32>} : memref<80x128xf32, #tpu.memory_space<vmem>>, vector<1x16xf32>,
      %get3A_167 = vector.shape_cast %get3A_166 : vector<1x16xf32> to vector<16xf32>
      %swap3A_168 = arith.index_cast %scan3A_138 : i32 to index
      %swap3A_169 = arith.constant 48 : index
      %swap3A_170 = tpu.vector_load %arg13[%swap3A_168, %swap3A_169] {strides = array<i32>} : memref<80x128xf32, #tpu.memory_space<vmem>>, vector<1x16xf32>,
      %swap3A_171 = vector.shape_cast %swap3A_170 : vector<1x16xf32> to vector<16xf32>
      %swap3A_172 = vector.shape_cast %get3A_167 : vector<16xf32> to vector<1x16xf32>
      tpu.vector_store %arg13[%swap3A_168, %swap3A_169], %swap3A_172 {strides = array<i32>} : memref<80x128xf32, #tpu.memory_space<vmem>>, vector<1x16xf32>,
      %get3A_173 = arith.index_cast %scan3A_138 : i32 to index
      %get3A_174 = arith.constant 64 : index
      %get3A_175 = tpu.vector_load %arg12[%get3A_173, %get3A_174] {strides = array<i32>} : memref<80x128xf32, #tpu.memory_space<vmem>>, vector<1x16xf32>,
      %get3A_176 = vector.shape_cast %get3A_175 : vector<1x16xf32> to vector<16xf32>
      %swap3A_177 = arith.index_cast %scan3A_138 : i32 to index
      %swap3A_178 = arith.constant 64 : index
      %swap3A_179 = tpu.vector_load %arg13[%swap3A_177, %swap3A_178] {strides = array<i32>} : memref<80x128xf32, #tpu.memory_space<vmem>>, vector<1x16xf32>,
      %swap3A_180 = vector.shape_cast %swap3A_179 : vector<1x16xf32> to vector<16xf32>
      %swap3A_181 = vector.shape_cast %get3A_176 : vector<16xf32> to vector<1x16xf32>
      tpu.vector_store %arg13[%swap3A_177, %swap3A_178], %swap3A_181 {strides = array<i32>} : memref<80x128xf32, #tpu.memory_space<vmem>>, vector<1x16xf32>,
      %get3A_182 = arith.index_cast %scan3A_138 : i32 to index
      %get3A_183 = arith.constant 80 : index
      %get3A_184 = tpu.vector_load %arg12[%get3A_182, %get3A_183] {strides = array<i32>} : memref<80x128xf32, #tpu.memory_space<vmem>>, vector<1x16xf32>,
      %get3A_185 = vector.shape_cast %get3A_184 : vector<1x16xf32> to vector<16xf32>
      %swap3A_186 = arith.index_cast %scan3A_138 : i32 to index
      %swap3A_187 = arith.constant 80 : index
      %swap3A_188 = tpu.vector_load %arg13[%swap3A_186, %swap3A_187] {strides = array<i32>} : memref<80x128xf32, #tpu.memory_space<vmem>>, vector<1x16xf32>,
      %swap3A_189 = vector.shape_cast %swap3A_188 : vector<1x16xf32> to vector<16xf32>
      %swap3A_190 = vector.shape_cast %get3A_185 : vector<16xf32> to vector<1x16xf32>
      tpu.vector_store %arg13[%swap3A_186, %swap3A_187], %swap3A_190 {strides = array<i32>} : memref<80x128xf32, #tpu.memory_space<vmem>>, vector<1x16xf32>,
      %get3A_191 = arith.index_cast %scan3A_138 : i32 to index
      %get3A_192 = arith.constant 96 : index
      %get3A_193 = tpu.vector_load %arg12[%get3A_191, %get3A_192] {strides = array<i32>} : memref<80x128xf32, #tpu.memory_space<vmem>>, vector<1x16xf32>,
      %get3A_194 = vector.shape_cast %get3A_193 : vector<1x16xf32> to vector<16xf32>
      %swap3A_195 = arith.index_cast %scan3A_138 : i32 to index
      %swap3A_196 = arith.constant 96 : index
      %swap3A_197 = tpu.vector_load %arg13[%swap3A_195, %swap3A_196] {strides = array<i32>} : memref<80x128xf32, #tpu.memory_space<vmem>>, vector<1x16xf32>,
      %swap3A_198 = vector.shape_cast %swap3A_197 : vector<1x16xf32> to vector<16xf32>
      %swap3A_199 = vector.shape_cast %get3A_194 : vector<16xf32> to vector<1x16xf32>
      tpu.vector_store %arg13[%swap3A_195, %swap3A_196], %swap3A_199 {strides = array<i32>} : memref<80x128xf32, #tpu.memory_space<vmem>>, vector<1x16xf32>,
      %get3A_200 = arith.index_cast %scan3A_138 : i32 to index
      %get3A_201 = arith.constant 112 : index
      %get3A_202 = tpu.vector_load %arg12[%get3A_200, %get3A_201] {strides = array<i32>} : memref<80x128xf32, #tpu.memory_space<vmem>>, vector<1x16xf32>,
      %get3A_203 = vector.shape_cast %get3A_202 : vector<1x16xf32> to vector<16xf32>
      %swap3A_204 = arith.index_cast %scan3A_138 : i32 to index
      %swap3A_205 = arith.constant 112 : index
      %swap3A_206 = tpu.vector_load %arg13[%swap3A_204, %swap3A_205] {strides = array<i32>} : memref<80x128xf32, #tpu.memory_space<vmem>>, vector<1x16xf32>,
      %swap3A_207 = vector.shape_cast %swap3A_206 : vector<1x16xf32> to vector<16xf32>
      %swap3A_208 = vector.shape_cast %get3A_203 : vector<16xf32> to vector<1x16xf32>
      tpu.vector_store %arg13[%swap3A_204, %swap3A_205], %swap3A_208 {strides = array<i32>} : memref<80x128xf32, #tpu.memory_space<vmem>>, vector<1x16xf32>,
    }
    %scan3A_115 = arith.constant 80 : i32
    %add3A_116 = arith.constant 400 : i32
    %add3A_117 = arith.addi %mul3A_3, %add3A_116 : i32
    "tpu.region"() ({
      %run_scoped3A = tpu.sem_alloc : memref<!tpu.dma_semaphore, #tpu.memory_space<semaphore_mem>>
      %dma_start3A = arith.constant 0 : i32
      %dma_start3A_138 = tpu.memref_slice %arg6[%arg0, %add3A_117, %dma_start3A] : memref<2x10240x128xf32, #tpu.memory_space<hbm>> -> memref<1x80x128xf32, #tpu.memory_space<hbm>>
      %dma_start3A_139 = tpu.memref_squeeze %dma_start3A_138 : memref<1x80x128xf32, #tpu.memory_space<hbm>> -> memref<80x128xf32, #tpu.memory_space<hbm>>
      %dma_start3A_140 = arith.constant 0 : i32
      %dma_start3A_141 = tpu.memref_slice %arg6[%arg0, %add3A_117, %dma_start3A_140] : memref<2x10240x128xf32, #tpu.memory_space<hbm>> -> memref<1x80x128xf32, #tpu.memory_space<hbm>>
      %dma_start3A_142 = tpu.memref_squeeze %dma_start3A_141 : memref<1x80x128xf32, #tpu.memory_space<hbm>> -> memref<80x128xf32, #tpu.memory_space<hbm>>
      tpu.enqueue_dma source(%arg13 : memref<80x128xf32, #tpu.memory_space<vmem>>) target(%dma_start3A_142 : memref<80x128xf32, #tpu.memory_space<hbm>>) target_semaphore(%run_scoped3A : memref<!tpu.dma_semaphore, #tpu.memory_space<semaphore_mem>>)
      %dma_wait3A = arith.constant 0 : i32
      %dma_wait3A_143 = tpu.memref_slice %arg6[%arg0, %add3A_117, %dma_wait3A] : memref<2x10240x128xf32, #tpu.memory_space<hbm>> -> memref<1x80x128xf32, #tpu.memory_space<hbm>>
      %dma_wait3A_144 = tpu.memref_squeeze %dma_wait3A_143 : memref<1x80x128xf32, #tpu.memory_space<hbm>> -> memref<80x128xf32, #tpu.memory_space<hbm>>
      %dma_wait3A_145 = arith.constant 0 : i32
      %dma_wait3A_146 = tpu.memref_slice %arg6[%arg0, %add3A_117, %dma_wait3A_145] : memref<2x10240x128xf32, #tpu.memory_space<hbm>> -> memref<1x80x128xf32, #tpu.memory_space<hbm>>
      %dma_wait3A_147 = tpu.memref_squeeze %dma_wait3A_146 : memref<1x80x128xf32, #tpu.memory_space<hbm>> -> memref<80x128xf32, #tpu.memory_space<hbm>>
      tpu.wait_dma2 semaphore(%run_scoped3A : memref<!tpu.dma_semaphore, #tpu.memory_space<semaphore_mem>>) src(%arg13 : memref<80x128xf32, #tpu.memory_space<vmem>>) dst(%dma_wait3A_147 : memref<80x128xf32, #tpu.memory_space<hbm>>)
      tpu.yield
    }) : () -> ()
    %add3A_118 = arith.constant 480 : i32
    %add3A_119 = arith.addi %mul3A_3, %add3A_118 : i32
    "tpu.region"() ({
      %run_scoped3A = tpu.sem_alloc : memref<!tpu.dma_semaphore, #tpu.memory_space<semaphore_mem>>
      %dma_start3A = arith.constant 0 : i32
      %dma_start3A_138 = tpu.memref_slice %arg7[%add3A_119, %dma_start3A] : memref<10240x128xf32, #tpu.memory_space<vmem_shared>> -> memref<80x128xf32, #tpu.memory_space<vmem_shared>>
      %dma_start3A_139 = arith.constant 0 : i32
      %dma_start3A_140 = tpu.memref_slice %arg7[%add3A_119, %dma_start3A_139] : memref<10240x128xf32, #tpu.memory_space<vmem_shared>> -> memref<80x128xf32, #tpu.memory_space<vmem_shared>>
      tpu.enqueue_dma source(%dma_start3A_140 : memref<80x128xf32, #tpu.memory_space<vmem_shared>>) target(%arg12 : memref<80x128xf32, #tpu.memory_space<vmem>>) target_semaphore(%run_scoped3A : memref<!tpu.dma_semaphore, #tpu.memory_space<semaphore_mem>>)
      %dma_wait3A = arith.constant 0 : i32
      %dma_wait3A_141 = tpu.memref_slice %arg7[%add3A_119, %dma_wait3A] : memref<10240x128xf32, #tpu.memory_space<vmem_shared>> -> memref<80x128xf32, #tpu.memory_space<vmem_shared>>
      %dma_wait3A_142 = arith.constant 0 : i32
      %dma_wait3A_143 = tpu.memref_slice %arg7[%add3A_119, %dma_wait3A_142] : memref<10240x128xf32, #tpu.memory_space<vmem_shared>> -> memref<80x128xf32, #tpu.memory_space<vmem_shared>>
      tpu.wait_dma2 semaphore(%run_scoped3A : memref<!tpu.dma_semaphore, #tpu.memory_space<semaphore_mem>>) src(%dma_wait3A_143 : memref<80x128xf32, #tpu.memory_space<vmem_shared>>) dst(%arg12 : memref<80x128xf32, #tpu.memory_space<vmem>>)
      tpu.yield
    }) : () -> ()
    %scan3A_120 = arith.constant 0 : i32
    %scan3A_121 = arith.constant 0 : i32
    %scan3A_122 = arith.constant 80 : i32
    %scan3A_123 = arith.addi %scan3A_121, %scan3A_122 : i32
    %scan3A_124 = arith.constant 1 : i32
    scf.for %scan3A_138 = %scan3A_121 to %scan3A_123 step %scan3A_124  : i32 {
      %get3A = arith.index_cast %scan3A_138 : i32 to index
      %get3A_139 = arith.constant 0 : index
      %get3A_140 = tpu.vector_load %arg12[%get3A, %get3A_139] {strides = array<i32>} : memref<80x128xf32, #tpu.memory_space<vmem>>, vector<1x16xf32>,
      %get3A_141 = vector.shape_cast %get3A_140 : vector<1x16xf32> to vector<16xf32>
      %swap3A = arith.index_cast %scan3A_138 : i32 to index
      %swap3A_142 = arith.constant 0 : index
      %swap3A_143 = tpu.vector_load %arg13[%swap3A, %swap3A_142] {strides = array<i32>} : memref<80x128xf32, #tpu.memory_space<vmem>>, vector<1x16xf32>,
      %swap3A_144 = vector.shape_cast %swap3A_143 : vector<1x16xf32> to vector<16xf32>
      %swap3A_145 = vector.shape_cast %get3A_141 : vector<16xf32> to vector<1x16xf32>
      tpu.vector_store %arg13[%swap3A, %swap3A_142], %swap3A_145 {strides = array<i32>} : memref<80x128xf32, #tpu.memory_space<vmem>>, vector<1x16xf32>,
      %get3A_146 = arith.index_cast %scan3A_138 : i32 to index
      %get3A_147 = arith.constant 16 : index
      %get3A_148 = tpu.vector_load %arg12[%get3A_146, %get3A_147] {strides = array<i32>} : memref<80x128xf32, #tpu.memory_space<vmem>>, vector<1x16xf32>,
      %get3A_149 = vector.shape_cast %get3A_148 : vector<1x16xf32> to vector<16xf32>
      %swap3A_150 = arith.index_cast %scan3A_138 : i32 to index
      %swap3A_151 = arith.constant 16 : index
      %swap3A_152 = tpu.vector_load %arg13[%swap3A_150, %swap3A_151] {strides = array<i32>} : memref<80x128xf32, #tpu.memory_space<vmem>>, vector<1x16xf32>,
      %swap3A_153 = vector.shape_cast %swap3A_152 : vector<1x16xf32> to vector<16xf32>
      %swap3A_154 = vector.shape_cast %get3A_149 : vector<16xf32> to vector<1x16xf32>
      tpu.vector_store %arg13[%swap3A_150, %swap3A_151], %swap3A_154 {strides = array<i32>} : memref<80x128xf32, #tpu.memory_space<vmem>>, vector<1x16xf32>,
      %get3A_155 = arith.index_cast %scan3A_138 : i32 to index
      %get3A_156 = arith.constant 32 : index
      %get3A_157 = tpu.vector_load %arg12[%get3A_155, %get3A_156] {strides = array<i32>} : memref<80x128xf32, #tpu.memory_space<vmem>>, vector<1x16xf32>,
      %get3A_158 = vector.shape_cast %get3A_157 : vector<1x16xf32> to vector<16xf32>
      %swap3A_159 = arith.index_cast %scan3A_138 : i32 to index
      %swap3A_160 = arith.constant 32 : index
      %swap3A_161 = tpu.vector_load %arg13[%swap3A_159, %swap3A_160] {strides = array<i32>} : memref<80x128xf32, #tpu.memory_space<vmem>>, vector<1x16xf32>,
      %swap3A_162 = vector.shape_cast %swap3A_161 : vector<1x16xf32> to vector<16xf32>
      %swap3A_163 = vector.shape_cast %get3A_158 : vector<16xf32> to vector<1x16xf32>
      tpu.vector_store %arg13[%swap3A_159, %swap3A_160], %swap3A_163 {strides = array<i32>} : memref<80x128xf32, #tpu.memory_space<vmem>>, vector<1x16xf32>,
      %get3A_164 = arith.index_cast %scan3A_138 : i32 to index
      %get3A_165 = arith.constant 48 : index
      %get3A_166 = tpu.vector_load %arg12[%get3A_164, %get3A_165] {strides = array<i32>} : memref<80x128xf32, #tpu.memory_space<vmem>>, vector<1x16xf32>,
      %get3A_167 = vector.shape_cast %get3A_166 : vector<1x16xf32> to vector<16xf32>
      %swap3A_168 = arith.index_cast %scan3A_138 : i32 to index
      %swap3A_169 = arith.constant 48 : index
      %swap3A_170 = tpu.vector_load %arg13[%swap3A_168, %swap3A_169] {strides = array<i32>} : memref<80x128xf32, #tpu.memory_space<vmem>>, vector<1x16xf32>,
      %swap3A_171 = vector.shape_cast %swap3A_170 : vector<1x16xf32> to vector<16xf32>
      %swap3A_172 = vector.shape_cast %get3A_167 : vector<16xf32> to vector<1x16xf32>
      tpu.vector_store %arg13[%swap3A_168, %swap3A_169], %swap3A_172 {strides = array<i32>} : memref<80x128xf32, #tpu.memory_space<vmem>>, vector<1x16xf32>,
      %get3A_173 = arith.index_cast %scan3A_138 : i32 to index
      %get3A_174 = arith.constant 64 : index
      %get3A_175 = tpu.vector_load %arg12[%get3A_173, %get3A_174] {strides = array<i32>} : memref<80x128xf32, #tpu.memory_space<vmem>>, vector<1x16xf32>,
      %get3A_176 = vector.shape_cast %get3A_175 : vector<1x16xf32> to vector<16xf32>
      %swap3A_177 = arith.index_cast %scan3A_138 : i32 to index
      %swap3A_178 = arith.constant 64 : index
      %swap3A_179 = tpu.vector_load %arg13[%swap3A_177, %swap3A_178] {strides = array<i32>} : memref<80x128xf32, #tpu.memory_space<vmem>>, vector<1x16xf32>,
      %swap3A_180 = vector.shape_cast %swap3A_179 : vector<1x16xf32> to vector<16xf32>
      %swap3A_181 = vector.shape_cast %get3A_176 : vector<16xf32> to vector<1x16xf32>
      tpu.vector_store %arg13[%swap3A_177, %swap3A_178], %swap3A_181 {strides = array<i32>} : memref<80x128xf32, #tpu.memory_space<vmem>>, vector<1x16xf32>,
      %get3A_182 = arith.index_cast %scan3A_138 : i32 to index
      %get3A_183 = arith.constant 80 : index
      %get3A_184 = tpu.vector_load %arg12[%get3A_182, %get3A_183] {strides = array<i32>} : memref<80x128xf32, #tpu.memory_space<vmem>>, vector<1x16xf32>,
      %get3A_185 = vector.shape_cast %get3A_184 : vector<1x16xf32> to vector<16xf32>
      %swap3A_186 = arith.index_cast %scan3A_138 : i32 to index
      %swap3A_187 = arith.constant 80 : index
      %swap3A_188 = tpu.vector_load %arg13[%swap3A_186, %swap3A_187] {strides = array<i32>} : memref<80x128xf32, #tpu.memory_space<vmem>>, vector<1x16xf32>,
      %swap3A_189 = vector.shape_cast %swap3A_188 : vector<1x16xf32> to vector<16xf32>
      %swap3A_190 = vector.shape_cast %get3A_185 : vector<16xf32> to vector<1x16xf32>
      tpu.vector_store %arg13[%swap3A_186, %swap3A_187], %swap3A_190 {strides = array<i32>} : memref<80x128xf32, #tpu.memory_space<vmem>>, vector<1x16xf32>,
      %get3A_191 = arith.index_cast %scan3A_138 : i32 to index
      %get3A_192 = arith.constant 96 : index
      %get3A_193 = tpu.vector_load %arg12[%get3A_191, %get3A_192] {strides = array<i32>} : memref<80x128xf32, #tpu.memory_space<vmem>>, vector<1x16xf32>,
      %get3A_194 = vector.shape_cast %get3A_193 : vector<1x16xf32> to vector<16xf32>
      %swap3A_195 = arith.index_cast %scan3A_138 : i32 to index
      %swap3A_196 = arith.constant 96 : index
      %swap3A_197 = tpu.vector_load %arg13[%swap3A_195, %swap3A_196] {strides = array<i32>} : memref<80x128xf32, #tpu.memory_space<vmem>>, vector<1x16xf32>,
      %swap3A_198 = vector.shape_cast %swap3A_197 : vector<1x16xf32> to vector<16xf32>
      %swap3A_199 = vector.shape_cast %get3A_194 : vector<16xf32> to vector<1x16xf32>
      tpu.vector_store %arg13[%swap3A_195, %swap3A_196], %swap3A_199 {strides = array<i32>} : memref<80x128xf32, #tpu.memory_space<vmem>>, vector<1x16xf32>,
      %get3A_200 = arith.index_cast %scan3A_138 : i32 to index
      %get3A_201 = arith.constant 112 : index
      %get3A_202 = tpu.vector_load %arg12[%get3A_200, %get3A_201] {strides = array<i32>} : memref<80x128xf32, #tpu.memory_space<vmem>>, vector<1x16xf32>,
      %get3A_203 = vector.shape_cast %get3A_202 : vector<1x16xf32> to vector<16xf32>
      %swap3A_204 = arith.index_cast %scan3A_138 : i32 to index
      %swap3A_205 = arith.constant 112 : index
      %swap3A_206 = tpu.vector_load %arg13[%swap3A_204, %swap3A_205] {strides = array<i32>} : memref<80x128xf32, #tpu.memory_space<vmem>>, vector<1x16xf32>,
      %swap3A_207 = vector.shape_cast %swap3A_206 : vector<1x16xf32> to vector<16xf32>
      %swap3A_208 = vector.shape_cast %get3A_203 : vector<16xf32> to vector<1x16xf32>
      tpu.vector_store %arg13[%swap3A_204, %swap3A_205], %swap3A_208 {strides = array<i32>} : memref<80x128xf32, #tpu.memory_space<vmem>>, vector<1x16xf32>,
    }
    %scan3A_125 = arith.constant 80 : i32
    %add3A_126 = arith.constant 480 : i32
    %add3A_127 = arith.addi %mul3A_3, %add3A_126 : i32
    "tpu.region"() ({
      %run_scoped3A = tpu.sem_alloc : memref<!tpu.dma_semaphore, #tpu.memory_space<semaphore_mem>>
      %dma_start3A = arith.constant 0 : i32
      %dma_start3A_138 = tpu.memref_slice %arg6[%arg0, %add3A_127, %dma_start3A] : memref<2x10240x128xf32, #tpu.memory_space<hbm>> -> memref<1x80x128xf32, #tpu.memory_space<hbm>>
      %dma_start3A_139 = tpu.memref_squeeze %dma_start3A_138 : memref<1x80x128xf32, #tpu.memory_space<hbm>> -> memref<80x128xf32, #tpu.memory_space<hbm>>
      %dma_start3A_140 = arith.constant 0 : i32
      %dma_start3A_141 = tpu.memref_slice %arg6[%arg0, %add3A_127, %dma_start3A_140] : memref<2x10240x128xf32, #tpu.memory_space<hbm>> -> memref<1x80x128xf32, #tpu.memory_space<hbm>>
      %dma_start3A_142 = tpu.memref_squeeze %dma_start3A_141 : memref<1x80x128xf32, #tpu.memory_space<hbm>> -> memref<80x128xf32, #tpu.memory_space<hbm>>
      tpu.enqueue_dma source(%arg13 : memref<80x128xf32, #tpu.memory_space<vmem>>) target(%dma_start3A_142 : memref<80x128xf32, #tpu.memory_space<hbm>>) target_semaphore(%run_scoped3A : memref<!tpu.dma_semaphore, #tpu.memory_space<semaphore_mem>>)
      %dma_wait3A = arith.constant 0 : i32
      %dma_wait3A_143 = tpu.memref_slice %arg6[%arg0, %add3A_127, %dma_wait3A] : memref<2x10240x128xf32, #tpu.memory_space<hbm>> -> memref<1x80x128xf32, #tpu.memory_space<hbm>>
      %dma_wait3A_144 = tpu.memref_squeeze %dma_wait3A_143 : memref<1x80x128xf32, #tpu.memory_space<hbm>> -> memref<80x128xf32, #tpu.memory_space<hbm>>
      %dma_wait3A_145 = arith.constant 0 : i32
      %dma_wait3A_146 = tpu.memref_slice %arg6[%arg0, %add3A_127, %dma_wait3A_145] : memref<2x10240x128xf32, #tpu.memory_space<hbm>> -> memref<1x80x128xf32, #tpu.memory_space<hbm>>
      %dma_wait3A_147 = tpu.memref_squeeze %dma_wait3A_146 : memref<1x80x128xf32, #tpu.memory_space<hbm>> -> memref<80x128xf32, #tpu.memory_space<hbm>>
      tpu.wait_dma2 semaphore(%run_scoped3A : memref<!tpu.dma_semaphore, #tpu.memory_space<semaphore_mem>>) src(%arg13 : memref<80x128xf32, #tpu.memory_space<vmem>>) dst(%dma_wait3A_147 : memref<80x128xf32, #tpu.memory_space<hbm>>)
      tpu.yield
    }) : () -> ()
    %add3A_128 = arith.constant 560 : i32
    %add3A_129 = arith.addi %mul3A_3, %add3A_128 : i32
    "tpu.region"() ({
      %run_scoped3A = tpu.sem_alloc : memref<!tpu.dma_semaphore, #tpu.memory_space<semaphore_mem>>
      %dma_start3A = arith.constant 0 : i32
      %dma_start3A_138 = tpu.memref_slice %arg7[%add3A_129, %dma_start3A] : memref<10240x128xf32, #tpu.memory_space<vmem_shared>> -> memref<80x128xf32, #tpu.memory_space<vmem_shared>>
      %dma_start3A_139 = arith.constant 0 : i32
      %dma_start3A_140 = tpu.memref_slice %arg7[%add3A_129, %dma_start3A_139] : memref<10240x128xf32, #tpu.memory_space<vmem_shared>> -> memref<80x128xf32, #tpu.memory_space<vmem_shared>>
      tpu.enqueue_dma source(%dma_start3A_140 : memref<80x128xf32, #tpu.memory_space<vmem_shared>>) target(%arg12 : memref<80x128xf32, #tpu.memory_space<vmem>>) target_semaphore(%run_scoped3A : memref<!tpu.dma_semaphore, #tpu.memory_space<semaphore_mem>>)
      %dma_wait3A = arith.constant 0 : i32
      %dma_wait3A_141 = tpu.memref_slice %arg7[%add3A_129, %dma_wait3A] : memref<10240x128xf32, #tpu.memory_space<vmem_shared>> -> memref<80x128xf32, #tpu.memory_space<vmem_shared>>
      %dma_wait3A_142 = arith.constant 0 : i32
      %dma_wait3A_143 = tpu.memref_slice %arg7[%add3A_129, %dma_wait3A_142] : memref<10240x128xf32, #tpu.memory_space<vmem_shared>> -> memref<80x128xf32, #tpu.memory_space<vmem_shared>>
      tpu.wait_dma2 semaphore(%run_scoped3A : memref<!tpu.dma_semaphore, #tpu.memory_space<semaphore_mem>>) src(%dma_wait3A_143 : memref<80x128xf32, #tpu.memory_space<vmem_shared>>) dst(%arg12 : memref<80x128xf32, #tpu.memory_space<vmem>>)
      tpu.yield
    }) : () -> ()
    %scan3A_130 = arith.constant 0 : i32
    %scan3A_131 = arith.constant 0 : i32
    %scan3A_132 = arith.constant 80 : i32
    %scan3A_133 = arith.addi %scan3A_131, %scan3A_132 : i32
    %scan3A_134 = arith.constant 1 : i32
    scf.for %scan3A_138 = %scan3A_131 to %scan3A_133 step %scan3A_134  : i32 {
      %get3A = arith.index_cast %scan3A_138 : i32 to index
      %get3A_139 = arith.constant 0 : index
      %get3A_140 = tpu.vector_load %arg12[%get3A, %get3A_139] {strides = array<i32>} : memref<80x128xf32, #tpu.memory_space<vmem>>, vector<1x16xf32>,
      %get3A_141 = vector.shape_cast %get3A_140 : vector<1x16xf32> to vector<16xf32>
      %swap3A = arith.index_cast %scan3A_138 : i32 to index
      %swap3A_142 = arith.constant 0 : index
      %swap3A_143 = tpu.vector_load %arg13[%swap3A, %swap3A_142] {strides = array<i32>} : memref<80x128xf32, #tpu.memory_space<vmem>>, vector<1x16xf32>,
      %swap3A_144 = vector.shape_cast %swap3A_143 : vector<1x16xf32> to vector<16xf32>
      %swap3A_145 = vector.shape_cast %get3A_141 : vector<16xf32> to vector<1x16xf32>
      tpu.vector_store %arg13[%swap3A, %swap3A_142], %swap3A_145 {strides = array<i32>} : memref<80x128xf32, #tpu.memory_space<vmem>>, vector<1x16xf32>,
      %get3A_146 = arith.index_cast %scan3A_138 : i32 to index
      %get3A_147 = arith.constant 16 : index
      %get3A_148 = tpu.vector_load %arg12[%get3A_146, %get3A_147] {strides = array<i32>} : memref<80x128xf32, #tpu.memory_space<vmem>>, vector<1x16xf32>,
      %get3A_149 = vector.shape_cast %get3A_148 : vector<1x16xf32> to vector<16xf32>
      %swap3A_150 = arith.index_cast %scan3A_138 : i32 to index
      %swap3A_151 = arith.constant 16 : index
      %swap3A_152 = tpu.vector_load %arg13[%swap3A_150, %swap3A_151] {strides = array<i32>} : memref<80x128xf32, #tpu.memory_space<vmem>>, vector<1x16xf32>,
      %swap3A_153 = vector.shape_cast %swap3A_152 : vector<1x16xf32> to vector<16xf32>
      %swap3A_154 = vector.shape_cast %get3A_149 : vector<16xf32> to vector<1x16xf32>
      tpu.vector_store %arg13[%swap3A_150, %swap3A_151], %swap3A_154 {strides = array<i32>} : memref<80x128xf32, #tpu.memory_space<vmem>>, vector<1x16xf32>,
      %get3A_155 = arith.index_cast %scan3A_138 : i32 to index
      %get3A_156 = arith.constant 32 : index
      %get3A_157 = tpu.vector_load %arg12[%get3A_155, %get3A_156] {strides = array<i32>} : memref<80x128xf32, #tpu.memory_space<vmem>>, vector<1x16xf32>,
      %get3A_158 = vector.shape_cast %get3A_157 : vector<1x16xf32> to vector<16xf32>
      %swap3A_159 = arith.index_cast %scan3A_138 : i32 to index
      %swap3A_160 = arith.constant 32 : index
      %swap3A_161 = tpu.vector_load %arg13[%swap3A_159, %swap3A_160] {strides = array<i32>} : memref<80x128xf32, #tpu.memory_space<vmem>>, vector<1x16xf32>,
      %swap3A_162 = vector.shape_cast %swap3A_161 : vector<1x16xf32> to vector<16xf32>
      %swap3A_163 = vector.shape_cast %get3A_158 : vector<16xf32> to vector<1x16xf32>
      tpu.vector_store %arg13[%swap3A_159, %swap3A_160], %swap3A_163 {strides = array<i32>} : memref<80x128xf32, #tpu.memory_space<vmem>>, vector<1x16xf32>,
      %get3A_164 = arith.index_cast %scan3A_138 : i32 to index
      %get3A_165 = arith.constant 48 : index
      %get3A_166 = tpu.vector_load %arg12[%get3A_164, %get3A_165] {strides = array<i32>} : memref<80x128xf32, #tpu.memory_space<vmem>>, vector<1x16xf32>,
      %get3A_167 = vector.shape_cast %get3A_166 : vector<1x16xf32> to vector<16xf32>
      %swap3A_168 = arith.index_cast %scan3A_138 : i32 to index
      %swap3A_169 = arith.constant 48 : index
      %swap3A_170 = tpu.vector_load %arg13[%swap3A_168, %swap3A_169] {strides = array<i32>} : memref<80x128xf32, #tpu.memory_space<vmem>>, vector<1x16xf32>,
      %swap3A_171 = vector.shape_cast %swap3A_170 : vector<1x16xf32> to vector<16xf32>
      %swap3A_172 = vector.shape_cast %get3A_167 : vector<16xf32> to vector<1x16xf32>
      tpu.vector_store %arg13[%swap3A_168, %swap3A_169], %swap3A_172 {strides = array<i32>} : memref<80x128xf32, #tpu.memory_space<vmem>>, vector<1x16xf32>,
      %get3A_173 = arith.index_cast %scan3A_138 : i32 to index
      %get3A_174 = arith.constant 64 : index
      %get3A_175 = tpu.vector_load %arg12[%get3A_173, %get3A_174] {strides = array<i32>} : memref<80x128xf32, #tpu.memory_space<vmem>>, vector<1x16xf32>,
      %get3A_176 = vector.shape_cast %get3A_175 : vector<1x16xf32> to vector<16xf32>
      %swap3A_177 = arith.index_cast %scan3A_138 : i32 to index
      %swap3A_178 = arith.constant 64 : index
      %swap3A_179 = tpu.vector_load %arg13[%swap3A_177, %swap3A_178] {strides = array<i32>} : memref<80x128xf32, #tpu.memory_space<vmem>>, vector<1x16xf32>,
      %swap3A_180 = vector.shape_cast %swap3A_179 : vector<1x16xf32> to vector<16xf32>
      %swap3A_181 = vector.shape_cast %get3A_176 : vector<16xf32> to vector<1x16xf32>
      tpu.vector_store %arg13[%swap3A_177, %swap3A_178], %swap3A_181 {strides = array<i32>} : memref<80x128xf32, #tpu.memory_space<vmem>>, vector<1x16xf32>,
      %get3A_182 = arith.index_cast %scan3A_138 : i32 to index
      %get3A_183 = arith.constant 80 : index
      %get3A_184 = tpu.vector_load %arg12[%get3A_182, %get3A_183] {strides = array<i32>} : memref<80x128xf32, #tpu.memory_space<vmem>>, vector<1x16xf32>,
      %get3A_185 = vector.shape_cast %get3A_184 : vector<1x16xf32> to vector<16xf32>
      %swap3A_186 = arith.index_cast %scan3A_138 : i32 to index
      %swap3A_187 = arith.constant 80 : index
      %swap3A_188 = tpu.vector_load %arg13[%swap3A_186, %swap3A_187] {strides = array<i32>} : memref<80x128xf32, #tpu.memory_space<vmem>>, vector<1x16xf32>,
      %swap3A_189 = vector.shape_cast %swap3A_188 : vector<1x16xf32> to vector<16xf32>
      %swap3A_190 = vector.shape_cast %get3A_185 : vector<16xf32> to vector<1x16xf32>
      tpu.vector_store %arg13[%swap3A_186, %swap3A_187], %swap3A_190 {strides = array<i32>} : memref<80x128xf32, #tpu.memory_space<vmem>>, vector<1x16xf32>,
      %get3A_191 = arith.index_cast %scan3A_138 : i32 to index
      %get3A_192 = arith.constant 96 : index
      %get3A_193 = tpu.vector_load %arg12[%get3A_191, %get3A_192] {strides = array<i32>} : memref<80x128xf32, #tpu.memory_space<vmem>>, vector<1x16xf32>,
      %get3A_194 = vector.shape_cast %get3A_193 : vector<1x16xf32> to vector<16xf32>
      %swap3A_195 = arith.index_cast %scan3A_138 : i32 to index
      %swap3A_196 = arith.constant 96 : index
      %swap3A_197 = tpu.vector_load %arg13[%swap3A_195, %swap3A_196] {strides = array<i32>} : memref<80x128xf32, #tpu.memory_space<vmem>>, vector<1x16xf32>,
      %swap3A_198 = vector.shape_cast %swap3A_197 : vector<1x16xf32> to vector<16xf32>
      %swap3A_199 = vector.shape_cast %get3A_194 : vector<16xf32> to vector<1x16xf32>
      tpu.vector_store %arg13[%swap3A_195, %swap3A_196], %swap3A_199 {strides = array<i32>} : memref<80x128xf32, #tpu.memory_space<vmem>>, vector<1x16xf32>,
      %get3A_200 = arith.index_cast %scan3A_138 : i32 to index
      %get3A_201 = arith.constant 112 : index
      %get3A_202 = tpu.vector_load %arg12[%get3A_200, %get3A_201] {strides = array<i32>} : memref<80x128xf32, #tpu.memory_space<vmem>>, vector<1x16xf32>,
      %get3A_203 = vector.shape_cast %get3A_202 : vector<1x16xf32> to vector<16xf32>
      %swap3A_204 = arith.index_cast %scan3A_138 : i32 to index
      %swap3A_205 = arith.constant 112 : index
      %swap3A_206 = tpu.vector_load %arg13[%swap3A_204, %swap3A_205] {strides = array<i32>} : memref<80x128xf32, #tpu.memory_space<vmem>>, vector<1x16xf32>,
      %swap3A_207 = vector.shape_cast %swap3A_206 : vector<1x16xf32> to vector<16xf32>
      %swap3A_208 = vector.shape_cast %get3A_203 : vector<16xf32> to vector<1x16xf32>
      tpu.vector_store %arg13[%swap3A_204, %swap3A_205], %swap3A_208 {strides = array<i32>} : memref<80x128xf32, #tpu.memory_space<vmem>>, vector<1x16xf32>,
    }
    %scan3A_135 = arith.constant 80 : i32
    %add3A_136 = arith.constant 560 : i32
    %add3A_137 = arith.addi %mul3A_3, %add3A_136 : i32
    "tpu.region"() ({
      %run_scoped3A = tpu.sem_alloc : memref<!tpu.dma_semaphore, #tpu.memory_space<semaphore_mem>>
      %dma_start3A = arith.constant 0 : i32
      %dma_start3A_138 = tpu.memref_slice %arg6[%arg0, %add3A_137, %dma_start3A] : memref<2x10240x128xf32, #tpu.memory_space<hbm>> -> memref<1x80x128xf32, #tpu.memory_space<hbm>>
      %dma_start3A_139 = tpu.memref_squeeze %dma_start3A_138 : memref<1x80x128xf32, #tpu.memory_space<hbm>> -> memref<80x128xf32, #tpu.memory_space<hbm>>
      %dma_start3A_140 = arith.constant 0 : i32
      %dma_start3A_141 = tpu.memref_slice %arg6[%arg0, %add3A_137, %dma_start3A_140] : memref<2x10240x128xf32, #tpu.memory_space<hbm>> -> memref<1x80x128xf32, #tpu.memory_space<hbm>>
      %dma_start3A_142 = tpu.memref_squeeze %dma_start3A_141 : memref<1x80x128xf32, #tpu.memory_space<hbm>> -> memref<80x128xf32, #tpu.memory_space<hbm>>
      tpu.enqueue_dma source(%arg13 : memref<80x128xf32, #tpu.memory_space<vmem>>) target(%dma_start3A_142 : memref<80x128xf32, #tpu.memory_space<hbm>>) target_semaphore(%run_scoped3A : memref<!tpu.dma_semaphore, #tpu.memory_space<semaphore_mem>>)
      %dma_wait3A = arith.constant 0 : i32
      %dma_wait3A_143 = tpu.memref_slice %arg6[%arg0, %add3A_137, %dma_wait3A] : memref<2x10240x128xf32, #tpu.memory_space<hbm>> -> memref<1x80x128xf32, #tpu.memory_space<hbm>>
      %dma_wait3A_144 = tpu.memref_squeeze %dma_wait3A_143 : memref<1x80x128xf32, #tpu.memory_space<hbm>> -> memref<80x128xf32, #tpu.memory_space<hbm>>
      %dma_wait3A_145 = arith.constant 0 : i32
      %dma_wait3A_146 = tpu.memref_slice %arg6[%arg0, %add3A_137, %dma_wait3A_145] : memref<2x10240x128xf32, #tpu.memory_space<hbm>> -> memref<1x80x128xf32, #tpu.memory_space<hbm>>
      %dma_wait3A_147 = tpu.memref_squeeze %dma_wait3A_146 : memref<1x80x128xf32, #tpu.memory_space<hbm>> -> memref<80x128xf32, #tpu.memory_space<hbm>>
      tpu.wait_dma2 semaphore(%run_scoped3A : memref<!tpu.dma_semaphore, #tpu.memory_space<semaphore_mem>>) src(%arg13 : memref<80x128xf32, #tpu.memory_space<vmem>>) dst(%dma_wait3A_147 : memref<80x128xf32, #tpu.memory_space<hbm>>)
      tpu.yield
    }) : () -> ()
    return
  }
}

module attributes {stable_mosaic.version = 14 : i64} {
  func.func @_prep1_body(%arg0: i32, %arg1: memref<2048x128xf32, #tpu.memory_space<vmem>>, %arg2: memref<128x64xf32, #tpu.memory_space<vmem>>, %arg3: memref<64x128xf32, #tpu.memory_space<vmem>>, %arg4: memref<64x128xf32, #tpu.memory_space<vmem>>, %arg5: memref<64x128xf32, #tpu.memory_space<vmem>>, %arg6: memref<2048x128xf32, #tpu.memory_space<vmem>>, %arg7: memref<2048x128xf32, #tpu.memory_space<vmem>>) attributes {dimension_semantics = [#tpu.dimension_semantics<arbitrary>], iteration_bounds = array<i64: 5>, scalar_prefetch = 0 : i64, scratch_operands = 0 : i64, tpu.core_type = #tpu.core_type<tc>, window_params = [{transform_indices = @transform_0, window_bounds = array<i64: 2048, 128>}, {pipeline_mode = #tpu.pipeline_mode<synchronous>, transform_indices = @transform_1, window_bounds = array<i64: 128, 64>}, {pipeline_mode = #tpu.pipeline_mode<synchronous>, transform_indices = @transform_2, window_bounds = array<i64: 64, 128>}, {pipeline_mode = #tpu.pipeline_mode<synchronous>, transform_indices = @transform_3, window_bounds = array<i64: 64, 128>}, {pipeline_mode = #tpu.pipeline_mode<synchronous>, transform_indices = @transform_4, window_bounds = array<i64: 64, 128>}, {transform_indices = @transform_5, window_bounds = array<i64: 2048, 128>}, {transform_indices = @transform_6, window_bounds = array<i64: 2048, 128>}]} {
    %get3A = arith.constant 0 : index
    %get3A_0 = arith.constant 0 : index
    %get3A_1 = vector.load %arg1[%get3A, %get3A_0] : memref<2048x128xf32, #tpu.memory_space<vmem>>, vector<2048x128xf32>
    %get3A_2 = arith.constant 0 : index
    %get3A_3 = arith.constant 0 : index
    %get3A_4 = vector.load %arg2[%get3A_2, %get3A_3] : memref<128x64xf32, #tpu.memory_space<vmem>>, vector<128x64xf32>
    %dot_general3A = arith.constant dense<0.000000e+00> : vector<2048x64xf32>
    %dot_general3A_5 = tpu.matmul %get3A_1, %get3A_4, %dot_general3A {dimension_numbers = #tpu.dot_dimension_numbers<[1], [0], [0], [1], [0, 0, 1, 1], [], []>, transpose_lhs_hint = false} : vector<2048x128xf32>, vector<128x64xf32>, vector<2048x64xf32> -> vector<2048x64xf32>
    %gt3A = arith.constant 0.000000e+00 : f32
    %gt3A_6 = vector.broadcast %gt3A : f32 to vector<2048x64xf32>
    %gt3A_7 = arith.cmpf ogt, %dot_general3A_5, %gt3A_6 : vector<2048x64xf32>
    %mul3A = arith.constant 2.000000e-01 : f32
    %mul3A_8 = vector.broadcast %mul3A : f32 to vector<2048x64xf32>
    %mul3A_9 = arith.mulf %mul3A_8, %dot_general3A_5 : vector<2048x64xf32>
    %select_n3A = arith.select %gt3A_7, %dot_general3A_5, %mul3A_9 : vector<2048x64xi1>, vector<2048x64xf32>
    %get3A_10 = arith.constant 0 : index
    %get3A_11 = arith.constant 0 : index
    %get3A_12 = vector.load %arg3[%get3A_10, %get3A_11] : memref<64x128xf32, #tpu.memory_space<vmem>>, vector<64x128xf32>
    %dot_general3A_13 = arith.constant dense<0.000000e+00> : vector<2048x128xf32>
    %dot_general3A_14 = tpu.matmul %select_n3A, %get3A_12, %dot_general3A_13 {dimension_numbers = #tpu.dot_dimension_numbers<[1], [0], [0], [1], [0, 0, 1, 1], [], []>, transpose_lhs_hint = false} : vector<2048x64xf32>, vector<64x128xf32>, vector<2048x128xf32> -> vector<2048x128xf32>
    %swap3A = arith.constant 0 : index
    %swap3A_15 = arith.constant 0 : index
    %swap3A_16 = vector.load %arg6[%swap3A, %swap3A_15] : memref<2048x128xf32, #tpu.memory_space<vmem>>, vector<2048x128xf32>
    tpu.vector_store %arg6[%swap3A, %swap3A_15], %dot_general3A_14 {strides = array<i32>} : memref<2048x128xf32, #tpu.memory_space<vmem>>, vector<2048x128xf32>,
    %get3A_17 = arith.constant 0 : index
    %get3A_18 = arith.constant 0 : index
    %get3A_19 = vector.load %arg4[%get3A_17, %get3A_18] : memref<64x128xf32, #tpu.memory_space<vmem>>, vector<64x128xf32>
    %dot_general3A_20 = arith.constant dense<0.000000e+00> : vector<2048x128xf32>
    %dot_general3A_21 = tpu.matmul %select_n3A, %get3A_19, %dot_general3A_20 {dimension_numbers = #tpu.dot_dimension_numbers<[1], [0], [0], [1], [0, 0, 1, 1], [], []>, transpose_lhs_hint = false} : vector<2048x64xf32>, vector<64x128xf32>, vector<2048x128xf32> -> vector<2048x128xf32>
    %get3A_22 = arith.constant 0 : index
    %get3A_23 = arith.constant 0 : index
    %get3A_24 = vector.load %arg5[%get3A_22, %get3A_23] : memref<64x128xf32, #tpu.memory_space<vmem>>, vector<64x128xf32>
    %dot_general3A_25 = arith.constant dense<0.000000e+00> : vector<2048x128xf32>
    %dot_general3A_26 = tpu.matmul %dot_general3A_5, %get3A_24, %dot_general3A_25 {dimension_numbers = #tpu.dot_dimension_numbers<[1], [0], [0], [1], [0, 0, 1, 1], [], []>, transpose_lhs_hint = false} : vector<2048x64xf32>, vector<64x128xf32>, vector<2048x128xf32> -> vector<2048x128xf32>
    %add3A = arith.addf %dot_general3A_21, %dot_general3A_26 : vector<2048x128xf32>
    %swap3A_27 = arith.constant 0 : index
    %swap3A_28 = arith.constant 0 : index
    %swap3A_29 = vector.load %arg7[%swap3A_27, %swap3A_28] : memref<2048x128xf32, #tpu.memory_space<vmem>>, vector<2048x128xf32>
    tpu.vector_store %arg7[%swap3A_27, %swap3A_28], %add3A {strides = array<i32>} : memref<2048x128xf32, #tpu.memory_space<vmem>>, vector<2048x128xf32>,
    return
  }
  func.func @transform_0(%arg0: i32) -> (i32, i32) {
    %c0_i32 = arith.constant 0 : i32
    %c0_i32_0 = arith.constant 0 : i32
    return %arg0, %c0_i32 : i32, i32
  }
  func.func @transform_1(%arg0: i32) -> (i32, i32) {
    %c0_i32 = arith.constant 0 : i32
    %c0_i32_0 = arith.constant 0 : i32
    %c0_i32_1 = arith.constant 0 : i32
    return %c0_i32, %c0_i32_0 : i32, i32
  }
  func.func @transform_2(%arg0: i32) -> (i32, i32) {
    %c0_i32 = arith.constant 0 : i32
    %c0_i32_0 = arith.constant 0 : i32
    %c0_i32_1 = arith.constant 0 : i32
    return %c0_i32, %c0_i32_0 : i32, i32
  }
  func.func @transform_3(%arg0: i32) -> (i32, i32) {
    %c0_i32 = arith.constant 0 : i32
    %c0_i32_0 = arith.constant 0 : i32
    %c0_i32_1 = arith.constant 0 : i32
    return %c0_i32, %c0_i32_0 : i32, i32
  }
  func.func @transform_4(%arg0: i32) -> (i32, i32) {
    %c0_i32 = arith.constant 0 : i32
    %c0_i32_0 = arith.constant 0 : i32
    %c0_i32_1 = arith.constant 0 : i32
    return %c0_i32, %c0_i32_0 : i32, i32
  }
  func.func @transform_5(%arg0: i32) -> (i32, i32) {
    %c0_i32 = arith.constant 0 : i32
    %c0_i32_0 = arith.constant 0 : i32
    return %arg0, %c0_i32 : i32, i32
  }
  func.func @transform_6(%arg0: i32) -> (i32, i32) {
    %c0_i32 = arith.constant 0 : i32
    %c0_i32_0 = arith.constant 0 : i32
    return %arg0, %c0_i32 : i32, i32
  }
}

module attributes {stable_mosaic.version = 14 : i64} {
  func.func @_prep2_body(%arg0: i32, %arg1: memref<2048x128xf32, #tpu.memory_space<vmem>>, %arg2: memref<2048x128xf32, #tpu.memory_space<vmem>>, %arg3: memref<128x64xf32, #tpu.memory_space<vmem>>, %arg4: memref<128x64xf32, #tpu.memory_space<vmem>>, %arg5: memref<64x8xf32, #tpu.memory_space<vmem>>, %arg6: memref<8x128xf32, #tpu.memory_space<vmem>>, %arg7: memref<8x128xf32, #tpu.memory_space<vmem>>, %arg8: memref<8x128xf32, #tpu.memory_space<vmem>>, %arg9: memref<2048x128xf32, #tpu.memory_space<vmem>>, %arg10: memref<2048x128xf32, #tpu.memory_space<vmem>>) attributes {dimension_semantics = [#tpu.dimension_semantics<arbitrary>], iteration_bounds = array<i64: 5>, scalar_prefetch = 0 : i64, scratch_operands = 0 : i64, tpu.core_type = #tpu.core_type<tc>, window_params = [{transform_indices = @transform_0, window_bounds = array<i64: 2048, 128>}, {transform_indices = @transform_1, window_bounds = array<i64: 2048, 128>}, {pipeline_mode = #tpu.pipeline_mode<synchronous>, transform_indices = @transform_2, window_bounds = array<i64: 128, 64>}, {pipeline_mode = #tpu.pipeline_mode<synchronous>, transform_indices = @transform_3, window_bounds = array<i64: 128, 64>}, {pipeline_mode = #tpu.pipeline_mode<synchronous>, transform_indices = @transform_4, window_bounds = array<i64: 64, 8>}, {pipeline_mode = #tpu.pipeline_mode<synchronous>, transform_indices = @transform_5, window_bounds = array<i64: 8, 128>}, {pipeline_mode = #tpu.pipeline_mode<synchronous>, transform_indices = @transform_6, window_bounds = array<i64: 8, 128>}, {pipeline_mode = #tpu.pipeline_mode<synchronous>, transform_indices = @transform_7, window_bounds = array<i64: 8, 128>}, {transform_indices = @transform_8, window_bounds = array<i64: 2048, 128>}, {transform_indices = @transform_9, window_bounds = array<i64: 2048, 128>}]} {
    %get3A = arith.constant 0 : index
    %get3A_0 = arith.constant 0 : index
    %get3A_1 = vector.load %arg1[%get3A, %get3A_0] : memref<2048x128xf32, #tpu.memory_space<vmem>>, vector<2048x128xf32>
    %get3A_2 = arith.constant 0 : index
    %get3A_3 = arith.constant 0 : index
    %get3A_4 = vector.load %arg2[%get3A_2, %get3A_3] : memref<2048x128xf32, #tpu.memory_space<vmem>>, vector<2048x128xf32>
    %add3A = arith.addf %get3A_1, %get3A_4 : vector<2048x128xf32>
    %get3A_5 = arith.constant 0 : index
    %get3A_6 = arith.constant 0 : index
    %get3A_7 = vector.load %arg3[%get3A_5, %get3A_6] : memref<128x64xf32, #tpu.memory_space<vmem>>, vector<128x64xf32>
    %dot_general3A = arith.constant dense<0.000000e+00> : vector<2048x64xf32>
    %dot_general3A_8 = tpu.matmul %add3A, %get3A_7, %dot_general3A {dimension_numbers = #tpu.dot_dimension_numbers<[1], [0], [0], [1], [0, 0, 1, 1], [], []>, transpose_lhs_hint = false} : vector<2048x128xf32>, vector<128x64xf32>, vector<2048x64xf32> -> vector<2048x64xf32>
    %get3A_9 = arith.constant 0 : index
    %get3A_10 = arith.constant 0 : index
    %get3A_11 = vector.load %arg4[%get3A_9, %get3A_10] : memref<128x64xf32, #tpu.memory_space<vmem>>, vector<128x64xf32>
    %dot_general3A_12 = arith.constant dense<0.000000e+00> : vector<2048x64xf32>
    %dot_general3A_13 = tpu.matmul %add3A, %get3A_11, %dot_general3A_12 {dimension_numbers = #tpu.dot_dimension_numbers<[1], [0], [0], [1], [0, 0, 1, 1], [], []>, transpose_lhs_hint = false} : vector<2048x128xf32>, vector<128x64xf32>, vector<2048x64xf32> -> vector<2048x64xf32>
    %add3A_14 = arith.constant 9.99999971E-10 : f32
    %add3A_15 = vector.broadcast %add3A_14 : f32 to vector<2048x64xf32>
    %add3A_16 = arith.addf %dot_general3A_8, %add3A_15 : vector<2048x64xf32>
    %div3A = arith.divf %dot_general3A_13, %add3A_16 : vector<2048x64xf32>
    %max3A = arith.constant 0.000000e+00 : f32
    %max3A_17 = vector.broadcast %max3A : f32 to vector<2048x64xf32>
    %max3A_18 = arith.maximumf %div3A, %max3A_17 : vector<2048x64xf32>
    %get3A_19 = arith.constant 0 : index
    %get3A_20 = arith.constant 0 : index
    %get3A_21 = vector.load %arg5[%get3A_19, %get3A_20] : memref<64x8xf32, #tpu.memory_space<vmem>>, vector<64x8xf32>
    %dot_general3A_22 = arith.constant dense<0.000000e+00> : vector<2048x8xf32>
    %dot_general3A_23 = tpu.matmul %max3A_18, %get3A_21, %dot_general3A_22 {dimension_numbers = #tpu.dot_dimension_numbers<[1], [0], [0], [1], [0, 0, 1, 1], [], []>, transpose_lhs_hint = false} : vector<2048x64xf32>, vector<64x8xf32>, vector<2048x8xf32> -> vector<2048x8xf32>
    %gt3A = arith.constant 0.000000e+00 : f32
    %gt3A_24 = vector.broadcast %gt3A : f32 to vector<2048x8xf32>
    %gt3A_25 = arith.cmpf ogt, %dot_general3A_23, %gt3A_24 : vector<2048x8xf32>
    %mul3A = arith.constant 2.000000e-01 : f32
    %mul3A_26 = vector.broadcast %mul3A : f32 to vector<2048x8xf32>
    %mul3A_27 = arith.mulf %mul3A_26, %dot_general3A_23 : vector<2048x8xf32>
    %select_n3A = arith.select %gt3A_25, %dot_general3A_23, %mul3A_27 : vector<2048x8xi1>, vector<2048x8xf32>
    %get3A_28 = arith.constant 0 : index
    %get3A_29 = arith.constant 0 : index
    %get3A_30 = vector.load %arg6[%get3A_28, %get3A_29] : memref<8x128xf32, #tpu.memory_space<vmem>>, vector<8x128xf32>
    %dot_general3A_31 = arith.constant dense<0.000000e+00> : vector<2048x128xf32>
    %dot_general3A_32 = tpu.matmul %select_n3A, %get3A_30, %dot_general3A_31 {dimension_numbers = #tpu.dot_dimension_numbers<[1], [0], [0], [1], [0, 0, 1, 1], [], []>, transpose_lhs_hint = false} : vector<2048x8xf32>, vector<8x128xf32>, vector<2048x128xf32> -> vector<2048x128xf32>
    %swap3A = arith.constant 0 : index
    %swap3A_33 = arith.constant 0 : index
    %swap3A_34 = vector.load %arg9[%swap3A, %swap3A_33] : memref<2048x128xf32, #tpu.memory_space<vmem>>, vector<2048x128xf32>
    tpu.vector_store %arg9[%swap3A, %swap3A_33], %dot_general3A_32 {strides = array<i32>} : memref<2048x128xf32, #tpu.memory_space<vmem>>, vector<2048x128xf32>,
    %get3A_35 = arith.constant 0 : index
    %get3A_36 = arith.constant 0 : index
    %get3A_37 = vector.load %arg7[%get3A_35, %get3A_36] : memref<8x128xf32, #tpu.memory_space<vmem>>, vector<8x128xf32>
    %dot_general3A_38 = arith.constant dense<0.000000e+00> : vector<2048x128xf32>
    %dot_general3A_39 = tpu.matmul %select_n3A, %get3A_37, %dot_general3A_38 {dimension_numbers = #tpu.dot_dimension_numbers<[1], [0], [0], [1], [0, 0, 1, 1], [], []>, transpose_lhs_hint = false} : vector<2048x8xf32>, vector<8x128xf32>, vector<2048x128xf32> -> vector<2048x128xf32>
    %get3A_40 = arith.constant 0 : index
    %get3A_41 = arith.constant 0 : index
    %get3A_42 = vector.load %arg8[%get3A_40, %get3A_41] : memref<8x128xf32, #tpu.memory_space<vmem>>, vector<8x128xf32>
    %dot_general3A_43 = arith.constant dense<0.000000e+00> : vector<2048x128xf32>
    %dot_general3A_44 = tpu.matmul %dot_general3A_23, %get3A_42, %dot_general3A_43 {dimension_numbers = #tpu.dot_dimension_numbers<[1], [0], [0], [1], [0, 0, 1, 1], [], []>, transpose_lhs_hint = false} : vector<2048x8xf32>, vector<8x128xf32>, vector<2048x128xf32> -> vector<2048x128xf32>
    %add3A_45 = arith.addf %dot_general3A_39, %dot_general3A_44 : vector<2048x128xf32>
    %swap3A_46 = arith.constant 0 : index
    %swap3A_47 = arith.constant 0 : index
    %swap3A_48 = vector.load %arg10[%swap3A_46, %swap3A_47] : memref<2048x128xf32, #tpu.memory_space<vmem>>, vector<2048x128xf32>
    tpu.vector_store %arg10[%swap3A_46, %swap3A_47], %add3A_45 {strides = array<i32>} : memref<2048x128xf32, #tpu.memory_space<vmem>>, vector<2048x128xf32>,
    return
  }
  func.func @transform_0(%arg0: i32) -> (i32, i32) {
    %c0_i32 = arith.constant 0 : i32
    %c0_i32_0 = arith.constant 0 : i32
    return %arg0, %c0_i32 : i32, i32
  }
  func.func @transform_1(%arg0: i32) -> (i32, i32) {
    %c0_i32 = arith.constant 0 : i32
    %c0_i32_0 = arith.constant 0 : i32
    return %arg0, %c0_i32 : i32, i32
  }
  func.func @transform_2(%arg0: i32) -> (i32, i32) {
    %c0_i32 = arith.constant 0 : i32
    %c0_i32_0 = arith.constant 0 : i32
    %c0_i32_1 = arith.constant 0 : i32
    return %c0_i32, %c0_i32_0 : i32, i32
  }
  func.func @transform_3(%arg0: i32) -> (i32, i32) {
    %c0_i32 = arith.constant 0 : i32
    %c0_i32_0 = arith.constant 0 : i32
    %c0_i32_1 = arith.constant 0 : i32
    return %c0_i32, %c0_i32_0 : i32, i32
  }
  func.func @transform_4(%arg0: i32) -> (i32, i32) {
    %c0_i32 = arith.constant 0 : i32
    %c0_i32_0 = arith.constant 0 : i32
    %c0_i32_1 = arith.constant 0 : i32
    return %c0_i32, %c0_i32_0 : i32, i32
  }
  func.func @transform_5(%arg0: i32) -> (i32, i32) {
    %c0_i32 = arith.constant 0 : i32
    %c0_i32_0 = arith.constant 0 : i32
    %c0_i32_1 = arith.constant 0 : i32
    return %c0_i32, %c0_i32_0 : i32, i32
  }
  func.func @transform_6(%arg0: i32) -> (i32, i32) {
    %c0_i32 = arith.constant 0 : i32
    %c0_i32_0 = arith.constant 0 : i32
    %c0_i32_1 = arith.constant 0 : i32
    return %c0_i32, %c0_i32_0 : i32, i32
  }
  func.func @transform_7(%arg0: i32) -> (i32, i32) {
    %c0_i32 = arith.constant 0 : i32
    %c0_i32_0 = arith.constant 0 : i32
    %c0_i32_1 = arith.constant 0 : i32
    return %c0_i32, %c0_i32_0 : i32, i32
  }
  func.func @transform_8(%arg0: i32) -> (i32, i32) {
    %c0_i32 = arith.constant 0 : i32
    %c0_i32_0 = arith.constant 0 : i32
    return %arg0, %c0_i32 : i32, i32
  }
  func.func @transform_9(%arg0: i32) -> (i32, i32) {
    %c0_i32 = arith.constant 0 : i32
    %c0_i32_0 = arith.constant 0 : i32
    return %arg0, %c0_i32 : i32, i32
  }
}

</mosaic_0001>

<sc_bundles>
// kernel: kernel.10.cloned.1.call-start
scs
__scs_entry_jumppad:
0x0: {  	(pc) =	sbr.rel $0x88, $3  }
0x1: {  	(tag) =	ssettag $0x0;
	lr =	simm.s32 $0x1  }
0x2: {  	[smem:$0x3F9A] =	sst lr;
	_ =	strace $0xD0000000  }
0x3: {  	_ = 	snop  }
0x4: {  	_ = 	snop  }
0x5: {  	_ = 	snop  }
0x6: {  	_ = 	snop  }
0x7: {  	_ = 	snop  }
__scs_overlays_trampoline_lowered:
0x8: {  	[smem:$0x3FA9] =	sst s0  }
0x9: {  	[smem:$0x3FAA] =	sst s1  }
0xa: {  	[smem:$0x3FAB] =	sst s2  }
0xb: {  	[smem:$0x3FAC] =	sst s3  }
0xc: {  	[smem:$0x3FAD] =	sst s4  }
0xd: {  	[smem:$0x3FAE] =	sst s5  }
0xe: {  	[smem:$0x3FAF] =	sst s6  }
0xf: {  	[smem:$0x3FB0] =	sst s7  }
0x10: {  	[smem:$0x3FB1] =	sst s8  }
0x11: {  	[smem:$0x3FB2] =	sst s9;
	s0 =	simm.s32 @!p0 $0x0  }
0x12: {  	s1 =	sld [smem:$0x3F98];
	s0 =	simm.s32 @p0 $0x1  }
0x13: {  	[smem:$0x3FB3] =	sst s0;
	s0 =	simm.s32 @!p1 $0x0  }
0x14: {  	s2 =	sld [smem:$0x3F97];
	s0 =	simm.s32 @p1 $0x1  }
0x15: {  	[smem:$0x3FB4] =	sst s0;
	s0 =	simm.s32 @!p2 $0x0  }
0x16: {  	s3 =	sld [smem:$0x3FDB];
	s0 =	simm.s32 @p2 $0x1  }
0x17: {  	s4 =	simm.s32 $0x1BF5;
	[smem:$0x3FB6] =	sst s0  }
0x18: {  	s0 =	sld [smem:$0x3F99];
	_ =	swait.ge [sflag:s4], $0x0  }
0x19: {  	s7 =	sld [smem:$0x3F9A]  }
0x1a: {  	s8 =	sadd.s32 $0xFFFFE003, lr  }
0x1b: {  	s9 =	sadd.s32 $0xFFFFFEF7, lr;
	s5 =	simm.s32 $0xFFFFFFFF;
	p2 =	slt.u32 s8, $0xFFFFF086  }
0x1c: {  	p1 =	slt.u32 s9, $0xF7A;
	s5 =	simm.s32 @!p2 $0x0  }
0x1d: {  	s5 =	simm.s32 @p1 $0x1;
	p0 =	seq.s32 s7, s2  }
0x1e: {  	s7 =	smul.u32 @!p0 $0xF7A, s2;
	p2 =	seq.s32 @!p0 s5, $0x0  }
0x1f: {  	s9 =	smul.u32 $0xF7A, s1;
	s8 =	simm.s32 @!p0 $0x1BF5;
	p2 =	por !p2, p0  }
0x20: {  	[sflag:s8] =	ssyncset.s32 @!p0 $0xFFFFF086;
	s6 =	sadd.s32 @!p0 s3, s7;
	s7 =	simm.s32 @!p0 $0x108  }
0x21: {  	s3 =	sadd.s32 s3, s9;
	s6 =	sadd.s32 @!p0 $0x88, s6;
	s7 =	simm.s32 @p2 $0x1082  }
0x22: {  	[simem:s7], [sflag:s8] =	dma.local @!p0 [hbm:s6], $0xF7A  }
0x23: {  	s9 =	sor.u32 $0xD0000000, s2;
	s6 =	simm.s32 $0x108;
	_ =	swait.ge @!p0 [sflag:s8], $0x0  }
0x24: {  	s3 =	sadd.s32 $0x88, s3;
	s6 =	simm.s32 @!p1 $0x1082;
	[sflag:s4] =	ssyncset.s32 $0xFFFFF086  }
0x25: {  	[simem:s6], [sflag:s4] =	dma.local [hbm:s3], $0xF7A  }
0x26: {  	[smem:$0x3F9A] =	sst s1;
	(tag) =	ssettag s2;
	_ =	strace s9  }
0x27: {  	s1 =	sld [smem:$0x3FAA]  }
0x28: {  	s2 =	sld [smem:$0x3FAB]  }
0x29: {  	s4 =	sld [smem:$0x3FAD]  }
0x2a: {  	p0 =	seq.s32 s5, $0x0;
	s5 =	sld [smem:$0x3FAE]  }
0x2b: {  	s6 =	sld [smem:$0x3FAF]  }
0x2c: {  	s7 =	sld [smem:$0x3FB0]  }
0x2d: {  	s3 =	simm.s32 $0x108;
	s8 =	sld [smem:$0x3FB1]  }
0x2e: {  	s3 =	simm.s32 @!p0 $0x1082;
	s9 =	sld [smem:$0x3FB2]  }
0x2f: {  	lr =	sadd.s32 s0, s3;
	s0 =	sld [smem:$0x3FA9]  }
0x30: {  	s3 =	sld [smem:$0x3FAC]  }
0x31: {  	[smem:$0x3FB5] =	sst s10  }
0x32: {  	s10 =	sld [smem:$0x3FB3];
	_ =	sdelay $0x3  }
0x33: {  	p0 =	seq.s32 s10, $0x1;
	s10 =	sld [smem:$0x3FB5];
	_ =	sdelay $0x3  }
0x34: {  	[smem:$0x3FB5] =	sst s10  }
0x35: {  	s10 =	sld [smem:$0x3FB4];
	_ =	sdelay $0x3  }
0x36: {  	p1 =	seq.s32 s10, $0x1;
	s10 =	sld [smem:$0x3FB5];
	_ =	sdelay $0x3  }
0x37: {  	[smem:$0x3FB5] =	sst s10  }
0x38: {  	s10 =	sld [smem:$0x3FB6]  }
0x39: {  	_ = 	snop;
	(pc) =	sbr.ind lr, $3  }
0x3a: {  	_ = 	snop  }
0x3b: {  	_ = 	snop  }
0x3c: {  	p2 =	seq.s32 s10, $0x1;
	s10 =	sld [smem:$0x3FB5]  }
0x3d: {  	_ =	shalt  }
0x3e: {  	_ =	shalt  }
0x3f: {  	_ =	shalt  }
0x40: {  	_ =	shalt  }
0x41: {  	_ =	shalt  }
0x42: {  	_ =	shalt  }
0x43: {  	_ =	shalt  }
0x44: {  	_ =	shalt  }
0x45: {  	_ =	shalt  }
0x46: {  	_ =	shalt  }
0x47: {  	_ =	shalt  }
0x48: {  	_ =	shalt  }
0x49: {  	_ =	shalt  }
0x4a: {  	_ =	shalt  }
0x4b: {  	_ =	shalt  }
0x4c: {  	_ =	shalt  }
0x4d: {  	_ =	shalt  }
0x4e: {  	_ =	shalt  }
0x4f: {  	_ =	shalt  }
0x50: {  	_ =	shalt  }
0x51: {  	_ =	shalt  }
0x52: {  	_ =	shalt  }
0x53: {  	_ =	shalt  }
0x54: {  	_ =	shalt  }
0x55: {  	_ =	shalt  }
0x56: {  	_ =	shalt  }
0x57: {  	_ =	shalt  }
0x58: {  	_ =	shalt  }
0x59: {  	_ =	shalt  }
0x5a: {  	_ =	shalt  }
0x5b: {  	_ =	shalt  }
0x5c: {  	_ =	shalt  }
0x5d: {  	_ =	shalt  }
0x5e: {  	_ =	shalt  }
0x5f: {  	_ =	shalt  }
0x60: {  	_ =	shalt  }
0x61: {  	_ =	shalt  }
0x62: {  	_ =	shalt  }
0x63: {  	_ =	shalt  }
0x64: {  	_ =	shalt  }
0x65: {  	_ =	shalt  }
0x66: {  	_ =	shalt  }
0x67: {  	_ =	shalt  }
0x68: {  	_ =	shalt  }
0x69: {  	_ =	shalt  }
0x6a: {  	_ =	shalt  }
0x6b: {  	_ =	shalt  }
0x6c: {  	_ =	shalt  }
0x6d: {  	_ =	shalt  }
0x6e: {  	_ =	shalt  }
0x6f: {  	_ =	shalt  }
0x70: {  	_ =	shalt  }
0x71: {  	_ =	shalt  }
0x72: {  	_ =	shalt  }
0x73: {  	_ =	shalt  }
0x74: {  	_ =	shalt  }
0x75: {  	_ =	shalt  }
0x76: {  	_ =	shalt  }
0x77: {  	_ =	shalt  }
0x78: {  	_ =	shalt  }
0x79: {  	_ =	shalt  }
0x7a: {  	_ =	shalt  }
0x7b: {  	_ =	shalt  }
0x7c: {  	_ =	shalt  }
0x7d: {  	_ =	shalt  }
0x7e: {  	_ =	shalt  }
0x7f: {  	_ =	shalt  }
0x80: {  	_ =	shalt  }
0x81: {  	_ =	shalt  }
0x82: {  	_ =	shalt  }
0x83: {  	_ =	shalt  }
0x84: {  	_ =	shalt  }
0x85: {  	_ =	shalt  }
0x86: {  	_ =	shalt  }
0x87: {  	_ =	shalt  }
.Lfunc_end0:
.L_simem_size_0:
called_computation.1_lowered:
.L_overlay_start_0:
0x88: {  	s2 =	sld [smem:$0x3FD9]  }
0x89: {  	s3 =	sld [smem:$0x3FFE];
	_ =	sdelay $0x1  }
0x8a: {  	s1 =	srdreg.scid  }
0x8b: {  	s0 =	sand.u32 $0x1, s1  }
0x8c: {  	s16 =	sshll.u32 s0, $0xA;
	s2 =	sadd.s32 s3, s2  }
0x8d: {  	s2 =	sadd.s32 s2, s16  }
0x8e: {  	[smem:$0x3FC1] =	sst s2  }
0x8f: {  	_ = 	snop  }
0x90: {  	(tm) =	ssettm $0x1  }
0x91: {  	s17 =	sld [smem:$0x3FFB];
	_ =	sdelay $0x3  }
0x92: {  	_ =	strace s17  }
0x93: {  	s2 =	sld [smem:$0x3FFC];
	_ =	sdelay $0x3  }
0x94: {  	_ =	strace s2  }
0x95: {  	s2 =	sld [smem:$0x3FFD];
	_ =	sdelay $0x3  }
0x96: {  	_ =	strace s2  }
0x97: {  	_ =	strace $0x8FFFFFFF  }
0x98: {  	s18 =	sld [smem:$0x3FDB];
	_ =	sdelay $0x1  }
0x99: {  	s19 =	simm.s32 $_scs_section_size  }
0x9a: {  	s4 =	simm.s32 $_size__tile_overlayer_lowered;
	s5 =	simm.s32 $_tile_overlayer_lowered  }
0x9b: {  	s22 =	simm.s32 $0x1BFF;
	s21 =	sshll.u32 s5, $0x1;
	s2 =	sadd.s32 s19, s18  }
0x9c: {  	s6 =	simm.s32 $0x0;
	s20 =	sshll.u32 s4, $0x1;
	s4 =	sadd.s32 s21, s2  }
0x9d: {  	[timem:s6], [sflag:s22] =	dma.local [hbm:s4], s20  }
0x9e: {  	_ =	swait.ge [sflag:s22], s20  }
0x9f: {  	s3 =	ssub.s32 $0x0, s20;
	[sflag:s22] =	ssyncset.done $0x0  }
0xa0: {  	[sflag:s22] =	ssyncadd.s32 s3;
	_ =	sdelay $0x1  }
0xa1: {  	s23 =	simm.s32 $0x1B8B  }
0xa2: {  	_ =	swait.ge [sflag:s23], $0x1  }
0xa3: {  	[sflag:s23] =	ssyncset.done $0x0  }
0xa4: {  	s25 =	simm.s32 $0x1B8E;
	s24 =	sld [smem:$0x3FFE];
	[sflag:s23] =	ssyncadd.s32 $0xFFFFFFFF  }
0xa5: {  	s26 =	simm.s32 $execute0_lowered;
	[smem:$0x3FD2] =	sst s25  }
0xa6: {  	s4 =	sshll.u32 s26, $0x1;
	_ =	strace $0x80000049;
	[dreg:$0x1] =	wrdreg $0xFFFFFFFF  }
0xa7: {  	s28 =	simm.s32 $_size_execute0_lowered;
	s2 =	sadd.s32 s2, s4;
	[dreg:$0x0] =	wrdreg $0x0  }
0xa8: {  	s4 =	sshll.u32 s28, $0x1;
	[dreg:$0x2] =	wrdreg s2  }
0xa9: {  	[dreg:$0x3] =	wrdreg s4  }
0xaa: {  	[dreg:$0x4] =	wrdreg $0xC0  }
0xab: {  	_ =	task [dreg:s6], $0x5FFFF  }
0xac: {  	[dreg:$0x1] =	wrdreg $0xFFFFFFFF  }
0xad: {  	[dreg:$0x0] =	wrdreg $0x60  }
0xae: {  	[dreg:$0x2] =	wrdreg s24  }
0xaf: {  	[dreg:$0x3] =	wrdreg $0x0  }
0xb0: {  	[dreg:$0x4] =	wrdreg $0x9  }
0xb1: {  	_ =	task.clear_ibuf [dreg:s6], $0x5FFFF;
	_ =	strace $0x90000049  }
0xb2: {  	s29 =	simm.s32 $0x9;
	_ =	strace $0x8000004B  }
0xb3: {  	_ =	swait.ge [sflag:s29], $0x1  }
0xb4: {  	[sflag:s29] =	ssyncadd.s32 $0xFFFFFFFF  }
0xb5: {  	_ =	strace $0x9000004B  }
0xb6: {  	_ =	sfence  }
0xb7: {  	s30 =	sld [smem:$0x0];
	_ =	sdelay $0x2  }
0xb8: {  	s31 =	sshll.u32 s1, $0xD;
	s1 =	sshrl.u32 s1, $0x2  }
0xb9: {  	s3 =	sand.u32 $0x4000, s31;
	s1 =	sadd.s32 s1, s30  }
0xba: {  	s0 =	sor.u32 s3, s0;
	s1 =	sshll.u32 s1, $0x11  }
0xbb: {  	s0 =	sor.u32 s1, s0  }
0xbc: {  	s0 =	sadd.s32 $0x8F2B, s0  }
0xbd: {  	[sflag:s0] =	ssyncadd.remote.s32 $0x1  }
0xbe: {  	_ =	sfence.sel $0xFFFF  }
0xbf: {  	[dreg:$0x0] =	wrdreg $0xFFFFFFFF;
	(pc) =	sbr.abs _section_cstart, $3  }
0xc0: {  	[dreg:$0x1] =	wrdreg $0xFFFFFFFF  }
0xc1: {  	_ =	task.clear_ibuf [dreg:s6], $0x2FFFF;
	_ =	strace $0x9FFFFFFF  }
0xc2: {  	(tm) =	ssettm $0x7FFFFFFF  }
0xc3: {  	_ =	shalt  }
tec
execute0_lowered:
.L_overlay_start_1:
0x0: {  	(tag) =	ssettag $0x1  }
0x1: {  	s0 =	rddreg [dreg:$0x0]  }
0x2: {  	s1 =	rddreg [dreg:$0x1]  }
0x3: {  	s2 =	simm.s32 $0x0;
	s3 =	srdreg.scid;
	s10 =	stileid.u32  }
0x4: {  	s28 =	simm.s32 $0x3;
	s29 =	simm.s32 $0x14000;
	s30 =	simm.s32 $0x14080  }
0x5: {  	s31 =	simm.s32 $0x50;
	[smem:$0x7FF] =	sst s2;
	s4 =	sadd.s32 $0xAC00, s0  }
0x6: {  	s3 =	sand.u32 $0x1, s3;
	s5 =	sadd.s32 $0xE00, s0;
	s7 =	sadd.s32 $0x64A00, s0  }
0x7: {  	s9 =	smul.u32 $0x14000, s10;
	s23 =	sshll.u32 s10, $0x1;
	s6 =	ssub.s32 $0x2, s3  }
0x8: {  	s10 =	smul.u32 $0x50000, s10;
	_ =	strace $0x8000004A;
	s8 =	sshrl.u32 s6, $0x1  }
0x9: {  	s11 =	sor.u32 $0x2800, s9;
	s12 =	sadd.s32 $0x5000, s9;
	s13 =	sadd.s32 $0x7800, s9  }
0xa: {  	s6 =	ssub.s32 s6, s8;
	s8 =	sor.u32 s3, s23;
	s3 =	smul.u32 $0x140000, s3  }
0xb: {  	s20 =	sadd.s32 $0xA000, s9;
	s21 =	sadd.s32 $0xC800, s9;
	s22 =	sadd.s32 $0xF000, s9  }
0xc: {  	s14 =	sadd.s32 s9, s3;
	s15 =	sadd.s32 s3, s11;
	s9 =	sadd.s32 $0x11800, s9  }
0xd: {  	s25 =	sadd.s32 s3, s12;
	s26 =	sadd.s32 s3, s13;
	s16 =	sadd.s32 s3, s20  }
0xe: {  	s19 =	sadd.s32 s3, s21;
	s23 =	sadd.s32 s3, s22;
	s20 =	sadd.s32 s20, s1  }
0xf: {  	s21 =	sadd.s32 s21, s1;
	s22 =	sadd.s32 s22, s1;
	s14 =	sshrl.u32 s14, $0x3  }
0x10: {  	s15 =	sshrl.u32 s15, $0x3;
	s16 =	sshrl.u32 s16, $0x3;
	s3 =	sadd.s32 s3, s9  }
0x11: {  	s14 =	sadd.s32 s7, s14;
	s24 =	sadd.s32 s7, s15;
	s15 =	sshrl.u32 s26, $0x3  }
0x12: {  	s18 =	sadd.s32 s7, s16;
	s3 =	sshrl.u32 s3, $0x3;
	[dreg:$0x3] =	wrdreg s14  }
0x13: {  	s26 =	smax.u32 s6, $0x1;
	s6 =	simm.s32 $0x1;
	[dreg:$0x4] =	wrdreg s24  }
0x14: {  	s14 =	sshrl.u32 s25, $0x3;
	s17 =	sadd.s32 s7, s15;
	[dreg:$0x7] =	wrdreg s18  }
0x15: {  	s15 =	sshrl.u32 s23, $0x3;
	s3 =	sadd.s32 s7, s3;
	s25 =	sshrl.u32 s10, $0x2  }
0x16: {  	s18 =	sadd.s32 s12, s1;
	s23 =	sadd.s32 s9, s1;
	[dreg:$0xb] =	wrdreg s26  }
0x17: {  	s26 =	simm.s32 $0x19100;
	s9 =	simm.s32 $0x0;
	[dreg:$0x6] =	wrdreg s17  }
0x18: {  	s14 =	sadd.s32 s7, s14;
	s24 =	sadd.s32 s7, s15;
	[dreg:$0xa] =	wrdreg s3  }
0x19: {  	s15 =	sadd.s32 $0x3CA00, s0;
	s16 =	sadd.s32 s25, s1;
	s17 =	sadd.s32 s11, s1  }
0x1a: {  	s3 =	simm.s32 $0x16900;
	[dreg:$0x5] =	wrdreg s14;
	s14 =	sshrl.u32 s19, $0x3  }
0x1b: {  	[dreg:$0x9] =	wrdreg s24;
	s19 =	sadd.s32 s13, s1;
	s24 =	smul.u32 $0x2710, s8  }
0x1c: {  	s8 =	simm.s32 $0x1B900;
	s14 =	sadd.s32 s7, s14;
	s7 =	simm.s32 $0x2  }
0x1d: {  	v0 =	vimm.f32 $0.0e+00;
	v1 =	vimm.s32 $0x0;
	v2 =	vlaneseq.u32;
	[dreg:$0x8] =	wrdreg s14;
	s14 =	sadd.s32 $0x14A00, s0;
	s0 =	simm.s32 $0x14100  }
.LBB2_1:
0x1e: {  	s10 =	simm.s32 $0x0;
	s11 =	simm.s32 $0x200  }
.LBB2_2:
0x1f: {  	p0 =	sne.s32 s11, $0x9E00;
	[tilespmem:s10+$0x19170] =	vst v0  }
0x20: {  	[tilespmem:s10+$0x1B900] =	vst v0  }
0x21: {  	[tilespmem:s10+$0x1B910] =	vst v0  }
0x22: {  	[tilespmem:s10+$0x1B920] =	vst v0  }
0x23: {  	[tilespmem:s10+$0x1B930] =	vst v0  }
0x24: {  	[tilespmem:s10+$0x1B940] =	vst v0  }
0x25: {  	[tilespmem:s10+$0x1B950] =	vst v0  }
0x26: {  	[tilespmem:s10+$0x1B960] =	vst v0  }
0x27: {  	[tilespmem:s10+$0x1B970] =	vst v0  }
0x28: {  	[tilespmem:s10+$0x19100] =	vst v0  }
0x29: {  	[tilespmem:s10+$0x19110] =	vst v0  }
.Ltmp0:
0x2a: {  	[tilespmem:s10+$0x19120] =	vst v0;
	(pc) =	sbr.rel @p0 .LBB2_2-.Ltmp0, $4  }
0x2b: {  	[tilespmem:s10+$0x19130] =	vst v0  }
0x2c: {  	[tilespmem:s10+$0x19140] =	vst v0  }
0x2d: {  	[tilespmem:s10+$0x19150] =	vst v0  }
0x2e: {  	[tilespmem:s10+$0x19160] =	vst v0;
	s10 =	sshra.s32 s11, $0x2;
	s11 =	sadd.s32 $0x200, s11  }
0x2f: {  	[tilespmem:s10+$0x19170] =	vst v0  }
0x30: {  	[tilespmem:s10+$0x1B900] =	vst v0  }
0x31: {  	[tilespmem:s10+$0x1B910] =	vst v0  }
0x32: {  	[tilespmem:s10+$0x1B920] =	vst v0  }
0x33: {  	[tilespmem:s10+$0x1B930] =	vst v0  }
0x34: {  	[tilespmem:s10+$0x1B940] =	vst v0  }
0x35: {  	[tilespmem:s10+$0x1B950] =	vst v0  }
0x36: {  	[tilespmem:s10+$0x1B960] =	vst v0  }
0x37: {  	[tilespmem:s10+$0x1B970] =	vst v0  }
0x38: {  	[tilespmem:s10+$0x19100] =	vst v0  }
0x39: {  	[tilespmem:s10+$0x19110] =	vst v0  }
0x3a: {  	[tilespmem:s10+$0x19120] =	vst v0  }
0x3b: {  	[tilespmem:s10+$0x19130] =	vst v0  }
0x3c: {  	[tilespmem:s10+$0x19140] =	vst v0  }
0x3d: {  	[tilespmem:s10+$0x19150] =	vst v0  }
0x3e: {  	[tilespmem:s10+$0x19160] =	vst v0  }
0x3f: {  	[spmem:s16] =	stream.linear.scatter [tilespmem:s26], [sflag:$0x3], $0x2800, $0x38;
	[tilespmem:$0x1E100] =	vst v63  }
0x40: {  	_ =	swait.ge [sflag:s28], $0x2800  }
0x41: {  	[sflag:s28] =	ssyncset.done $0x0  }
0x42: {  	[sflag:s28] =	ssyncadd.s32 $0xFFFFD800  }
0x43: {  	[spmem:s17] =	stream.linear.scatter [tilespmem:s26], [sflag:$0x3], $0x2800, $0x38;
	[tilespmem:$0x1E100] =	vst v63  }
0x44: {  	_ =	swait.ge [sflag:s28], $0x2800  }
0x45: {  	[sflag:s28] =	ssyncset.done $0x0  }
0x46: {  	[sflag:s28] =	ssyncadd.s32 $0xFFFFD800  }
0x47: {  	[spmem:s18] =	stream.linear.scatter [tilespmem:s26], [sflag:$0x3], $0x2800, $0x38;
	[tilespmem:$0x1E100] =	vst v63  }
0x48: {  	_ =	swait.ge [sflag:s28], $0x2800  }
0x49: {  	[sflag:s28] =	ssyncset.done $0x0  }
0x4a: {  	[sflag:s28] =	ssyncadd.s32 $0xFFFFD800  }
0x4b: {  	[spmem:s19] =	stream.linear.scatter [tilespmem:s26], [sflag:$0x3], $0x2800, $0x38;
	[tilespmem:$0x1E100] =	vst v63  }
0x4c: {  	_ =	swait.ge [sflag:s28], $0x2800  }
0x4d: {  	[sflag:s28] =	ssyncset.done $0x0  }
0x4e: {  	[sflag:s28] =	ssyncadd.s32 $0xFFFFD800  }
0x4f: {  	[spmem:s20] =	stream.linear.scatter [tilespmem:s26], [sflag:$0x3], $0x2800, $0x38;
	[tilespmem:$0x1E100] =	vst v63  }
0x50: {  	_ =	swait.ge [sflag:s28], $0x2800  }
0x51: {  	[sflag:s28] =	ssyncset.done $0x0  }
0x52: {  	[sflag:s28] =	ssyncadd.s32 $0xFFFFD800  }
0x53: {  	[spmem:s21] =	stream.linear.scatter [tilespmem:s26], [sflag:$0x3], $0x2800, $0x38;
	[tilespmem:$0x1E100] =	vst v63  }
0x54: {  	_ =	swait.ge [sflag:s28], $0x2800  }
0x55: {  	[sflag:s28] =	ssyncset.done $0x0  }
0x56: {  	[sflag:s28] =	ssyncadd.s32 $0xFFFFD800  }
0x57: {  	[spmem:s22] =	stream.linear.scatter [tilespmem:s26], [sflag:$0x3], $0x2800, $0x38;
	[tilespmem:$0x1E100] =	vst v63  }
0x58: {  	_ =	swait.ge [sflag:s28], $0x2800  }
0x59: {  	[sflag:s28] =	ssyncset.done $0x0  }
0x5a: {  	[sflag:s28] =	ssyncadd.s32 $0xFFFFD800  }
0x5b: {  	[spmem:s23] =	stream.linear.scatter [tilespmem:s26], [sflag:$0x3], $0x2800, $0x38;
	[tilespmem:$0x1E100] =	vst v63  }
0x5c: {  	_ =	swait.ge [sflag:s28], $0x2800  }
0x5d: {  	[sflag:s28] =	ssyncset.done $0x0  }
0x5e: {  	[sflag:s28] =	ssyncadd.s32 $0xFFFFD800  }
0x5f: {  	s10 =	simm.s32 $0x0;
	[bflag:$0x0] =	sbarrier.arrive $0xFFFF  }
.LBB2_4:
0x60: {  	s11 =	smul.u32 $0x50, s10;
	_ =	sdelay $0x1  }
0x61: {  	s11 =	sadd.s32 s24, s11  }
0x62: {  	s11 =	sshrl.u32 s11, $0x3  }
0x63: {  	s12 =	sadd.s32 s4, s11  }
0x64: {  	[tilespmem:s29], [sflag:$0x3] =	stream.linear.gather [hbm4b:s12+s2], $0x50, $0x38;
	[tilespmem:$0x1E100] =	vst v63  }
0x65: {  	_ =	swait.ge [sflag:s28], $0x50  }
0x66: {  	[sflag:s28] =	ssyncset.done $0x0  }
0x67: {  	s11 =	sadd.s32 s5, s11;
	[sflag:s28] =	ssyncadd.s32 $0xFFFFFFB0  }
0x68: {  	[tilespmem:s30], [sflag:$0x3] =	stream.linear.gather [hbm4b:s11+s2], $0x50, $0x38;
	[tilespmem:$0x1E100] =	vst v63  }
0x69: {  	_ =	swait.ge [sflag:s28], $0x50  }
0x6a: {  	[sflag:s28] =	ssyncset.done $0x0  }
0x6b: {  	[sflag:s28] =	ssyncadd.s32 $0xFFFFFFB0  }
0x6c: {  	[tilespmem:s0], [sflag:$0x1] =	stream.indirect.gather [hbm4b:s14+s31], $0x80, s29, s31, $0xb8;
	[tilespmem:$0x1E100] =	vst v63  }
0x6d: {  	_ = 	snop  }
0x6e: {  	[tilespmem:s3], [sflag:$0x2] =	stream.indirect.gather [hbm4b:s15+s31], $0x80, s30, s31, $0xb8;
	[tilespmem:$0x1E100] =	vst v63  }
0x6f: {  	_ =	swait.ge [sflag:s6], $0x2800  }
0x70: {  	[sflag:s6] =	ssyncset.done $0x0  }
0x71: {  	[sflag:s6] =	ssyncadd.s32 $0xFFFFD800  }
0x72: {  	_ =	swait.ge [sflag:s7], $0x2800  }
0x73: {  	[sflag:s7] =	ssyncset.done $0x0  }
0x74: {  	s13 =	simm.s32 $0x14200;
	[sflag:s7] =	ssyncadd.s32 $0xFFFFD800  }
0x75: {  	s25 =	simm.s32 $0x16A00;
	v3 =	vld [tilespmem:s13+$0x80]  }
0x76: {  	v4 =	vld [tilespmem:s25+$0x80]  }
0x77: {  	v5 =	vld [tilespmem:s25+$0xFFFFFF00]  }
0x78: {  	v6 =	vld [tilespmem:s13+$0xFFFFFF80]  }
0x79: {  	v8 =	vld [tilespmem:s13+$0x0]  }
0x7a: {  	v9 =	vld [tilespmem:s25+$0x0]  }
0x7b: {  	v7 =	vld [tilespmem:s25+$0xFFFFFF80];
	v10 =	vadd.f32 v4, v3  }
0x7c: {  	v3 =	vld [tilespmem:s13+$0xFFFFFF00]  }
0x7d: {  	v4 =	vmax.f32 v10, $-2.000000000e+00  }
0x7e: {  	s25 =	simm.s32 $0x16C00;
	v4 =	vmin.f32 v4, $2.000000000e+00  }
0x7f: {  	s13 =	simm.s32 $0x14400;
	v11 =	vadd.f32 v9, v8;
	v9 =	vld [tilespmem:s25+$0x80];
	v4 =	vmul.f32 $1.442695020e+00, v4  }
0x80: {  	v7 =	vadd.f32 v7, v6;
	v6 =	vld [tilespmem:s13+$0x80]  }
0x81: {  	v13 =	vld [tilespmem:s25+$0xFFFFFF00];
	v12 =	vadd.f32 v5, v3;
	(erf) = vpow2.f32 v4  }
0x82: {  	v14 =	vld [tilespmem:s25+$0xFFFFFF80];
	v8 =	vmax.f32 v7, $-2.000000000e+00  }
0x83: {  	v3 =	vmin.f32 v8, $2.000000000e+00;
	v8 =	vld [tilespmem:s13+$0xFFFFFF80];
	v4 =	vmax.f32 v11, $-2.000000000e+00;
	v5 =	vmax.f32 v12, $-2.000000000e+00  }
0x84: {  	v17 =	vld [tilespmem:s25+$0x0];
	v3 =	vmul.f32 $1.442695020e+00, v3;
	v4 =	vmin.f32 v4, $2.000000000e+00;
	v5 =	vmin.f32 v5, $2.000000000e+00  }
0x85: {  	v15 =	vld [tilespmem:s13+$0x0];
	v4 =	vmul.f32 $1.442695020e+00, v4;
	v16 =	vmul.f32 $1.442695020e+00, v5;
	v5 =	vadd.f32 v9, v6  }
0x86: {  	(erf) = vpow2.f32 v3;
	v6 =	vld [tilespmem:s13+$0xFFFFFF00]  }
0x87: {  	(erf) = vpow2.f32 v4;
	v4 =	vmax.f32 v5, $-2.000000000e+00  }
0x88: {  	v3 =	vadd.f32 v14, v8;
	(erf) = vpow2.f32 v16;
	v4 =	vmin.f32 v4, $2.000000000e+00  }
0x89: {  	v8 =	vmul.f32 $1.442695020e+00, v4  }
0x8a: {  	vm0 =	veq.s32 v2, $0x0;
	s25 =	simm.s32 $0x14600;
	v16 =	vmax.f32 v3, $-2.000000000e+00;
	v4 =	vadd.f32 v17, v15;
	v9 =	vpop (erf)  }
0x8b: {  	s12 =	simm.s32 $0x16E00;
	v14 =	vld [tilespmem:s25+$0x80];
	v6 =	vadd.f32 v13, v6;
	(erf) = vpow2.f32 v8;
	v9 =	vperm.xlane v9, v1  }
0x8c: {  	v15 =	vld [tilespmem:s12+$0x80];
	v8 =	vsel vm0, $0x3F800000, v10;
	v10 =	vmin.f32 v16, $2.000000000e+00;
	v13 =	vmax.f32 v4, $-2.000000000e+00  }
0x8d: {  	v16 =	vmul.f32 v8, v9;
	v9 =	vmul.f32 $1.442695020e+00, v10  }
0x8e: {  	v8 =	vmax.f32 v6, $-2.000000000e+00;
	v10 =	vmin.f32 v13, $2.000000000e+00  }
0x8f: {  	v19 =	vld [tilespmem:s12+$0xFFFFFF80];
	v13 =	vpop (erf);
	v8 =	vmin.f32 v8, $2.000000000e+00;
	v10 =	vmul.f32 $1.442695020e+00, v10  }
0x90: {  	v17 =	vld [tilespmem:s25+$0xFFFFFF80];
	v18 =	vperm.xlane v13, v1;
	v13 =	vpop (erf);
	v20 =	vmul.f32 $1.442695020e+00, v8  }
0x91: {  	(erf) = vpow2.f32 v9;
	v8 =	vadd.f32 v15, v14;
	v63 =	vperm.xlane v13, v1;
	v13 =	vld [tilespmem:s12+$0x0];
	v9 =	vpop (erf)  }
0x92: {  	(erf) = vpow2.f32 v10;
	v10 =	vld [tilespmem:s25+$0x0];
	v14 =	vperm.xlane v9, v1  }
0x93: {  	v12 =	vsel vm0, $0x3F800000, v12;
	v15 =	vmax.f32 v8, $-2.000000000e+00;
	v9 =	vld [tilespmem:s12+$0xFFFFFF00]  }
0x94: {  	(erf) = vpow2.f32 v20;
	v15 =	vmin.f32 v15, $2.000000000e+00;
	v12 =	vmul.f32 v12, v14;
	v14 =	vld [tilespmem:s25+$0xFFFFFF00]  }
0x95: {  	s11 =	simm.s32 $0x19200;
	v7 =	vsel vm0, $0x3F800000, v7  }
0x96: {  	v21 =	vsel vm0, $0x3F800000, v11;
	[tilespmem:s11+$0x80] =	vst v16;
	v11 =	vmul.f32 v7, v18;
	v7 =	vadd.f32 v19, v17  }
0x97: {  	s13 =	simm.s32 $0x8;
	v16 =	vmul.f32 $1.442695020e+00, v15;
	s25 =	simm.s32 $0x14800;
	v15 =	vpop (erf);
	[tilespmem:s11+$0xFFFFFF00] =	vst v12;
	v12 =	vmul.f32 v21, v63  }
.LBB2_5:
0x98: {  	v17 =	vld [tilespmem:s25+$0x80];
	v18 =	vmax.f32 v7, $-2.000000000e+00;
	v19 =	vadd.f32 v13, v10;
	s12 =	sadd.s32 $0x200, s12;
	v10 =	vperm.xlane v15, v1;
	[tilespmem:s11+$0xFFFFFF80] =	vst v11  }
0x99: {  	s13 =	sadd.s32 $0x4, s13;
	v13 =	vsel vm0, $0x3F800000, v5;
	v5 =	vmovc v8;
	v11 =	vld [tilespmem:s12+$0x80];
	v14 =	vadd.f32 v9, v14;
	(erf) = vpow2.f32 v16;
	[tilespmem:s11+$0x0] =	vst v12  }
0x9a: {  	p0 =	slt.u32 s13, $0x4C;
	v8 =	vmin.f32 v18, $2.000000000e+00;
	v9 =	vld [tilespmem:s12+$0xFFFFFF00];
	v12 =	vmax.f32 v19, $-2.000000000e+00;
	v10 =	vmul.f32 v13, v10  }
0x9b: {  	s11 =	sadd.s32 $0x200, s11;
	v8 =	vmul.f32 $1.442695020e+00, v8;
	v15 =	vld [tilespmem:s25+$0xFFFFFF80];
	v13 =	vmax.f32 v14, $-2.000000000e+00;
	v12 =	vmin.f32 v12, $2.000000000e+00;
	v16 =	vpop (erf)  }
0x9c: {  	v18 =	vld [tilespmem:s12+$0xFFFFFF80];
	v13 =	vmin.f32 v13, $2.000000000e+00;
	v12 =	vmul.f32 $1.442695020e+00, v12;
	v16 =	vperm.xlane v16, v1;
	[tilespmem:s11+$0x80] =	vst v10;
	v20 =	vpop (erf)  }
0x9d: {  	v22 =	vsel vm0, $0x3F800000, v6;
	v10 =	vld [tilespmem:s25+$0x0];
	v21 =	vmul.f32 $1.442695020e+00, v13;
	(erf) = vpow2.f32 v8;
	v6 =	vpop (erf)  }
.Ltmp1:
0x9e: {  	v13 =	vld [tilespmem:s12+$0x0];
	v8 =	vadd.f32 v11, v17;
	(erf) = vpow2.f32 v12;
	v11 =	vperm.xlane v6, v1;
	v6 =	vmovc v14;
	(pc) =	sbr.rel @p0 .LBB2_5-.Ltmp1, $4  }
0x9f: {  	v12 =	vsel vm0, $0x3F800000, v3;
	v17 =	vperm.xlane v20, v1;
	v3 =	vmovc v7;
	v14 =	vld [tilespmem:s25+$0xFFFFFF00];
	(erf) = vpow2.f32 v21  }
0xa0: {  	v20 =	vmax.f32 v8, $-2.000000000e+00;
	v21 =	vmul.f32 v22, v11;
	v22 =	vsel vm0, $0x3F800000, v4;
	v4 =	vmovc v19  }
0xa1: {  	v11 =	vmul.f32 v12, v16;
	v7 =	vadd.f32 v18, v15;
	v18 =	vmin.f32 v20, $2.000000000e+00  }
0xa2: {  	s25 =	sadd.s32 $0x200, s25;
	v12 =	vmul.f32 v22, v17;
	v16 =	vmul.f32 $1.442695020e+00, v18;
	v15 =	vpop (erf);
	[tilespmem:s11+$0xFFFFFF00] =	vst v21  }
0xa3: {  	v10 =	vadd.f32 v13, v10  }
0xa4: {  	v45 =	vmax.f32 v7, $-2.000000000e+00;
	v9 =	vadd.f32 v9, v14  }
0xa5: {  	v13 =	vmin.f32 v45, $2.000000000e+00;
	(erf) = vpow2.f32 v16;
	v46 =	vmax.f32 v10, $-2.000000000e+00  }
0xa6: {  	v13 =	vmul.f32 $1.442695020e+00, v13;
	v17 =	vmax.f32 v9, $-2.000000000e+00;
	v14 =	vmin.f32 v46, $2.000000000e+00  }
0xa7: {  	v47 =	vmin.f32 v17, $2.000000000e+00;
	v14 =	vmul.f32 $1.442695020e+00, v14  }
0xa8: {  	(erf) = vpow2.f32 v13;
	v16 =	vmul.f32 $1.442695020e+00, v47  }
0xa9: {  	(erf) = vpow2.f32 v14  }
0xaa: {  	(erf) = vpow2.f32 v16;
	_ =	sdelay $0x1  }
0xab: {  	v48 =	vpop (erf)  }
0xac: {  	vm0 =	veq.s32 v2, $0x0;
	v15 =	vperm.xlane v15, v1;
	v49 =	vpop (erf)  }
0xad: {  	v5 =	vsel vm0, $0x3F800000, v5;
	v52 =	vperm.xlane v48, v1;
	v50 =	vpop (erf)  }
0xae: {  	[tilespmem:s11+$0xFFFFFF80] =	vst v11;
	v3 =	vsel vm0, $0x3F800000, v3;
	v5 =	vmul.f32 v5, v15;
	v54 =	vperm.xlane v49, v1;
	v51 =	vpop (erf)  }
0xaf: {  	s25 =	sadd.s32 $0x200, s11;
	[tilespmem:s11+$0x0] =	vst v12;
	v4 =	vsel vm0, $0x3F800000, v4;
	v3 =	vmul.f32 v3, v52;
	v56 =	vperm.xlane v51, v1  }
0xb0: {  	v58 =	vsel vm0, $0x3F800000, v8;
	[tilespmem:s25+$0x80] =	vst v5;
	v16 =	vperm.xlane v50, v1;
	v4 =	vmul.f32 v4, v54;
	v53 =	vpop (erf)  }
0xb1: {  	v6 =	vsel vm0, $0x3F800000, v6;
	[tilespmem:s25+$0xFFFFFF80] =	vst v3;
	v3 =	vmul.f32 v58, v56;
	v60 =	vperm.xlane v53, v1;
	v55 =	vpop (erf)  }
0xb2: {  	s11 =	sadd.s32 $0x200, s25;
	v62 =	vsel vm0, $0x3F800000, v7;
	v6 =	vmul.f32 v6, v16;
	[tilespmem:s25+$0x0] =	vst v4;
	v57 =	vpop (erf);
	v63 =	vperm.xlane v55, v1  }
0xb3: {  	[tilespmem:s11+$0x80] =	vst v3;
	v3 =	vsel vm0, $0x3F800000, v10;
	v4 =	vmul.f32 v62, v60;
	v59 =	vperm.xlane v57, v1  }
0xb4: {  	v61 =	vsel vm0, $0x3F800000, v9;
	[tilespmem:s25+$0xFFFFFF00] =	vst v6;
	v3 =	vmul.f32 v3, v63  }
0xb5: {  	s10 =	sadd.s32 $0x1, s10;
	[tilespmem:s11+$0xFFFFFF80] =	vst v4;
	v6 =	vmul.f32 v61, v59  }
0xb6: {  	p0 =	sne.s32 s10, $0x7D;
	[tilespmem:s11+$0x0] =	vst v3  }
.Ltmp2:
0xb7: {  	[tilespmem:s11+$0xFFFFFF00] =	vst v6;
	(pc) =	sbr.rel @p0 .LBB2_4-.Ltmp2, $4  }
0xb8: {  	[spmem:s1] =	stream.indirect.scatter.add.f32 [tilespmem:s26], [sflag:$0x3], $0x80, s29, s31, $0xb8;
	[tilespmem:$0x1E100] =	vst v63  }
0xb9: {  	_ =	swait.ge [sflag:s28], $0x2800  }
0xba: {  	[sflag:s28] =	ssyncset.done $0x0  }
0xbb: {  	[sflag:s28] =	ssyncadd.s32 $0xFFFFD800  }
0xbc: {  	[bflag:$0x0] =	sbarrier.arrive $0xFFFF  }
0xbd: {  	[tilespmem:s26], [sflag:$0x3] =	stream.linear.gather [spmem:s16], $0x2800, $0x38;
	[tilespmem:$0x1E100] =	vst v63  }
0xbe: {  	_ =	swait.ge [sflag:s28], $0x2800  }
0xbf: {  	[sflag:s28] =	ssyncset.done $0x0  }
0xc0: {  	s10 =	simm.s32 $0x0;
	[sflag:s28] =	ssyncadd.s32 $0xFFFFD800  }
0xc1: {  	v6 =	vld [tilespmem:s10+$0x19170]  }
0xc2: {  	v7 =	vld [tilespmem:s10+$0x19100]  }
0xc3: {  	v8 =	vld [tilespmem:s10+$0x19110]  }
0xc4: {  	v5 =	vld [tilespmem:s10+$0x19120]  }
0xc5: {  	v3 =	vld [tilespmem:s10+$0x19130]  }
0xc6: {  	v4 =	vld [tilespmem:s10+$0x19140];
	[tilespmem:s10+$0x1B970] =	vst v6  }
0xc7: {  	[tilespmem:s10+$0x1B900] =	vst v7;
	v6 =	vld [tilespmem:s10+$0x19150]  }
0xc8: {  	s11 =	simm.s32 $0x80;
	s12 =	simm.s32 $0x400;
	[tilespmem:s10+$0x1B910] =	vst v8;
	v7 =	vld [tilespmem:s10+$0x19160]  }
.LBB2_8:
0xc9: {  	p0 =	sne.s32 s12, $0x9E00;
	v8 =	vld [tilespmem:s11+$0x19170];
	[tilespmem:s10+$0x1B920] =	vst v5  }
0xca: {  	v9 =	vld [tilespmem:s11+$0x19100];
	[tilespmem:s10+$0x1B930] =	vst v3  }
0xcb: {  	v10 =	vld [tilespmem:s11+$0x19110];
	[tilespmem:s10+$0x1B940] =	vst v4  }
.Ltmp3:
0xcc: {  	v5 =	vld [tilespmem:s11+$0x19120];
	[tilespmem:s10+$0x1B950] =	vst v6;
	(pc) =	sbr.rel @p0 .LBB2_8-.Ltmp3, $4  }
0xcd: {  	v3 =	vld [tilespmem:s11+$0x19130];
	[tilespmem:s10+$0x1B960] =	vst v7;
	s10 =	smov.u32 s11  }
0xce: {  	v4 =	vld [tilespmem:s10+$0x19140];
	[tilespmem:s10+$0x1B970] =	vst v8  }
0xcf: {  	[tilespmem:s10+$0x1B900] =	vst v9;
	v6 =	vld [tilespmem:s10+$0x19150]  }
0xd0: {  	s11 =	sshra.s32 s12, $0x2;
	s12 =	sadd.s32 $0x200, s12;
	[tilespmem:s10+$0x1B910] =	vst v10;
	v7 =	vld [tilespmem:s10+$0x19160]  }
0xd1: {  	v8 =	vld [tilespmem:s11+$0x19170];
	[tilespmem:s10+$0x1B920] =	vst v5  }
0xd2: {  	v5 =	vld [tilespmem:s11+$0x19100];
	[tilespmem:s10+$0x1B930] =	vst v3  }
0xd3: {  	v3 =	vld [tilespmem:s11+$0x19110];
	[tilespmem:s10+$0x1B940] =	vst v4  }
0xd4: {  	v4 =	vld [tilespmem:s11+$0x19120];
	[tilespmem:s10+$0x1B950] =	vst v6  }
0xd5: {  	v6 =	vld [tilespmem:s11+$0x19130];
	[tilespmem:s10+$0x1B960] =	vst v7  }
0xd6: {  	v7 =	vld [tilespmem:s11+$0x19140];
	[tilespmem:s11+$0x1B970] =	vst v8  }
0xd7: {  	[tilespmem:s11+$0x1B900] =	vst v5;
	v5 =	vld [tilespmem:s11+$0x19150]  }
0xd8: {  	[tilespmem:s11+$0x1B910] =	vst v3;
	v3 =	vld [tilespmem:s11+$0x19160]  }
0xd9: {  	[tilespmem:s11+$0x1B920] =	vst v4  }
0xda: {  	[tilespmem:s11+$0x1B930] =	vst v6  }
0xdb: {  	[tilespmem:s11+$0x1B940] =	vst v7  }
0xdc: {  	[tilespmem:s11+$0x1B950] =	vst v5  }
0xdd: {  	s13 =	simm.s32 $0x0;
	s25 =	rddreg [dreg:$0x3];
	[tilespmem:s11+$0x1B960] =	vst v3  }
0xde: {  	[hbm4b:s25+s13] =	stream.linear.scatter [tilespmem:s8], [sflag:$0x3], $0x2800, $0x38;
	[tilespmem:$0x1E100] =	vst v63  }
0xdf: {  	_ =	swait.ge [sflag:s28], $0x2800  }
0xe0: {  	[sflag:s28] =	ssyncset.done $0x0  }
0xe1: {  	[sflag:s28] =	ssyncadd.s32 $0xFFFFD800  }
0xe2: {  	[tilespmem:s26], [sflag:$0x3] =	stream.linear.gather [spmem:s17], $0x2800, $0x38;
	[tilespmem:$0x1E100] =	vst v63  }
0xe3: {  	_ =	swait.ge [sflag:s28], $0x2800  }
0xe4: {  	[sflag:s28] =	ssyncset.done $0x0  }
0xe5: {  	s10 =	simm.s32 $0x0;
	[sflag:s28] =	ssyncadd.s32 $0xFFFFD800  }
0xe6: {  	v6 =	vld [tilespmem:s10+$0x19170]  }
0xe7: {  	v7 =	vld [tilespmem:s10+$0x19100]  }
0xe8: {  	v8 =	vld [tilespmem:s10+$0x19110]  }
0xe9: {  	v5 =	vld [tilespmem:s10+$0x19120]  }
0xea: {  	v3 =	vld [tilespmem:s10+$0x19130]  }
0xeb: {  	v4 =	vld [tilespmem:s10+$0x19140];
	[tilespmem:s10+$0x1B970] =	vst v6  }
0xec: {  	[tilespmem:s10+$0x1B900] =	vst v7;
	v6 =	vld [tilespmem:s10+$0x19150]  }
0xed: {  	s12 =	simm.s32 $0x400;
	s11 =	simm.s32 $0x80;
	[tilespmem:s10+$0x1B910] =	vst v8;
	v7 =	vld [tilespmem:s10+$0x19160]  }
.LBB2_10:
0xee: {  	p0 =	sne.s32 s12, $0x9E00;
	v8 =	vld [tilespmem:s11+$0x19170];
	[tilespmem:s10+$0x1B920] =	vst v5  }
0xef: {  	v9 =	vld [tilespmem:s11+$0x19100];
	[tilespmem:s10+$0x1B930] =	vst v3  }
0xf0: {  	v10 =	vld [tilespmem:s11+$0x19110];
	[tilespmem:s10+$0x1B940] =	vst v4  }
.Ltmp4:
0xf1: {  	v5 =	vld [tilespmem:s11+$0x19120];
	[tilespmem:s10+$0x1B950] =	vst v6;
	(pc) =	sbr.rel @p0 .LBB2_10-.Ltmp4, $4  }
0xf2: {  	v3 =	vld [tilespmem:s11+$0x19130];
	[tilespmem:s10+$0x1B960] =	vst v7;
	s10 =	smov.u32 s11  }
0xf3: {  	v4 =	vld [tilespmem:s10+$0x19140];
	[tilespmem:s10+$0x1B970] =	vst v8  }
0xf4: {  	[tilespmem:s10+$0x1B900] =	vst v9;
	v6 =	vld [tilespmem:s10+$0x19150]  }
0xf5: {  	s11 =	sshra.s32 s12, $0x2;
	s12 =	sadd.s32 $0x200, s12;
	[tilespmem:s10+$0x1B910] =	vst v10;
	v7 =	vld [tilespmem:s10+$0x19160]  }
0xf6: {  	v8 =	vld [tilespmem:s11+$0x19170];
	[tilespmem:s10+$0x1B920] =	vst v5  }
0xf7: {  	v5 =	vld [tilespmem:s11+$0x19100];
	[tilespmem:s10+$0x1B930] =	vst v3  }
0xf8: {  	v3 =	vld [tilespmem:s11+$0x19110];
	[tilespmem:s10+$0x1B940] =	vst v4  }
0xf9: {  	v4 =	vld [tilespmem:s11+$0x19120];
	[tilespmem:s10+$0x1B950] =	vst v6  }
0xfa: {  	v6 =	vld [tilespmem:s11+$0x19130];
	[tilespmem:s10+$0x1B960] =	vst v7  }
0xfb: {  	v7 =	vld [tilespmem:s11+$0x19140];
	[tilespmem:s11+$0x1B970] =	vst v8  }
0xfc: {  	[tilespmem:s11+$0x1B900] =	vst v5;
	v5 =	vld [tilespmem:s11+$0x19150]  }
0xfd: {  	[tilespmem:s11+$0x1B910] =	vst v3;
	v3 =	vld [tilespmem:s11+$0x19160]  }
0xfe: {  	[tilespmem:s11+$0x1B920] =	vst v4  }
0xff: {  	[tilespmem:s11+$0x1B930] =	vst v6  }
0x100: {  	[tilespmem:s11+$0x1B940] =	vst v7  }
0x101: {  	[tilespmem:s11+$0x1B950] =	vst v5  }
0x102: {  	s13 =	simm.s32 $0x0;
	s25 =	rddreg [dreg:$0x4];
	[tilespmem:s11+$0x1B960] =	vst v3  }
0x103: {  	[hbm4b:s25+s13] =	stream.linear.scatter [tilespmem:s8], [sflag:$0x3], $0x2800, $0x38;
	[tilespmem:$0x1E100] =	vst v63  }
0x104: {  	_ =	swait.ge [sflag:s28], $0x2800  }
0x105: {  	[sflag:s28] =	ssyncset.done $0x0  }
0x106: {  	[sflag:s28] =	ssyncadd.s32 $0xFFFFD800  }
0x107: {  	[tilespmem:s26], [sflag:$0x3] =	stream.linear.gather [spmem:s18], $0x2800, $0x38;
	[tilespmem:$0x1E100] =	vst v63  }
0x108: {  	_ =	swait.ge [sflag:s28], $0x2800  }
0x109: {  	[sflag:s28] =	ssyncset.done $0x0  }
0x10a: {  	s10 =	simm.s32 $0x0;
	[sflag:s28] =	ssyncadd.s32 $0xFFFFD800  }
0x10b: {  	v6 =	vld [tilespmem:s10+$0x19170]  }
0x10c: {  	v7 =	vld [tilespmem:s10+$0x19100]  }
0x10d: {  	v8 =	vld [tilespmem:s10+$0x19110]  }
0x10e: {  	v5 =	vld [tilespmem:s10+$0x19120]  }
0x10f: {  	v3 =	vld [tilespmem:s10+$0x19130]  }
0x110: {  	v4 =	vld [tilespmem:s10+$0x19140];
	[tilespmem:s10+$0x1B970] =	vst v6  }
0x111: {  	[tilespmem:s10+$0x1B900] =	vst v7;
	v6 =	vld [tilespmem:s10+$0x19150]  }
0x112: {  	s12 =	simm.s32 $0x400;
	s11 =	simm.s32 $0x80;
	[tilespmem:s10+$0x1B910] =	vst v8;
	v7 =	vld [tilespmem:s10+$0x19160]  }
.LBB2_12:
0x113: {  	p0 =	sne.s32 s12, $0x9E00;
	v8 =	vld [tilespmem:s11+$0x19170];
	[tilespmem:s10+$0x1B920] =	vst v5  }
0x114: {  	v9 =	vld [tilespmem:s11+$0x19100];
	[tilespmem:s10+$0x1B930] =	vst v3  }
0x115: {  	v10 =	vld [tilespmem:s11+$0x19110];
	[tilespmem:s10+$0x1B940] =	vst v4  }
.Ltmp5:
0x116: {  	v5 =	vld [tilespmem:s11+$0x19120];
	[tilespmem:s10+$0x1B950] =	vst v6;
	(pc) =	sbr.rel @p0 .LBB2_12-.Ltmp5, $4  }
0x117: {  	v3 =	vld [tilespmem:s11+$0x19130];
	[tilespmem:s10+$0x1B960] =	vst v7;
	s10 =	smov.u32 s11  }
0x118: {  	v4 =	vld [tilespmem:s10+$0x19140];
	[tilespmem:s10+$0x1B970] =	vst v8  }
0x119: {  	[tilespmem:s10+$0x1B900] =	vst v9;
	v6 =	vld [tilespmem:s10+$0x19150]  }
0x11a: {  	s11 =	sshra.s32 s12, $0x2;
	s12 =	sadd.s32 $0x200, s12;
	[tilespmem:s10+$0x1B910] =	vst v10;
	v7 =	vld [tilespmem:s10+$0x19160]  }
0x11b: {  	v8 =	vld [tilespmem:s11+$0x19170];
	[tilespmem:s10+$0x1B920] =	vst v5  }
0x11c: {  	v5 =	vld [tilespmem:s11+$0x19100];
	[tilespmem:s10+$0x1B930] =	vst v3  }
0x11d: {  	v3 =	vld [tilespmem:s11+$0x19110];
	[tilespmem:s10+$0x1B940] =	vst v4  }
0x11e: {  	v4 =	vld [tilespmem:s11+$0x19120];
	[tilespmem:s10+$0x1B950] =	vst v6  }
0x11f: {  	v6 =	vld [tilespmem:s11+$0x19130];
	[tilespmem:s10+$0x1B960] =	vst v7  }
0x120: {  	v7 =	vld [tilespmem:s11+$0x19140];
	[tilespmem:s11+$0x1B970] =	vst v8  }
0x121: {  	[tilespmem:s11+$0x1B900] =	vst v5;
	v5 =	vld [tilespmem:s11+$0x19150]  }
0x122: {  	[tilespmem:s11+$0x1B910] =	vst v3;
	v3 =	vld [tilespmem:s11+$0x19160]  }
0x123: {  	[tilespmem:s11+$0x1B920] =	vst v4  }
0x124: {  	[tilespmem:s11+$0x1B930] =	vst v6  }
0x125: {  	[tilespmem:s11+$0x1B940] =	vst v7  }
0x126: {  	[tilespmem:s11+$0x1B950] =	vst v5  }
0x127: {  	s13 =	simm.s32 $0x0;
	s25 =	rddreg [dreg:$0x5];
	[tilespmem:s11+$0x1B960] =	vst v3  }
0x128: {  	[hbm4b:s25+s13] =	stream.linear.scatter [tilespmem:s8], [sflag:$0x3], $0x2800, $0x38;
	[tilespmem:$0x1E100] =	vst v63  }
0x129: {  	_ =	swait.ge [sflag:s28], $0x2800  }
0x12a: {  	[sflag:s28] =	ssyncset.done $0x0  }
0x12b: {  	[sflag:s28] =	ssyncadd.s32 $0xFFFFD800  }
0x12c: {  	[tilespmem:s26], [sflag:$0x3] =	stream.linear.gather [spmem:s19], $0x2800, $0x38;
	[tilespmem:$0x1E100] =	vst v63  }
0x12d: {  	_ =	swait.ge [sflag:s28], $0x2800  }
0x12e: {  	[sflag:s28] =	ssyncset.done $0x0  }
0x12f: {  	s10 =	simm.s32 $0x0;
	[sflag:s28] =	ssyncadd.s32 $0xFFFFD800  }
0x130: {  	v6 =	vld [tilespmem:s10+$0x19170]  }
0x131: {  	v7 =	vld [tilespmem:s10+$0x19100]  }
0x132: {  	v8 =	vld [tilespmem:s10+$0x19110]  }
0x133: {  	v5 =	vld [tilespmem:s10+$0x19120]  }
0x134: {  	v3 =	vld [tilespmem:s10+$0x19130]  }
0x135: {  	v4 =	vld [tilespmem:s10+$0x19140];
	[tilespmem:s10+$0x1B970] =	vst v6  }
0x136: {  	[tilespmem:s10+$0x1B900] =	vst v7;
	v6 =	vld [tilespmem:s10+$0x19150]  }
0x137: {  	s12 =	simm.s32 $0x400;
	s11 =	simm.s32 $0x80;
	[tilespmem:s10+$0x1B910] =	vst v8;
	v7 =	vld [tilespmem:s10+$0x19160]  }
.LBB2_14:
0x138: {  	p0 =	sne.s32 s12, $0x9E00;
	v8 =	vld [tilespmem:s11+$0x19170];
	[tilespmem:s10+$0x1B920] =	vst v5  }
0x139: {  	v9 =	vld [tilespmem:s11+$0x19100];
	[tilespmem:s10+$0x1B930] =	vst v3  }
0x13a: {  	v10 =	vld [tilespmem:s11+$0x19110];
	[tilespmem:s10+$0x1B940] =	vst v4  }
.Ltmp6:
0x13b: {  	v5 =	vld [tilespmem:s11+$0x19120];
	[tilespmem:s10+$0x1B950] =	vst v6;
	(pc) =	sbr.rel @p0 .LBB2_14-.Ltmp6, $4  }
0x13c: {  	v3 =	vld [tilespmem:s11+$0x19130];
	[tilespmem:s10+$0x1B960] =	vst v7;
	s10 =	smov.u32 s11  }
0x13d: {  	v4 =	vld [tilespmem:s10+$0x19140];
	[tilespmem:s10+$0x1B970] =	vst v8  }
0x13e: {  	[tilespmem:s10+$0x1B900] =	vst v9;
	v6 =	vld [tilespmem:s10+$0x19150]  }
0x13f: {  	s11 =	sshra.s32 s12, $0x2;
	s12 =	sadd.s32 $0x200, s12;
	[tilespmem:s10+$0x1B910] =	vst v10;
	v7 =	vld [tilespmem:s10+$0x19160]  }
0x140: {  	v8 =	vld [tilespmem:s11+$0x19170];
	[tilespmem:s10+$0x1B920] =	vst v5  }
0x141: {  	v5 =	vld [tilespmem:s11+$0x19100];
	[tilespmem:s10+$0x1B930] =	vst v3  }
0x142: {  	v3 =	vld [tilespmem:s11+$0x19110];
	[tilespmem:s10+$0x1B940] =	vst v4  }
0x143: {  	v4 =	vld [tilespmem:s11+$0x19120];
	[tilespmem:s10+$0x1B950] =	vst v6  }
0x144: {  	v6 =	vld [tilespmem:s11+$0x19130];
	[tilespmem:s10+$0x1B960] =	vst v7  }
0x145: {  	v7 =	vld [tilespmem:s11+$0x19140];
	[tilespmem:s11+$0x1B970] =	vst v8  }
0x146: {  	[tilespmem:s11+$0x1B900] =	vst v5;
	v5 =	vld [tilespmem:s11+$0x19150]  }
0x147: {  	[tilespmem:s11+$0x1B910] =	vst v3;
	v3 =	vld [tilespmem:s11+$0x19160]  }
0x148: {  	[tilespmem:s11+$0x1B920] =	vst v4  }
0x149: {  	[tilespmem:s11+$0x1B930] =	vst v6  }
0x14a: {  	[tilespmem:s11+$0x1B940] =	vst v7  }
0x14b: {  	[tilespmem:s11+$0x1B950] =	vst v5  }
0x14c: {  	s13 =	simm.s32 $0x0;
	s25 =	rddreg [dreg:$0x6];
	[tilespmem:s11+$0x1B960] =	vst v3  }
0x14d: {  	[hbm4b:s25+s13] =	stream.linear.scatter [tilespmem:s8], [sflag:$0x3], $0x2800, $0x38;
	[tilespmem:$0x1E100] =	vst v63  }
0x14e: {  	_ =	swait.ge [sflag:s28], $0x2800  }
0x14f: {  	[sflag:s28] =	ssyncset.done $0x0  }
0x150: {  	[sflag:s28] =	ssyncadd.s32 $0xFFFFD800  }
0x151: {  	[tilespmem:s26], [sflag:$0x3] =	stream.linear.gather [spmem:s20], $0x2800, $0x38;
	[tilespmem:$0x1E100] =	vst v63  }
0x152: {  	_ =	swait.ge [sflag:s28], $0x2800  }
0x153: {  	[sflag:s28] =	ssyncset.done $0x0  }
0x154: {  	s10 =	simm.s32 $0x0;
	[sflag:s28] =	ssyncadd.s32 $0xFFFFD800  }
0x155: {  	v6 =	vld [tilespmem:s10+$0x19170]  }
0x156: {  	v7 =	vld [tilespmem:s10+$0x19100]  }
0x157: {  	v8 =	vld [tilespmem:s10+$0x19110]  }
0x158: {  	v5 =	vld [tilespmem:s10+$0x19120]  }
0x159: {  	v3 =	vld [tilespmem:s10+$0x19130]  }
0x15a: {  	v4 =	vld [tilespmem:s10+$0x19140];
	[tilespmem:s10+$0x1B970] =	vst v6  }
0x15b: {  	[tilespmem:s10+$0x1B900] =	vst v7;
	v6 =	vld [tilespmem:s10+$0x19150]  }
0x15c: {  	s12 =	simm.s32 $0x400;
	s11 =	simm.s32 $0x80;
	[tilespmem:s10+$0x1B910] =	vst v8;
	v7 =	vld [tilespmem:s10+$0x19160]  }
.LBB2_16:
0x15d: {  	p0 =	sne.s32 s12, $0x9E00;
	v8 =	vld [tilespmem:s11+$0x19170];
	[tilespmem:s10+$0x1B920] =	vst v5  }
0x15e: {  	v9 =	vld [tilespmem:s11+$0x19100];
	[tilespmem:s10+$0x1B930] =	vst v3  }
0x15f: {  	v10 =	vld [tilespmem:s11+$0x19110];
	[tilespmem:s10+$0x1B940] =	vst v4  }
.Ltmp7:
0x160: {  	v5 =	vld [tilespmem:s11+$0x19120];
	[tilespmem:s10+$0x1B950] =	vst v6;
	(pc) =	sbr.rel @p0 .LBB2_16-.Ltmp7, $4  }
0x161: {  	v3 =	vld [tilespmem:s11+$0x19130];
	[tilespmem:s10+$0x1B960] =	vst v7;
	s10 =	smov.u32 s11  }
0x162: {  	v4 =	vld [tilespmem:s10+$0x19140];
	[tilespmem:s10+$0x1B970] =	vst v8  }
0x163: {  	[tilespmem:s10+$0x1B900] =	vst v9;
	v6 =	vld [tilespmem:s10+$0x19150]  }
0x164: {  	s11 =	sshra.s32 s12, $0x2;
	s12 =	sadd.s32 $0x200, s12;
	[tilespmem:s10+$0x1B910] =	vst v10;
	v7 =	vld [tilespmem:s10+$0x19160]  }
0x165: {  	v8 =	vld [tilespmem:s11+$0x19170];
	[tilespmem:s10+$0x1B920] =	vst v5  }
0x166: {  	v5 =	vld [tilespmem:s11+$0x19100];
	[tilespmem:s10+$0x1B930] =	vst v3  }
0x167: {  	v3 =	vld [tilespmem:s11+$0x19110];
	[tilespmem:s10+$0x1B940] =	vst v4  }
0x168: {  	v4 =	vld [tilespmem:s11+$0x19120];
	[tilespmem:s10+$0x1B950] =	vst v6  }
0x169: {  	v6 =	vld [tilespmem:s11+$0x19130];
	[tilespmem:s10+$0x1B960] =	vst v7  }
0x16a: {  	v7 =	vld [tilespmem:s11+$0x19140];
	[tilespmem:s11+$0x1B970] =	vst v8  }
0x16b: {  	[tilespmem:s11+$0x1B900] =	vst v5;
	v5 =	vld [tilespmem:s11+$0x19150]  }
0x16c: {  	[tilespmem:s11+$0x1B910] =	vst v3;
	v3 =	vld [tilespmem:s11+$0x19160]  }
0x16d: {  	[tilespmem:s11+$0x1B920] =	vst v4  }
0x16e: {  	[tilespmem:s11+$0x1B930] =	vst v6  }
0x16f: {  	[tilespmem:s11+$0x1B940] =	vst v7  }
0x170: {  	[tilespmem:s11+$0x1B950] =	vst v5  }
0x171: {  	s13 =	simm.s32 $0x0;
	s25 =	rddreg [dreg:$0x7];
	[tilespmem:s11+$0x1B960] =	vst v3  }
0x172: {  	[hbm4b:s25+s13] =	stream.linear.scatter [tilespmem:s8], [sflag:$0x3], $0x2800, $0x38;
	[tilespmem:$0x1E100] =	vst v63  }
0x173: {  	_ =	swait.ge [sflag:s28], $0x2800  }
0x174: {  	[sflag:s28] =	ssyncset.done $0x0  }
0x175: {  	[sflag:s28] =	ssyncadd.s32 $0xFFFFD800  }
0x176: {  	[tilespmem:s26], [sflag:$0x3] =	stream.linear.gather [spmem:s21], $0x2800, $0x38;
	[tilespmem:$0x1E100] =	vst v63  }
0x177: {  	_ =	swait.ge [sflag:s28], $0x2800  }
0x178: {  	[sflag:s28] =	ssyncset.done $0x0  }
0x179: {  	s10 =	simm.s32 $0x0;
	[sflag:s28] =	ssyncadd.s32 $0xFFFFD800  }
0x17a: {  	v6 =	vld [tilespmem:s10+$0x19170]  }
0x17b: {  	v7 =	vld [tilespmem:s10+$0x19100]  }
0x17c: {  	v8 =	vld [tilespmem:s10+$0x19110]  }
0x17d: {  	v5 =	vld [tilespmem:s10+$0x19120]  }
0x17e: {  	v3 =	vld [tilespmem:s10+$0x19130]  }
0x17f: {  	v4 =	vld [tilespmem:s10+$0x19140];
	[tilespmem:s10+$0x1B970] =	vst v6  }
0x180: {  	[tilespmem:s10+$0x1B900] =	vst v7;
	v6 =	vld [tilespmem:s10+$0x19150]  }
0x181: {  	s12 =	simm.s32 $0x400;
	s11 =	simm.s32 $0x80;
	[tilespmem:s10+$0x1B910] =	vst v8;
	v7 =	vld [tilespmem:s10+$0x19160]  }
.LBB2_18:
0x182: {  	p0 =	sne.s32 s12, $0x9E00;
	v8 =	vld [tilespmem:s11+$0x19170];
	[tilespmem:s10+$0x1B920] =	vst v5  }
0x183: {  	v9 =	vld [tilespmem:s11+$0x19100];
	[tilespmem:s10+$0x1B930] =	vst v3  }
0x184: {  	v10 =	vld [tilespmem:s11+$0x19110];
	[tilespmem:s10+$0x1B940] =	vst v4  }
.Ltmp8:
0x185: {  	v5 =	vld [tilespmem:s11+$0x19120];
	[tilespmem:s10+$0x1B950] =	vst v6;
	(pc) =	sbr.rel @p0 .LBB2_18-.Ltmp8, $4  }
0x186: {  	v3 =	vld [tilespmem:s11+$0x19130];
	[tilespmem:s10+$0x1B960] =	vst v7;
	s10 =	smov.u32 s11  }
0x187: {  	v4 =	vld [tilespmem:s10+$0x19140];
	[tilespmem:s10+$0x1B970] =	vst v8  }
0x188: {  	[tilespmem:s10+$0x1B900] =	vst v9;
	v6 =	vld [tilespmem:s10+$0x19150]  }
0x189: {  	s11 =	sshra.s32 s12, $0x2;
	s12 =	sadd.s32 $0x200, s12;
	[tilespmem:s10+$0x1B910] =	vst v10;
	v7 =	vld [tilespmem:s10+$0x19160]  }
0x18a: {  	v8 =	vld [tilespmem:s11+$0x19170];
	[tilespmem:s10+$0x1B920] =	vst v5  }
0x18b: {  	v5 =	vld [tilespmem:s11+$0x19100];
	[tilespmem:s10+$0x1B930] =	vst v3  }
0x18c: {  	v3 =	vld [tilespmem:s11+$0x19110];
	[tilespmem:s10+$0x1B940] =	vst v4  }
0x18d: {  	v4 =	vld [tilespmem:s11+$0x19120];
	[tilespmem:s10+$0x1B950] =	vst v6  }
0x18e: {  	v6 =	vld [tilespmem:s11+$0x19130];
	[tilespmem:s10+$0x1B960] =	vst v7  }
0x18f: {  	v7 =	vld [tilespmem:s11+$0x19140];
	[tilespmem:s11+$0x1B970] =	vst v8  }
0x190: {  	[tilespmem:s11+$0x1B900] =	vst v5;
	v5 =	vld [tilespmem:s11+$0x19150]  }
0x191: {  	[tilespmem:s11+$0x1B910] =	vst v3;
	v3 =	vld [tilespmem:s11+$0x19160]  }
0x192: {  	[tilespmem:s11+$0x1B920] =	vst v4  }
0x193: {  	[tilespmem:s11+$0x1B930] =	vst v6  }
0x194: {  	[tilespmem:s11+$0x1B940] =	vst v7  }
0x195: {  	[tilespmem:s11+$0x1B950] =	vst v5  }
0x196: {  	s13 =	simm.s32 $0x0;
	s25 =	rddreg [dreg:$0x8];
	[tilespmem:s11+$0x1B960] =	vst v3  }
0x197: {  	[hbm4b:s25+s13] =	stream.linear.scatter [tilespmem:s8], [sflag:$0x3], $0x2800, $0x38;
	[tilespmem:$0x1E100] =	vst v63  }
0x198: {  	_ =	swait.ge [sflag:s28], $0x2800  }
0x199: {  	[sflag:s28] =	ssyncset.done $0x0  }
0x19a: {  	[sflag:s28] =	ssyncadd.s32 $0xFFFFD800  }
0x19b: {  	[tilespmem:s26], [sflag:$0x3] =	stream.linear.gather [spmem:s22], $0x2800, $0x38;
	[tilespmem:$0x1E100] =	vst v63  }
0x19c: {  	_ =	swait.ge [sflag:s28], $0x2800  }
0x19d: {  	[sflag:s28] =	ssyncset.done $0x0  }
0x19e: {  	s10 =	simm.s32 $0x0;
	[sflag:s28] =	ssyncadd.s32 $0xFFFFD800  }
0x19f: {  	v6 =	vld [tilespmem:s10+$0x19170]  }
0x1a0: {  	v7 =	vld [tilespmem:s10+$0x19100]  }
0x1a1: {  	v8 =	vld [tilespmem:s10+$0x19110]  }
0x1a2: {  	v5 =	vld [tilespmem:s10+$0x19120]  }
0x1a3: {  	v3 =	vld [tilespmem:s10+$0x19130]  }
0x1a4: {  	v4 =	vld [tilespmem:s10+$0x19140];
	[tilespmem:s10+$0x1B970] =	vst v6  }
0x1a5: {  	[tilespmem:s10+$0x1B900] =	vst v7;
	v6 =	vld [tilespmem:s10+$0x19150]  }
0x1a6: {  	s12 =	simm.s32 $0x400;
	s11 =	simm.s32 $0x80;
	[tilespmem:s10+$0x1B910] =	vst v8;
	v7 =	vld [tilespmem:s10+$0x19160]  }
.LBB2_20:
0x1a7: {  	p0 =	sne.s32 s12, $0x9E00;
	v8 =	vld [tilespmem:s11+$0x19170];
	[tilespmem:s10+$0x1B920] =	vst v5  }
0x1a8: {  	v9 =	vld [tilespmem:s11+$0x19100];
	[tilespmem:s10+$0x1B930] =	vst v3  }
0x1a9: {  	v10 =	vld [tilespmem:s11+$0x19110];
	[tilespmem:s10+$0x1B940] =	vst v4  }
.Ltmp9:
0x1aa: {  	v5 =	vld [tilespmem:s11+$0x19120];
	[tilespmem:s10+$0x1B950] =	vst v6;
	(pc) =	sbr.rel @p0 .LBB2_20-.Ltmp9, $4  }
0x1ab: {  	v3 =	vld [tilespmem:s11+$0x19130];
	[tilespmem:s10+$0x1B960] =	vst v7;
	s10 =	smov.u32 s11  }
0x1ac: {  	v4 =	vld [tilespmem:s10+$0x19140];
	[tilespmem:s10+$0x1B970] =	vst v8  }
0x1ad: {  	[tilespmem:s10+$0x1B900] =	vst v9;
	v6 =	vld [tilespmem:s10+$0x19150]  }
0x1ae: {  	s11 =	sshra.s32 s12, $0x2;
	s12 =	sadd.s32 $0x200, s12;
	[tilespmem:s10+$0x1B910] =	vst v10;
	v7 =	vld [tilespmem:s10+$0x19160]  }
0x1af: {  	v8 =	vld [tilespmem:s11+$0x19170];
	[tilespmem:s10+$0x1B920] =	vst v5  }
0x1b0: {  	v5 =	vld [tilespmem:s11+$0x19100];
	[tilespmem:s10+$0x1B930] =	vst v3  }
0x1b1: {  	v3 =	vld [tilespmem:s11+$0x19110];
	[tilespmem:s10+$0x1B940] =	vst v4  }
0x1b2: {  	v4 =	vld [tilespmem:s11+$0x19120];
	[tilespmem:s10+$0x1B950] =	vst v6  }
0x1b3: {  	v6 =	vld [tilespmem:s11+$0x19130];
	[tilespmem:s10+$0x1B960] =	vst v7  }
0x1b4: {  	v7 =	vld [tilespmem:s11+$0x19140];
	[tilespmem:s11+$0x1B970] =	vst v8  }
0x1b5: {  	[tilespmem:s11+$0x1B900] =	vst v5;
	v5 =	vld [tilespmem:s11+$0x19150]  }
0x1b6: {  	[tilespmem:s11+$0x1B910] =	vst v3;
	v3 =	vld [tilespmem:s11+$0x19160]  }
0x1b7: {  	[tilespmem:s11+$0x1B920] =	vst v4  }
0x1b8: {  	[tilespmem:s11+$0x1B930] =	vst v6  }
0x1b9: {  	[tilespmem:s11+$0x1B940] =	vst v7  }
0x1ba: {  	[tilespmem:s11+$0x1B950] =	vst v5  }
0x1bb: {  	s13 =	simm.s32 $0x0;
	s25 =	rddreg [dreg:$0x9];
	[tilespmem:s11+$0x1B960] =	vst v3  }
0x1bc: {  	[hbm4b:s25+s13] =	stream.linear.scatter [tilespmem:s8], [sflag:$0x3], $0x2800, $0x38;
	[tilespmem:$0x1E100] =	vst v63  }
0x1bd: {  	_ =	swait.ge [sflag:s28], $0x2800  }
0x1be: {  	[sflag:s28] =	ssyncset.done $0x0  }
0x1bf: {  	[sflag:s28] =	ssyncadd.s32 $0xFFFFD800  }
0x1c0: {  	[tilespmem:s26], [sflag:$0x3] =	stream.linear.gather [spmem:s23], $0x2800, $0x38;
	[tilespmem:$0x1E100] =	vst v63  }
0x1c1: {  	_ =	swait.ge [sflag:s28], $0x2800  }
0x1c2: {  	[sflag:s28] =	ssyncset.done $0x0  }
0x1c3: {  	s10 =	simm.s32 $0x0;
	[sflag:s28] =	ssyncadd.s32 $0xFFFFD800  }
0x1c4: {  	v6 =	vld [tilespmem:s10+$0x19170]  }
0x1c5: {  	v7 =	vld [tilespmem:s10+$0x19100]  }
0x1c6: {  	v8 =	vld [tilespmem:s10+$0x19110]  }
0x1c7: {  	v5 =	vld [tilespmem:s10+$0x19120]  }
0x1c8: {  	v3 =	vld [tilespmem:s10+$0x19130]  }
0x1c9: {  	v4 =	vld [tilespmem:s10+$0x19140];
	[tilespmem:s10+$0x1B970] =	vst v6  }
0x1ca: {  	[tilespmem:s10+$0x1B900] =	vst v7;
	v6 =	vld [tilespmem:s10+$0x19150]  }
0x1cb: {  	s12 =	simm.s32 $0x400;
	s11 =	simm.s32 $0x80;
	[tilespmem:s10+$0x1B910] =	vst v8;
	v7 =	vld [tilespmem:s10+$0x19160]  }
.LBB2_22:
0x1cc: {  	p0 =	sne.s32 s12, $0x9E00;
	v8 =	vld [tilespmem:s11+$0x19170];
	[tilespmem:s10+$0x1B920] =	vst v5  }
0x1cd: {  	v9 =	vld [tilespmem:s11+$0x19100];
	[tilespmem:s10+$0x1B930] =	vst v3  }
0x1ce: {  	v10 =	vld [tilespmem:s11+$0x19110];
	[tilespmem:s10+$0x1B940] =	vst v4  }
.Ltmp10:
0x1cf: {  	v5 =	vld [tilespmem:s11+$0x19120];
	[tilespmem:s10+$0x1B950] =	vst v6;
	(pc) =	sbr.rel @p0 .LBB2_22-.Ltmp10, $4  }
0x1d0: {  	v3 =	vld [tilespmem:s11+$0x19130];
	[tilespmem:s10+$0x1B960] =	vst v7;
	s10 =	smov.u32 s11  }
0x1d1: {  	v4 =	vld [tilespmem:s10+$0x19140];
	[tilespmem:s10+$0x1B970] =	vst v8  }
0x1d2: {  	[tilespmem:s10+$0x1B900] =	vst v9;
	v6 =	vld [tilespmem:s10+$0x19150]  }
0x1d3: {  	s11 =	sshra.s32 s12, $0x2;
	s12 =	sadd.s32 $0x200, s12;
	[tilespmem:s10+$0x1B910] =	vst v10;
	v7 =	vld [tilespmem:s10+$0x19160]  }
0x1d4: {  	v8 =	vld [tilespmem:s11+$0x19170];
	[tilespmem:s10+$0x1B920] =	vst v5  }
0x1d5: {  	v5 =	vld [tilespmem:s11+$0x19100];
	[tilespmem:s10+$0x1B930] =	vst v3  }
0x1d6: {  	v3 =	vld [tilespmem:s11+$0x19110];
	[tilespmem:s10+$0x1B940] =	vst v4  }
0x1d7: {  	v4 =	vld [tilespmem:s11+$0x19120];
	[tilespmem:s10+$0x1B950] =	vst v6  }
0x1d8: {  	v6 =	vld [tilespmem:s11+$0x19130];
	[tilespmem:s10+$0x1B960] =	vst v7  }
0x1d9: {  	v7 =	vld [tilespmem:s11+$0x19140];
	[tilespmem:s11+$0x1B970] =	vst v8  }
0x1da: {  	v63 =	vld [tilespmem:s11+$0x19150];
	[tilespmem:s11+$0x1B900] =	vst v5  }
0x1db: {  	[tilespmem:s11+$0x1B910] =	vst v3;
	v3 =	vld [tilespmem:s11+$0x19160]  }
0x1dc: {  	[tilespmem:s11+$0x1B920] =	vst v4  }
0x1dd: {  	[tilespmem:s11+$0x1B930] =	vst v6  }
0x1de: {  	[tilespmem:s11+$0x1B940] =	vst v7  }
0x1df: {  	[tilespmem:s11+$0x1B950] =	vst v63  }
0x1e0: {  	s13 =	rddreg [dreg:$0xa];
	[tilespmem:s11+$0x1B960] =	vst v3  }
0x1e1: {  	[hbm4b:s13+s2] =	stream.linear.scatter [tilespmem:s8], [sflag:$0x3], $0x2800, $0x38;
	[tilespmem:$0x1E100] =	vst v63  }
0x1e2: {  	_ =	swait.ge [sflag:s28], $0x2800  }
0x1e3: {  	s9 =	sadd.s32 $0x1, s9;
	s25 =	rddreg [dreg:$0xb]  }
0x1e4: {  	p0 =	sne.s32 s9, s25  }
.Ltmp11:
0x1e5: {  	_ = 	snop;
	(pc) =	sbr.rel @p0 .LBB2_1-.Ltmp11, $3  }
0x1e6: {  	_ =	sdelay $0x1  }
0x1e7: {  	[sflag:s28] =	ssyncset.done $0x0  }
0x1e8: {  	[sflag:s28] =	ssyncadd.s32 $0xFFFFD800  }
0x1e9: {  	_ =	sfence.sel $0x180000  }
0x1ea: {  	[bflag:$0x0] =	sbarrier.arrive $0xFFFF  }
0x1eb: {  	_ =	strace $0x9000004A  }
0x1ec: {  	s0 =	stileid.u32;
	[bflag:$0x2] =	sbarrier.arrive $0xFFFF  }
0x1ed: {  	p0 =	sne.s32 s0, $0x0;
	s0 =	rddreg [dreg:$0x2]  }
0x1ee: {  	s0 =	sadd.s32 @!p0 $0x100000, s0  }
0x1ef: {  	[sflag:s0] =	ssyncadd.tile.s32 @!p0 $0x1;
	_ =	shalt  }
.Lfunc_end2:
_tile_overlayer_lowered:
.L_overlay_start_2:
0x1f0: {  	(tag) =	ssettag $0x2  }
0x1f1: {  	s0 =	rddreg [dreg:$0x0];
	s2 =	stileid.u32  }
0x1f2: {  	s1 =	rddreg [dreg:$0x1];
	p0 =	sne.s32 s2, $0x0  }
0x1f3: {  	s3 =	rddreg [dreg:$0x2];
	[bflag:$0x3] =	sbarrier.arrive $0xFFFF;
	s2 =	simm.s32 @!p0 $0x1C03  }
0x1f4: {  	[timem:s3], [sflag:s2] =	dma.local @!p0 [hbm:s0], s1  }
0x1f5: {  	s0 =	simm.s32 @!p0 $0x3  }
0x1f6: {  	_ =	swait.ge @!p0 [sflag:s0], s1  }
0x1f7: {  	s1 =	ssub.s32 @!p0 $0x0, s1;
	[sflag:s0] =	ssyncset.done @!p0 $0x0  }
0x1f8: {  	[sflag:s0] =	ssyncadd.s32 @!p0 s1  }
0x1f9: {  	[bflag:$0x3] =	sbarrier.arrive $0xFFFF  }
0x1fa: {  	_ =	shalt  }

// kernel: kernel.13.cloned.1.call-start
scs
__scs_entry_jumppad:
0x0: {  	(pc) =	sbr.rel $0x88, $3  }
0x1: {  	(tag) =	ssettag $0x0;
	lr =	simm.s32 $0x1  }
0x2: {  	[smem:$0x3F9A] =	sst lr;
	_ =	strace $0xD0000000  }
0x3: {  	_ = 	snop  }
0x4: {  	_ = 	snop  }
0x5: {  	_ = 	snop  }
0x6: {  	_ = 	snop  }
0x7: {  	_ = 	snop  }
__scs_overlays_trampoline_lowered:
0x8: {  	[smem:$0x3FA9] =	sst s0  }
0x9: {  	[smem:$0x3FAA] =	sst s1  }
0xa: {  	[smem:$0x3FAB] =	sst s2  }
0xb: {  	[smem:$0x3FAC] =	sst s3  }
0xc: {  	[smem:$0x3FAD] =	sst s4  }
0xd: {  	[smem:$0x3FAE] =	sst s5  }
0xe: {  	[smem:$0x3FAF] =	sst s6  }
0xf: {  	[smem:$0x3FB0] =	sst s7  }
0x10: {  	[smem:$0x3FB1] =	sst s8  }
0x11: {  	[smem:$0x3FB2] =	sst s9;
	s0 =	simm.s32 @!p0 $0x0  }
0x12: {  	s1 =	sld [smem:$0x3F98];
	s0 =	simm.s32 @p0 $0x1  }
0x13: {  	[smem:$0x3FB3] =	sst s0;
	s0 =	simm.s32 @!p1 $0x0  }
0x14: {  	s2 =	sld [smem:$0x3F97];
	s0 =	simm.s32 @p1 $0x1  }
0x15: {  	[smem:$0x3FB4] =	sst s0;
	s0 =	simm.s32 @!p2 $0x0  }
0x16: {  	s3 =	sld [smem:$0x3FDB];
	s0 =	simm.s32 @p2 $0x1  }
0x17: {  	s4 =	simm.s32 $0x1BF5;
	[smem:$0x3FB6] =	sst s0  }
0x18: {  	s0 =	sld [smem:$0x3F99];
	_ =	swait.ge [sflag:s4], $0x0  }
0x19: {  	s7 =	sld [smem:$0x3F9A]  }
0x1a: {  	s8 =	sadd.s32 $0xFFFFE003, lr  }
0x1b: {  	s9 =	sadd.s32 $0xFFFFFEF7, lr;
	s5 =	simm.s32 $0xFFFFFFFF;
	p2 =	slt.u32 s8, $0xFFFFF086  }
0x1c: {  	p1 =	slt.u32 s9, $0xF7A;
	s5 =	simm.s32 @!p2 $0x0  }
0x1d: {  	s5 =	simm.s32 @p1 $0x1;
	p0 =	seq.s32 s7, s2  }
0x1e: {  	s7 =	smul.u32 @!p0 $0xF7A, s2;
	p2 =	seq.s32 @!p0 s5, $0x0  }
0x1f: {  	s9 =	smul.u32 $0xF7A, s1;
	s8 =	simm.s32 @!p0 $0x1BF5;
	p2 =	por !p2, p0  }
0x20: {  	[sflag:s8] =	ssyncset.s32 @!p0 $0xFFFFF086;
	s6 =	sadd.s32 @!p0 s3, s7;
	s7 =	simm.s32 @!p0 $0x108  }
0x21: {  	s3 =	sadd.s32 s3, s9;
	s6 =	sadd.s32 @!p0 $0x88, s6;
	s7 =	simm.s32 @p2 $0x1082  }
0x22: {  	[simem:s7], [sflag:s8] =	dma.local @!p0 [hbm:s6], $0xF7A  }
0x23: {  	s9 =	sor.u32 $0xD0000000, s2;
	s6 =	simm.s32 $0x108;
	_ =	swait.ge @!p0 [sflag:s8], $0x0  }
0x24: {  	s3 =	sadd.s32 $0x88, s3;
	s6 =	simm.s32 @!p1 $0x1082;
	[sflag:s4] =	ssyncset.s32 $0xFFFFF086  }
0x25: {  	[simem:s6], [sflag:s4] =	dma.local [hbm:s3], $0xF7A  }
0x26: {  	[smem:$0x3F9A] =	sst s1;
	(tag) =	ssettag s2;
	_ =	strace s9  }
0x27: {  	s1 =	sld [smem:$0x3FAA]  }
0x28: {  	s2 =	sld [smem:$0x3FAB]  }
0x29: {  	s4 =	sld [smem:$0x3FAD]  }
0x2a: {  	p0 =	seq.s32 s5, $0x0;
	s5 =	sld [smem:$0x3FAE]  }
0x2b: {  	s6 =	sld [smem:$0x3FAF]  }
0x2c: {  	s7 =	sld [smem:$0x3FB0]  }
0x2d: {  	s3 =	simm.s32 $0x108;
	s8 =	sld [smem:$0x3FB1]  }
0x2e: {  	s3 =	simm.s32 @!p0 $0x1082;
	s9 =	sld [smem:$0x3FB2]  }
0x2f: {  	lr =	sadd.s32 s0, s3;
	s0 =	sld [smem:$0x3FA9]  }
0x30: {  	s3 =	sld [smem:$0x3FAC]  }
0x31: {  	[smem:$0x3FB5] =	sst s10  }
0x32: {  	s10 =	sld [smem:$0x3FB3];
	_ =	sdelay $0x3  }
0x33: {  	p0 =	seq.s32 s10, $0x1;
	s10 =	sld [smem:$0x3FB5];
	_ =	sdelay $0x3  }
0x34: {  	[smem:$0x3FB5] =	sst s10  }
0x35: {  	s10 =	sld [smem:$0x3FB4];
	_ =	sdelay $0x3  }
0x36: {  	p1 =	seq.s32 s10, $0x1;
	s10 =	sld [smem:$0x3FB5];
	_ =	sdelay $0x3  }
0x37: {  	[smem:$0x3FB5] =	sst s10  }
0x38: {  	s10 =	sld [smem:$0x3FB6]  }
0x39: {  	_ = 	snop;
	(pc) =	sbr.ind lr, $3  }
0x3a: {  	_ = 	snop  }
0x3b: {  	_ = 	snop  }
0x3c: {  	p2 =	seq.s32 s10, $0x1;
	s10 =	sld [smem:$0x3FB5]  }
0x3d: {  	_ =	shalt  }
0x3e: {  	_ =	shalt  }
0x3f: {  	_ =	shalt  }
0x40: {  	_ =	shalt  }
0x41: {  	_ =	shalt  }
0x42: {  	_ =	shalt  }
0x43: {  	_ =	shalt  }
0x44: {  	_ =	shalt  }
0x45: {  	_ =	shalt  }
0x46: {  	_ =	shalt  }
0x47: {  	_ =	shalt  }
0x48: {  	_ =	shalt  }
0x49: {  	_ =	shalt  }
0x4a: {  	_ =	shalt  }
0x4b: {  	_ =	shalt  }
0x4c: {  	_ =	shalt  }
0x4d: {  	_ =	shalt  }
0x4e: {  	_ =	shalt  }
0x4f: {  	_ =	shalt  }
0x50: {  	_ =	shalt  }
0x51: {  	_ =	shalt  }
0x52: {  	_ =	shalt  }
0x53: {  	_ =	shalt  }
0x54: {  	_ =	shalt  }
0x55: {  	_ =	shalt  }
0x56: {  	_ =	shalt  }
0x57: {  	_ =	shalt  }
0x58: {  	_ =	shalt  }
0x59: {  	_ =	shalt  }
0x5a: {  	_ =	shalt  }
0x5b: {  	_ =	shalt  }
0x5c: {  	_ =	shalt  }
0x5d: {  	_ =	shalt  }
0x5e: {  	_ =	shalt  }
0x5f: {  	_ =	shalt  }
0x60: {  	_ =	shalt  }
0x61: {  	_ =	shalt  }
0x62: {  	_ =	shalt  }
0x63: {  	_ =	shalt  }
0x64: {  	_ =	shalt  }
0x65: {  	_ =	shalt  }
0x66: {  	_ =	shalt  }
0x67: {  	_ =	shalt  }
0x68: {  	_ =	shalt  }
0x69: {  	_ =	shalt  }
0x6a: {  	_ =	shalt  }
0x6b: {  	_ =	shalt  }
0x6c: {  	_ =	shalt  }
0x6d: {  	_ =	shalt  }
0x6e: {  	_ =	shalt  }
0x6f: {  	_ =	shalt  }
0x70: {  	_ =	shalt  }
0x71: {  	_ =	shalt  }
0x72: {  	_ =	shalt  }
0x73: {  	_ =	shalt  }
0x74: {  	_ =	shalt  }
0x75: {  	_ =	shalt  }
0x76: {  	_ =	shalt  }
0x77: {  	_ =	shalt  }
0x78: {  	_ =	shalt  }
0x79: {  	_ =	shalt  }
0x7a: {  	_ =	shalt  }
0x7b: {  	_ =	shalt  }
0x7c: {  	_ =	shalt  }
0x7d: {  	_ =	shalt  }
0x7e: {  	_ =	shalt  }
0x7f: {  	_ =	shalt  }
0x80: {  	_ =	shalt  }
0x81: {  	_ =	shalt  }
0x82: {  	_ =	shalt  }
0x83: {  	_ =	shalt  }
0x84: {  	_ =	shalt  }
0x85: {  	_ =	shalt  }
0x86: {  	_ =	shalt  }
0x87: {  	_ =	shalt  }
.Lfunc_end0:
.L_simem_size_0:
called_computation.2_lowered:
.L_overlay_start_0:
0x88: {  	s2 =	sld [smem:$0x3FD9]  }
0x89: {  	s3 =	sld [smem:$0x3FFE];
	_ =	sdelay $0x1  }
0x8a: {  	s1 =	srdreg.scid  }
0x8b: {  	s0 =	sand.u32 $0x1, s1  }
0x8c: {  	s17 =	sshll.u32 s0, $0xA;
	s2 =	sadd.s32 s3, s2  }
0x8d: {  	s2 =	sadd.s32 s2, s17  }
0x8e: {  	[smem:$0x3FC1] =	sst s2  }
0x8f: {  	_ = 	snop  }
0x90: {  	s2 =	sld [smem:$0x3FD0];
	(tm) =	ssettm $0x1  }
0x91: {  	s18 =	sld [smem:$0x3FFB];
	_ =	sdelay $0x3  }
0x92: {  	_ =	strace s18  }
0x93: {  	s3 =	sld [smem:$0x3FFC];
	_ =	sdelay $0x3  }
0x94: {  	_ =	strace s3  }
0x95: {  	s3 =	sld [smem:$0x3FFD];
	_ =	sdelay $0x3  }
0x96: {  	_ =	strace s3  }
0x97: {  	_ =	strace $0x8FFFFFFF  }
0x98: {  	s19 =	sld [smem:$0x3FDB];
	_ =	sdelay $0x1  }
0x99: {  	s4 =	simm.s32 $_scs_section_size  }
0x9a: {  	s5 =	simm.s32 $_size__tile_overlayer_lowered;
	s6 =	simm.s32 $_tile_overlayer_lowered  }
0x9b: {  	s22 =	simm.s32 $0x1BFF;
	s21 =	sshll.u32 s6, $0x1;
	s3 =	sadd.s32 s4, s19  }
0x9c: {  	s7 =	simm.s32 $0x0;
	s20 =	sshll.u32 s5, $0x1;
	s5 =	sadd.s32 s21, s3  }
0x9d: {  	[timem:s7], [sflag:s22] =	dma.local [hbm:s5], s20  }
0x9e: {  	_ =	swait.ge [sflag:s22], s20  }
0x9f: {  	s4 =	ssub.s32 $0x0, s20;
	[sflag:s22] =	ssyncset.done $0x0  }
0xa0: {  	[sflag:s22] =	ssyncadd.s32 s4;
	_ =	sdelay $0x1  }
0xa1: {  	s23 =	simm.s32 $0x1B8B  }
0xa2: {  	_ =	swait.ge [sflag:s23], $0x1  }
0xa3: {  	[sflag:s23] =	ssyncset.done $0x0  }
0xa4: {  	s25 =	simm.s32 $0x1B8E;
	s24 =	sld [smem:$0x3FFE];
	[sflag:s23] =	ssyncadd.s32 $0xFFFFFFFF  }
0xa5: {  	s26 =	simm.s32 $execute0_lowered;
	[smem:$0x3FD2] =	sst s25  }
0xa6: {  	s5 =	sshll.u32 s26, $0x1;
	_ =	strace $0x8000004C;
	[dreg:$0x1] =	wrdreg $0xFFFFFFFF  }
0xa7: {  	s28 =	simm.s32 $_size_execute0_lowered;
	s3 =	sadd.s32 s3, s5;
	[dreg:$0x0] =	wrdreg $0x0  }
0xa8: {  	s5 =	sshll.u32 s28, $0x1;
	[dreg:$0x2] =	wrdreg s3  }
0xa9: {  	[dreg:$0x3] =	wrdreg s5  }
0xaa: {  	[dreg:$0x4] =	wrdreg $0xC0  }
0xab: {  	_ =	task [dreg:s7], $0x5FFFF  }
0xac: {  	[dreg:$0x1] =	wrdreg $0xFFFFFFFF  }
0xad: {  	[dreg:$0x0] =	wrdreg $0x60  }
0xae: {  	[dreg:$0x2] =	wrdreg s24  }
0xaf: {  	[dreg:$0x3] =	wrdreg s2  }
0xb0: {  	[dreg:$0x4] =	wrdreg $0x9  }
0xb1: {  	_ =	task.clear_ibuf [dreg:s7], $0x5FFFF;
	_ =	strace $0x9000004C  }
0xb2: {  	s29 =	simm.s32 $0x9;
	_ =	strace $0x8000004E  }
0xb3: {  	_ =	swait.ge [sflag:s29], $0x1  }
0xb4: {  	[sflag:s29] =	ssyncadd.s32 $0xFFFFFFFF  }
0xb5: {  	_ =	strace $0x9000004E  }
0xb6: {  	_ =	sfence  }
0xb7: {  	s30 =	sld [smem:$0x0];
	_ =	sdelay $0x2  }
0xb8: {  	s31 =	sshll.u32 s1, $0xD;
	s1 =	sshrl.u32 s1, $0x2  }
0xb9: {  	s3 =	sand.u32 $0x4000, s31;
	s1 =	sadd.s32 s1, s30  }
0xba: {  	s0 =	sor.u32 s3, s0;
	s1 =	sshll.u32 s1, $0x11  }
0xbb: {  	s0 =	sor.u32 s1, s0  }
0xbc: {  	s0 =	sadd.s32 $0x8F2B, s0  }
0xbd: {  	[sflag:s0] =	ssyncadd.remote.s32 $0x1  }
0xbe: {  	_ =	sfence.sel $0xFFFF  }
0xbf: {  	[dreg:$0x0] =	wrdreg $0xFFFFFFFF;
	(pc) =	sbr.abs _section_cstart, $3  }
0xc0: {  	[dreg:$0x1] =	wrdreg $0xFFFFFFFF  }
0xc1: {  	_ =	task.clear_ibuf [dreg:s7], $0x2FFFF;
	_ =	strace $0x9FFFFFFF  }
0xc2: {  	(tm) =	ssettm $0x7FFFFFFF  }
0xc3: {  	_ =	shalt  }
tec
execute0_lowered:
.L_overlay_start_1:
0x0: {  	(tag) =	ssettag $0x1  }
0x1: {  	s5 =	rddreg [dreg:$0x0];
	s1 =	srdreg.scid  }
0x2: {  	s0 =	stileid.u32;
	s9 =	rddreg [dreg:$0x1];
	s2 =	simm.s32 $0x0  }
0x3: {  	s13 =	simm.s32 $0x2880;
	s14 =	simm.s32 $0x1;
	s15 =	simm.s32 $0x2  }
0x4: {  	s16 =	simm.s32 $0x0;
	s4 =	sand.u32 $0x1, s1;
	s1 =	rddreg [dreg:$0x2]  }
0x5: {  	s3 =	sshll.u32 s0, $0x1;
	[smem:$0x7FF] =	sst s2;
	s12 =	sadd.s32 $0x50E00, s5  }
0x6: {  	s6 =	sor.u32 s4, s3;
	_ =	strace $0x8000004D;
	s8 =	ssub.s32 $0x2, s4  }
0x7: {  	s3 =	sadd.s32 $0x28E00, s5;
	s7 =	smul.u32 $0xA0, s6;
	s10 =	sshrl.u32 s8, $0x1  }
0x8: {  	s4 =	sadd.s32 $0xE00, s5;
	s31 =	smul.u32 $0xA00, s6;
	s8 =	ssub.s32 s8, s10  }
0x9: {  	s10 =	simm.s32 $0x3;
	s11 =	sadd.s32 $0x50, s7;
	s7 =	sshrl.u32 s7, $0x3  }
0xa: {  	s6 =	smax.u32 s8, $0x1;
	s8 =	sadd.s32 s12, s31;
	s30 =	sshll.u32 s11, $0x4  }
0xb: {  	s7 =	sadd.s32 s9, s7;
	s11 =	sshrl.u32 s11, $0x3;
	s5 =	sadd.s32 s12, s30  }
0xc: {  	v0 =	vimm.s32 $0x0;
	s9 =	sadd.s32 s9, s11;
	s11 =	simm.s32 $0x50;
	s12 =	simm.s32 $0x80  }
.LBB2_1:
0xd: {  	[tilespmem:s2], [sflag:$0x3] =	stream.linear.gather [hbm4b:s7+s2], $0x50, $0x38;
	[tilespmem:$0x5080] =	vst v63  }
0xe: {  	_ =	swait.ge [sflag:s10], $0x50  }
0xf: {  	[sflag:s10] =	ssyncset.done $0x0  }
0x10: {  	[sflag:s10] =	ssyncadd.s32 $0xFFFFFFB0  }
0x11: {  	[tilespmem:s12], [sflag:$0x1] =	stream.indirect.gather [hbm4b:s3+s11], $0x80, s2, s11, $0xb8;
	[tilespmem:$0x5080] =	vst v63  }
0x12: {  	_ = 	snop  }
0x13: {  	[tilespmem:s13], [sflag:$0x2] =	stream.indirect.gather [hbm4b:s4+s11], $0x80, s2, s11, $0xb8;
	[tilespmem:$0x5080] =	vst v63  }
0x14: {  	_ =	swait.ge [sflag:s14], $0x2800  }
0x15: {  	[sflag:s14] =	ssyncset.done $0x0  }
0x16: {  	[sflag:s14] =	ssyncadd.s32 $0xFFFFD800  }
0x17: {  	_ =	swait.ge [sflag:s15], $0x2800  }
0x18: {  	[sflag:s15] =	ssyncset.done $0x0  }
0x19: {  	s17 =	simm.s32 $0x0;
	[sflag:s15] =	ssyncadd.s32 $0xFFFFD800  }
0x1a: {  	s18 =	simm.s32 $0x200;
	v1 =	vld [tilespmem:s17+$0x2880]  }
.LBB2_2:
0x1b: {  	p0 =	sne.s32 s18, $0x9E00;
	v2 =	vld [tilespmem:s17+$0x80];
	_ =	sdelay $0x4  }
0x1c: {  	v1 =	vadd.f32 v1, v2;
	_ =	sdelay $0x1  }
0x1d: {  	v2 =	vperm.xlane v1, v0;
	_ =	sdelay $0x1  }
0x1e: {  	v2 =	vadd.f32 $9.999999710e-10, v2;
	_ =	sdelay $0x1  }
0x1f: {  	(erf) = vrcp.f32 v2;
	_ =	sdelay $0x8  }
.Ltmp0:
0x20: {  	v2 =	vpop (erf);
	(pc) =	sbr.rel @p0 .LBB2_2-.Ltmp0, $3  }
0x21: {  	v1 =	vmul.f32 v2, v1;
	_ =	sdelay $0x1  }
0x22: {  	s19 =	sshra.s32 s18, $0x2;
	v2 =	vmax.f32 v1, $0.0e+00  }
0x23: {  	s18 =	sadd.s32 $0x200, s18;
	v1 =	vld [tilespmem:s19+$0x2880];
	[tilespmem:s17+$0x80] =	vst v2;
	s17 =	smov.u32 s19  }
0x24: {  	v2 =	vld [tilespmem:s17+$0x80];
	_ =	sdelay $0x4  }
0x25: {  	v1 =	vadd.f32 v1, v2;
	_ =	sdelay $0x1  }
0x26: {  	v2 =	vperm.xlane v1, v0;
	_ =	sdelay $0x1  }
0x27: {  	v2 =	vadd.f32 $9.999999710e-10, v2;
	_ =	sdelay $0x1  }
0x28: {  	(erf) = vrcp.f32 v2;
	_ =	sdelay $0x8  }
0x29: {  	v2 =	vpop (erf)  }
0x2a: {  	v1 =	vmul.f32 v2, v1;
	_ =	sdelay $0x1  }
0x2b: {  	v1 =	vmax.f32 v1, $0.0e+00  }
0x2c: {  	s31 =	simm.s32 $0x0;
	[tilespmem:s17+$0x80] =	vst v1  }
0x2d: {  	[hbm4b:s8+s31] =	stream.linear.scatter [tilespmem:s12], [sflag:$0x3], $0x2800, $0x38;
	[tilespmem:$0x5080] =	vst v63  }
0x2e: {  	_ =	swait.ge [sflag:s10], $0x2800  }
0x2f: {  	[sflag:s10] =	ssyncset.done $0x0  }
0x30: {  	[sflag:s10] =	ssyncadd.s32 $0xFFFFD800  }
0x31: {  	[tilespmem:s31], [sflag:$0x3] =	stream.linear.gather [hbm4b:s9+s31], $0x50, $0x38;
	[tilespmem:$0x5080] =	vst v63  }
0x32: {  	_ =	swait.ge [sflag:s10], $0x50  }
0x33: {  	[sflag:s10] =	ssyncset.done $0x0  }
0x34: {  	[sflag:s10] =	ssyncadd.s32 $0xFFFFFFB0  }
0x35: {  	[tilespmem:s12], [sflag:$0x1] =	stream.indirect.gather [hbm4b:s3+s11], $0x80, s31, s11, $0xb8;
	[tilespmem:$0x5080] =	vst v63  }
0x36: {  	_ = 	snop  }
0x37: {  	[tilespmem:s13], [sflag:$0x2] =	stream.indirect.gather [hbm4b:s4+s11], $0x80, s31, s11, $0xb8;
	[tilespmem:$0x5080] =	vst v63  }
0x38: {  	_ =	swait.ge [sflag:s14], $0x2800  }
0x39: {  	[sflag:s14] =	ssyncset.done $0x0  }
0x3a: {  	[sflag:s14] =	ssyncadd.s32 $0xFFFFD800  }
0x3b: {  	_ =	swait.ge [sflag:s15], $0x2800  }
0x3c: {  	[sflag:s15] =	ssyncset.done $0x0  }
0x3d: {  	s17 =	simm.s32 $0x0;
	[sflag:s15] =	ssyncadd.s32 $0xFFFFD800  }
0x3e: {  	s18 =	simm.s32 $0x200;
	v1 =	vld [tilespmem:s17+$0x2880]  }
.LBB2_4:
0x3f: {  	p0 =	sne.s32 s18, $0x9E00;
	v2 =	vld [tilespmem:s17+$0x80];
	_ =	sdelay $0x4  }
0x40: {  	v1 =	vadd.f32 v1, v2;
	_ =	sdelay $0x1  }
0x41: {  	v2 =	vperm.xlane v1, v0;
	_ =	sdelay $0x1  }
0x42: {  	v2 =	vadd.f32 $9.999999710e-10, v2;
	_ =	sdelay $0x1  }
0x43: {  	(erf) = vrcp.f32 v2;
	_ =	sdelay $0x8  }
.Ltmp1:
0x44: {  	v2 =	vpop (erf);
	(pc) =	sbr.rel @p0 .LBB2_4-.Ltmp1, $3  }
0x45: {  	v1 =	vmul.f32 v2, v1;
	_ =	sdelay $0x1  }
0x46: {  	s19 =	sshra.s32 s18, $0x2;
	v2 =	vmax.f32 v1, $0.0e+00  }
0x47: {  	s18 =	sadd.s32 $0x200, s18;
	v1 =	vld [tilespmem:s19+$0x2880];
	[tilespmem:s17+$0x80] =	vst v2;
	s17 =	smov.u32 s19  }
0x48: {  	v2 =	vld [tilespmem:s17+$0x80];
	_ =	sdelay $0x4  }
0x49: {  	v1 =	vadd.f32 v1, v2;
	_ =	sdelay $0x1  }
0x4a: {  	v2 =	vperm.xlane v1, v0;
	_ =	sdelay $0x1  }
0x4b: {  	v2 =	vadd.f32 $9.999999710e-10, v2;
	_ =	sdelay $0x1  }
0x4c: {  	(erf) = vrcp.f32 v2;
	_ =	sdelay $0x8  }
0x4d: {  	v2 =	vpop (erf)  }
0x4e: {  	v1 =	vmul.f32 v2, v1  }
0x4f: {  	s16 =	sadd.s32 $0x1, s16  }
0x50: {  	p0 =	sne.s32 s16, s6;
	v1 =	vmax.f32 v1, $0.0e+00  }
.Ltmp2:
0x51: {  	[tilespmem:s17+$0x80] =	vst v1;
	(pc) =	sbr.rel @p0 .LBB2_1-.Ltmp2, $4  }
0x52: {  	[hbm4b:s5+s2] =	stream.linear.scatter [tilespmem:s12], [sflag:$0x3], $0x2800, $0x38;
	[tilespmem:$0x5080] =	vst v63  }
0x53: {  	_ =	swait.ge [sflag:s10], $0x2800  }
0x54: {  	[sflag:s10] =	ssyncset.done $0x0  }
0x55: {  	[sflag:s10] =	ssyncadd.s32 $0xFFFFD800  }
0x56: {  	_ =	sfence.sel $0x180000  }
0x57: {  	[bflag:$0x0] =	sbarrier.arrive $0xFFFF  }
0x58: {  	p0 =	sne.s32 s0, $0x0;
	_ =	strace $0x9000004D  }
0x59: {  	s0 =	sadd.s32 @!p0 $0x100000, s1;
	[bflag:$0x2] =	sbarrier.arrive $0xFFFF  }
0x5a: {  	[sflag:s0] =	ssyncadd.tile.s32 @!p0 $0x1;
	_ =	shalt  }
.Lfunc_end2:
_tile_overlayer_lowered:
.L_overlay_start_2:
0x5b: {  	(tag) =	ssettag $0x2  }
0x5c: {  	s0 =	rddreg [dreg:$0x0];
	s2 =	stileid.u32  }
0x5d: {  	s1 =	rddreg [dreg:$0x1];
	p0 =	sne.s32 s2, $0x0  }
0x5e: {  	s3 =	rddreg [dreg:$0x2];
	[bflag:$0x3] =	sbarrier.arrive $0xFFFF;
	s2 =	simm.s32 @!p0 $0x1C03  }
0x5f: {  	[timem:s3], [sflag:s2] =	dma.local @!p0 [hbm:s0], s1  }
0x60: {  	s0 =	simm.s32 @!p0 $0x3  }
0x61: {  	_ =	swait.ge @!p0 [sflag:s0], s1  }
0x62: {  	s1 =	ssub.s32 @!p0 $0x0, s1;
	[sflag:s0] =	ssyncset.done @!p0 $0x0  }
0x63: {  	[sflag:s0] =	ssyncadd.s32 @!p0 s1  }
0x64: {  	[bflag:$0x3] =	sbarrier.arrive $0xFFFF  }
0x65: {  	_ =	shalt  }

// kernel: kernel.7.cloned.1.call-start
scs
__scs_entry_jumppad:
0x0: {  	(pc) =	sbr.rel $0x88, $3  }
0x1: {  	(tag) =	ssettag $0x0;
	lr =	simm.s32 $0x1  }
0x2: {  	[smem:$0x3F9A] =	sst lr;
	_ =	strace $0xD0000000  }
0x3: {  	_ = 	snop  }
0x4: {  	_ = 	snop  }
0x5: {  	_ = 	snop  }
0x6: {  	_ = 	snop  }
0x7: {  	_ = 	snop  }
__scs_overlays_trampoline_lowered:
0x8: {  	[smem:$0x3FA9] =	sst s0  }
0x9: {  	[smem:$0x3FAA] =	sst s1  }
0xa: {  	[smem:$0x3FAB] =	sst s2  }
0xb: {  	[smem:$0x3FAC] =	sst s3  }
0xc: {  	[smem:$0x3FAD] =	sst s4  }
0xd: {  	[smem:$0x3FAE] =	sst s5  }
0xe: {  	[smem:$0x3FAF] =	sst s6  }
0xf: {  	[smem:$0x3FB0] =	sst s7  }
0x10: {  	[smem:$0x3FB1] =	sst s8  }
0x11: {  	[smem:$0x3FB2] =	sst s9;
	s0 =	simm.s32 @!p0 $0x0  }
0x12: {  	s1 =	sld [smem:$0x3F98];
	s0 =	simm.s32 @p0 $0x1  }
0x13: {  	[smem:$0x3FB3] =	sst s0;
	s0 =	simm.s32 @!p1 $0x0  }
0x14: {  	s2 =	sld [smem:$0x3F97];
	s0 =	simm.s32 @p1 $0x1  }
0x15: {  	[smem:$0x3FB4] =	sst s0;
	s0 =	simm.s32 @!p2 $0x0  }
0x16: {  	s3 =	sld [smem:$0x3FDB];
	s0 =	simm.s32 @p2 $0x1  }
0x17: {  	s4 =	simm.s32 $0x1BF5;
	[smem:$0x3FB6] =	sst s0  }
0x18: {  	s0 =	sld [smem:$0x3F99];
	_ =	swait.ge [sflag:s4], $0x0  }
0x19: {  	s7 =	sld [smem:$0x3F9A]  }
0x1a: {  	s8 =	sadd.s32 $0xFFFFE003, lr  }
0x1b: {  	s9 =	sadd.s32 $0xFFFFFEF7, lr;
	s5 =	simm.s32 $0xFFFFFFFF;
	p2 =	slt.u32 s8, $0xFFFFF086  }
0x1c: {  	p1 =	slt.u32 s9, $0xF7A;
	s5 =	simm.s32 @!p2 $0x0  }
0x1d: {  	s5 =	simm.s32 @p1 $0x1;
	p0 =	seq.s32 s7, s2  }
0x1e: {  	s7 =	smul.u32 @!p0 $0xF7A, s2;
	p2 =	seq.s32 @!p0 s5, $0x0  }
0x1f: {  	s9 =	smul.u32 $0xF7A, s1;
	s8 =	simm.s32 @!p0 $0x1BF5;
	p2 =	por !p2, p0  }
0x20: {  	[sflag:s8] =	ssyncset.s32 @!p0 $0xFFFFF086;
	s6 =	sadd.s32 @!p0 s3, s7;
	s7 =	simm.s32 @!p0 $0x108  }
0x21: {  	s3 =	sadd.s32 s3, s9;
	s6 =	sadd.s32 @!p0 $0x88, s6;
	s7 =	simm.s32 @p2 $0x1082  }
0x22: {  	[simem:s7], [sflag:s8] =	dma.local @!p0 [hbm:s6], $0xF7A  }
0x23: {  	s9 =	sor.u32 $0xD0000000, s2;
	s6 =	simm.s32 $0x108;
	_ =	swait.ge @!p0 [sflag:s8], $0x0  }
0x24: {  	s3 =	sadd.s32 $0x88, s3;
	s6 =	simm.s32 @!p1 $0x1082;
	[sflag:s4] =	ssyncset.s32 $0xFFFFF086  }
0x25: {  	[simem:s6], [sflag:s4] =	dma.local [hbm:s3], $0xF7A  }
0x26: {  	[smem:$0x3F9A] =	sst s1;
	(tag) =	ssettag s2;
	_ =	strace s9  }
0x27: {  	s1 =	sld [smem:$0x3FAA]  }
0x28: {  	s2 =	sld [smem:$0x3FAB]  }
0x29: {  	s4 =	sld [smem:$0x3FAD]  }
0x2a: {  	p0 =	seq.s32 s5, $0x0;
	s5 =	sld [smem:$0x3FAE]  }
0x2b: {  	s6 =	sld [smem:$0x3FAF]  }
0x2c: {  	s7 =	sld [smem:$0x3FB0]  }
0x2d: {  	s3 =	simm.s32 $0x108;
	s8 =	sld [smem:$0x3FB1]  }
0x2e: {  	s3 =	simm.s32 @!p0 $0x1082;
	s9 =	sld [smem:$0x3FB2]  }
0x2f: {  	lr =	sadd.s32 s0, s3;
	s0 =	sld [smem:$0x3FA9]  }
0x30: {  	s3 =	sld [smem:$0x3FAC]  }
0x31: {  	[smem:$0x3FB5] =	sst s10  }
0x32: {  	s10 =	sld [smem:$0x3FB3];
	_ =	sdelay $0x3  }
0x33: {  	p0 =	seq.s32 s10, $0x1;
	s10 =	sld [smem:$0x3FB5];
	_ =	sdelay $0x3  }
0x34: {  	[smem:$0x3FB5] =	sst s10  }
0x35: {  	s10 =	sld [smem:$0x3FB4];
	_ =	sdelay $0x3  }
0x36: {  	p1 =	seq.s32 s10, $0x1;
	s10 =	sld [smem:$0x3FB5];
	_ =	sdelay $0x3  }
0x37: {  	[smem:$0x3FB5] =	sst s10  }
0x38: {  	s10 =	sld [smem:$0x3FB6]  }
0x39: {  	_ = 	snop;
	(pc) =	sbr.ind lr, $3  }
0x3a: {  	_ = 	snop  }
0x3b: {  	_ = 	snop  }
0x3c: {  	p2 =	seq.s32 s10, $0x1;
	s10 =	sld [smem:$0x3FB5]  }
0x3d: {  	_ =	shalt  }
0x3e: {  	_ =	shalt  }
0x3f: {  	_ =	shalt  }
0x40: {  	_ =	shalt  }
0x41: {  	_ =	shalt  }
0x42: {  	_ =	shalt  }
0x43: {  	_ =	shalt  }
0x44: {  	_ =	shalt  }
0x45: {  	_ =	shalt  }
0x46: {  	_ =	shalt  }
0x47: {  	_ =	shalt  }
0x48: {  	_ =	shalt  }
0x49: {  	_ =	shalt  }
0x4a: {  	_ =	shalt  }
0x4b: {  	_ =	shalt  }
0x4c: {  	_ =	shalt  }
0x4d: {  	_ =	shalt  }
0x4e: {  	_ =	shalt  }
0x4f: {  	_ =	shalt  }
0x50: {  	_ =	shalt  }
0x51: {  	_ =	shalt  }
0x52: {  	_ =	shalt  }
0x53: {  	_ =	shalt  }
0x54: {  	_ =	shalt  }
0x55: {  	_ =	shalt  }
0x56: {  	_ =	shalt  }
0x57: {  	_ =	shalt  }
0x58: {  	_ =	shalt  }
0x59: {  	_ =	shalt  }
0x5a: {  	_ =	shalt  }
0x5b: {  	_ =	shalt  }
0x5c: {  	_ =	shalt  }
0x5d: {  	_ =	shalt  }
0x5e: {  	_ =	shalt  }
0x5f: {  	_ =	shalt  }
0x60: {  	_ =	shalt  }
0x61: {  	_ =	shalt  }
0x62: {  	_ =	shalt  }
0x63: {  	_ =	shalt  }
0x64: {  	_ =	shalt  }
0x65: {  	_ =	shalt  }
0x66: {  	_ =	shalt  }
0x67: {  	_ =	shalt  }
0x68: {  	_ =	shalt  }
0x69: {  	_ =	shalt  }
0x6a: {  	_ =	shalt  }
0x6b: {  	_ =	shalt  }
0x6c: {  	_ =	shalt  }
0x6d: {  	_ =	shalt  }
0x6e: {  	_ =	shalt  }
0x6f: {  	_ =	shalt  }
0x70: {  	_ =	shalt  }
0x71: {  	_ =	shalt  }
0x72: {  	_ =	shalt  }
0x73: {  	_ =	shalt  }
0x74: {  	_ =	shalt  }
0x75: {  	_ =	shalt  }
0x76: {  	_ =	shalt  }
0x77: {  	_ =	shalt  }
0x78: {  	_ =	shalt  }
0x79: {  	_ =	shalt  }
0x7a: {  	_ =	shalt  }
0x7b: {  	_ =	shalt  }
0x7c: {  	_ =	shalt  }
0x7d: {  	_ =	shalt  }
0x7e: {  	_ =	shalt  }
0x7f: {  	_ =	shalt  }
0x80: {  	_ =	shalt  }
0x81: {  	_ =	shalt  }
0x82: {  	_ =	shalt  }
0x83: {  	_ =	shalt  }
0x84: {  	_ =	shalt  }
0x85: {  	_ =	shalt  }
0x86: {  	_ =	shalt  }
0x87: {  	_ =	shalt  }
.Lfunc_end0:
.L_simem_size_0:
called_computation_lowered:
.L_overlay_start_0:
0x88: {  	s2 =	sld [smem:$0x3FD9]  }
0x89: {  	s3 =	sld [smem:$0x3FFE];
	_ =	sdelay $0x1  }
0x8a: {  	s1 =	srdreg.scid  }
0x8b: {  	s0 =	sand.u32 $0x1, s1  }
0x8c: {  	s16 =	sshll.u32 s0, $0xA;
	s2 =	sadd.s32 s3, s2  }
0x8d: {  	s2 =	sadd.s32 s2, s16  }
0x8e: {  	[smem:$0x3FC1] =	sst s2  }
0x8f: {  	_ = 	snop  }
0x90: {  	(tm) =	ssettm $0x1  }
0x91: {  	s17 =	sld [smem:$0x3FFB];
	_ =	sdelay $0x3  }
0x92: {  	_ =	strace s17  }
0x93: {  	s2 =	sld [smem:$0x3FFC];
	_ =	sdelay $0x3  }
0x94: {  	_ =	strace s2  }
0x95: {  	s2 =	sld [smem:$0x3FFD];
	_ =	sdelay $0x3  }
0x96: {  	_ =	strace s2  }
0x97: {  	_ =	strace $0x8FFFFFFF  }
0x98: {  	s18 =	sld [smem:$0x3FDB];
	_ =	sdelay $0x1  }
0x99: {  	s19 =	simm.s32 $_scs_section_size  }
0x9a: {  	s4 =	simm.s32 $_size__tile_overlayer_lowered;
	s5 =	simm.s32 $_tile_overlayer_lowered  }
0x9b: {  	s22 =	simm.s32 $0x1BFF;
	s21 =	sshll.u32 s5, $0x1;
	s2 =	sadd.s32 s19, s18  }
0x9c: {  	s6 =	simm.s32 $0x0;
	s20 =	sshll.u32 s4, $0x1;
	s4 =	sadd.s32 s21, s2  }
0x9d: {  	[timem:s6], [sflag:s22] =	dma.local [hbm:s4], s20  }
0x9e: {  	_ =	swait.ge [sflag:s22], s20  }
0x9f: {  	s3 =	ssub.s32 $0x0, s20;
	[sflag:s22] =	ssyncset.done $0x0  }
0xa0: {  	[sflag:s22] =	ssyncadd.s32 s3;
	_ =	sdelay $0x1  }
0xa1: {  	s23 =	simm.s32 $0x1B8B  }
0xa2: {  	_ =	swait.ge [sflag:s23], $0x1  }
0xa3: {  	[sflag:s23] =	ssyncset.done $0x0  }
0xa4: {  	s25 =	simm.s32 $0x1B8E;
	s24 =	sld [smem:$0x3FFE];
	[sflag:s23] =	ssyncadd.s32 $0xFFFFFFFF  }
0xa5: {  	s26 =	simm.s32 $execute0_lowered;
	[smem:$0x3FD2] =	sst s25  }
0xa6: {  	s4 =	sshll.u32 s26, $0x1;
	_ =	strace $0x80000046;
	[dreg:$0x1] =	wrdreg $0xFFFFFFFF  }
0xa7: {  	s28 =	simm.s32 $_size_execute0_lowered;
	s2 =	sadd.s32 s2, s4;
	[dreg:$0x0] =	wrdreg $0x0  }
0xa8: {  	s4 =	sshll.u32 s28, $0x1;
	[dreg:$0x2] =	wrdreg s2  }
0xa9: {  	[dreg:$0x3] =	wrdreg s4  }
0xaa: {  	[dreg:$0x4] =	wrdreg $0xC0  }
0xab: {  	_ =	task [dreg:s6], $0x5FFFF  }
0xac: {  	[dreg:$0x1] =	wrdreg $0xFFFFFFFF  }
0xad: {  	[dreg:$0x0] =	wrdreg $0x60  }
0xae: {  	[dreg:$0x2] =	wrdreg s24  }
0xaf: {  	[dreg:$0x3] =	wrdreg $0x0  }
0xb0: {  	[dreg:$0x4] =	wrdreg $0x9  }
0xb1: {  	_ =	task.clear_ibuf [dreg:s6], $0x5FFFF;
	_ =	strace $0x90000046  }
0xb2: {  	s29 =	simm.s32 $0x9;
	_ =	strace $0x80000048  }
0xb3: {  	_ =	swait.ge [sflag:s29], $0x1  }
0xb4: {  	[sflag:s29] =	ssyncadd.s32 $0xFFFFFFFF  }
0xb5: {  	_ =	strace $0x90000048  }
0xb6: {  	_ =	sfence  }
0xb7: {  	s30 =	sld [smem:$0x0];
	_ =	sdelay $0x2  }
0xb8: {  	s31 =	sshll.u32 s1, $0xD;
	s1 =	sshrl.u32 s1, $0x2  }
0xb9: {  	s3 =	sand.u32 $0x4000, s31;
	s1 =	sadd.s32 s1, s30  }
0xba: {  	s0 =	sor.u32 s3, s0;
	s1 =	sshll.u32 s1, $0x11  }
0xbb: {  	s0 =	sor.u32 s1, s0  }
0xbc: {  	s0 =	sadd.s32 $0x8F2B, s0  }
0xbd: {  	[sflag:s0] =	ssyncadd.remote.s32 $0x1  }
0xbe: {  	_ =	sfence.sel $0xFFFF  }
0xbf: {  	[dreg:$0x0] =	wrdreg $0xFFFFFFFF;
	(pc) =	sbr.abs _section_cstart, $3  }
0xc0: {  	[dreg:$0x1] =	wrdreg $0xFFFFFFFF  }
0xc1: {  	_ =	task.clear_ibuf [dreg:s6], $0x2FFFF;
	_ =	strace $0x9FFFFFFF  }
0xc2: {  	(tm) =	ssettm $0x7FFFFFFF  }
0xc3: {  	_ =	shalt  }
tec
execute0_lowered:
.L_overlay_start_1:
0x0: {  	(tag) =	ssettag $0x1  }
0x1: {  	s0 =	rddreg [dreg:$0x0]  }
0x2: {  	s1 =	rddreg [dreg:$0x1]  }
0x3: {  	s2 =	simm.s32 $0x0;
	s3 =	srdreg.scid;
	s10 =	stileid.u32  }
0x4: {  	s28 =	simm.s32 $0x3;
	s29 =	simm.s32 $0x14000;
	s30 =	simm.s32 $0x14080  }
0x5: {  	s31 =	simm.s32 $0x50;
	[smem:$0x7FF] =	sst s2;
	s4 =	sadd.s32 $0xAC00, s0  }
0x6: {  	s3 =	sand.u32 $0x1, s3;
	s5 =	sadd.s32 $0xE00, s0;
	s7 =	sadd.s32 $0x64A00, s0  }
0x7: {  	s9 =	smul.u32 $0x14000, s10;
	s23 =	sshll.u32 s10, $0x1;
	s6 =	ssub.s32 $0x2, s3  }
0x8: {  	s10 =	smul.u32 $0x50000, s10;
	_ =	strace $0x80000047;
	s8 =	sshrl.u32 s6, $0x1  }
0x9: {  	s11 =	sor.u32 $0x2800, s9;
	s12 =	sadd.s32 $0x5000, s9;
	s13 =	sadd.s32 $0x7800, s9  }
0xa: {  	s6 =	ssub.s32 s6, s8;
	s8 =	sor.u32 s3, s23;
	s3 =	smul.u32 $0x140000, s3  }
0xb: {  	s16 =	sadd.s32 $0xA000, s9;
	s17 =	sadd.s32 $0xC800, s9;
	s18 =	sadd.s32 $0xF000, s9  }
0xc: {  	s14 =	sadd.s32 s9, s3;
	s15 =	sadd.s32 s3, s11;
	s9 =	sadd.s32 $0x11800, s9  }
0xd: {  	s25 =	sadd.s32 s3, s12;
	s26 =	sadd.s32 s3, s13;
	s19 =	sadd.s32 s3, s16  }
0xe: {  	s22 =	sadd.s32 s3, s17;
	s23 =	sadd.s32 s3, s18;
	s13 =	sadd.s32 s13, s1  }
0xf: {  	s16 =	sadd.s32 s16, s1;
	s17 =	sadd.s32 s17, s1;
	[dreg:$0xc] =	wrdreg s13  }
0x10: {  	s18 =	sadd.s32 s18, s1;
	s14 =	sshrl.u32 s14, $0x3;
	[dreg:$0xd] =	wrdreg s16  }
0x11: {  	s15 =	sshrl.u32 s15, $0x3;
	s19 =	sshrl.u32 s19, $0x3;
	[dreg:$0xe] =	wrdreg s17  }
0x12: {  	s3 =	sadd.s32 s3, s9;
	[dreg:$0xf] =	wrdreg s18;
	s14 =	sadd.s32 s7, s14  }
0x13: {  	s24 =	sadd.s32 s7, s15;
	s15 =	sshrl.u32 s26, $0x3;
	s21 =	sadd.s32 s7, s19  }
0x14: {  	s3 =	sshrl.u32 s3, $0x3;
	s26 =	smax.u32 s6, $0x1;
	[dreg:$0x3] =	wrdreg s14  }
0x15: {  	s6 =	simm.s32 $0x1;
	[dreg:$0x4] =	wrdreg s24;
	s14 =	sshrl.u32 s25, $0x3  }
0x16: {  	s20 =	sadd.s32 s7, s15;
	[dreg:$0x7] =	wrdreg s21;
	s15 =	sshrl.u32 s23, $0x3  }
0x17: {  	s3 =	sadd.s32 s7, s3;
	s25 =	sshrl.u32 s10, $0x2;
	[dreg:$0x11] =	wrdreg s26  }
0x18: {  	s21 =	sadd.s32 s12, s1;
	s26 =	simm.s32 $0x19100;
	[dreg:$0x6] =	wrdreg s20  }
0x19: {  	s14 =	sadd.s32 s7, s14;
	s24 =	sadd.s32 s7, s15;
	[dreg:$0xa] =	wrdreg s3  }
0x1a: {  	s15 =	sadd.s32 $0x3CA00, s0;
	s19 =	sadd.s32 s25, s1;
	s20 =	sadd.s32 s11, s1  }
0x1b: {  	s25 =	sadd.s32 s9, s1;
	s3 =	simm.s32 $0x16900;
	[dreg:$0xb] =	wrdreg s21  }
0x1c: {  	s9 =	simm.s32 $0x0;
	[dreg:$0x5] =	wrdreg s14;
	s14 =	sshrl.u32 s22, $0x3  }
0x1d: {  	v1 =	vlaneseq.u32;
	[dreg:$0x9] =	wrdreg s24;
	s24 =	smul.u32 $0x2710, s8;
	s8 =	simm.s32 $0x1B900  }
0x1e: {  	v0 =	vimm.f32 $0.0e+00;
	v1 =	vshrl.u32 v1, $0x3;
	[dreg:$0x10] =	wrdreg s25;
	s14 =	sadd.s32 s7, s14;
	s7 =	simm.s32 $0x2  }
0x1f: {  	v2 =	vor.u32 $0x2, v1;
	v3 =	vor.u32 $0x4, v1;
	v4 =	vor.u32 $0x6, v1;
	[dreg:$0x8] =	wrdreg s14;
	s14 =	sadd.s32 $0x14A00, s0;
	s0 =	simm.s32 $0x14100  }
.LBB2_1:
0x20: {  	s10 =	simm.s32 $0x0;
	s11 =	simm.s32 $0x200  }
.LBB2_2:
0x21: {  	p0 =	sne.s32 s11, $0x9E00;
	[tilespmem:s10+$0x19170] =	vst v0  }
0x22: {  	[tilespmem:s10+$0x1B900] =	vst v0  }
0x23: {  	[tilespmem:s10+$0x1B910] =	vst v0  }
0x24: {  	[tilespmem:s10+$0x1B920] =	vst v0  }
0x25: {  	[tilespmem:s10+$0x1B930] =	vst v0  }
0x26: {  	[tilespmem:s10+$0x1B940] =	vst v0  }
0x27: {  	[tilespmem:s10+$0x1B950] =	vst v0  }
0x28: {  	[tilespmem:s10+$0x1B960] =	vst v0  }
0x29: {  	[tilespmem:s10+$0x1B970] =	vst v0  }
0x2a: {  	[tilespmem:s10+$0x19100] =	vst v0  }
0x2b: {  	[tilespmem:s10+$0x19110] =	vst v0  }
.Ltmp0:
0x2c: {  	[tilespmem:s10+$0x19120] =	vst v0;
	(pc) =	sbr.rel @p0 .LBB2_2-.Ltmp0, $4  }
0x2d: {  	[tilespmem:s10+$0x19130] =	vst v0  }
0x2e: {  	[tilespmem:s10+$0x19140] =	vst v0  }
0x2f: {  	[tilespmem:s10+$0x19150] =	vst v0  }
0x30: {  	[tilespmem:s10+$0x19160] =	vst v0;
	s10 =	sshra.s32 s11, $0x2;
	s11 =	sadd.s32 $0x200, s11  }
0x31: {  	[tilespmem:s10+$0x19170] =	vst v0  }
0x32: {  	[tilespmem:s10+$0x1B900] =	vst v0  }
0x33: {  	[tilespmem:s10+$0x1B910] =	vst v0  }
0x34: {  	[tilespmem:s10+$0x1B920] =	vst v0  }
0x35: {  	[tilespmem:s10+$0x1B930] =	vst v0  }
0x36: {  	[tilespmem:s10+$0x1B940] =	vst v0  }
0x37: {  	[tilespmem:s10+$0x1B950] =	vst v0  }
0x38: {  	[tilespmem:s10+$0x1B960] =	vst v0  }
0x39: {  	[tilespmem:s10+$0x1B970] =	vst v0  }
0x3a: {  	[tilespmem:s10+$0x19100] =	vst v0  }
0x3b: {  	[tilespmem:s10+$0x19110] =	vst v0  }
0x3c: {  	[tilespmem:s10+$0x19120] =	vst v0  }
0x3d: {  	[tilespmem:s10+$0x19130] =	vst v0  }
0x3e: {  	[tilespmem:s10+$0x19140] =	vst v0  }
0x3f: {  	[tilespmem:s10+$0x19150] =	vst v0  }
0x40: {  	[tilespmem:s10+$0x19160] =	vst v0  }
0x41: {  	[spmem:s19] =	stream.linear.scatter [tilespmem:s26], [sflag:$0x3], $0x2800, $0x38;
	[tilespmem:$0x1E100] =	vst v63  }
0x42: {  	_ =	swait.ge [sflag:s28], $0x2800  }
0x43: {  	[sflag:s28] =	ssyncset.done $0x0  }
0x44: {  	[sflag:s28] =	ssyncadd.s32 $0xFFFFD800  }
0x45: {  	[spmem:s20] =	stream.linear.scatter [tilespmem:s26], [sflag:$0x3], $0x2800, $0x38;
	[tilespmem:$0x1E100] =	vst v63  }
0x46: {  	_ =	swait.ge [sflag:s28], $0x2800  }
0x47: {  	[sflag:s28] =	ssyncset.done $0x0  }
0x48: {  	[sflag:s28] =	ssyncadd.s32 $0xFFFFD800  }
0x49: {  	[spmem:s21] =	stream.linear.scatter [tilespmem:s26], [sflag:$0x3], $0x2800, $0x38;
	[tilespmem:$0x1E100] =	vst v63  }
0x4a: {  	_ =	swait.ge [sflag:s28], $0x2800  }
0x4b: {  	[sflag:s28] =	ssyncset.done $0x0  }
0x4c: {  	[sflag:s28] =	ssyncadd.s32 $0xFFFFD800  }
0x4d: {  	[spmem:s13] =	stream.linear.scatter [tilespmem:s26], [sflag:$0x3], $0x2800, $0x38;
	[tilespmem:$0x1E100] =	vst v63  }
0x4e: {  	_ =	swait.ge [sflag:s28], $0x2800  }
0x4f: {  	[sflag:s28] =	ssyncset.done $0x0  }
0x50: {  	[sflag:s28] =	ssyncadd.s32 $0xFFFFD800  }
0x51: {  	[spmem:s16] =	stream.linear.scatter [tilespmem:s26], [sflag:$0x3], $0x2800, $0x38;
	[tilespmem:$0x1E100] =	vst v63  }
0x52: {  	_ =	swait.ge [sflag:s28], $0x2800  }
0x53: {  	[sflag:s28] =	ssyncset.done $0x0  }
0x54: {  	[sflag:s28] =	ssyncadd.s32 $0xFFFFD800  }
0x55: {  	[spmem:s17] =	stream.linear.scatter [tilespmem:s26], [sflag:$0x3], $0x2800, $0x38;
	[tilespmem:$0x1E100] =	vst v63  }
0x56: {  	_ =	swait.ge [sflag:s28], $0x2800  }
0x57: {  	[sflag:s28] =	ssyncset.done $0x0  }
0x58: {  	[sflag:s28] =	ssyncadd.s32 $0xFFFFD800  }
0x59: {  	[spmem:s18] =	stream.linear.scatter [tilespmem:s26], [sflag:$0x3], $0x2800, $0x38;
	[tilespmem:$0x1E100] =	vst v63  }
0x5a: {  	_ =	swait.ge [sflag:s28], $0x2800  }
0x5b: {  	[sflag:s28] =	ssyncset.done $0x0  }
0x5c: {  	[sflag:s28] =	ssyncadd.s32 $0xFFFFD800  }
0x5d: {  	[spmem:s25] =	stream.linear.scatter [tilespmem:s26], [sflag:$0x3], $0x2800, $0x38;
	[tilespmem:$0x1E100] =	vst v63  }
0x5e: {  	_ =	swait.ge [sflag:s28], $0x2800  }
0x5f: {  	[sflag:s28] =	ssyncset.done $0x0  }
0x60: {  	s22 =	smov.u32 s19;
	[sflag:s28] =	ssyncadd.s32 $0xFFFFD800  }
0x61: {  	s23 =	smov.u32 s20;
	s10 =	simm.s32 $0x0;
	[bflag:$0x0] =	sbarrier.arrive $0xFFFF  }
.LBB2_4:
0x62: {  	s11 =	smul.u32 $0x50, s10;
	_ =	sdelay $0x1  }
0x63: {  	s11 =	sadd.s32 s24, s11  }
0x64: {  	s11 =	sshrl.u32 s11, $0x3  }
0x65: {  	s12 =	sadd.s32 s4, s11  }
0x66: {  	[tilespmem:s29], [sflag:$0x3] =	stream.linear.gather [hbm4b:s12+s2], $0x50, $0x38;
	[tilespmem:$0x1E100] =	vst v63  }
0x67: {  	_ =	swait.ge [sflag:s28], $0x50  }
0x68: {  	[sflag:s28] =	ssyncset.done $0x0  }
0x69: {  	s11 =	sadd.s32 s5, s11;
	[sflag:s28] =	ssyncadd.s32 $0xFFFFFFB0  }
0x6a: {  	[tilespmem:s30], [sflag:$0x3] =	stream.linear.gather [hbm4b:s11+s2], $0x50, $0x38;
	[tilespmem:$0x1E100] =	vst v63  }
0x6b: {  	_ =	swait.ge [sflag:s28], $0x50  }
0x6c: {  	[sflag:s28] =	ssyncset.done $0x0  }
0x6d: {  	[sflag:s28] =	ssyncadd.s32 $0xFFFFFFB0  }
0x6e: {  	[tilespmem:s0], [sflag:$0x1] =	stream.indirect.gather [hbm4b:s14+s31], $0x80, s29, s31, $0xb8;
	[tilespmem:$0x1E100] =	vst v63  }
0x6f: {  	_ = 	snop  }
0x70: {  	[tilespmem:s3], [sflag:$0x2] =	stream.indirect.gather [hbm4b:s15+s31], $0x80, s30, s31, $0xb8;
	[tilespmem:$0x1E100] =	vst v63  }
0x71: {  	_ =	swait.ge [sflag:s6], $0x2800  }
0x72: {  	[sflag:s6] =	ssyncset.done $0x0  }
0x73: {  	[sflag:s6] =	ssyncadd.s32 $0xFFFFD800  }
0x74: {  	_ =	swait.ge [sflag:s7], $0x2800  }
0x75: {  	[sflag:s7] =	ssyncset.done $0x0  }
0x76: {  	s25 =	simm.s32 $0x14200;
	[sflag:s7] =	ssyncadd.s32 $0xFFFFD800  }
0x77: {  	s17 =	simm.s32 $0x16A00;
	v5 =	vld [tilespmem:s25+$0x80]  }
0x78: {  	v6 =	vld [tilespmem:s17+$0x80];
	_ =	sdelay $0x3  }
0x79: {  	v7 =	vld [tilespmem:s17+$0xFFFFFF00]  }
0x7a: {  	v8 =	vld [tilespmem:s25+$0xFFFFFF80];
	v5 =	vadd.f32 v6, v5  }
0x7b: {  	v9 =	vld [tilespmem:s25+$0x0]  }
0x7c: {  	v6 =	vld [tilespmem:s17+$0xFFFFFF80];
	v5 =	vmax.f32 v5, $-2.000000000e+00  }
0x7d: {  	v10 =	vld [tilespmem:s17+$0x0];
	v5 =	vmin.f32 v5, $2.000000000e+00  }
0x7e: {  	v11 =	vld [tilespmem:s25+$0xFFFFFF00];
	v5 =	vmul.f32 $1.442695020e+00, v5;
	_ =	sdelay $0x1  }
0x7f: {  	(erf) = vpow2.f32 v5  }
0x80: {  	v5 =	vadd.f32 v6, v8  }
0x81: {  	v6 =	vadd.f32 v10, v9  }
0x82: {  	v7 =	vadd.f32 v7, v11;
	v5 =	vmax.f32 v5, $-2.000000000e+00  }
0x83: {  	v6 =	vmax.f32 v6, $-2.000000000e+00;
	v5 =	vmin.f32 v5, $2.000000000e+00  }
0x84: {  	v7 =	vmax.f32 v7, $-2.000000000e+00;
	v6 =	vmin.f32 v6, $2.000000000e+00;
	v5 =	vmul.f32 $1.442695020e+00, v5  }
0x85: {  	v7 =	vmin.f32 v7, $2.000000000e+00;
	v6 =	vmul.f32 $1.442695020e+00, v6  }
0x86: {  	s13 =	simm.s32 $0x14400;
	(erf) = vpow2.f32 v5;
	v5 =	vmul.f32 $1.442695020e+00, v7  }
0x87: {  	s11 =	simm.s32 $0x16C00;
	(erf) = vpow2.f32 v6;
	v6 =	vld [tilespmem:s13+$0x80]  }
0x88: {  	s12 =	simm.s32 $0x19200;
	(erf) = vpow2.f32 v5;
	v5 =	vld [tilespmem:s11+$0x80];
	v7 =	vpop (erf)  }
0x89: {  	[tilespmem:s12+$0x80] =	vst v7  }
0x8a: {  	v8 =	vld [tilespmem:s17+$0x88];
	_ =	sdelay $0x1  }
0x8b: {  	v14 =	vld [tilespmem:s11+$0x0]  }
0x8c: {  	v11 =	vld [tilespmem:s13+$0xFFFFFF80];
	v10 =	vperm.xlane v7, v1;
	v5 =	vadd.f32 v5, v6  }
0x8d: {  	v9 =	vld [tilespmem:s11+$0xFFFFFF00]  }
0x8e: {  	v6 =	vld [tilespmem:s11+$0xFFFFFF80];
	v12 =	vpop (erf);
	v5 =	vmax.f32 v5, $-2.000000000e+00;
	v8 =	vmul.f32 v10, v8  }
0x8f: {  	v10 =	vld [tilespmem:s13+$0x0];
	v13 =	vpop (erf);
	v5 =	vmin.f32 v5, $2.000000000e+00  }
0x90: {  	v15 =	vpop (erf);
	v5 =	vmul.f32 $1.442695020e+00, v5;
	[tilespmem:s12+$0x88] =	vst v8;
	v8 =	vld [tilespmem:s13+$0xFFFFFF00]  }
0x91: {  	[tilespmem:s12+$0xFFFFFF00] =	vst v15;
	v16 =	vld [tilespmem:s17+$0x98]  }
0x92: {  	[tilespmem:s12+$0xFFFFFF80] =	vst v12;
	v17 =	vld [tilespmem:s17+$0xFFFFFF08];
	(erf) = vpow2.f32 v5  }
0x93: {  	v5 =	vld [tilespmem:s17+$0xFFFFFF88]  }
0x94: {  	v18 =	vperm.xlane v7, v2;
	v6 =	vadd.f32 v6, v11  }
0x95: {  	s16 =	simm.s32 $0x14600;
	v27 =	vperm.xlane v7, v3;
	v19 =	vperm.xlane v15, v1  }
0x96: {  	v26 =	vld [tilespmem:s16+$0xFFFFFF80];
	[tilespmem:s12+$0x0] =	vst v13;
	v11 =	vperm.xlane v12, v1;
	v6 =	vmax.f32 v6, $-2.000000000e+00;
	v10 =	vadd.f32 v14, v10  }
0x97: {  	v8 =	vadd.f32 v9, v8;
	v14 =	vmul.f32 v18, v16;
	v16 =	vld [tilespmem:s17+$0x8];
	v9 =	vmul.f32 v19, v17  }
0x98: {  	s25 =	simm.s32 $0x16E00;
	v30 =	vld [tilespmem:s16+$0xFFFFFF00];
	v6 =	vmin.f32 v6, $2.000000000e+00;
	v10 =	vmax.f32 v10, $-2.000000000e+00;
	v5 =	vmul.f32 v11, v5  }
0x99: {  	v23 =	vld [tilespmem:s25+$0xFFFFFF00];
	v6 =	vmul.f32 $1.442695020e+00, v6;
	v10 =	vmin.f32 v10, $2.000000000e+00;
	v8 =	vmax.f32 v8, $-2.000000000e+00;
	[tilespmem:s12+$0x98] =	vst v14  }
0x9a: {  	v28 =	vld [tilespmem:s25+$0xFFFFFF80];
	v10 =	vmul.f32 $1.442695020e+00, v10;
	v14 =	vperm.xlane v13, v1;
	v8 =	vmin.f32 v8, $2.000000000e+00;
	[tilespmem:s12+$0xFFFFFF88] =	vst v5  }
0x9b: {  	s13 =	simm.s32 $0x19400;
	(erf) = vpow2.f32 v6;
	[tilespmem:s12+$0xFFFFFF08] =	vst v9;
	v5 =	vmul.f32 $1.442695020e+00, v8;
	v6 =	vld [tilespmem:s17+$0xFFFFFF98];
	v9 =	vpop (erf)  }
0x9c: {  	(erf) = vpow2.f32 v10;
	v10 =	vld [tilespmem:s16+$0x80];
	v8 =	vmul.f32 v14, v16;
	[tilespmem:s13+$0x80] =	vst v9  }
0x9d: {  	v7 =	vperm.xlane v7, v4;
	(erf) = vpow2.f32 v5;
	v5 =	vld [tilespmem:s11+$0x88]  }
0x9e: {  	v24 =	vperm.xlane v12, v3;
	v22 =	vperm.xlane v13, v2;
	[tilespmem:s12+$0x8] =	vst v8;
	v8 =	vld [tilespmem:s25+$0x80]  }
0x9f: {  	v25 =	vperm.xlane v13, v3;
	v11 =	vld [tilespmem:s17+$0xA8];
	v14 =	vperm.xlane v12, v2  }
0xa0: {  	v20 =	vperm.xlane v15, v4;
	v17 =	vld [tilespmem:s17+$0xFFFFFF18];
	v19 =	vperm.xlane v9, v1  }
0xa1: {  	v26 =	vadd.f32 v28, v26;
	v18 =	vperm.xlane v15, v3;
	v6 =	vmul.f32 v14, v6  }
0xa2: {  	v23 =	vadd.f32 v23, v30;
	v16 =	vperm.xlane v15, v2;
	v21 =	vld [tilespmem:s17+$0x18];
	v29 =	vmul.f32 v19, v5  }
0xa3: {  	v31 =	vperm.xlane v9, v2;
	[tilespmem:s12+$0xFFFFFF98] =	vst v6;
	v19 =	vperm.xlane v12, v4;
	v12 =	vld [tilespmem:s16+$0x0];
	v8 =	vadd.f32 v8, v10  }
0xa4: {  	v6 =	vmax.f32 v23, $-2.000000000e+00;
	v5 =	vperm.xlane v13, v4;
	v13 =	vpop (erf);
	v10 =	vmul.f32 v27, v11;
	v11 =	vld [tilespmem:s25+$0x0];
	[tilespmem:s13+$0x88] =	vst v29  }
0xa5: {  	v15 =	vmul.f32 v16, v17;
	v6 =	vmin.f32 v6, $2.000000000e+00;
	v14 =	vpop (erf);
	v8 =	vmax.f32 v8, $-2.000000000e+00;
	v16 =	vld [tilespmem:s11+$0x98]  }
0xa6: {  	v17 =	vperm.xlane v13, v1;
	v27 =	vperm.xlane v13, v2;
	[tilespmem:s13+$0xFFFFFF80] =	vst v13;
	v29 =	vpop (erf);
	v8 =	vmin.f32 v8, $2.000000000e+00  }
0xa7: {  	v6 =	vmul.f32 $1.442695020e+00, v6;
	v32 =	vld [tilespmem:s11+$0xFFFFFF88];
	[tilespmem:s13+$0xFFFFFF00] =	vst v29;
	v8 =	vmul.f32 $1.442695020e+00, v8  }
0xa8: {  	s19 =	simm.s32 $0x14800;
	v54 =	vperm.xlane v13, v3;
	v21 =	vmul.f32 v22, v21;
	[tilespmem:s12+$0xA8] =	vst v10;
	v10 =	vmax.f32 v26, $-2.000000000e+00;
	v28 =	vld [tilespmem:s11+$0xFFFFFF08]  }
0xa9: {  	v56 =	vld [tilespmem:s19+$0xFFFFFF80];
	[tilespmem:s13+$0x0] =	vst v14;
	v10 =	vmin.f32 v10, $2.000000000e+00;
	v11 =	vadd.f32 v11, v12;
	(erf) = vpow2.f32 v8  }
0xaa: {  	[tilespmem:s12+$0xFFFFFF18] =	vst v15;
	v10 =	vmul.f32 $1.442695020e+00, v10;
	v12 =	vld [tilespmem:s11+$0x8];
	v16 =	vmul.f32 v31, v16  }
0xab: {  	v53 =	vld [tilespmem:s17+$0xFFFFFF28];
	v22 =	vperm.xlane v14, v1;
	v8 =	vperm.xlane v29, v1;
	v11 =	vmax.f32 v11, $-2.000000000e+00  }
0xac: {  	v15 =	vld [tilespmem:s17+$0xB8];
	(erf) = vpow2.f32 v10;
	v10 =	vmul.f32 v17, v32;
	v11 =	vmin.f32 v11, $2.000000000e+00;
	[tilespmem:s13+$0x98] =	vst v16  }
0xad: {  	[tilespmem:s12+$0x18] =	vst v21;
	v11 =	vmul.f32 $1.442695020e+00, v11;
	v8 =	vmul.f32 v8, v28;
	v16 =	vld [tilespmem:s11+$0xA8]  }
0xae: {  	v55 =	vperm.xlane v14, v3;
	v21 =	vld [tilespmem:s17+$0xFFFFFFA8];
	v26 =	vperm.xlane v29, v2;
	[tilespmem:s13+$0xFFFFFF88] =	vst v10  }
0xaf: {  	v17 =	vld [tilespmem:s17+$0x28];
	(erf) = vpow2.f32 v11;
	[tilespmem:s13+$0xFFFFFF08] =	vst v8;
	v8 =	vmul.f32 v22, v12  }
0xb0: {  	v10 =	vperm.xlane v9, v3;
	v23 =	vld [tilespmem:s11+$0xFFFFFF98];
	(erf) = vpow2.f32 v6  }
0xb1: {  	v15 =	vmul.f32 v7, v15;
	v7 =	vperm.xlane v13, v4;
	v12 =	vld [tilespmem:s11+$0xFFFFFF18];
	[tilespmem:s13+$0x8] =	vst v8  }
0xb2: {  	s16 =	simm.s32 $0x19600;
	v9 =	vperm.xlane v9, v4;
	v28 =	vld [tilespmem:s11+$0x18];
	v11 =	vpop (erf);
	v6 =	vmul.f32 v10, v16  }
0xb3: {  	v22 =	vperm.xlane v29, v3;
	v8 =	vperm.xlane v29, v4;
	v16 =	vld [tilespmem:s19+$0x80];
	[tilespmem:s16+$0x80] =	vst v11  }
0xb4: {  	s18 =	simm.s32 $0x17000;
	v10 =	vperm.xlane v14, v2;
	v29 =	vld [tilespmem:s25+$0x88];
	[tilespmem:s13+$0xA8] =	vst v6;
	v6 =	vperm.xlane v14, v4  }
0xb5: {  	v14 =	vmul.f32 v18, v53;
	v18 =	vmul.f32 v24, v21;
	v21 =	vld [tilespmem:s18+$0x80]  }
0xb6: {  	v23 =	vmul.f32 v27, v23;
	v24 =	vmul.f32 v25, v17;
	v13 =	vld [tilespmem:s11+$0xB8]  }
0xb7: {  	v34 =	vld [tilespmem:s18+$0xFFFFFF80];
	[tilespmem:s12+$0xB8] =	vst v15;
	v25 =	vpop (erf);
	v17 =	vperm.xlane v11, v1;
	v12 =	vmul.f32 v26, v12  }
0xb8: {  	v36 =	vld [tilespmem:s19+$0x0];
	v27 =	vperm.xlane v25, v1;
	v15 =	vperm.xlane v25, v2;
	[tilespmem:s16+$0xFFFFFF80] =	vst v25;
	v33 =	vpop (erf)  }
0xb9: {  	v26 =	vld [tilespmem:s18+$0xFFFFFF00];
	[tilespmem:s12+$0xFFFFFF28] =	vst v14;
	v28 =	vmul.f32 v10, v28;
	v10 =	vpop (erf);
	v17 =	vmul.f32 v17, v29  }
0xba: {  	[tilespmem:s12+$0xFFFFFFA8] =	vst v18;
	v29 =	vld [tilespmem:s18+$0x0];
	v37 =	vperm.xlane v10, v1;
	v18 =	vperm.xlane v10, v2  }
0xbb: {  	[tilespmem:s13+$0xFFFFFF18] =	vst v12;
	v12 =	vadd.f32 v21, v16;
	v16 =	vld [tilespmem:s19+$0xFFFFFF00];
	v14 =	vperm.xlane v10, v3;
	v38 =	vmul.f32 v9, v13  }
0xbc: {  	v21 =	vld [tilespmem:s17+$0xFFFFFF38];
	v13 =	vperm.xlane v25, v3;
	v9 =	vperm.xlane v10, v4;
	[tilespmem:s16+$0x88] =	vst v17  }
0xbd: {  	[tilespmem:s16+$0xFFFFFF00] =	vst v10;
	v10 =	vperm.xlane v25, v4;
	v25 =	vadd.f32 v34, v56;
	v39 =	vmax.f32 v12, $-2.000000000e+00;
	v40 =	vld [tilespmem:s25+$0x98]  }
0xbe: {  	v59 =	vperm.xlane v11, v2;
	[tilespmem:s13+$0xFFFFFF98] =	vst v23;
	v35 =	vperm.xlane v33, v1;
	v41 =	vld [tilespmem:s25+$0xFFFFFF08];
	v39 =	vmin.f32 v39, $2.000000000e+00  }
0xbf: {  	v61 =	vld [tilespmem:s11+$0xFFFFFFA8];
	v17 =	vperm.xlane v33, v2;
	v25 =	vmax.f32 v25, $-2.000000000e+00;
	v57 =	vmul.f32 $1.442695020e+00, v39  }
0xc0: {  	v58 =	vld [tilespmem:s25+$0xFFFFFF88];
	[tilespmem:s16+$0x0] =	vst v33;
	v12 =	vperm.xlane v33, v3;
	v25 =	vmin.f32 v25, $2.000000000e+00;
	v23 =	vadd.f32 v29, v36  }
0xc1: {  	[tilespmem:s13+$0x18] =	vst v28;
	v28 =	vld [tilespmem:s11+$0xFFFFFF28];
	v26 =	vadd.f32 v26, v16;
	v20 =	vmul.f32 v20, v21;
	(erf) = vpow2.f32 v57  }
0xc2: {  	[tilespmem:s12+$0x28] =	vst v24;
	v29 =	vld [tilespmem:s25+$0x8];
	v24 =	vmul.f32 $1.442695020e+00, v25;
	v23 =	vmax.f32 v23, $-2.000000000e+00;
	v60 =	vmul.f32 v59, v40  }
0xc3: {  	v63 =	vld [tilespmem:s17+$0xFFFFFFB8];
	v25 =	vmul.f32 v37, v41;
	v21 =	vmax.f32 v26, $-2.000000000e+00;
	[tilespmem:s12+$0xFFFFFF38] =	vst v20;
	v23 =	vmin.f32 v23, $2.000000000e+00  }
0xc4: {  	v62 =	vld [tilespmem:s11+$0x28];
	(erf) = vpow2.f32 v24;
	v21 =	vmin.f32 v21, $2.000000000e+00;
	v23 =	vmul.f32 $1.442695020e+00, v23;
	[tilespmem:s16+$0x98] =	vst v60  }
0xc5: {  	v24 =	vmul.f32 v27, v58;
	[tilespmem:s16+$0xFFFFFF08] =	vst v25;
	v20 =	vmul.f32 $1.442695020e+00, v21;
	v27 =	vld [tilespmem:s25+$0xA8]  }
0xc6: {  	[tilespmem:s13+$0xB8] =	vst v38;
	v22 =	vmul.f32 v22, v28;
	v25 =	vld [tilespmem:s25+$0xFFFFFF18];
	(erf) = vpow2.f32 v23  }
0xc7: {  	[tilespmem:s16+$0xFFFFFF88] =	vst v24;
	v21 =	vmul.f32 v35, v29;
	v23 =	vld [tilespmem:s17+$0x38];
	(erf) = vpow2.f32 v20  }
0xc8: {  	v28 =	vperm.xlane v11, v3;
	[tilespmem:s13+$0xFFFFFF28] =	vst v22;
	v26 =	vld [tilespmem:s25+$0xFFFFFF98];
	v29 =	vmul.f32 v54, v61  }
0xc9: {  	s20 =	simm.s32 $0xC;
	v16 =	vperm.xlane v33, v4;
	[tilespmem:s16+$0x8] =	vst v21;
	v20 =	vmul.f32 v19, v63;
	v19 =	vld [tilespmem:s11+$0xFFFFFF38]  }
0xca: {  	s21 =	simm.s32 $0x14A00;
	s19 =	simm.s32 $0x17000;
	s17 =	simm.s32 $0x19800;
	v21 =	vmul.f32 v55, v62;
	[tilespmem:s13+$0xFFFFFFA8] =	vst v29;
	v24 =	vld [tilespmem:s25+$0x18];
	v22 =	vpop (erf);
	v27 =	vmul.f32 v28, v27  }
.LBB2_5:
0xcb: {  	v28 =	vld [tilespmem:s21+$0x80];
	[tilespmem:s17+$0x80] =	vst v22;
	v18 =	vmul.f32 v18, v25  }
0xcc: {  	v25 =	vld [tilespmem:s18+$0x88];
	[tilespmem:s16+$0xA8] =	vst v27;
	v23 =	vmul.f32 v5, v23;
	v5 =	vmov v6;
	v6 =	vmov v16  }
0xcd: {  	s18 =	sadd.s32 $0x200, s18;
	v16 =	vpop (erf);
	[tilespmem:s16+$0xFFFFFF18] =	vst v18;
	v18 =	vmul.f32 v15, v26;
	v26 =	vld [tilespmem:s25+$0xB8]  }
0xce: {  	v27 =	vld [tilespmem:s18+$0x80];
	[tilespmem:s17+$0xFFFFFF80] =	vst v16;
	v29 =	vperm.xlane v16, v1;
	v15 =	vperm.xlane v16, v2  }
0xcf: {  	s20 =	sadd.s32 $0x4, s20;
	v31 =	vperm.xlane v22, v1;
	v17 =	vmul.f32 v17, v24;
	v30 =	vld [tilespmem:s18+$0xFFFFFF00];
	v32 =	vpop (erf);
	[tilespmem:s16+$0xFFFFFF98] =	vst v18  }
0xd0: {  	v35 =	vperm.xlane v11, v4;
	v11 =	vmov v22;
	p0 =	slt.u32 s20, $0x4C;
	v24 =	vld [tilespmem:s21+$0xFFFFFF80];
	[tilespmem:s17+$0x0] =	vst v32;
	v33 =	vperm.xlane v32, v1;
	v34 =	vpop (erf)  }
0xd1: {  	v22 =	vld [tilespmem:s18+$0xFFFFFF80];
	[tilespmem:s17+$0xFFFFFF00] =	vst v34;
	v36 =	vperm.xlane v34, v1;
	v25 =	vmul.f32 v31, v25  }
0xd2: {  	v18 =	vperm.xlane v34, v2;
	v31 =	vld [tilespmem:s21+$0x0];
	[tilespmem:s16+$0x18] =	vst v17;
	v26 =	vmul.f32 v35, v26  }
0xd3: {  	v17 =	vperm.xlane v32, v2;
	v35 =	vld [tilespmem:s18+$0x0];
	v27 =	vadd.f32 v27, v28;
	v28 =	vperm.xlane v34, v3;
	[tilespmem:s17+$0x88] =	vst v25  }
0xd4: {  	v37 =	vperm.xlane v16, v3;
	v38 =	vperm.xlane v32, v3;
	v25 =	vld [tilespmem:s21+$0xFFFFFF00];
	[tilespmem:s16+$0xB8] =	vst v26  }
0xd5: {  	v26 =	vmax.f32 v27, $-2.000000000e+00;
	v27 =	vperm.xlane v34, v4;
	v34 =	vperm.xlane v16, v4;
	v39 =	vld [tilespmem:s19+$0x98];
	[tilespmem:s13+$0x28] =	vst v21  }
0xd6: {  	v16 =	vperm.xlane v32, v4;
	v21 =	vadd.f32 v22, v24;
	v22 =	vmin.f32 v26, $2.000000000e+00;
	v24 =	vld [tilespmem:s19+$0xFFFFFF08];
	[tilespmem:s12+$0xFFFFFFB8] =	vst v20  }
0xd7: {  	v19 =	vmul.f32 v8, v19;
	v8 =	vmovc v9;
	v20 =	vmul.f32 $1.442695020e+00, v22;
	v22 =	vld [tilespmem:s19+$0xFFFFFF88];
	[tilespmem:s12+$0x38] =	vst v23;
	v9 =	vmov v27;
	s12 =	smov.u32 s13;
	s13 =	smov.u32 s16;
	s16 =	smov.u32 s17  }
0xd8: {  	v27 =	vperm.xlane v11, v2;
	v21 =	vmax.f32 v21, $-2.000000000e+00;
	v23 =	vadd.f32 v35, v31;
	v26 =	vld [tilespmem:s19+$0x8]  }
0xd9: {  	v25 =	vadd.f32 v30, v25;
	v21 =	vmin.f32 v21, $2.000000000e+00;
	(erf) = vpow2.f32 v20;
	v20 =	vld [tilespmem:s25+$0xFFFFFF28];
	[tilespmem:s12+$0xFFFFFF38] =	vst v19  }
0xda: {  	v19 =	vmul.f32 $1.442695020e+00, v21;
	v21 =	vmax.f32 v23, $-2.000000000e+00;
	v23 =	vmul.f32 v27, v39;
	v27 =	vld [tilespmem:s25+$0xFFFFFFA8]  }
0xdb: {  	v25 =	vmax.f32 v25, $-2.000000000e+00;
	v21 =	vmin.f32 v21, $2.000000000e+00;
	v24 =	vmul.f32 v36, v24;
	v30 =	vld [tilespmem:s25+$0x28]  }
0xdc: {  	v25 =	vmin.f32 v25, $2.000000000e+00;
	v21 =	vmul.f32 $1.442695020e+00, v21;
	(erf) = vpow2.f32 v19;
	[tilespmem:s17+$0x98] =	vst v23;
	v19 =	vld [tilespmem:s11+$0xFFFFFFB8]  }
0xdd: {  	v22 =	vmul.f32 v29, v22;
	v23 =	vmul.f32 $1.442695020e+00, v25;
	[tilespmem:s17+$0xFFFFFF08] =	vst v24;
	v29 =	vld [tilespmem:s19+$0xA8]  }
.Ltmp1:
0xde: {  	(erf) = vpow2.f32 v21;
	v25 =	vld [tilespmem:s19+$0xFFFFFF18];
	v21 =	vmul.f32 v33, v26;
	(pc) =	sbr.rel @p0 .LBB2_5-.Ltmp1, $4  }
0xdf: {  	v20 =	vmul.f32 v14, v20;
	v14 =	vmov v28;
	(erf) = vpow2.f32 v23;
	[tilespmem:s17+$0xFFFFFF88] =	vst v22;
	v23 =	vld [tilespmem:s11+$0x38];
	s11 =	smov.u32 s25;
	s25 =	smov.u32 s19;
	s19 =	smov.u32 s18  }
0xe0: {  	v28 =	vperm.xlane v11, v3;
	v31 =	vmul.f32 v13, v27;
	v13 =	vmov v37;
	v26 =	vld [tilespmem:s25+$0xFFFFFF98];
	[tilespmem:s17+$0x8] =	vst v21  }
0xe1: {  	v21 =	vmul.f32 v12, v30;
	v12 =	vmovc v38;
	v24 =	vld [tilespmem:s25+$0x18];
	[tilespmem:s13+$0xFFFFFF28] =	vst v20;
	v20 =	vmul.f32 v7, v19;
	v7 =	vmov v10  }
0xe2: {  	s21 =	sadd.s32 $0x200, s21;
	s17 =	sadd.s32 $0x200, s17;
	v10 =	vmov v34;
	v22 =	vpop (erf);
	v27 =	vmul.f32 v28, v29;
	v19 =	vld [tilespmem:s11+$0xFFFFFF38];
	[tilespmem:s13+$0xFFFFFFA8] =	vst v31  }
0xe3: {  	[tilespmem:s17+$0x80] =	vst v22  }
0xe4: {  	v28 =	vld [tilespmem:s18+$0x88];
	_ =	sdelay $0x2  }
0xe5: {  	v29 =	vperm.xlane v22, v1;
	_ =	sdelay $0x1  }
0xe6: {  	v28 =	vmul.f32 v29, v28;
	_ =	sdelay $0x1  }
0xe7: {  	v29 =	vpop (erf)  }
0xe8: {  	v30 =	vpop (erf)  }
0xe9: {  	[tilespmem:s17+$0x88] =	vst v28;
	v28 =	vpop (erf)  }
0xea: {  	v31 =	vld [tilespmem:s19+$0x98];
	[tilespmem:s17+$0xFFFFFF00] =	vst v28  }
0xeb: {  	[tilespmem:s17+$0xFFFFFF80] =	vst v29;
	v32 =	vld [tilespmem:s19+$0xFFFFFF08]  }
0xec: {  	[tilespmem:s17+$0x0] =	vst v30;
	v59 =	vld [tilespmem:s19+$0xFFFFFF88]  }
0xed: {  	v18 =	vmul.f32 v18, v25;
	v33 =	vperm.xlane v22, v2;
	[tilespmem:s13+$0x28] =	vst v21;
	v60 =	vld [tilespmem:s19+$0x8]  }
0xee: {  	[tilespmem:s12+$0xFFFFFFB8] =	vst v20;
	v15 =	vmul.f32 v15, v26;
	v63 =	vperm.xlane v28, v1  }
0xef: {  	[tilespmem:s16+$0xA8] =	vst v27;
	v62 =	vmul.f32 v33, v31;
	v33 =	vperm.xlane v29, v1  }
0xf0: {  	[tilespmem:s16+$0xFFFFFF18] =	vst v18;
	v34 =	vperm.xlane v30, v1;
	v31 =	vmul.f32 v63, v32  }
0xf1: {  	v61 =	vld [tilespmem:s25+$0xB8];
	[tilespmem:s16+$0xFFFFFF98] =	vst v15;
	v15 =	vmul.f32 v33, v59  }
0xf2: {  	v17 =	vmul.f32 v17, v24;
	v24 =	vmul.f32 v34, v60;
	[tilespmem:s17+$0xFFFFFF08] =	vst v31  }
0xf3: {  	v5 =	vmul.f32 v5, v23;
	[tilespmem:s17+$0xFFFFFF88] =	vst v15;
	v36 =	vld [tilespmem:s19+$0xFFFFFF18]  }
0xf4: {  	v11 =	vperm.xlane v11, v4;
	[tilespmem:s17+$0x8] =	vst v24;
	v15 =	vld [tilespmem:s19+$0xFFFFFF98]  }
0xf5: {  	[tilespmem:s12+$0x38] =	vst v5;
	v8 =	vmul.f32 v8, v19;
	v38 =	vld [tilespmem:s19+$0x18]  }
0xf6: {  	v51 =	vld [tilespmem:s11+$0xFFFFFFB8];
	[tilespmem:s16+$0x18] =	vst v17;
	v11 =	vmul.f32 v11, v61;
	v39 =	vperm.xlane v28, v2  }
0xf7: {  	v41 =	vld [tilespmem:s25+$0xFFFFFF28];
	[tilespmem:s13+$0xFFFFFF38] =	vst v8;
	v40 =	vperm.xlane v29, v2  }
0xf8: {  	v43 =	vld [tilespmem:s25+$0xFFFFFFA8];
	v42 =	vperm.xlane v30, v2;
	[tilespmem:s16+$0xB8] =	vst v11;
	v18 =	vmul.f32 v39, v36  }
0xf9: {  	v45 =	vld [tilespmem:s25+$0x28];
	[tilespmem:s17+$0x98] =	vst v62;
	v5 =	vmul.f32 v40, v15  }
0xfa: {  	v35 =	vld [tilespmem:s19+$0xA8];
	v11 =	vmul.f32 v42, v38;
	[tilespmem:s17+$0xFFFFFF18] =	vst v18  }
0xfb: {  	v7 =	vmul.f32 v7, v51;
	[tilespmem:s17+$0xFFFFFF98] =	vst v5;
	v5 =	vld [tilespmem:s19+$0xFFFFFF28]  }
0xfc: {  	v14 =	vmul.f32 v14, v41;
	[tilespmem:s17+$0x18] =	vst v11;
	v47 =	vld [tilespmem:s19+$0xFFFFFFA8]  }
0xfd: {  	v37 =	vperm.xlane v22, v3;
	[tilespmem:s13+$0xFFFFFFB8] =	vst v7;
	v48 =	vmul.f32 v13, v43;
	v49 =	vld [tilespmem:s19+$0x28]  }
0xfe: {  	v54 =	vld [tilespmem:s11+$0x38];
	[tilespmem:s16+$0xFFFFFF28] =	vst v14;
	v50 =	vperm.xlane v28, v3;
	v12 =	vmul.f32 v12, v45  }
0xff: {  	v53 =	vperm.xlane v29, v3;
	v56 =	vld [tilespmem:s25+$0xFFFFFF38];
	[tilespmem:s16+$0xFFFFFFA8] =	vst v48;
	v17 =	vmul.f32 v37, v35  }
0x100: {  	v55 =	vperm.xlane v30, v3;
	[tilespmem:s16+$0x28] =	vst v12;
	v57 =	vld [tilespmem:s25+$0xFFFFFFB8];
	v5 =	vmul.f32 v50, v5  }
0x101: {  	v58 =	vld [tilespmem:s25+$0x38];
	[tilespmem:s17+$0xA8] =	vst v17;
	v11 =	vmul.f32 v53, v47  }
0x102: {  	v44 =	vld [tilespmem:s19+$0xB8];
	[tilespmem:s17+$0xFFFFFF28] =	vst v5;
	v5 =	vmul.f32 v55, v49  }
0x103: {  	v6 =	vmul.f32 v6, v54;
	[tilespmem:s17+$0xFFFFFFA8] =	vst v11;
	v59 =	vld [tilespmem:s19+$0xFFFFFF38]  }
0x104: {  	v7 =	vmul.f32 v9, v56;
	[tilespmem:s17+$0x28] =	vst v5;
	v5 =	vld [tilespmem:s19+$0xFFFFFFB8]  }
0x105: {  	v46 =	vperm.xlane v22, v4;
	[tilespmem:s13+$0x38] =	vst v6;
	v6 =	vmul.f32 v10, v57;
	v60 =	vld [tilespmem:s19+$0x38]  }
0x106: {  	v61 =	vperm.xlane v28, v4;
	[tilespmem:s16+$0xFFFFFF38] =	vst v7;
	v7 =	vmul.f32 v16, v58  }
0x107: {  	v62 =	vperm.xlane v29, v4;
	[tilespmem:s16+$0xFFFFFFB8] =	vst v6;
	v52 =	vmul.f32 v46, v44  }
0x108: {  	v63 =	vperm.xlane v30, v4;
	[tilespmem:s16+$0x38] =	vst v7;
	v6 =	vmul.f32 v61, v59  }
0x109: {  	[tilespmem:s17+$0xB8] =	vst v52;
	v5 =	vmul.f32 v62, v5  }
0x10a: {  	s10 =	sadd.s32 $0x1, s10;
	[tilespmem:s17+$0xFFFFFF38] =	vst v6;
	v6 =	vmul.f32 v63, v60  }
0x10b: {  	p0 =	sne.s32 s10, $0x7D;
	[tilespmem:s17+$0xFFFFFFB8] =	vst v5  }
.Ltmp2:
0x10c: {  	[tilespmem:s17+$0x38] =	vst v6;
	(pc) =	sbr.rel @p0 .LBB2_4-.Ltmp2, $4  }
0x10d: {  	[spmem:s1] =	stream.indirect.scatter.add.f32 [tilespmem:s26], [sflag:$0x3], $0x80, s29, s31, $0xb8;
	[tilespmem:$0x1E100] =	vst v63  }
0x10e: {  	_ =	swait.ge [sflag:s28], $0x2800  }
0x10f: {  	[sflag:s28] =	ssyncset.done $0x0  }
0x110: {  	[sflag:s28] =	ssyncadd.s32 $0xFFFFD800  }
0x111: {  	[bflag:$0x0] =	sbarrier.arrive $0xFFFF  }
0x112: {  	[tilespmem:s26], [sflag:$0x3] =	stream.linear.gather [spmem:s22], $0x2800, $0x38;
	[tilespmem:$0x1E100] =	vst v63  }
0x113: {  	_ =	swait.ge [sflag:s28], $0x2800  }
0x114: {  	[sflag:s28] =	ssyncset.done $0x0  }
0x115: {  	s10 =	simm.s32 $0x0;
	[sflag:s28] =	ssyncadd.s32 $0xFFFFD800  }
0x116: {  	v8 =	vld [tilespmem:s10+$0x19170]  }
0x117: {  	v9 =	vld [tilespmem:s10+$0x19100]  }
0x118: {  	v10 =	vld [tilespmem:s10+$0x19110]  }
0x119: {  	v7 =	vld [tilespmem:s10+$0x19120]  }
0x11a: {  	v5 =	vld [tilespmem:s10+$0x19130]  }
0x11b: {  	v6 =	vld [tilespmem:s10+$0x19140];
	[tilespmem:s10+$0x1B970] =	vst v8  }
0x11c: {  	[tilespmem:s10+$0x1B900] =	vst v9;
	v8 =	vld [tilespmem:s10+$0x19150]  }
0x11d: {  	s19 =	smov.u32 s22;
	s11 =	simm.s32 $0x80;
	s12 =	simm.s32 $0x400;
	[tilespmem:s10+$0x1B910] =	vst v10;
	v9 =	vld [tilespmem:s10+$0x19160]  }
.LBB2_8:
0x11e: {  	p0 =	sne.s32 s12, $0x9E00;
	v10 =	vld [tilespmem:s11+$0x19170];
	[tilespmem:s10+$0x1B920] =	vst v7  }
0x11f: {  	v11 =	vld [tilespmem:s11+$0x19100];
	[tilespmem:s10+$0x1B930] =	vst v5  }
0x120: {  	v12 =	vld [tilespmem:s11+$0x19110];
	[tilespmem:s10+$0x1B940] =	vst v6  }
.Ltmp3:
0x121: {  	v7 =	vld [tilespmem:s11+$0x19120];
	[tilespmem:s10+$0x1B950] =	vst v8;
	(pc) =	sbr.rel @p0 .LBB2_8-.Ltmp3, $4  }
0x122: {  	v5 =	vld [tilespmem:s11+$0x19130];
	[tilespmem:s10+$0x1B960] =	vst v9;
	s10 =	smov.u32 s11  }
0x123: {  	v6 =	vld [tilespmem:s10+$0x19140];
	[tilespmem:s10+$0x1B970] =	vst v10  }
0x124: {  	[tilespmem:s10+$0x1B900] =	vst v11;
	v8 =	vld [tilespmem:s10+$0x19150]  }
0x125: {  	s11 =	sshra.s32 s12, $0x2;
	s12 =	sadd.s32 $0x200, s12;
	[tilespmem:s10+$0x1B910] =	vst v12;
	v9 =	vld [tilespmem:s10+$0x19160]  }
0x126: {  	v10 =	vld [tilespmem:s11+$0x19170];
	[tilespmem:s10+$0x1B920] =	vst v7  }
0x127: {  	v7 =	vld [tilespmem:s11+$0x19100];
	[tilespmem:s10+$0x1B930] =	vst v5  }
0x128: {  	v5 =	vld [tilespmem:s11+$0x19110];
	[tilespmem:s10+$0x1B940] =	vst v6  }
0x129: {  	v6 =	vld [tilespmem:s11+$0x19120];
	[tilespmem:s10+$0x1B950] =	vst v8  }
0x12a: {  	v8 =	vld [tilespmem:s11+$0x19130];
	[tilespmem:s10+$0x1B960] =	vst v9  }
0x12b: {  	v9 =	vld [tilespmem:s11+$0x19140];
	[tilespmem:s11+$0x1B970] =	vst v10  }
0x12c: {  	[tilespmem:s11+$0x1B900] =	vst v7;
	v7 =	vld [tilespmem:s11+$0x19150]  }
0x12d: {  	[tilespmem:s11+$0x1B910] =	vst v5;
	v5 =	vld [tilespmem:s11+$0x19160]  }
0x12e: {  	[tilespmem:s11+$0x1B920] =	vst v6  }
0x12f: {  	[tilespmem:s11+$0x1B930] =	vst v8  }
0x130: {  	[tilespmem:s11+$0x1B940] =	vst v9  }
0x131: {  	[tilespmem:s11+$0x1B950] =	vst v7  }
0x132: {  	s22 =	simm.s32 $0x0;
	s25 =	rddreg [dreg:$0x3];
	[tilespmem:s11+$0x1B960] =	vst v5  }
0x133: {  	[hbm4b:s25+s22] =	stream.linear.scatter [tilespmem:s8], [sflag:$0x3], $0x2800, $0x38;
	[tilespmem:$0x1E100] =	vst v63  }
0x134: {  	_ =	swait.ge [sflag:s28], $0x2800  }
0x135: {  	[sflag:s28] =	ssyncset.done $0x0  }
0x136: {  	[sflag:s28] =	ssyncadd.s32 $0xFFFFD800  }
0x137: {  	[tilespmem:s26], [sflag:$0x3] =	stream.linear.gather [spmem:s23], $0x2800, $0x38;
	[tilespmem:$0x1E100] =	vst v63  }
0x138: {  	_ =	swait.ge [sflag:s28], $0x2800  }
0x139: {  	[sflag:s28] =	ssyncset.done $0x0  }
0x13a: {  	s10 =	simm.s32 $0x0;
	[sflag:s28] =	ssyncadd.s32 $0xFFFFD800  }
0x13b: {  	v8 =	vld [tilespmem:s10+$0x19170]  }
0x13c: {  	v9 =	vld [tilespmem:s10+$0x19100]  }
0x13d: {  	v10 =	vld [tilespmem:s10+$0x19110]  }
0x13e: {  	v7 =	vld [tilespmem:s10+$0x19120]  }
0x13f: {  	v5 =	vld [tilespmem:s10+$0x19130]  }
0x140: {  	v6 =	vld [tilespmem:s10+$0x19140];
	[tilespmem:s10+$0x1B970] =	vst v8  }
0x141: {  	s20 =	smov.u32 s23;
	[tilespmem:s10+$0x1B900] =	vst v9;
	v8 =	vld [tilespmem:s10+$0x19150]  }
0x142: {  	s12 =	simm.s32 $0x400;
	s11 =	simm.s32 $0x80;
	s21 =	rddreg [dreg:$0xb];
	[tilespmem:s10+$0x1B910] =	vst v10;
	v9 =	vld [tilespmem:s10+$0x19160]  }
.LBB2_10:
0x143: {  	p0 =	sne.s32 s12, $0x9E00;
	v10 =	vld [tilespmem:s11+$0x19170];
	[tilespmem:s10+$0x1B920] =	vst v7  }
0x144: {  	v11 =	vld [tilespmem:s11+$0x19100];
	[tilespmem:s10+$0x1B930] =	vst v5  }
0x145: {  	v12 =	vld [tilespmem:s11+$0x19110];
	[tilespmem:s10+$0x1B940] =	vst v6  }
.Ltmp4:
0x146: {  	v7 =	vld [tilespmem:s11+$0x19120];
	[tilespmem:s10+$0x1B950] =	vst v8;
	(pc) =	sbr.rel @p0 .LBB2_10-.Ltmp4, $4  }
0x147: {  	v5 =	vld [tilespmem:s11+$0x19130];
	[tilespmem:s10+$0x1B960] =	vst v9;
	s10 =	smov.u32 s11  }
0x148: {  	v6 =	vld [tilespmem:s10+$0x19140];
	[tilespmem:s10+$0x1B970] =	vst v10  }
0x149: {  	[tilespmem:s10+$0x1B900] =	vst v11;
	v8 =	vld [tilespmem:s10+$0x19150]  }
0x14a: {  	s11 =	sshra.s32 s12, $0x2;
	s12 =	sadd.s32 $0x200, s12;
	[tilespmem:s10+$0x1B910] =	vst v12;
	v9 =	vld [tilespmem:s10+$0x19160]  }
0x14b: {  	v10 =	vld [tilespmem:s11+$0x19170];
	[tilespmem:s10+$0x1B920] =	vst v7  }
0x14c: {  	v7 =	vld [tilespmem:s11+$0x19100];
	[tilespmem:s10+$0x1B930] =	vst v5  }
0x14d: {  	v5 =	vld [tilespmem:s11+$0x19110];
	[tilespmem:s10+$0x1B940] =	vst v6  }
0x14e: {  	v6 =	vld [tilespmem:s11+$0x19120];
	[tilespmem:s10+$0x1B950] =	vst v8  }
0x14f: {  	v8 =	vld [tilespmem:s11+$0x19130];
	[tilespmem:s10+$0x1B960] =	vst v9  }
0x150: {  	v9 =	vld [tilespmem:s11+$0x19140];
	[tilespmem:s11+$0x1B970] =	vst v10  }
0x151: {  	[tilespmem:s11+$0x1B900] =	vst v7;
	v7 =	vld [tilespmem:s11+$0x19150]  }
0x152: {  	[tilespmem:s11+$0x1B910] =	vst v5;
	v5 =	vld [tilespmem:s11+$0x19160]  }
0x153: {  	[tilespmem:s11+$0x1B920] =	vst v6  }
0x154: {  	[tilespmem:s11+$0x1B930] =	vst v8  }
0x155: {  	[tilespmem:s11+$0x1B940] =	vst v9  }
0x156: {  	[tilespmem:s11+$0x1B950] =	vst v7  }
0x157: {  	s23 =	simm.s32 $0x0;
	s25 =	rddreg [dreg:$0x4];
	[tilespmem:s11+$0x1B960] =	vst v5  }
0x158: {  	[hbm4b:s25+s23] =	stream.linear.scatter [tilespmem:s8], [sflag:$0x3], $0x2800, $0x38;
	[tilespmem:$0x1E100] =	vst v63  }
0x159: {  	_ =	swait.ge [sflag:s28], $0x2800  }
0x15a: {  	[sflag:s28] =	ssyncset.done $0x0  }
0x15b: {  	[sflag:s28] =	ssyncadd.s32 $0xFFFFD800  }
0x15c: {  	[tilespmem:s26], [sflag:$0x3] =	stream.linear.gather [spmem:s21], $0x2800, $0x38;
	[tilespmem:$0x1E100] =	vst v63  }
0x15d: {  	_ =	swait.ge [sflag:s28], $0x2800  }
0x15e: {  	[sflag:s28] =	ssyncset.done $0x0  }
0x15f: {  	s10 =	simm.s32 $0x0;
	[sflag:s28] =	ssyncadd.s32 $0xFFFFD800  }
0x160: {  	v8 =	vld [tilespmem:s10+$0x19170]  }
0x161: {  	v9 =	vld [tilespmem:s10+$0x19100]  }
0x162: {  	v10 =	vld [tilespmem:s10+$0x19110]  }
0x163: {  	v7 =	vld [tilespmem:s10+$0x19120]  }
0x164: {  	v5 =	vld [tilespmem:s10+$0x19130]  }
0x165: {  	v6 =	vld [tilespmem:s10+$0x19140];
	[tilespmem:s10+$0x1B970] =	vst v8  }
0x166: {  	s13 =	rddreg [dreg:$0xc];
	[tilespmem:s10+$0x1B900] =	vst v9;
	v8 =	vld [tilespmem:s10+$0x19150]  }
0x167: {  	s12 =	simm.s32 $0x400;
	s11 =	simm.s32 $0x80;
	s16 =	rddreg [dreg:$0xd];
	[tilespmem:s10+$0x1B910] =	vst v10;
	v9 =	vld [tilespmem:s10+$0x19160]  }
.LBB2_12:
0x168: {  	p0 =	sne.s32 s12, $0x9E00;
	v10 =	vld [tilespmem:s11+$0x19170];
	[tilespmem:s10+$0x1B920] =	vst v7  }
0x169: {  	v11 =	vld [tilespmem:s11+$0x19100];
	[tilespmem:s10+$0x1B930] =	vst v5  }
0x16a: {  	v12 =	vld [tilespmem:s11+$0x19110];
	[tilespmem:s10+$0x1B940] =	vst v6  }
.Ltmp5:
0x16b: {  	v7 =	vld [tilespmem:s11+$0x19120];
	[tilespmem:s10+$0x1B950] =	vst v8;
	(pc) =	sbr.rel @p0 .LBB2_12-.Ltmp5, $4  }
0x16c: {  	v5 =	vld [tilespmem:s11+$0x19130];
	[tilespmem:s10+$0x1B960] =	vst v9;
	s10 =	smov.u32 s11  }
0x16d: {  	v6 =	vld [tilespmem:s10+$0x19140];
	[tilespmem:s10+$0x1B970] =	vst v10  }
0x16e: {  	[tilespmem:s10+$0x1B900] =	vst v11;
	v8 =	vld [tilespmem:s10+$0x19150]  }
0x16f: {  	s11 =	sshra.s32 s12, $0x2;
	s12 =	sadd.s32 $0x200, s12;
	[tilespmem:s10+$0x1B910] =	vst v12;
	v9 =	vld [tilespmem:s10+$0x19160]  }
0x170: {  	v10 =	vld [tilespmem:s11+$0x19170];
	[tilespmem:s10+$0x1B920] =	vst v7  }
0x171: {  	v7 =	vld [tilespmem:s11+$0x19100];
	[tilespmem:s10+$0x1B930] =	vst v5  }
0x172: {  	v5 =	vld [tilespmem:s11+$0x19110];
	[tilespmem:s10+$0x1B940] =	vst v6  }
0x173: {  	v6 =	vld [tilespmem:s11+$0x19120];
	[tilespmem:s10+$0x1B950] =	vst v8  }
0x174: {  	v8 =	vld [tilespmem:s11+$0x19130];
	[tilespmem:s10+$0x1B960] =	vst v9  }
0x175: {  	v9 =	vld [tilespmem:s11+$0x19140];
	[tilespmem:s11+$0x1B970] =	vst v10  }
0x176: {  	[tilespmem:s11+$0x1B900] =	vst v7;
	v7 =	vld [tilespmem:s11+$0x19150]  }
0x177: {  	[tilespmem:s11+$0x1B910] =	vst v5;
	v5 =	vld [tilespmem:s11+$0x19160]  }
0x178: {  	[tilespmem:s11+$0x1B920] =	vst v6  }
0x179: {  	[tilespmem:s11+$0x1B930] =	vst v8  }
0x17a: {  	[tilespmem:s11+$0x1B940] =	vst v9  }
0x17b: {  	[tilespmem:s11+$0x1B950] =	vst v7  }
0x17c: {  	s23 =	simm.s32 $0x0;
	s25 =	rddreg [dreg:$0x5];
	[tilespmem:s11+$0x1B960] =	vst v5  }
0x17d: {  	[hbm4b:s25+s23] =	stream.linear.scatter [tilespmem:s8], [sflag:$0x3], $0x2800, $0x38;
	[tilespmem:$0x1E100] =	vst v63  }
0x17e: {  	_ =	swait.ge [sflag:s28], $0x2800  }
0x17f: {  	[sflag:s28] =	ssyncset.done $0x0  }
0x180: {  	[sflag:s28] =	ssyncadd.s32 $0xFFFFD800  }
0x181: {  	[tilespmem:s26], [sflag:$0x3] =	stream.linear.gather [spmem:s13], $0x2800, $0x38;
	[tilespmem:$0x1E100] =	vst v63  }
0x182: {  	_ =	swait.ge [sflag:s28], $0x2800  }
0x183: {  	[sflag:s28] =	ssyncset.done $0x0  }
0x184: {  	s10 =	simm.s32 $0x0;
	[sflag:s28] =	ssyncadd.s32 $0xFFFFD800  }
0x185: {  	v8 =	vld [tilespmem:s10+$0x19170]  }
0x186: {  	v9 =	vld [tilespmem:s10+$0x19100]  }
0x187: {  	v10 =	vld [tilespmem:s10+$0x19110]  }
0x188: {  	v7 =	vld [tilespmem:s10+$0x19120]  }
0x189: {  	v5 =	vld [tilespmem:s10+$0x19130]  }
0x18a: {  	s17 =	rddreg [dreg:$0xe];
	v6 =	vld [tilespmem:s10+$0x19140];
	[tilespmem:s10+$0x1B970] =	vst v8  }
0x18b: {  	s18 =	rddreg [dreg:$0xf];
	[tilespmem:s10+$0x1B900] =	vst v9;
	v8 =	vld [tilespmem:s10+$0x19150]  }
0x18c: {  	s12 =	simm.s32 $0x400;
	s11 =	simm.s32 $0x80;
	s25 =	rddreg [dreg:$0x10];
	[tilespmem:s10+$0x1B910] =	vst v10;
	v9 =	vld [tilespmem:s10+$0x19160]  }
.LBB2_14:
0x18d: {  	p0 =	sne.s32 s12, $0x9E00;
	v10 =	vld [tilespmem:s11+$0x19170];
	[tilespmem:s10+$0x1B920] =	vst v7  }
0x18e: {  	v11 =	vld [tilespmem:s11+$0x19100];
	[tilespmem:s10+$0x1B930] =	vst v5  }
0x18f: {  	v12 =	vld [tilespmem:s11+$0x19110];
	[tilespmem:s10+$0x1B940] =	vst v6  }
.Ltmp6:
0x190: {  	v7 =	vld [tilespmem:s11+$0x19120];
	[tilespmem:s10+$0x1B950] =	vst v8;
	(pc) =	sbr.rel @p0 .LBB2_14-.Ltmp6, $4  }
0x191: {  	v5 =	vld [tilespmem:s11+$0x19130];
	[tilespmem:s10+$0x1B960] =	vst v9;
	s10 =	smov.u32 s11  }
0x192: {  	v6 =	vld [tilespmem:s10+$0x19140];
	[tilespmem:s10+$0x1B970] =	vst v10  }
0x193: {  	[tilespmem:s10+$0x1B900] =	vst v11;
	v8 =	vld [tilespmem:s10+$0x19150]  }
0x194: {  	s11 =	sshra.s32 s12, $0x2;
	s12 =	sadd.s32 $0x200, s12;
	[tilespmem:s10+$0x1B910] =	vst v12;
	v9 =	vld [tilespmem:s10+$0x19160]  }
0x195: {  	v10 =	vld [tilespmem:s11+$0x19170];
	[tilespmem:s10+$0x1B920] =	vst v7  }
0x196: {  	v7 =	vld [tilespmem:s11+$0x19100];
	[tilespmem:s10+$0x1B930] =	vst v5  }
0x197: {  	v5 =	vld [tilespmem:s11+$0x19110];
	[tilespmem:s10+$0x1B940] =	vst v6  }
0x198: {  	v6 =	vld [tilespmem:s11+$0x19120];
	[tilespmem:s10+$0x1B950] =	vst v8  }
0x199: {  	v8 =	vld [tilespmem:s11+$0x19130];
	[tilespmem:s10+$0x1B960] =	vst v9  }
0x19a: {  	v9 =	vld [tilespmem:s11+$0x19140];
	[tilespmem:s11+$0x1B970] =	vst v10  }
0x19b: {  	[tilespmem:s11+$0x1B900] =	vst v7;
	v7 =	vld [tilespmem:s11+$0x19150]  }
0x19c: {  	[tilespmem:s11+$0x1B910] =	vst v5;
	v5 =	vld [tilespmem:s11+$0x19160]  }
0x19d: {  	[tilespmem:s11+$0x1B920] =	vst v6  }
0x19e: {  	[tilespmem:s11+$0x1B930] =	vst v8  }
0x19f: {  	[tilespmem:s11+$0x1B940] =	vst v9  }
0x1a0: {  	[tilespmem:s11+$0x1B950] =	vst v7  }
0x1a1: {  	s22 =	simm.s32 $0x0;
	s23 =	rddreg [dreg:$0x6];
	[tilespmem:s11+$0x1B960] =	vst v5  }
0x1a2: {  	[hbm4b:s23+s22] =	stream.linear.scatter [tilespmem:s8], [sflag:$0x3], $0x2800, $0x38;
	[tilespmem:$0x1E100] =	vst v63  }
0x1a3: {  	_ =	swait.ge [sflag:s28], $0x2800  }
0x1a4: {  	[sflag:s28] =	ssyncset.done $0x0  }
0x1a5: {  	[sflag:s28] =	ssyncadd.s32 $0xFFFFD800  }
0x1a6: {  	[tilespmem:s26], [sflag:$0x3] =	stream.linear.gather [spmem:s16], $0x2800, $0x38;
	[tilespmem:$0x1E100] =	vst v63  }
0x1a7: {  	_ =	swait.ge [sflag:s28], $0x2800  }
0x1a8: {  	[sflag:s28] =	ssyncset.done $0x0  }
0x1a9: {  	s10 =	simm.s32 $0x0;
	[sflag:s28] =	ssyncadd.s32 $0xFFFFD800  }
0x1aa: {  	v8 =	vld [tilespmem:s10+$0x19170]  }
0x1ab: {  	v9 =	vld [tilespmem:s10+$0x19100]  }
0x1ac: {  	v10 =	vld [tilespmem:s10+$0x19110]  }
0x1ad: {  	v7 =	vld [tilespmem:s10+$0x19120]  }
0x1ae: {  	v5 =	vld [tilespmem:s10+$0x19130]  }
0x1af: {  	v6 =	vld [tilespmem:s10+$0x19140];
	[tilespmem:s10+$0x1B970] =	vst v8  }
0x1b0: {  	[tilespmem:s10+$0x1B900] =	vst v9;
	v8 =	vld [tilespmem:s10+$0x19150]  }
0x1b1: {  	s12 =	simm.s32 $0x400;
	s11 =	simm.s32 $0x80;
	[tilespmem:s10+$0x1B910] =	vst v10;
	v9 =	vld [tilespmem:s10+$0x19160]  }
.LBB2_16:
0x1b2: {  	p0 =	sne.s32 s12, $0x9E00;
	v10 =	vld [tilespmem:s11+$0x19170];
	[tilespmem:s10+$0x1B920] =	vst v7  }
0x1b3: {  	v11 =	vld [tilespmem:s11+$0x19100];
	[tilespmem:s10+$0x1B930] =	vst v5  }
0x1b4: {  	v12 =	vld [tilespmem:s11+$0x19110];
	[tilespmem:s10+$0x1B940] =	vst v6  }
.Ltmp7:
0x1b5: {  	v7 =	vld [tilespmem:s11+$0x19120];
	[tilespmem:s10+$0x1B950] =	vst v8;
	(pc) =	sbr.rel @p0 .LBB2_16-.Ltmp7, $4  }
0x1b6: {  	v5 =	vld [tilespmem:s11+$0x19130];
	[tilespmem:s10+$0x1B960] =	vst v9;
	s10 =	smov.u32 s11  }
0x1b7: {  	v6 =	vld [tilespmem:s10+$0x19140];
	[tilespmem:s10+$0x1B970] =	vst v10  }
0x1b8: {  	[tilespmem:s10+$0x1B900] =	vst v11;
	v8 =	vld [tilespmem:s10+$0x19150]  }
0x1b9: {  	s11 =	sshra.s32 s12, $0x2;
	s12 =	sadd.s32 $0x200, s12;
	[tilespmem:s10+$0x1B910] =	vst v12;
	v9 =	vld [tilespmem:s10+$0x19160]  }
0x1ba: {  	v10 =	vld [tilespmem:s11+$0x19170];
	[tilespmem:s10+$0x1B920] =	vst v7  }
0x1bb: {  	v7 =	vld [tilespmem:s11+$0x19100];
	[tilespmem:s10+$0x1B930] =	vst v5  }
0x1bc: {  	v5 =	vld [tilespmem:s11+$0x19110];
	[tilespmem:s10+$0x1B940] =	vst v6  }
0x1bd: {  	v6 =	vld [tilespmem:s11+$0x19120];
	[tilespmem:s10+$0x1B950] =	vst v8  }
0x1be: {  	v8 =	vld [tilespmem:s11+$0x19130];
	[tilespmem:s10+$0x1B960] =	vst v9  }
0x1bf: {  	v9 =	vld [tilespmem:s11+$0x19140];
	[tilespmem:s11+$0x1B970] =	vst v10  }
0x1c0: {  	[tilespmem:s11+$0x1B900] =	vst v7;
	v7 =	vld [tilespmem:s11+$0x19150]  }
0x1c1: {  	[tilespmem:s11+$0x1B910] =	vst v5;
	v5 =	vld [tilespmem:s11+$0x19160]  }
0x1c2: {  	[tilespmem:s11+$0x1B920] =	vst v6  }
0x1c3: {  	[tilespmem:s11+$0x1B930] =	vst v8  }
0x1c4: {  	[tilespmem:s11+$0x1B940] =	vst v9  }
0x1c5: {  	[tilespmem:s11+$0x1B950] =	vst v7  }
0x1c6: {  	s22 =	simm.s32 $0x0;
	s23 =	rddreg [dreg:$0x7];
	[tilespmem:s11+$0x1B960] =	vst v5  }
0x1c7: {  	[hbm4b:s23+s22] =	stream.linear.scatter [tilespmem:s8], [sflag:$0x3], $0x2800, $0x38;
	[tilespmem:$0x1E100] =	vst v63  }
0x1c8: {  	_ =	swait.ge [sflag:s28], $0x2800  }
0x1c9: {  	[sflag:s28] =	ssyncset.done $0x0  }
0x1ca: {  	[sflag:s28] =	ssyncadd.s32 $0xFFFFD800  }
0x1cb: {  	[tilespmem:s26], [sflag:$0x3] =	stream.linear.gather [spmem:s17], $0x2800, $0x38;
	[tilespmem:$0x1E100] =	vst v63  }
0x1cc: {  	_ =	swait.ge [sflag:s28], $0x2800  }
0x1cd: {  	[sflag:s28] =	ssyncset.done $0x0  }
0x1ce: {  	s10 =	simm.s32 $0x0;
	[sflag:s28] =	ssyncadd.s32 $0xFFFFD800  }
0x1cf: {  	v8 =	vld [tilespmem:s10+$0x19170]  }
0x1d0: {  	v9 =	vld [tilespmem:s10+$0x19100]  }
0x1d1: {  	v10 =	vld [tilespmem:s10+$0x19110]  }
0x1d2: {  	v7 =	vld [tilespmem:s10+$0x19120]  }
0x1d3: {  	v5 =	vld [tilespmem:s10+$0x19130]  }
0x1d4: {  	v6 =	vld [tilespmem:s10+$0x19140];
	[tilespmem:s10+$0x1B970] =	vst v8  }
0x1d5: {  	[tilespmem:s10+$0x1B900] =	vst v9;
	v8 =	vld [tilespmem:s10+$0x19150]  }
0x1d6: {  	s12 =	simm.s32 $0x400;
	s11 =	simm.s32 $0x80;
	[tilespmem:s10+$0x1B910] =	vst v10;
	v9 =	vld [tilespmem:s10+$0x19160]  }
.LBB2_18:
0x1d7: {  	p0 =	sne.s32 s12, $0x9E00;
	v10 =	vld [tilespmem:s11+$0x19170];
	[tilespmem:s10+$0x1B920] =	vst v7  }
0x1d8: {  	v11 =	vld [tilespmem:s11+$0x19100];
	[tilespmem:s10+$0x1B930] =	vst v5  }
0x1d9: {  	v12 =	vld [tilespmem:s11+$0x19110];
	[tilespmem:s10+$0x1B940] =	vst v6  }
.Ltmp8:
0x1da: {  	v7 =	vld [tilespmem:s11+$0x19120];
	[tilespmem:s10+$0x1B950] =	vst v8;
	(pc) =	sbr.rel @p0 .LBB2_18-.Ltmp8, $4  }
0x1db: {  	v5 =	vld [tilespmem:s11+$0x19130];
	[tilespmem:s10+$0x1B960] =	vst v9;
	s10 =	smov.u32 s11  }
0x1dc: {  	v6 =	vld [tilespmem:s10+$0x19140];
	[tilespmem:s10+$0x1B970] =	vst v10  }
0x1dd: {  	[tilespmem:s10+$0x1B900] =	vst v11;
	v8 =	vld [tilespmem:s10+$0x19150]  }
0x1de: {  	s11 =	sshra.s32 s12, $0x2;
	s12 =	sadd.s32 $0x200, s12;
	[tilespmem:s10+$0x1B910] =	vst v12;
	v9 =	vld [tilespmem:s10+$0x19160]  }
0x1df: {  	v10 =	vld [tilespmem:s11+$0x19170];
	[tilespmem:s10+$0x1B920] =	vst v7  }
0x1e0: {  	v7 =	vld [tilespmem:s11+$0x19100];
	[tilespmem:s10+$0x1B930] =	vst v5  }
0x1e1: {  	v5 =	vld [tilespmem:s11+$0x19110];
	[tilespmem:s10+$0x1B940] =	vst v6  }
0x1e2: {  	v6 =	vld [tilespmem:s11+$0x19120];
	[tilespmem:s10+$0x1B950] =	vst v8  }
0x1e3: {  	v8 =	vld [tilespmem:s11+$0x19130];
	[tilespmem:s10+$0x1B960] =	vst v9  }
0x1e4: {  	v9 =	vld [tilespmem:s11+$0x19140];
	[tilespmem:s11+$0x1B970] =	vst v10  }
0x1e5: {  	[tilespmem:s11+$0x1B900] =	vst v7;
	v7 =	vld [tilespmem:s11+$0x19150]  }
0x1e6: {  	[tilespmem:s11+$0x1B910] =	vst v5;
	v5 =	vld [tilespmem:s11+$0x19160]  }
0x1e7: {  	[tilespmem:s11+$0x1B920] =	vst v6  }
0x1e8: {  	[tilespmem:s11+$0x1B930] =	vst v8  }
0x1e9: {  	[tilespmem:s11+$0x1B940] =	vst v9  }
0x1ea: {  	[tilespmem:s11+$0x1B950] =	vst v7  }
0x1eb: {  	s22 =	simm.s32 $0x0;
	s23 =	rddreg [dreg:$0x8];
	[tilespmem:s11+$0x1B960] =	vst v5  }
0x1ec: {  	[hbm4b:s23+s22] =	stream.linear.scatter [tilespmem:s8], [sflag:$0x3], $0x2800, $0x38;
	[tilespmem:$0x1E100] =	vst v63  }
0x1ed: {  	_ =	swait.ge [sflag:s28], $0x2800  }
0x1ee: {  	[sflag:s28] =	ssyncset.done $0x0  }
0x1ef: {  	[sflag:s28] =	ssyncadd.s32 $0xFFFFD800  }
0x1f0: {  	[tilespmem:s26], [sflag:$0x3] =	stream.linear.gather [spmem:s18], $0x2800, $0x38;
	[tilespmem:$0x1E100] =	vst v63  }
0x1f1: {  	_ =	swait.ge [sflag:s28], $0x2800  }
0x1f2: {  	[sflag:s28] =	ssyncset.done $0x0  }
0x1f3: {  	s10 =	simm.s32 $0x0;
	[sflag:s28] =	ssyncadd.s32 $0xFFFFD800  }
0x1f4: {  	v8 =	vld [tilespmem:s10+$0x19170]  }
0x1f5: {  	v9 =	vld [tilespmem:s10+$0x19100]  }
0x1f6: {  	v10 =	vld [tilespmem:s10+$0x19110]  }
0x1f7: {  	v7 =	vld [tilespmem:s10+$0x19120]  }
0x1f8: {  	v5 =	vld [tilespmem:s10+$0x19130]  }
0x1f9: {  	v6 =	vld [tilespmem:s10+$0x19140];
	[tilespmem:s10+$0x1B970] =	vst v8  }
0x1fa: {  	[tilespmem:s10+$0x1B900] =	vst v9;
	v8 =	vld [tilespmem:s10+$0x19150]  }
0x1fb: {  	s12 =	simm.s32 $0x400;
	s11 =	simm.s32 $0x80;
	[tilespmem:s10+$0x1B910] =	vst v10;
	v9 =	vld [tilespmem:s10+$0x19160]  }
.LBB2_20:
0x1fc: {  	p0 =	sne.s32 s12, $0x9E00;
	v10 =	vld [tilespmem:s11+$0x19170];
	[tilespmem:s10+$0x1B920] =	vst v7  }
0x1fd: {  	v11 =	vld [tilespmem:s11+$0x19100];
	[tilespmem:s10+$0x1B930] =	vst v5  }
0x1fe: {  	v12 =	vld [tilespmem:s11+$0x19110];
	[tilespmem:s10+$0x1B940] =	vst v6  }
.Ltmp9:
0x1ff: {  	v7 =	vld [tilespmem:s11+$0x19120];
	[tilespmem:s10+$0x1B950] =	vst v8;
	(pc) =	sbr.rel @p0 .LBB2_20-.Ltmp9, $4  }
0x200: {  	v5 =	vld [tilespmem:s11+$0x19130];
	[tilespmem:s10+$0x1B960] =	vst v9;
	s10 =	smov.u32 s11  }
0x201: {  	v6 =	vld [tilespmem:s10+$0x19140];
	[tilespmem:s10+$0x1B970] =	vst v10  }
0x202: {  	[tilespmem:s10+$0x1B900] =	vst v11;
	v8 =	vld [tilespmem:s10+$0x19150]  }
0x203: {  	s11 =	sshra.s32 s12, $0x2;
	s12 =	sadd.s32 $0x200, s12;
	[tilespmem:s10+$0x1B910] =	vst v12;
	v9 =	vld [tilespmem:s10+$0x19160]  }
0x204: {  	v10 =	vld [tilespmem:s11+$0x19170];
	[tilespmem:s10+$0x1B920] =	vst v7  }
0x205: {  	v7 =	vld [tilespmem:s11+$0x19100];
	[tilespmem:s10+$0x1B930] =	vst v5  }
0x206: {  	v5 =	vld [tilespmem:s11+$0x19110];
	[tilespmem:s10+$0x1B940] =	vst v6  }
0x207: {  	v6 =	vld [tilespmem:s11+$0x19120];
	[tilespmem:s10+$0x1B950] =	vst v8  }
0x208: {  	v8 =	vld [tilespmem:s11+$0x19130];
	[tilespmem:s10+$0x1B960] =	vst v9  }
0x209: {  	v9 =	vld [tilespmem:s11+$0x19140];
	[tilespmem:s11+$0x1B970] =	vst v10  }
0x20a: {  	[tilespmem:s11+$0x1B900] =	vst v7;
	v7 =	vld [tilespmem:s11+$0x19150]  }
0x20b: {  	[tilespmem:s11+$0x1B910] =	vst v5;
	v5 =	vld [tilespmem:s11+$0x19160]  }
0x20c: {  	[tilespmem:s11+$0x1B920] =	vst v6  }
0x20d: {  	[tilespmem:s11+$0x1B930] =	vst v8  }
0x20e: {  	[tilespmem:s11+$0x1B940] =	vst v9  }
0x20f: {  	[tilespmem:s11+$0x1B950] =	vst v7  }
0x210: {  	s22 =	simm.s32 $0x0;
	s23 =	rddreg [dreg:$0x9];
	[tilespmem:s11+$0x1B960] =	vst v5  }
0x211: {  	[hbm4b:s23+s22] =	stream.linear.scatter [tilespmem:s8], [sflag:$0x3], $0x2800, $0x38;
	[tilespmem:$0x1E100] =	vst v63  }
0x212: {  	_ =	swait.ge [sflag:s28], $0x2800  }
0x213: {  	[sflag:s28] =	ssyncset.done $0x0  }
0x214: {  	[sflag:s28] =	ssyncadd.s32 $0xFFFFD800  }
0x215: {  	[tilespmem:s26], [sflag:$0x3] =	stream.linear.gather [spmem:s25], $0x2800, $0x38;
	[tilespmem:$0x1E100] =	vst v63  }
0x216: {  	_ =	swait.ge [sflag:s28], $0x2800  }
0x217: {  	[sflag:s28] =	ssyncset.done $0x0  }
0x218: {  	s10 =	simm.s32 $0x0;
	[sflag:s28] =	ssyncadd.s32 $0xFFFFD800  }
0x219: {  	v8 =	vld [tilespmem:s10+$0x19170]  }
0x21a: {  	v9 =	vld [tilespmem:s10+$0x19100]  }
0x21b: {  	v10 =	vld [tilespmem:s10+$0x19110]  }
0x21c: {  	v7 =	vld [tilespmem:s10+$0x19120]  }
0x21d: {  	v5 =	vld [tilespmem:s10+$0x19130]  }
0x21e: {  	v6 =	vld [tilespmem:s10+$0x19140];
	[tilespmem:s10+$0x1B970] =	vst v8  }
0x21f: {  	[tilespmem:s10+$0x1B900] =	vst v9;
	v8 =	vld [tilespmem:s10+$0x19150]  }
0x220: {  	s12 =	simm.s32 $0x400;
	s11 =	simm.s32 $0x80;
	[tilespmem:s10+$0x1B910] =	vst v10;
	v9 =	vld [tilespmem:s10+$0x19160]  }
.LBB2_22:
0x221: {  	p0 =	sne.s32 s12, $0x9E00;
	v10 =	vld [tilespmem:s11+$0x19170];
	[tilespmem:s10+$0x1B920] =	vst v7  }
0x222: {  	v11 =	vld [tilespmem:s11+$0x19100];
	[tilespmem:s10+$0x1B930] =	vst v5  }
0x223: {  	v12 =	vld [tilespmem:s11+$0x19110];
	[tilespmem:s10+$0x1B940] =	vst v6  }
.Ltmp10:
0x224: {  	v7 =	vld [tilespmem:s11+$0x19120];
	[tilespmem:s10+$0x1B950] =	vst v8;
	(pc) =	sbr.rel @p0 .LBB2_22-.Ltmp10, $4  }
0x225: {  	v5 =	vld [tilespmem:s11+$0x19130];
	[tilespmem:s10+$0x1B960] =	vst v9;
	s10 =	smov.u32 s11  }
0x226: {  	v6 =	vld [tilespmem:s10+$0x19140];
	[tilespmem:s10+$0x1B970] =	vst v10  }
0x227: {  	[tilespmem:s10+$0x1B900] =	vst v11;
	v8 =	vld [tilespmem:s10+$0x19150]  }
0x228: {  	s11 =	sshra.s32 s12, $0x2;
	s12 =	sadd.s32 $0x200, s12;
	[tilespmem:s10+$0x1B910] =	vst v12;
	v9 =	vld [tilespmem:s10+$0x19160]  }
0x229: {  	v10 =	vld [tilespmem:s11+$0x19170];
	[tilespmem:s10+$0x1B920] =	vst v7  }
0x22a: {  	v7 =	vld [tilespmem:s11+$0x19100];
	[tilespmem:s10+$0x1B930] =	vst v5  }
0x22b: {  	v5 =	vld [tilespmem:s11+$0x19110];
	[tilespmem:s10+$0x1B940] =	vst v6  }
0x22c: {  	v6 =	vld [tilespmem:s11+$0x19120];
	[tilespmem:s10+$0x1B950] =	vst v8  }
0x22d: {  	v8 =	vld [tilespmem:s11+$0x19130];
	[tilespmem:s10+$0x1B960] =	vst v9  }
0x22e: {  	v9 =	vld [tilespmem:s11+$0x19140];
	[tilespmem:s11+$0x1B970] =	vst v10  }
0x22f: {  	[tilespmem:s11+$0x1B900] =	vst v7;
	v7 =	vld [tilespmem:s11+$0x19150]  }
0x230: {  	[tilespmem:s11+$0x1B910] =	vst v5;
	v5 =	vld [tilespmem:s11+$0x19160]  }
0x231: {  	[tilespmem:s11+$0x1B920] =	vst v6  }
0x232: {  	[tilespmem:s11+$0x1B930] =	vst v8  }
0x233: {  	[tilespmem:s11+$0x1B940] =	vst v9  }
0x234: {  	[tilespmem:s11+$0x1B950] =	vst v7  }
0x235: {  	s22 =	rddreg [dreg:$0xa];
	[tilespmem:s11+$0x1B960] =	vst v5  }
0x236: {  	[hbm4b:s22+s2] =	stream.linear.scatter [tilespmem:s8], [sflag:$0x3], $0x2800, $0x38;
	[tilespmem:$0x1E100] =	vst v63  }
0x237: {  	_ =	swait.ge [sflag:s28], $0x2800  }
0x238: {  	s9 =	sadd.s32 $0x1, s9;
	s23 =	rddreg [dreg:$0x11]  }
0x239: {  	p0 =	sne.s32 s9, s23  }
.Ltmp11:
0x23a: {  	_ = 	snop;
	(pc) =	sbr.rel @p0 .LBB2_1-.Ltmp11, $3  }
0x23b: {  	_ =	sdelay $0x1  }
0x23c: {  	[sflag:s28] =	ssyncset.done $0x0  }
0x23d: {  	[sflag:s28] =	ssyncadd.s32 $0xFFFFD800  }
0x23e: {  	_ =	sfence.sel $0x180000  }
0x23f: {  	[bflag:$0x0] =	sbarrier.arrive $0xFFFF  }
0x240: {  	_ =	strace $0x90000047  }
0x241: {  	s0 =	stileid.u32;
	[bflag:$0x2] =	sbarrier.arrive $0xFFFF  }
0x242: {  	p0 =	sne.s32 s0, $0x0;
	s0 =	rddreg [dreg:$0x2]  }
0x243: {  	s0 =	sadd.s32 @!p0 $0x100000, s0  }
0x244: {  	[sflag:s0] =	ssyncadd.tile.s32 @!p0 $0x1;
	_ =	shalt  }
.Lfunc_end2:
_tile_overlayer_lowered:
.L_overlay_start_2:
0x245: {  	(tag) =	ssettag $0x2  }
0x246: {  	s0 =	rddreg [dreg:$0x0];
	s2 =	stileid.u32  }
0x247: {  	s1 =	rddreg [dreg:$0x1];
	p0 =	sne.s32 s2, $0x0  }
0x248: {  	s3 =	rddreg [dreg:$0x2];
	[bflag:$0x3] =	sbarrier.arrive $0xFFFF;
	s2 =	simm.s32 @!p0 $0x1C03  }
0x249: {  	[timem:s3], [sflag:s2] =	dma.local @!p0 [hbm:s0], s1  }
0x24a: {  	s0 =	simm.s32 @!p0 $0x3  }
0x24b: {  	_ =	swait.ge @!p0 [sflag:s0], s1  }
0x24c: {  	s1 =	ssub.s32 @!p0 $0x0, s1;
	[sflag:s0] =	ssyncset.done @!p0 $0x0  }
0x24d: {  	[sflag:s0] =	ssyncadd.s32 @!p0 s1  }
0x24e: {  	[bflag:$0x3] =	sbarrier.arrive $0xFFFF  }
0x24f: {  	_ =	shalt  }

</sc_bundles>
